<compile_context>
chip_gen: v7x
topology: tpu7x:2x2x1
jax: 0.10.2.dev20260603
libtpu: 0.0.44.dev20260713+nightly
codegen_flags: <defaults>
</compile_context>

<pallas_src>
import functools

import jax
import jax.numpy as jnp
import numpy as np
from jax import lax
from jax.experimental import pallas as pl
from jax.experimental.pallas import tpu as pltpu
from jax.experimental.pallas import tpu_sc as plsc

NC = 2
NS = 16
NW = NC * NS
L = 16
CH = 512
SUB = 128
DPAD = 8
PK = 4 * CH

_ACOS_POLY = (1.5707963050, -0.2145988016, 0.0889789874, -0.0501743046,
              0.0308918810, -0.0170881256, 0.0066700901, -0.0012624911)


def _f32(x):
    return jnp.float32(x)


def _rsqrt_nr(u):
    i = plsc.bitcast(u, jnp.int32)
    i = jnp.int32(0x5F3759DF) - lax.shift_right_logical(i, 1)
    y = plsc.bitcast(i, jnp.float32)
    for _ in range(3):
        y = y * (_f32(1.5) - _f32(0.5) * u * y * y)
    return y


def _acos(x):
    ax = jnp.abs(x)
    u = _f32(1.0) - ax
    s = u * _rsqrt_nr(u)
    p = jnp.full((L,), _ACOS_POLY[7], dtype=jnp.float32)
    for c in _ACOS_POLY[6::-1]:
        p = p * ax + _f32(c)
    a = s * p
    return jnp.where(x >= _f32(0.0), a, _f32(np.pi) - a)


def _edge_cos(av, bv, cv, dv, o):
    e0 = bv[o] - av[o]
    e1 = bv[o + 1] - av[o + 1]
    e2 = bv[o + 2] - av[o + 2]
    f0 = cv[o] - av[o]
    f1 = cv[o + 1] - av[o + 1]
    f2 = cv[o + 2] - av[o + 2]
    g0 = dv[o] - av[o]
    g1 = dv[o + 1] - av[o + 1]
    g2 = dv[o + 2] - av[o + 2]
    n10 = e1 * f2 - e2 * f1
    n11 = e2 * f0 - e0 * f2
    n12 = e0 * f1 - e1 * f0
    n20 = e1 * g2 - e2 * g1
    n21 = e2 * g0 - e0 * g2
    n22 = e0 * g1 - e1 * g0
    dot = n10 * n20 + n11 * n21 + n12 * n22
    s1 = n10 * n10 + n11 * n11 + n12 * n12
    s2 = n20 * n20 + n21 * n21 + n22 * n22
    eps = _f32(1e-8)
    den = (s1 * _rsqrt_nr(s1) + eps) * (s2 * _rsqrt_nr(s2) + eps)
    c = dot / den
    return jnp.clip(c, _f32(-1.0 + 1e-6), _f32(1.0 - 1e-6))


@functools.lru_cache(maxsize=None)
def _build_sc(ni, n_vert, n_edge_rows, ee, nrows):
    mesh = plsc.VectorSubcoreMesh(core_axis_name="c", subcore_axis_name="s")
    nsub = CH // SUB
    qp = -(-nrows // (NS * 64)) * 64
    nbp = -(-qp // PK)

    def gathers(table_hbm, idx, rows, sem):
        for v in range(4):
            for s in range(nsub):
                pltpu.async_copy(
                    table_hbm.at[idx.at[v, pl.ds(s * SUB, SUB)]],
                    rows.at[pl.ds(v * CH + s * SUB, SUB), :], sem)

    def drain_gathers(table_hbm, idx, rows, sem):
        for v in range(4):
            for s in range(nsub):
                pltpu.make_async_copy(
                    table_hbm.at[idx.at[v, pl.ds(s * SUB, SUB)]],
                    rows.at[pl.ds(v * CH + s * SUB, SUB), :], sem).wait()

    def clamped_base(chunk):
        return jnp.minimum(chunk * CH, n_edge_rows - CH)

    def build_idx(epb, idx, cbase, tbase):
        def group(g, carry):
            pos = lax.iota(jnp.int32, L) + g * L
            off = jnp.full((L,), tbase, dtype=jnp.int32)
            gid = pos + cbase
            for b in range(1, 4):
                off = off + jnp.where(gid >= b * ee, jnp.int32(n_vert),
                                      jnp.int32(0))
            for v in range(4):
                col = plsc.load_gather(epb, [pos * 4 + v])
                idx[v, pl.ds(g * L, L)] = col + off
            return carry

        lax.fori_loop(0, CH // L, group, 0)

    def compute(rows, dneg, acc):
        def group(g, acc):
            av, bv, cv, dv = [
                [plsc.load_gather(
                    rows,
                    [lax.iota(jnp.int32, L) + (g * L + v * CH),
                     jnp.full((L,), c, dtype=jnp.int32)])
                 for c in range(6)]
                for v in range(4)]
            c1 = _edge_cos(av, bv, cv, dv, 0)
            c2 = _edge_cos(av, bv, cv, dv, 3)
            t = _acos(c2) - _acos(c1)
            pos = lax.iota(jnp.int32, L) + (g * L) + dneg
            t = jnp.where(pos >= 0, t, _f32(0.0))
            return acc + t * t

        return lax.fori_loop(0, CH // L, group, acc)

    def body(ep_hbm, v1_hbm, v2_hbm, out_hbm,
             table_hbm, epb_a, epb_b, idx_a, idx_b, rows_a, rows_b,
             pb1, pb2, accv, sem_a, sem_b, sem_ea, sem_eb):
        cid = lax.axis_index("c")
        sid = lax.axis_index("s")
        wid = sid * NC + cid
        tbase = cid * nrows

        def interleave(g, carry):
            pos = lax.iota(jnp.int32, L) + g * L
            for c in range(3):
                plsc.store_scatter(
                    rows_a, [pos, jnp.full((L,), c, dtype=jnp.int32)],
                    plsc.load_gather(
                        pb1, [pos, jnp.full((L,), c, dtype=jnp.int32)]))
                plsc.store_scatter(
                    rows_a, [pos, jnp.full((L,), 3 + c, dtype=jnp.int32)],
                    plsc.load_gather(
                        pb2, [pos, jnp.full((L,), c, dtype=jnp.int32)]))
            return carry

        def pack_block(b, carry):
            base = jnp.minimum(sid * qp + b * PK, nrows - PK)
            pltpu.sync_copy(v1_hbm.at[pl.ds(base, PK), :], pb1)
            pltpu.sync_copy(v2_hbm.at[pl.ds(base, PK), :], pb2)
            lax.fori_loop(0, PK // L, interleave, 0)
            pltpu.sync_copy(rows_a, table_hbm.at[pl.ds(tbase + base, PK), :])
            return carry

        lax.fori_loop(0, nbp, pack_block, 0)
        plsc.subcore_barrier()

        w_chunk = wid * ni

        def load_ep(chunk, epb, sem):
            pltpu.async_copy(
                ep_hbm.at[pl.ds(clamped_base(chunk) * 4, CH * 4)], epb, sem)

        def wait_ep(chunk, epb, sem):
            pltpu.make_async_copy(
                ep_hbm.at[pl.ds(clamped_base(chunk) * 4, CH * 4)],
                epb, sem).wait()

        pltpu.sync_copy(
            ep_hbm.at[pl.ds(clamped_base(w_chunk) * 4, CH * 4)], epb_a)
        build_idx(epb_a, idx_a, clamped_base(w_chunk), tbase)
        gathers(table_hbm, idx_a, rows_a, sem_a)
        load_ep(w_chunk + 1, epb_b, sem_eb)

        def pair(j, acc):
            c0 = w_chunk + 2 * j
            wait_ep(c0 + 1, epb_b, sem_eb)
            build_idx(epb_b, idx_b, clamped_base(c0 + 1), tbase)
            gathers(table_hbm, idx_b, rows_b, sem_b)

            @pl.when(2 * j + 2 < ni)
            def _prefetch_a():
                load_ep(c0 + 2, epb_a, sem_ea)

            drain_gathers(table_hbm, idx_a, rows_a, sem_a)
            acc = compute(rows_a, clamped_base(c0) - c0 * CH, acc)

            @pl.when(2 * j + 2 < ni)
            def _launch_a():
                wait_ep(c0 + 2, epb_a, sem_ea)
                build_idx(epb_a, idx_a, clamped_base(c0 + 2), tbase)
                gathers(table_hbm, idx_a, rows_a, sem_a)

            drain_gathers(table_hbm, idx_b, rows_b, sem_b)

            @pl.when(2 * j + 3 < ni)
            def _prefetch_b():
                load_ep(c0 + 3, epb_b, sem_eb)

            return compute(rows_b, clamped_base(c0 + 1) - (c0 + 1) * CH, acc)

        acc = lax.fori_loop(0, ni // 2, pair, jnp.zeros((L,), jnp.float32))
        accv[...] = acc
        pltpu.sync_copy(accv, out_hbm.at[wid])

    return pl.kernel(
        body,
        out_type=jax.ShapeDtypeStruct((NW, L), jnp.float32),
        mesh=mesh,
        compiler_params=pltpu.CompilerParams(
            needs_layout_passes=False, use_tc_tiling_on_sc=False),
        scratch_types=[
            pltpu.HBM((NC * nrows, DPAD), jnp.float32),
            pltpu.VMEM((CH * 4,), jnp.int32),
            pltpu.VMEM((CH * 4,), jnp.int32),
            pltpu.VMEM((4, CH), jnp.int32),
            pltpu.VMEM((4, CH), jnp.int32),
            pltpu.VMEM((4 * CH, DPAD), jnp.float32),
            pltpu.VMEM((4 * CH, DPAD), jnp.float32),
            pltpu.VMEM((PK, 3), jnp.float32),
            pltpu.VMEM((PK, 3), jnp.float32),
            pltpu.VMEM((L,), jnp.float32),
            pltpu.SemaphoreType.DMA,
            pltpu.SemaphoreType.DMA,
            pltpu.SemaphoreType.DMA,
            pltpu.SemaphoreType.DMA,
        ],
    )


@functools.lru_cache(maxsize=None)
def _build_tc(denom):
    def body(part_ref, out_ref):
        out_ref[0, 0] = jnp.sum(part_ref[...]) * _f32(1.0 / denom)

    return pl.pallas_call(
        body,
        out_shape=jax.ShapeDtypeStruct((1, 1), jnp.float32),
        out_specs=pl.BlockSpec(memory_space=pltpu.SMEM),
    )


def kernel(vert1, vert2, edge_points):
    B, N, _ = vert1.shape
    E = edge_points.shape[1]
    BE = B * E
    nch = -(-BE // CH)
    ni = -(-nch // NW)
    ni += ni % 2

    ep = edge_points.astype(jnp.int32).reshape(BE * 4)
    part = _build_sc(ni, N, BE, E, B * N)(
        ep, vert1.reshape(B * N, 3), vert2.reshape(B * N, 3))
    res = _build_tc(float(BE))(part)
    return res[0, 0]

# --- scband reference (transcript-rebuilt; emitter-appended) ---
"""Pipeline reference for scband-mesh-dihedral-angle-loss-8117488189448 (READ-ONLY COPY).

The authoritative reference and input builder live on the scoring server;
editing this copy changes nothing except your own understanding.
"""

import jax, jax.numpy as jnp
import numpy as np


def dihedral_angle(V, ep):
    # V: (N, 3) vertex positions, ep: (E, 4) int indices [a, b, c, d]
    a = jnp.take(V, ep[:, 0], axis=0)
    b = jnp.take(V, ep[:, 1], axis=0)
    c = jnp.take(V, ep[:, 2], axis=0)
    d = jnp.take(V, ep[:, 3], axis=0)
    e = b - a
    n1 = jnp.cross(e, c - a)
    n2 = jnp.cross(e, d - a)
    n1 = n1 / (jnp.linalg.norm(n1, axis=-1, keepdims=True) + 1e-8)
    n2 = n2 / (jnp.linalg.norm(n2, axis=-1, keepdims=True) + 1e-8)
    cosang = jnp.clip(jnp.sum(n1 * n2, axis=-1), -1.0 + 1e-6, 1.0 - 1e-6)
    return jnp.pi - jnp.arccos(cosang)


def setup_inputs(seed: int = 0):
    key = jax.random.key(seed)
    k1, k2, k3 = jax.random.split(key, 3)
    B, N, E = 4, 100000, 300000
    vert1 = jax.random.normal(k1, (B, N, 3), dtype=jnp.float32)
    vert2 = vert1 + 0.01 * jax.random.normal(k2, (B, N, 3), dtype=jnp.float32)
    edge_points = jax.random.randint(k3, (B, E, 4), 0, N, dtype=jnp.int32)
    return {"vert1": vert1, "vert2": vert2, "edge_points": edge_points}


def reference(vert1, vert2, edge_points):
    B = vert1.shape[0]
    loss = []
    for b in range(B):
        angles1 = dihedral_angle(vert1[b], edge_points[b])
        angles2 = dihedral_angle(vert2[b], edge_points[b])
        # metric = MSE (reduction='mean' per batch element)
        tmp = jnp.mean((angles1 - angles2) ** 2)
        loss.append(tmp)
    loss = jnp.stack(loss, axis=0)
    # module's reduction != 'none' path -> mean over batch
    return loss.mean()

if __name__ == "__main__":
    import jax
    _d = setup_inputs()
    print(jax.jit(kernel)(*tuple(_d.values())))

</pallas_src>

<mosaic_0001>
#map = affine_map<(d0, d1) -> (0)>
#map1 = affine_map<(d0, d1) -> (0, 0)>
module attributes {stable_mosaic.version = 14 : i64} {
  func.func @body(%arg0: i32, %arg1: i32, %arg2: memref<4800000xi32, #tpu.memory_space<hbm>>, %arg3: memref<400000x3xf32, #tpu.memory_space<hbm>>, %arg4: memref<400000x3xf32, #tpu.memory_space<hbm>>, %arg5: memref<32x16xf32, #tpu.memory_space<hbm>>, %arg6: memref<800000x8xf32, #tpu.memory_space<hbm>>, %arg7: memref<2048xi32, #tpu.memory_space<vmem>>, %arg8: memref<2048xi32, #tpu.memory_space<vmem>>, %arg9: memref<4x512xi32, #tpu.memory_space<vmem>>, %arg10: memref<4x512xi32, #tpu.memory_space<vmem>>, %arg11: memref<2048x8xf32, #tpu.memory_space<vmem>>, %arg12: memref<2048x8xf32, #tpu.memory_space<vmem>>, %arg13: memref<2048x3xf32, #tpu.memory_space<vmem>>, %arg14: memref<2048x3xf32, #tpu.memory_space<vmem>>, %arg15: memref<16xf32, #tpu.memory_space<vmem>>, %arg16: memref<!tpu.dma_semaphore, #tpu.memory_space<semaphore_mem>>, %arg17: memref<!tpu.dma_semaphore, #tpu.memory_space<semaphore_mem>>, %arg18: memref<!tpu.dma_semaphore, #tpu.memory_space<semaphore_mem>>, %arg19: memref<!tpu.dma_semaphore, #tpu.memory_space<semaphore_mem>>) attributes {dimension_semantics = [#tpu.dimension_semantics<core_parallel>, #tpu.dimension_semantics<subcore_parallel>], iteration_bounds = array<i64: 2, 16>, scalar_prefetch = 0 : i64, scratch_operands = 14 : i64, tpu.core_type = #tpu.core_type<sc_vector_subcore>, window_params = [{transform_indices = #map}, {transform_indices = #map1}, {transform_indices = #map1}, {transform_indices = #map1}]} {
    %mul3A = arith.constant 2 : i32
    %mul3A_0 = arith.muli %arg1, %mul3A : i32
    %add3A = arith.addi %mul3A_0, %arg0 : i32
    %mul3A_1 = arith.constant 400000 : i32
    %mul3A_2 = arith.muli %arg0, %mul3A_1 : i32
    %scan3A = arith.constant 0 : i32
    %scan3A_3 = arith.constant 0 : i32
    %scan3A_4 = arith.constant 13 : i32
    %scan3A_5 = arith.addi %scan3A_3, %scan3A_4 : i32
    %scan3A_6 = arith.constant 1 : i32
    scf.for %scan3A_202 = %scan3A_3 to %scan3A_5 step %scan3A_6  : i32 {
      %mul3A_203 = arith.constant 25024 : i32
      %mul3A_204 = arith.muli %arg1, %mul3A_203 : i32
      %mul3A_205 = arith.constant 2048 : i32
      %mul3A_206 = arith.muli %scan3A_202, %mul3A_205 : i32
      %add3A_207 = arith.addi %mul3A_204, %mul3A_206 : i32
      %min3A_208 = arith.constant 397952 : i32
      %min3A_209 = arith.minsi %add3A_207, %min3A_208 : i32
      "tpu.region"() ({
        %run_scoped3A = tpu.sem_alloc : memref<!tpu.dma_semaphore, #tpu.memory_space<semaphore_mem>>
        %dma_start3A_217 = arith.constant 0 : i32
        %dma_start3A_218 = tpu.memref_slice %arg3[%min3A_209, %dma_start3A_217] : memref<400000x3xf32, #tpu.memory_space<hbm>> -> memref<2048x3xf32, #tpu.memory_space<hbm>>
        %dma_start3A_219 = arith.constant 0 : i32
        %dma_start3A_220 = tpu.memref_slice %arg3[%min3A_209, %dma_start3A_219] : memref<400000x3xf32, #tpu.memory_space<hbm>> -> memref<2048x3xf32, #tpu.memory_space<hbm>>
        tpu.enqueue_dma source(%dma_start3A_220 : memref<2048x3xf32, #tpu.memory_space<hbm>>) target(%arg13 : memref<2048x3xf32, #tpu.memory_space<vmem>>) target_semaphore(%run_scoped3A : memref<!tpu.dma_semaphore, #tpu.memory_space<semaphore_mem>>)
        %dma_wait3A = arith.constant 0 : i32
        %dma_wait3A_221 = tpu.memref_slice %arg3[%min3A_209, %dma_wait3A] : memref<400000x3xf32, #tpu.memory_space<hbm>> -> memref<2048x3xf32, #tpu.memory_space<hbm>>
        %dma_wait3A_222 = arith.constant 0 : i32
        %dma_wait3A_223 = tpu.memref_slice %arg3[%min3A_209, %dma_wait3A_222] : memref<400000x3xf32, #tpu.memory_space<hbm>> -> memref<2048x3xf32, #tpu.memory_space<hbm>>
        tpu.wait_dma2 semaphore(%run_scoped3A : memref<!tpu.dma_semaphore, #tpu.memory_space<semaphore_mem>>) src(%dma_wait3A_223 : memref<2048x3xf32, #tpu.memory_space<hbm>>) dst(%arg13 : memref<2048x3xf32, #tpu.memory_space<vmem>>)
        tpu.yield
      }) : () -> ()
      "tpu.region"() ({
        %run_scoped3A = tpu.sem_alloc : memref<!tpu.dma_semaphore, #tpu.memory_space<semaphore_mem>>
        %dma_start3A_217 = arith.constant 0 : i32
        %dma_start3A_218 = tpu.memref_slice %arg4[%min3A_209, %dma_start3A_217] : memref<400000x3xf32, #tpu.memory_space<hbm>> -> memref<2048x3xf32, #tpu.memory_space<hbm>>
        %dma_start3A_219 = arith.constant 0 : i32
        %dma_start3A_220 = tpu.memref_slice %arg4[%min3A_209, %dma_start3A_219] : memref<400000x3xf32, #tpu.memory_space<hbm>> -> memref<2048x3xf32, #tpu.memory_space<hbm>>
        tpu.enqueue_dma source(%dma_start3A_220 : memref<2048x3xf32, #tpu.memory_space<hbm>>) target(%arg14 : memref<2048x3xf32, #tpu.memory_space<vmem>>) target_semaphore(%run_scoped3A : memref<!tpu.dma_semaphore, #tpu.memory_space<semaphore_mem>>)
        %dma_wait3A = arith.constant 0 : i32
        %dma_wait3A_221 = tpu.memref_slice %arg4[%min3A_209, %dma_wait3A] : memref<400000x3xf32, #tpu.memory_space<hbm>> -> memref<2048x3xf32, #tpu.memory_space<hbm>>
        %dma_wait3A_222 = arith.constant 0 : i32
        %dma_wait3A_223 = tpu.memref_slice %arg4[%min3A_209, %dma_wait3A_222] : memref<400000x3xf32, #tpu.memory_space<hbm>> -> memref<2048x3xf32, #tpu.memory_space<hbm>>
        tpu.wait_dma2 semaphore(%run_scoped3A : memref<!tpu.dma_semaphore, #tpu.memory_space<semaphore_mem>>) src(%dma_wait3A_223 : memref<2048x3xf32, #tpu.memory_space<hbm>>) dst(%arg14 : memref<2048x3xf32, #tpu.memory_space<vmem>>)
        tpu.yield
      }) : () -> ()
      %scan3A_210 = arith.constant 0 : i32
      %scan3A_211 = arith.constant 0 : i32
      %scan3A_212 = arith.constant 128 : i32
      %scan3A_213 = arith.addi %scan3A_211, %scan3A_212 : i32
      %scan3A_214 = arith.constant 1 : i32
      scf.for %scan3A_217 = %scan3A_211 to %scan3A_213 step %scan3A_214  : i32 {
        %iota3A = tpu.iota {dimensions = array<i32: 0>} : vector<16xi32>
        %mul3A_218 = arith.constant 16 : i32
        %mul3A_219 = arith.muli %scan3A_217, %mul3A_218 : i32
        %add3A_220 = vector.broadcast %mul3A_219 : i32 to vector<16xi32>
        %add3A_221 = arith.addi %iota3A, %add3A_220 : vector<16xi32>
        %broadcast_in_dim3A_222 = arith.constant 0 : i32
        %broadcast_in_dim3A_223 = vector.broadcast %broadcast_in_dim3A_222 : i32 to vector<16xi32>
        %broadcast_in_dim3A_224 = arith.constant 0 : i32
        %broadcast_in_dim3A_225 = vector.broadcast %broadcast_in_dim3A_224 : i32 to vector<16xi32>
        %gather3A = tpu.vector_load_idx %arg13[%add3A_221, %broadcast_in_dim3A_225] : memref<2048x3xf32, #tpu.memory_space<vmem>>[vector<16xi32>, vector<16xi32>], vector<16xf32>,
        tpu.vector_store_idx %arg11[%add3A_221, %broadcast_in_dim3A_223], %gather3A : memref<2048x8xf32, #tpu.memory_space<vmem>>[vector<16xi32>, vector<16xi32>], vector<16xf32>,
        %broadcast_in_dim3A_226 = arith.constant 3 : i32
        %broadcast_in_dim3A_227 = vector.broadcast %broadcast_in_dim3A_226 : i32 to vector<16xi32>
        %broadcast_in_dim3A_228 = arith.constant 0 : i32
        %broadcast_in_dim3A_229 = vector.broadcast %broadcast_in_dim3A_228 : i32 to vector<16xi32>
        %gather3A_230 = tpu.vector_load_idx %arg14[%add3A_221, %broadcast_in_dim3A_229] : memref<2048x3xf32, #tpu.memory_space<vmem>>[vector<16xi32>, vector<16xi32>], vector<16xf32>,
        tpu.vector_store_idx %arg11[%add3A_221, %broadcast_in_dim3A_227], %gather3A_230 : memref<2048x8xf32, #tpu.memory_space<vmem>>[vector<16xi32>, vector<16xi32>], vector<16xf32>,
        %broadcast_in_dim3A_231 = arith.constant 1 : i32
        %broadcast_in_dim3A_232 = vector.broadcast %broadcast_in_dim3A_231 : i32 to vector<16xi32>
        %broadcast_in_dim3A_233 = arith.constant 1 : i32
        %broadcast_in_dim3A_234 = vector.broadcast %broadcast_in_dim3A_233 : i32 to vector<16xi32>
        %gather3A_235 = tpu.vector_load_idx %arg13[%add3A_221, %broadcast_in_dim3A_234] : memref<2048x3xf32, #tpu.memory_space<vmem>>[vector<16xi32>, vector<16xi32>], vector<16xf32>,
        tpu.vector_store_idx %arg11[%add3A_221, %broadcast_in_dim3A_232], %gather3A_235 : memref<2048x8xf32, #tpu.memory_space<vmem>>[vector<16xi32>, vector<16xi32>], vector<16xf32>,
        %broadcast_in_dim3A_236 = arith.constant 4 : i32
        %broadcast_in_dim3A_237 = vector.broadcast %broadcast_in_dim3A_236 : i32 to vector<16xi32>
        %broadcast_in_dim3A_238 = arith.constant 1 : i32
        %broadcast_in_dim3A_239 = vector.broadcast %broadcast_in_dim3A_238 : i32 to vector<16xi32>
        %gather3A_240 = tpu.vector_load_idx %arg14[%add3A_221, %broadcast_in_dim3A_239] : memref<2048x3xf32, #tpu.memory_space<vmem>>[vector<16xi32>, vector<16xi32>], vector<16xf32>,
        tpu.vector_store_idx %arg11[%add3A_221, %broadcast_in_dim3A_237], %gather3A_240 : memref<2048x8xf32, #tpu.memory_space<vmem>>[vector<16xi32>, vector<16xi32>], vector<16xf32>,
        %broadcast_in_dim3A_241 = arith.constant 2 : i32
        %broadcast_in_dim3A_242 = vector.broadcast %broadcast_in_dim3A_241 : i32 to vector<16xi32>
        %broadcast_in_dim3A_243 = arith.constant 2 : i32
        %broadcast_in_dim3A_244 = vector.broadcast %broadcast_in_dim3A_243 : i32 to vector<16xi32>
        %gather3A_245 = tpu.vector_load_idx %arg13[%add3A_221, %broadcast_in_dim3A_244] : memref<2048x3xf32, #tpu.memory_space<vmem>>[vector<16xi32>, vector<16xi32>], vector<16xf32>,
        tpu.vector_store_idx %arg11[%add3A_221, %broadcast_in_dim3A_242], %gather3A_245 : memref<2048x8xf32, #tpu.memory_space<vmem>>[vector<16xi32>, vector<16xi32>], vector<16xf32>,
        %broadcast_in_dim3A_246 = arith.constant 5 : i32
        %broadcast_in_dim3A_247 = vector.broadcast %broadcast_in_dim3A_246 : i32 to vector<16xi32>
        %broadcast_in_dim3A_248 = arith.constant 2 : i32
        %broadcast_in_dim3A_249 = vector.broadcast %broadcast_in_dim3A_248 : i32 to vector<16xi32>
        %gather3A_250 = tpu.vector_load_idx %arg14[%add3A_221, %broadcast_in_dim3A_249] : memref<2048x3xf32, #tpu.memory_space<vmem>>[vector<16xi32>, vector<16xi32>], vector<16xf32>,
        tpu.vector_store_idx %arg11[%add3A_221, %broadcast_in_dim3A_247], %gather3A_250 : memref<2048x8xf32, #tpu.memory_space<vmem>>[vector<16xi32>, vector<16xi32>], vector<16xf32>,
      }
      %scan3A_215 = arith.constant 128 : i32
      %add3A_216 = arith.addi %mul3A_2, %min3A_209 : i32
      "tpu.region"() ({
        %run_scoped3A = tpu.sem_alloc : memref<!tpu.dma_semaphore, #tpu.memory_space<semaphore_mem>>
        %dma_start3A_217 = arith.constant 0 : i32
        %dma_start3A_218 = tpu.memref_slice %arg6[%add3A_216, %dma_start3A_217] : memref<800000x8xf32, #tpu.memory_space<hbm>> -> memref<2048x8xf32, #tpu.memory_space<hbm>>
        %dma_start3A_219 = arith.constant 0 : i32
        %dma_start3A_220 = tpu.memref_slice %arg6[%add3A_216, %dma_start3A_219] : memref<800000x8xf32, #tpu.memory_space<hbm>> -> memref<2048x8xf32, #tpu.memory_space<hbm>>
        tpu.enqueue_dma source(%arg11 : memref<2048x8xf32, #tpu.memory_space<vmem>>) target(%dma_start3A_220 : memref<2048x8xf32, #tpu.memory_space<hbm>>) target_semaphore(%run_scoped3A : memref<!tpu.dma_semaphore, #tpu.memory_space<semaphore_mem>>)
        %dma_wait3A = arith.constant 0 : i32
        %dma_wait3A_221 = tpu.memref_slice %arg6[%add3A_216, %dma_wait3A] : memref<800000x8xf32, #tpu.memory_space<hbm>> -> memref<2048x8xf32, #tpu.memory_space<hbm>>
        %dma_wait3A_222 = arith.constant 0 : i32
        %dma_wait3A_223 = tpu.memref_slice %arg6[%add3A_216, %dma_wait3A_222] : memref<800000x8xf32, #tpu.memory_space<hbm>> -> memref<2048x8xf32, #tpu.memory_space<hbm>>
        tpu.wait_dma2 semaphore(%run_scoped3A : memref<!tpu.dma_semaphore, #tpu.memory_space<semaphore_mem>>) src(%arg11 : memref<2048x8xf32, #tpu.memory_space<vmem>>) dst(%dma_wait3A_223 : memref<2048x8xf32, #tpu.memory_space<hbm>>)
        tpu.yield
      }) : () -> ()
    }
    %scan3A_7 = arith.constant 13 : i32
    %barrier3A = arith.constant 0 : index
    tpu.barrier barrier_id(%barrier3A)
    %mul3A_8 = arith.constant 74 : i32
    %mul3A_9 = arith.muli %add3A, %mul3A_8 : i32
    %mul3A_10 = arith.constant 512 : i32
    %mul3A_11 = arith.muli %mul3A_9, %mul3A_10 : i32
    %min3A = arith.constant 1199488 : i32
    %min3A_12 = arith.minsi %mul3A_11, %min3A : i32
    %mul3A_13 = arith.constant 4 : i32
    %mul3A_14 = arith.muli %min3A_12, %mul3A_13 : i32
    "tpu.region"() ({
      %run_scoped3A = tpu.sem_alloc : memref<!tpu.dma_semaphore, #tpu.memory_space<semaphore_mem>>
      %dma_start3A_202 = tpu.memref_slice %arg2[%mul3A_14] : memref<4800000xi32, #tpu.memory_space<hbm>> -> memref<2048xi32, #tpu.memory_space<hbm>>
      %dma_start3A_203 = tpu.memref_slice %arg2[%mul3A_14] : memref<4800000xi32, #tpu.memory_space<hbm>> -> memref<2048xi32, #tpu.memory_space<hbm>>
      tpu.enqueue_dma source(%dma_start3A_203 : memref<2048xi32, #tpu.memory_space<hbm>>) target(%arg7 : memref<2048xi32, #tpu.memory_space<vmem>>) target_semaphore(%run_scoped3A : memref<!tpu.dma_semaphore, #tpu.memory_space<semaphore_mem>>)
      %dma_wait3A = tpu.memref_slice %arg2[%mul3A_14] : memref<4800000xi32, #tpu.memory_space<hbm>> -> memref<2048xi32, #tpu.memory_space<hbm>>
      %dma_wait3A_204 = tpu.memref_slice %arg2[%mul3A_14] : memref<4800000xi32, #tpu.memory_space<hbm>> -> memref<2048xi32, #tpu.memory_space<hbm>>
      tpu.wait_dma2 semaphore(%run_scoped3A : memref<!tpu.dma_semaphore, #tpu.memory_space<semaphore_mem>>) src(%dma_wait3A_204 : memref<2048xi32, #tpu.memory_space<hbm>>) dst(%arg7 : memref<2048xi32, #tpu.memory_space<vmem>>)
      tpu.yield
    }) : () -> ()
    %mul3A_15 = arith.constant 512 : i32
    %mul3A_16 = arith.muli %mul3A_9, %mul3A_15 : i32
    %min3A_17 = arith.constant 1199488 : i32
    %min3A_18 = arith.minsi %mul3A_16, %min3A_17 : i32
    %scan3A_19 = arith.constant 0 : i32
    %scan3A_20 = arith.constant 0 : i32
    %scan3A_21 = arith.constant 32 : i32
    %scan3A_22 = arith.addi %scan3A_20, %scan3A_21 : i32
    %scan3A_23 = arith.constant 1 : i32
    scf.for %scan3A_202 = %scan3A_20 to %scan3A_22 step %scan3A_23  : i32 {
      %iota3A = tpu.iota {dimensions = array<i32: 0>} : vector<16xi32>
      %mul3A_203 = arith.constant 16 : i32
      %mul3A_204 = arith.muli %scan3A_202, %mul3A_203 : i32
      %add3A_205 = vector.broadcast %mul3A_204 : i32 to vector<16xi32>
      %add3A_206 = arith.addi %iota3A, %add3A_205 : vector<16xi32>
      %broadcast_in_dim3A_207 = vector.broadcast %mul3A_2 : i32 to vector<16xi32>
      %add3A_208 = vector.broadcast %min3A_18 : i32 to vector<16xi32>
      %add3A_209 = arith.addi %add3A_206, %add3A_208 : vector<16xi32>
      %ge3A = arith.constant 300000 : i32
      %ge3A_210 = vector.broadcast %ge3A : i32 to vector<16xi32>
      %ge3A_211 = arith.cmpi sge, %add3A_209, %ge3A_210 : vector<16xi32>
      %jit3A = arith.constant 100000 : i32
      %jit3A_212 = arith.constant 0 : i32
      %broadcast_in_dim3A_213 = vector.broadcast %jit3A : i32 to vector<16xi32>
      %broadcast_in_dim3A_214 = vector.broadcast %jit3A_212 : i32 to vector<16xi32>
      %select_n3A = arith.select %ge3A_211, %broadcast_in_dim3A_213, %broadcast_in_dim3A_214 : vector<16xi1>, vector<16xi32>
      %add3A_215 = arith.addi %broadcast_in_dim3A_207, %select_n3A : vector<16xi32>
      %ge3A_216 = arith.constant 600000 : i32
      %ge3A_217 = vector.broadcast %ge3A_216 : i32 to vector<16xi32>
      %ge3A_218 = arith.cmpi sge, %add3A_209, %ge3A_217 : vector<16xi32>
      %jit3A_219 = arith.constant 100000 : i32
      %jit3A_220 = arith.constant 0 : i32
      %broadcast_in_dim3A_221 = vector.broadcast %jit3A_219 : i32 to vector<16xi32>
      %broadcast_in_dim3A_222 = vector.broadcast %jit3A_220 : i32 to vector<16xi32>
      %select_n3A_223 = arith.select %ge3A_218, %broadcast_in_dim3A_221, %broadcast_in_dim3A_222 : vector<16xi1>, vector<16xi32>
      %add3A_224 = arith.addi %add3A_215, %select_n3A_223 : vector<16xi32>
      %ge3A_225 = arith.constant 900000 : i32
      %ge3A_226 = vector.broadcast %ge3A_225 : i32 to vector<16xi32>
      %ge3A_227 = arith.cmpi sge, %add3A_209, %ge3A_226 : vector<16xi32>
      %jit3A_228 = arith.constant 100000 : i32
      %jit3A_229 = arith.constant 0 : i32
      %broadcast_in_dim3A_230 = vector.broadcast %jit3A_228 : i32 to vector<16xi32>
      %broadcast_in_dim3A_231 = vector.broadcast %jit3A_229 : i32 to vector<16xi32>
      %select_n3A_232 = arith.select %ge3A_227, %broadcast_in_dim3A_230, %broadcast_in_dim3A_231 : vector<16xi1>, vector<16xi32>
      %add3A_233 = arith.addi %add3A_224, %select_n3A_232 : vector<16xi32>
      %mul3A_234 = arith.constant 4 : i32
      %mul3A_235 = vector.broadcast %mul3A_234 : i32 to vector<16xi32>
      %mul3A_236 = arith.muli %add3A_206, %mul3A_235 : vector<16xi32>
      %add3A_237 = arith.constant 0 : i32
      %add3A_238 = vector.broadcast %add3A_237 : i32 to vector<16xi32>
      %add3A_239 = arith.addi %mul3A_236, %add3A_238 : vector<16xi32>
      %gather3A = tpu.vector_load_idx %arg7[%add3A_239] : memref<2048xi32, #tpu.memory_space<vmem>>[vector<16xi32>], vector<16xi32>,
      %add3A_240 = arith.addi %gather3A, %add3A_233 : vector<16xi32>
      %mul3A_241 = arith.constant 16 : i32
      %mul3A_242 = arith.muli %scan3A_202, %mul3A_241 : i32
      %swap3A_243 = arith.constant 0 : i32
      %swap3A_244 = arith.index_cast %swap3A_243 : i32 to index
      %swap3A_245 = arith.index_cast %mul3A_242 : i32 to index
      %swap3A_246 = tpu.vector_load %arg9[%swap3A_244, %swap3A_245] {strides = array<i32>} : memref<4x512xi32, #tpu.memory_space<vmem>>, vector<16xi32>,
      tpu.vector_store %arg9[%swap3A_244, %swap3A_245], %add3A_240 {strides = array<i32>} : memref<4x512xi32, #tpu.memory_space<vmem>>, vector<16xi32>,
      %mul3A_247 = arith.constant 4 : i32
      %mul3A_248 = vector.broadcast %mul3A_247 : i32 to vector<16xi32>
      %mul3A_249 = arith.muli %add3A_206, %mul3A_248 : vector<16xi32>
      %add3A_250 = arith.constant 1 : i32
      %add3A_251 = vector.broadcast %add3A_250 : i32 to vector<16xi32>
      %add3A_252 = arith.addi %mul3A_249, %add3A_251 : vector<16xi32>
      %gather3A_253 = tpu.vector_load_idx %arg7[%add3A_252] : memref<2048xi32, #tpu.memory_space<vmem>>[vector<16xi32>], vector<16xi32>,
      %add3A_254 = arith.addi %gather3A_253, %add3A_233 : vector<16xi32>
      %mul3A_255 = arith.constant 16 : i32
      %mul3A_256 = arith.muli %scan3A_202, %mul3A_255 : i32
      %swap3A_257 = arith.constant 1 : i32
      %swap3A_258 = arith.index_cast %swap3A_257 : i32 to index
      %swap3A_259 = arith.index_cast %mul3A_256 : i32 to index
      %swap3A_260 = tpu.vector_load %arg9[%swap3A_258, %swap3A_259] {strides = array<i32>} : memref<4x512xi32, #tpu.memory_space<vmem>>, vector<16xi32>,
      tpu.vector_store %arg9[%swap3A_258, %swap3A_259], %add3A_254 {strides = array<i32>} : memref<4x512xi32, #tpu.memory_space<vmem>>, vector<16xi32>,
      %mul3A_261 = arith.constant 4 : i32
      %mul3A_262 = vector.broadcast %mul3A_261 : i32 to vector<16xi32>
      %mul3A_263 = arith.muli %add3A_206, %mul3A_262 : vector<16xi32>
      %add3A_264 = arith.constant 2 : i32
      %add3A_265 = vector.broadcast %add3A_264 : i32 to vector<16xi32>
      %add3A_266 = arith.addi %mul3A_263, %add3A_265 : vector<16xi32>
      %gather3A_267 = tpu.vector_load_idx %arg7[%add3A_266] : memref<2048xi32, #tpu.memory_space<vmem>>[vector<16xi32>], vector<16xi32>,
      %add3A_268 = arith.addi %gather3A_267, %add3A_233 : vector<16xi32>
      %mul3A_269 = arith.constant 16 : i32
      %mul3A_270 = arith.muli %scan3A_202, %mul3A_269 : i32
      %swap3A_271 = arith.constant 2 : i32
      %swap3A_272 = arith.index_cast %swap3A_271 : i32 to index
      %swap3A_273 = arith.index_cast %mul3A_270 : i32 to index
      %swap3A_274 = tpu.vector_load %arg9[%swap3A_272, %swap3A_273] {strides = array<i32>} : memref<4x512xi32, #tpu.memory_space<vmem>>, vector<16xi32>,
      tpu.vector_store %arg9[%swap3A_272, %swap3A_273], %add3A_268 {strides = array<i32>} : memref<4x512xi32, #tpu.memory_space<vmem>>, vector<16xi32>,
      %mul3A_275 = arith.constant 4 : i32
      %mul3A_276 = vector.broadcast %mul3A_275 : i32 to vector<16xi32>
      %mul3A_277 = arith.muli %add3A_206, %mul3A_276 : vector<16xi32>
      %add3A_278 = arith.constant 3 : i32
      %add3A_279 = vector.broadcast %add3A_278 : i32 to vector<16xi32>
      %add3A_280 = arith.addi %mul3A_277, %add3A_279 : vector<16xi32>
      %gather3A_281 = tpu.vector_load_idx %arg7[%add3A_280] : memref<2048xi32, #tpu.memory_space<vmem>>[vector<16xi32>], vector<16xi32>,
      %add3A_282 = arith.addi %gather3A_281, %add3A_233 : vector<16xi32>
      %mul3A_283 = arith.constant 16 : i32
      %mul3A_284 = arith.muli %scan3A_202, %mul3A_283 : i32
      %swap3A_285 = arith.constant 3 : i32
      %swap3A_286 = arith.index_cast %swap3A_285 : i32 to index
      %swap3A_287 = arith.index_cast %mul3A_284 : i32 to index
      %swap3A_288 = tpu.vector_load %arg9[%swap3A_286, %swap3A_287] {strides = array<i32>} : memref<4x512xi32, #tpu.memory_space<vmem>>, vector<16xi32>,
      tpu.vector_store %arg9[%swap3A_286, %swap3A_287], %add3A_282 {strides = array<i32>} : memref<4x512xi32, #tpu.memory_space<vmem>>, vector<16xi32>,
    }
    %scan3A_24 = arith.constant 32 : i32
    %dma_start3A = arith.constant 0 : i32
    %dma_start3A_25 = arith.constant 0 : i32
    %dma_start3A_26 = arith.constant 0 : i32
    %dma_start3A_27 = tpu.memref_slice %arg11[%dma_start3A_25, %dma_start3A_26] : memref<2048x8xf32, #tpu.memory_space<vmem>> -> memref<128x8xf32, #tpu.memory_space<vmem>>
    %dma_start3A_28 = arith.constant 0 : i32
    %dma_start3A_29 = tpu.memref_slice %arg9[%dma_start3A, %dma_start3A_28] : memref<4x512xi32, #tpu.memory_space<vmem>> -> memref<1x128xi32, #tpu.memory_space<vmem>>
    %dma_start3A_30 = tpu.memref_squeeze %dma_start3A_29 : memref<1x128xi32, #tpu.memory_space<vmem>> -> memref<128xi32, #tpu.memory_space<vmem>>
    %dma_start3A_31 = arith.constant 0 : i32
    %dma_start3A_32 = arith.constant 0 : i32
    %dma_start3A_33 = tpu.memref_slice %arg6[%dma_start3A_31, %dma_start3A_32] : memref<800000x8xf32, #tpu.memory_space<hbm>> -> memref<800000x8xf32, #tpu.memory_space<hbm>>
    tpu.enqueue_indirect_dma source(%dma_start3A_33 : memref<800000x8xf32, #tpu.memory_space<hbm>>) target(%dma_start3A_27 : memref<128x8xf32, #tpu.memory_space<vmem>>) offsets(%dma_start3A_30 : memref<128xi32, #tpu.memory_space<vmem>>) semaphore(%arg16 : memref<!tpu.dma_semaphore, #tpu.memory_space<semaphore_mem>>)
    %dma_start3A_34 = arith.constant 0 : i32
    %dma_start3A_35 = arith.constant 128 : i32
    %dma_start3A_36 = arith.constant 0 : i32
    %dma_start3A_37 = tpu.memref_slice %arg11[%dma_start3A_35, %dma_start3A_36] : memref<2048x8xf32, #tpu.memory_space<vmem>> -> memref<128x8xf32, #tpu.memory_space<vmem>>
    %dma_start3A_38 = arith.constant 128 : i32
    %dma_start3A_39 = tpu.memref_slice %arg9[%dma_start3A_34, %dma_start3A_38] : memref<4x512xi32, #tpu.memory_space<vmem>> -> memref<1x128xi32, #tpu.memory_space<vmem>>
    %dma_start3A_40 = tpu.memref_squeeze %dma_start3A_39 : memref<1x128xi32, #tpu.memory_space<vmem>> -> memref<128xi32, #tpu.memory_space<vmem>>
    %dma_start3A_41 = arith.constant 0 : i32
    %dma_start3A_42 = arith.constant 0 : i32
    %dma_start3A_43 = tpu.memref_slice %arg6[%dma_start3A_41, %dma_start3A_42] : memref<800000x8xf32, #tpu.memory_space<hbm>> -> memref<800000x8xf32, #tpu.memory_space<hbm>>
    tpu.enqueue_indirect_dma source(%dma_start3A_43 : memref<800000x8xf32, #tpu.memory_space<hbm>>) target(%dma_start3A_37 : memref<128x8xf32, #tpu.memory_space<vmem>>) offsets(%dma_start3A_40 : memref<128xi32, #tpu.memory_space<vmem>>) semaphore(%arg16 : memref<!tpu.dma_semaphore, #tpu.memory_space<semaphore_mem>>)
    %dma_start3A_44 = arith.constant 0 : i32
    %dma_start3A_45 = arith.constant 256 : i32
    %dma_start3A_46 = arith.constant 0 : i32
    %dma_start3A_47 = tpu.memref_slice %arg11[%dma_start3A_45, %dma_start3A_46] : memref<2048x8xf32, #tpu.memory_space<vmem>> -> memref<128x8xf32, #tpu.memory_space<vmem>>
    %dma_start3A_48 = arith.constant 256 : i32
    %dma_start3A_49 = tpu.memref_slice %arg9[%dma_start3A_44, %dma_start3A_48] : memref<4x512xi32, #tpu.memory_space<vmem>> -> memref<1x128xi32, #tpu.memory_space<vmem>>
    %dma_start3A_50 = tpu.memref_squeeze %dma_start3A_49 : memref<1x128xi32, #tpu.memory_space<vmem>> -> memref<128xi32, #tpu.memory_space<vmem>>
    %dma_start3A_51 = arith.constant 0 : i32
    %dma_start3A_52 = arith.constant 0 : i32
    %dma_start3A_53 = tpu.memref_slice %arg6[%dma_start3A_51, %dma_start3A_52] : memref<800000x8xf32, #tpu.memory_space<hbm>> -> memref<800000x8xf32, #tpu.memory_space<hbm>>
    tpu.enqueue_indirect_dma source(%dma_start3A_53 : memref<800000x8xf32, #tpu.memory_space<hbm>>) target(%dma_start3A_47 : memref<128x8xf32, #tpu.memory_space<vmem>>) offsets(%dma_start3A_50 : memref<128xi32, #tpu.memory_space<vmem>>) semaphore(%arg16 : memref<!tpu.dma_semaphore, #tpu.memory_space<semaphore_mem>>)
    %dma_start3A_54 = arith.constant 0 : i32
    %dma_start3A_55 = arith.constant 384 : i32
    %dma_start3A_56 = arith.constant 0 : i32
    %dma_start3A_57 = tpu.memref_slice %arg11[%dma_start3A_55, %dma_start3A_56] : memref<2048x8xf32, #tpu.memory_space<vmem>> -> memref<128x8xf32, #tpu.memory_space<vmem>>
    %dma_start3A_58 = arith.constant 384 : i32
    %dma_start3A_59 = tpu.memref_slice %arg9[%dma_start3A_54, %dma_start3A_58] : memref<4x512xi32, #tpu.memory_space<vmem>> -> memref<1x128xi32, #tpu.memory_space<vmem>>
    %dma_start3A_60 = tpu.memref_squeeze %dma_start3A_59 : memref<1x128xi32, #tpu.memory_space<vmem>> -> memref<128xi32, #tpu.memory_space<vmem>>
    %dma_start3A_61 = arith.constant 0 : i32
    %dma_start3A_62 = arith.constant 0 : i32
    %dma_start3A_63 = tpu.memref_slice %arg6[%dma_start3A_61, %dma_start3A_62] : memref<800000x8xf32, #tpu.memory_space<hbm>> -> memref<800000x8xf32, #tpu.memory_space<hbm>>
    tpu.enqueue_indirect_dma source(%dma_start3A_63 : memref<800000x8xf32, #tpu.memory_space<hbm>>) target(%dma_start3A_57 : memref<128x8xf32, #tpu.memory_space<vmem>>) offsets(%dma_start3A_60 : memref<128xi32, #tpu.memory_space<vmem>>) semaphore(%arg16 : memref<!tpu.dma_semaphore, #tpu.memory_space<semaphore_mem>>)
    %dma_start3A_64 = arith.constant 1 : i32
    %dma_start3A_65 = arith.constant 512 : i32
    %dma_start3A_66 = arith.constant 0 : i32
    %dma_start3A_67 = tpu.memref_slice %arg11[%dma_start3A_65, %dma_start3A_66] : memref<2048x8xf32, #tpu.memory_space<vmem>> -> memref<128x8xf32, #tpu.memory_space<vmem>>
    %dma_start3A_68 = arith.constant 0 : i32
    %dma_start3A_69 = tpu.memref_slice %arg9[%dma_start3A_64, %dma_start3A_68] : memref<4x512xi32, #tpu.memory_space<vmem>> -> memref<1x128xi32, #tpu.memory_space<vmem>>
    %dma_start3A_70 = tpu.memref_squeeze %dma_start3A_69 : memref<1x128xi32, #tpu.memory_space<vmem>> -> memref<128xi32, #tpu.memory_space<vmem>>
    %dma_start3A_71 = arith.constant 0 : i32
    %dma_start3A_72 = arith.constant 0 : i32
    %dma_start3A_73 = tpu.memref_slice %arg6[%dma_start3A_71, %dma_start3A_72] : memref<800000x8xf32, #tpu.memory_space<hbm>> -> memref<800000x8xf32, #tpu.memory_space<hbm>>
    tpu.enqueue_indirect_dma source(%dma_start3A_73 : memref<800000x8xf32, #tpu.memory_space<hbm>>) target(%dma_start3A_67 : memref<128x8xf32, #tpu.memory_space<vmem>>) offsets(%dma_start3A_70 : memref<128xi32, #tpu.memory_space<vmem>>) semaphore(%arg16 : memref<!tpu.dma_semaphore, #tpu.memory_space<semaphore_mem>>)
    %dma_start3A_74 = arith.constant 1 : i32
    %dma_start3A_75 = arith.constant 640 : i32
    %dma_start3A_76 = arith.constant 0 : i32
    %dma_start3A_77 = tpu.memref_slice %arg11[%dma_start3A_75, %dma_start3A_76] : memref<2048x8xf32, #tpu.memory_space<vmem>> -> memref<128x8xf32, #tpu.memory_space<vmem>>
    %dma_start3A_78 = arith.constant 128 : i32
    %dma_start3A_79 = tpu.memref_slice %arg9[%dma_start3A_74, %dma_start3A_78] : memref<4x512xi32, #tpu.memory_space<vmem>> -> memref<1x128xi32, #tpu.memory_space<vmem>>
    %dma_start3A_80 = tpu.memref_squeeze %dma_start3A_79 : memref<1x128xi32, #tpu.memory_space<vmem>> -> memref<128xi32, #tpu.memory_space<vmem>>
    %dma_start3A_81 = arith.constant 0 : i32
    %dma_start3A_82 = arith.constant 0 : i32
    %dma_start3A_83 = tpu.memref_slice %arg6[%dma_start3A_81, %dma_start3A_82] : memref<800000x8xf32, #tpu.memory_space<hbm>> -> memref<800000x8xf32, #tpu.memory_space<hbm>>
    tpu.enqueue_indirect_dma source(%dma_start3A_83 : memref<800000x8xf32, #tpu.memory_space<hbm>>) target(%dma_start3A_77 : memref<128x8xf32, #tpu.memory_space<vmem>>) offsets(%dma_start3A_80 : memref<128xi32, #tpu.memory_space<vmem>>) semaphore(%arg16 : memref<!tpu.dma_semaphore, #tpu.memory_space<semaphore_mem>>)
    %dma_start3A_84 = arith.constant 1 : i32
    %dma_start3A_85 = arith.constant 768 : i32
    %dma_start3A_86 = arith.constant 0 : i32
    %dma_start3A_87 = tpu.memref_slice %arg11[%dma_start3A_85, %dma_start3A_86] : memref<2048x8xf32, #tpu.memory_space<vmem>> -> memref<128x8xf32, #tpu.memory_space<vmem>>
    %dma_start3A_88 = arith.constant 256 : i32
    %dma_start3A_89 = tpu.memref_slice %arg9[%dma_start3A_84, %dma_start3A_88] : memref<4x512xi32, #tpu.memory_space<vmem>> -> memref<1x128xi32, #tpu.memory_space<vmem>>
    %dma_start3A_90 = tpu.memref_squeeze %dma_start3A_89 : memref<1x128xi32, #tpu.memory_space<vmem>> -> memref<128xi32, #tpu.memory_space<vmem>>
    %dma_start3A_91 = arith.constant 0 : i32
    %dma_start3A_92 = arith.constant 0 : i32
    %dma_start3A_93 = tpu.memref_slice %arg6[%dma_start3A_91, %dma_start3A_92] : memref<800000x8xf32, #tpu.memory_space<hbm>> -> memref<800000x8xf32, #tpu.memory_space<hbm>>
    tpu.enqueue_indirect_dma source(%dma_start3A_93 : memref<800000x8xf32, #tpu.memory_space<hbm>>) target(%dma_start3A_87 : memref<128x8xf32, #tpu.memory_space<vmem>>) offsets(%dma_start3A_90 : memref<128xi32, #tpu.memory_space<vmem>>) semaphore(%arg16 : memref<!tpu.dma_semaphore, #tpu.memory_space<semaphore_mem>>)
    %dma_start3A_94 = arith.constant 1 : i32
    %dma_start3A_95 = arith.constant 896 : i32
    %dma_start3A_96 = arith.constant 0 : i32
    %dma_start3A_97 = tpu.memref_slice %arg11[%dma_start3A_95, %dma_start3A_96] : memref<2048x8xf32, #tpu.memory_space<vmem>> -> memref<128x8xf32, #tpu.memory_space<vmem>>
    %dma_start3A_98 = arith.constant 384 : i32
    %dma_start3A_99 = tpu.memref_slice %arg9[%dma_start3A_94, %dma_start3A_98] : memref<4x512xi32, #tpu.memory_space<vmem>> -> memref<1x128xi32, #tpu.memory_space<vmem>>
    %dma_start3A_100 = tpu.memref_squeeze %dma_start3A_99 : memref<1x128xi32, #tpu.memory_space<vmem>> -> memref<128xi32, #tpu.memory_space<vmem>>
    %dma_start3A_101 = arith.constant 0 : i32
    %dma_start3A_102 = arith.constant 0 : i32
    %dma_start3A_103 = tpu.memref_slice %arg6[%dma_start3A_101, %dma_start3A_102] : memref<800000x8xf32, #tpu.memory_space<hbm>> -> memref<800000x8xf32, #tpu.memory_space<hbm>>
    tpu.enqueue_indirect_dma source(%dma_start3A_103 : memref<800000x8xf32, #tpu.memory_space<hbm>>) target(%dma_start3A_97 : memref<128x8xf32, #tpu.memory_space<vmem>>) offsets(%dma_start3A_100 : memref<128xi32, #tpu.memory_space<vmem>>) semaphore(%arg16 : memref<!tpu.dma_semaphore, #tpu.memory_space<semaphore_mem>>)
    %dma_start3A_104 = arith.constant 2 : i32
    %dma_start3A_105 = arith.constant 1024 : i32
    %dma_start3A_106 = arith.constant 0 : i32
    %dma_start3A_107 = tpu.memref_slice %arg11[%dma_start3A_105, %dma_start3A_106] : memref<2048x8xf32, #tpu.memory_space<vmem>> -> memref<128x8xf32, #tpu.memory_space<vmem>>
    %dma_start3A_108 = arith.constant 0 : i32
    %dma_start3A_109 = tpu.memref_slice %arg9[%dma_start3A_104, %dma_start3A_108] : memref<4x512xi32, #tpu.memory_space<vmem>> -> memref<1x128xi32, #tpu.memory_space<vmem>>
    %dma_start3A_110 = tpu.memref_squeeze %dma_start3A_109 : memref<1x128xi32, #tpu.memory_space<vmem>> -> memref<128xi32, #tpu.memory_space<vmem>>
    %dma_start3A_111 = arith.constant 0 : i32
    %dma_start3A_112 = arith.constant 0 : i32
    %dma_start3A_113 = tpu.memref_slice %arg6[%dma_start3A_111, %dma_start3A_112] : memref<800000x8xf32, #tpu.memory_space<hbm>> -> memref<800000x8xf32, #tpu.memory_space<hbm>>
    tpu.enqueue_indirect_dma source(%dma_start3A_113 : memref<800000x8xf32, #tpu.memory_space<hbm>>) target(%dma_start3A_107 : memref<128x8xf32, #tpu.memory_space<vmem>>) offsets(%dma_start3A_110 : memref<128xi32, #tpu.memory_space<vmem>>) semaphore(%arg16 : memref<!tpu.dma_semaphore, #tpu.memory_space<semaphore_mem>>)
    %dma_start3A_114 = arith.constant 2 : i32
    %dma_start3A_115 = arith.constant 1152 : i32
    %dma_start3A_116 = arith.constant 0 : i32
    %dma_start3A_117 = tpu.memref_slice %arg11[%dma_start3A_115, %dma_start3A_116] : memref<2048x8xf32, #tpu.memory_space<vmem>> -> memref<128x8xf32, #tpu.memory_space<vmem>>
    %dma_start3A_118 = arith.constant 128 : i32
    %dma_start3A_119 = tpu.memref_slice %arg9[%dma_start3A_114, %dma_start3A_118] : memref<4x512xi32, #tpu.memory_space<vmem>> -> memref<1x128xi32, #tpu.memory_space<vmem>>
    %dma_start3A_120 = tpu.memref_squeeze %dma_start3A_119 : memref<1x128xi32, #tpu.memory_space<vmem>> -> memref<128xi32, #tpu.memory_space<vmem>>
    %dma_start3A_121 = arith.constant 0 : i32
    %dma_start3A_122 = arith.constant 0 : i32
    %dma_start3A_123 = tpu.memref_slice %arg6[%dma_start3A_121, %dma_start3A_122] : memref<800000x8xf32, #tpu.memory_space<hbm>> -> memref<800000x8xf32, #tpu.memory_space<hbm>>
    tpu.enqueue_indirect_dma source(%dma_start3A_123 : memref<800000x8xf32, #tpu.memory_space<hbm>>) target(%dma_start3A_117 : memref<128x8xf32, #tpu.memory_space<vmem>>) offsets(%dma_start3A_120 : memref<128xi32, #tpu.memory_space<vmem>>) semaphore(%arg16 : memref<!tpu.dma_semaphore, #tpu.memory_space<semaphore_mem>>)
    %dma_start3A_124 = arith.constant 2 : i32
    %dma_start3A_125 = arith.constant 1280 : i32
    %dma_start3A_126 = arith.constant 0 : i32
    %dma_start3A_127 = tpu.memref_slice %arg11[%dma_start3A_125, %dma_start3A_126] : memref<2048x8xf32, #tpu.memory_space<vmem>> -> memref<128x8xf32, #tpu.memory_space<vmem>>
    %dma_start3A_128 = arith.constant 256 : i32
    %dma_start3A_129 = tpu.memref_slice %arg9[%dma_start3A_124, %dma_start3A_128] : memref<4x512xi32, #tpu.memory_space<vmem>> -> memref<1x128xi32, #tpu.memory_space<vmem>>
    %dma_start3A_130 = tpu.memref_squeeze %dma_start3A_129 : memref<1x128xi32, #tpu.memory_space<vmem>> -> memref<128xi32, #tpu.memory_space<vmem>>
    %dma_start3A_131 = arith.constant 0 : i32
    %dma_start3A_132 = arith.constant 0 : i32
    %dma_start3A_133 = tpu.memref_slice %arg6[%dma_start3A_131, %dma_start3A_132] : memref<800000x8xf32, #tpu.memory_space<hbm>> -> memref<800000x8xf32, #tpu.memory_space<hbm>>
    tpu.enqueue_indirect_dma source(%dma_start3A_133 : memref<800000x8xf32, #tpu.memory_space<hbm>>) target(%dma_start3A_127 : memref<128x8xf32, #tpu.memory_space<vmem>>) offsets(%dma_start3A_130 : memref<128xi32, #tpu.memory_space<vmem>>) semaphore(%arg16 : memref<!tpu.dma_semaphore, #tpu.memory_space<semaphore_mem>>)
    %dma_start3A_134 = arith.constant 2 : i32
    %dma_start3A_135 = arith.constant 1408 : i32
    %dma_start3A_136 = arith.constant 0 : i32
    %dma_start3A_137 = tpu.memref_slice %arg11[%dma_start3A_135, %dma_start3A_136] : memref<2048x8xf32, #tpu.memory_space<vmem>> -> memref<128x8xf32, #tpu.memory_space<vmem>>
    %dma_start3A_138 = arith.constant 384 : i32
    %dma_start3A_139 = tpu.memref_slice %arg9[%dma_start3A_134, %dma_start3A_138] : memref<4x512xi32, #tpu.memory_space<vmem>> -> memref<1x128xi32, #tpu.memory_space<vmem>>
    %dma_start3A_140 = tpu.memref_squeeze %dma_start3A_139 : memref<1x128xi32, #tpu.memory_space<vmem>> -> memref<128xi32, #tpu.memory_space<vmem>>
    %dma_start3A_141 = arith.constant 0 : i32
    %dma_start3A_142 = arith.constant 0 : i32
    %dma_start3A_143 = tpu.memref_slice %arg6[%dma_start3A_141, %dma_start3A_142] : memref<800000x8xf32, #tpu.memory_space<hbm>> -> memref<800000x8xf32, #tpu.memory_space<hbm>>
    tpu.enqueue_indirect_dma source(%dma_start3A_143 : memref<800000x8xf32, #tpu.memory_space<hbm>>) target(%dma_start3A_137 : memref<128x8xf32, #tpu.memory_space<vmem>>) offsets(%dma_start3A_140 : memref<128xi32, #tpu.memory_space<vmem>>) semaphore(%arg16 : memref<!tpu.dma_semaphore, #tpu.memory_space<semaphore_mem>>)
    %dma_start3A_144 = arith.constant 3 : i32
    %dma_start3A_145 = arith.constant 1536 : i32
    %dma_start3A_146 = arith.constant 0 : i32
    %dma_start3A_147 = tpu.memref_slice %arg11[%dma_start3A_145, %dma_start3A_146] : memref<2048x8xf32, #tpu.memory_space<vmem>> -> memref<128x8xf32, #tpu.memory_space<vmem>>
    %dma_start3A_148 = arith.constant 0 : i32
    %dma_start3A_149 = tpu.memref_slice %arg9[%dma_start3A_144, %dma_start3A_148] : memref<4x512xi32, #tpu.memory_space<vmem>> -> memref<1x128xi32, #tpu.memory_space<vmem>>
    %dma_start3A_150 = tpu.memref_squeeze %dma_start3A_149 : memref<1x128xi32, #tpu.memory_space<vmem>> -> memref<128xi32, #tpu.memory_space<vmem>>
    %dma_start3A_151 = arith.constant 0 : i32
    %dma_start3A_152 = arith.constant 0 : i32
    %dma_start3A_153 = tpu.memref_slice %arg6[%dma_start3A_151, %dma_start3A_152] : memref<800000x8xf32, #tpu.memory_space<hbm>> -> memref<800000x8xf32, #tpu.memory_space<hbm>>
    tpu.enqueue_indirect_dma source(%dma_start3A_153 : memref<800000x8xf32, #tpu.memory_space<hbm>>) target(%dma_start3A_147 : memref<128x8xf32, #tpu.memory_space<vmem>>) offsets(%dma_start3A_150 : memref<128xi32, #tpu.memory_space<vmem>>) semaphore(%arg16 : memref<!tpu.dma_semaphore, #tpu.memory_space<semaphore_mem>>)
    %dma_start3A_154 = arith.constant 3 : i32
    %dma_start3A_155 = arith.constant 1664 : i32
    %dma_start3A_156 = arith.constant 0 : i32
    %dma_start3A_157 = tpu.memref_slice %arg11[%dma_start3A_155, %dma_start3A_156] : memref<2048x8xf32, #tpu.memory_space<vmem>> -> memref<128x8xf32, #tpu.memory_space<vmem>>
    %dma_start3A_158 = arith.constant 128 : i32
    %dma_start3A_159 = tpu.memref_slice %arg9[%dma_start3A_154, %dma_start3A_158] : memref<4x512xi32, #tpu.memory_space<vmem>> -> memref<1x128xi32, #tpu.memory_space<vmem>>
    %dma_start3A_160 = tpu.memref_squeeze %dma_start3A_159 : memref<1x128xi32, #tpu.memory_space<vmem>> -> memref<128xi32, #tpu.memory_space<vmem>>
    %dma_start3A_161 = arith.constant 0 : i32
    %dma_start3A_162 = arith.constant 0 : i32
    %dma_start3A_163 = tpu.memref_slice %arg6[%dma_start3A_161, %dma_start3A_162] : memref<800000x8xf32, #tpu.memory_space<hbm>> -> memref<800000x8xf32, #tpu.memory_space<hbm>>
    tpu.enqueue_indirect_dma source(%dma_start3A_163 : memref<800000x8xf32, #tpu.memory_space<hbm>>) target(%dma_start3A_157 : memref<128x8xf32, #tpu.memory_space<vmem>>) offsets(%dma_start3A_160 : memref<128xi32, #tpu.memory_space<vmem>>) semaphore(%arg16 : memref<!tpu.dma_semaphore, #tpu.memory_space<semaphore_mem>>)
    %dma_start3A_164 = arith.constant 3 : i32
    %dma_start3A_165 = arith.constant 1792 : i32
    %dma_start3A_166 = arith.constant 0 : i32
    %dma_start3A_167 = tpu.memref_slice %arg11[%dma_start3A_165, %dma_start3A_166] : memref<2048x8xf32, #tpu.memory_space<vmem>> -> memref<128x8xf32, #tpu.memory_space<vmem>>
    %dma_start3A_168 = arith.constant 256 : i32
    %dma_start3A_169 = tpu.memref_slice %arg9[%dma_start3A_164, %dma_start3A_168] : memref<4x512xi32, #tpu.memory_space<vmem>> -> memref<1x128xi32, #tpu.memory_space<vmem>>
    %dma_start3A_170 = tpu.memref_squeeze %dma_start3A_169 : memref<1x128xi32, #tpu.memory_space<vmem>> -> memref<128xi32, #tpu.memory_space<vmem>>
    %dma_start3A_171 = arith.constant 0 : i32
    %dma_start3A_172 = arith.constant 0 : i32
    %dma_start3A_173 = tpu.memref_slice %arg6[%dma_start3A_171, %dma_start3A_172] : memref<800000x8xf32, #tpu.memory_space<hbm>> -> memref<800000x8xf32, #tpu.memory_space<hbm>>
    tpu.enqueue_indirect_dma source(%dma_start3A_173 : memref<800000x8xf32, #tpu.memory_space<hbm>>) target(%dma_start3A_167 : memref<128x8xf32, #tpu.memory_space<vmem>>) offsets(%dma_start3A_170 : memref<128xi32, #tpu.memory_space<vmem>>) semaphore(%arg16 : memref<!tpu.dma_semaphore, #tpu.memory_space<semaphore_mem>>)
    %dma_start3A_174 = arith.constant 3 : i32
    %dma_start3A_175 = arith.constant 1920 : i32
    %dma_start3A_176 = arith.constant 0 : i32
    %dma_start3A_177 = tpu.memref_slice %arg11[%dma_start3A_175, %dma_start3A_176] : memref<2048x8xf32, #tpu.memory_space<vmem>> -> memref<128x8xf32, #tpu.memory_space<vmem>>
    %dma_start3A_178 = arith.constant 384 : i32
    %dma_start3A_179 = tpu.memref_slice %arg9[%dma_start3A_174, %dma_start3A_178] : memref<4x512xi32, #tpu.memory_space<vmem>> -> memref<1x128xi32, #tpu.memory_space<vmem>>
    %dma_start3A_180 = tpu.memref_squeeze %dma_start3A_179 : memref<1x128xi32, #tpu.memory_space<vmem>> -> memref<128xi32, #tpu.memory_space<vmem>>
    %dma_start3A_181 = arith.constant 0 : i32
    %dma_start3A_182 = arith.constant 0 : i32
    %dma_start3A_183 = tpu.memref_slice %arg6[%dma_start3A_181, %dma_start3A_182] : memref<800000x8xf32, #tpu.memory_space<hbm>> -> memref<800000x8xf32, #tpu.memory_space<hbm>>
    tpu.enqueue_indirect_dma source(%dma_start3A_183 : memref<800000x8xf32, #tpu.memory_space<hbm>>) target(%dma_start3A_177 : memref<128x8xf32, #tpu.memory_space<vmem>>) offsets(%dma_start3A_180 : memref<128xi32, #tpu.memory_space<vmem>>) semaphore(%arg16 : memref<!tpu.dma_semaphore, #tpu.memory_space<semaphore_mem>>)
    %add3A_184 = arith.constant 1 : i32
    %add3A_185 = arith.addi %mul3A_9, %add3A_184 : i32
    %mul3A_186 = arith.constant 512 : i32
    %mul3A_187 = arith.muli %add3A_185, %mul3A_186 : i32
    %min3A_188 = arith.constant 1199488 : i32
    %min3A_189 = arith.minsi %mul3A_187, %min3A_188 : i32
    %mul3A_190 = arith.constant 4 : i32
    %mul3A_191 = arith.muli %min3A_189, %mul3A_190 : i32
    %dma_start3A_192 = tpu.memref_slice %arg2[%mul3A_191] : memref<4800000xi32, #tpu.memory_space<hbm>> -> memref<2048xi32, #tpu.memory_space<hbm>>
    %dma_start3A_193 = tpu.memref_slice %arg2[%mul3A_191] : memref<4800000xi32, #tpu.memory_space<hbm>> -> memref<2048xi32, #tpu.memory_space<hbm>>
    tpu.enqueue_dma source(%dma_start3A_193 : memref<2048xi32, #tpu.memory_space<hbm>>) target(%arg8 : memref<2048xi32, #tpu.memory_space<vmem>>) target_semaphore(%arg19 : memref<!tpu.dma_semaphore, #tpu.memory_space<semaphore_mem>>)
    %broadcast_in_dim3A = arith.constant 0.000000e+00 : f32
    %broadcast_in_dim3A_194 = vector.broadcast %broadcast_in_dim3A : f32 to vector<16xf32>
    %scan3A_195 = arith.constant 0 : i32
    %scan3A_196 = arith.constant 37 : i32
    %scan3A_197 = arith.addi %scan3A_195, %scan3A_196 : i32
    %scan3A_198 = arith.constant 1 : i32
    %scan3A_199 = scf.for %scan3A_202 = %scan3A_195 to %scan3A_197 step %scan3A_198 iter_args(%scan3A_203 = %broadcast_in_dim3A_194) -> (vector<16xf32>)  : i32 {
      %mul3A_204 = arith.constant 2 : i32
      %mul3A_205 = arith.muli %mul3A_204, %scan3A_202 : i32
      %add3A_206 = arith.addi %mul3A_9, %mul3A_205 : i32
      %add3A_207 = arith.constant 1 : i32
      %add3A_208 = arith.addi %add3A_206, %add3A_207 : i32
      %mul3A_209 = arith.constant 512 : i32
      %mul3A_210 = arith.muli %add3A_208, %mul3A_209 : i32
      %min3A_211 = arith.constant 1199488 : i32
      %min3A_212 = arith.minsi %mul3A_210, %min3A_211 : i32
      %mul3A_213 = arith.constant 4 : i32
      %mul3A_214 = arith.muli %min3A_212, %mul3A_213 : i32
      %dma_wait3A = tpu.memref_slice %arg2[%mul3A_214] : memref<4800000xi32, #tpu.memory_space<hbm>> -> memref<2048xi32, #tpu.memory_space<hbm>>
      %dma_wait3A_215 = tpu.memref_slice %arg2[%mul3A_214] : memref<4800000xi32, #tpu.memory_space<hbm>> -> memref<2048xi32, #tpu.memory_space<hbm>>
      tpu.wait_dma2 semaphore(%arg19 : memref<!tpu.dma_semaphore, #tpu.memory_space<semaphore_mem>>) src(%dma_wait3A_215 : memref<2048xi32, #tpu.memory_space<hbm>>) dst(%arg8 : memref<2048xi32, #tpu.memory_space<vmem>>)
      %add3A_216 = arith.constant 1 : i32
      %add3A_217 = arith.addi %add3A_206, %add3A_216 : i32
      %mul3A_218 = arith.constant 512 : i32
      %mul3A_219 = arith.muli %add3A_217, %mul3A_218 : i32
      %min3A_220 = arith.constant 1199488 : i32
      %min3A_221 = arith.minsi %mul3A_219, %min3A_220 : i32
      %scan3A_222 = arith.constant 0 : i32
      %scan3A_223 = arith.constant 0 : i32
      %scan3A_224 = arith.constant 32 : i32
      %scan3A_225 = arith.addi %scan3A_223, %scan3A_224 : i32
      %scan3A_226 = arith.constant 1 : i32
      scf.for %scan3A_761 = %scan3A_223 to %scan3A_225 step %scan3A_226  : i32 {
        %iota3A = tpu.iota {dimensions = array<i32: 0>} : vector<16xi32>
        %mul3A_762 = arith.constant 16 : i32
        %mul3A_763 = arith.muli %scan3A_761, %mul3A_762 : i32
        %add3A_764 = vector.broadcast %mul3A_763 : i32 to vector<16xi32>
        %add3A_765 = arith.addi %iota3A, %add3A_764 : vector<16xi32>
        %broadcast_in_dim3A_766 = vector.broadcast %mul3A_2 : i32 to vector<16xi32>
        %add3A_767 = vector.broadcast %min3A_221 : i32 to vector<16xi32>
        %add3A_768 = arith.addi %add3A_765, %add3A_767 : vector<16xi32>
        %ge3A = arith.constant 300000 : i32
        %ge3A_769 = vector.broadcast %ge3A : i32 to vector<16xi32>
        %ge3A_770 = arith.cmpi sge, %add3A_768, %ge3A_769 : vector<16xi32>
        %jit3A = arith.constant 100000 : i32
        %jit3A_771 = arith.constant 0 : i32
        %broadcast_in_dim3A_772 = vector.broadcast %jit3A : i32 to vector<16xi32>
        %broadcast_in_dim3A_773 = vector.broadcast %jit3A_771 : i32 to vector<16xi32>
        %select_n3A = arith.select %ge3A_770, %broadcast_in_dim3A_772, %broadcast_in_dim3A_773 : vector<16xi1>, vector<16xi32>
        %add3A_774 = arith.addi %broadcast_in_dim3A_766, %select_n3A : vector<16xi32>
        %ge3A_775 = arith.constant 600000 : i32
        %ge3A_776 = vector.broadcast %ge3A_775 : i32 to vector<16xi32>
        %ge3A_777 = arith.cmpi sge, %add3A_768, %ge3A_776 : vector<16xi32>
        %jit3A_778 = arith.constant 100000 : i32
        %jit3A_779 = arith.constant 0 : i32
        %broadcast_in_dim3A_780 = vector.broadcast %jit3A_778 : i32 to vector<16xi32>
        %broadcast_in_dim3A_781 = vector.broadcast %jit3A_779 : i32 to vector<16xi32>
        %select_n3A_782 = arith.select %ge3A_777, %broadcast_in_dim3A_780, %broadcast_in_dim3A_781 : vector<16xi1>, vector<16xi32>
        %add3A_783 = arith.addi %add3A_774, %select_n3A_782 : vector<16xi32>
        %ge3A_784 = arith.constant 900000 : i32
        %ge3A_785 = vector.broadcast %ge3A_784 : i32 to vector<16xi32>
        %ge3A_786 = arith.cmpi sge, %add3A_768, %ge3A_785 : vector<16xi32>
        %jit3A_787 = arith.constant 100000 : i32
        %jit3A_788 = arith.constant 0 : i32
        %broadcast_in_dim3A_789 = vector.broadcast %jit3A_787 : i32 to vector<16xi32>
        %broadcast_in_dim3A_790 = vector.broadcast %jit3A_788 : i32 to vector<16xi32>
        %select_n3A_791 = arith.select %ge3A_786, %broadcast_in_dim3A_789, %broadcast_in_dim3A_790 : vector<16xi1>, vector<16xi32>
        %add3A_792 = arith.addi %add3A_783, %select_n3A_791 : vector<16xi32>
        %mul3A_793 = arith.constant 4 : i32
        %mul3A_794 = vector.broadcast %mul3A_793 : i32 to vector<16xi32>
        %mul3A_795 = arith.muli %add3A_765, %mul3A_794 : vector<16xi32>
        %add3A_796 = arith.constant 0 : i32
        %add3A_797 = vector.broadcast %add3A_796 : i32 to vector<16xi32>
        %add3A_798 = arith.addi %mul3A_795, %add3A_797 : vector<16xi32>
        %gather3A = tpu.vector_load_idx %arg8[%add3A_798] : memref<2048xi32, #tpu.memory_space<vmem>>[vector<16xi32>], vector<16xi32>,
        %add3A_799 = arith.addi %gather3A, %add3A_792 : vector<16xi32>
        %mul3A_800 = arith.constant 16 : i32
        %mul3A_801 = arith.muli %scan3A_761, %mul3A_800 : i32
        %swap3A_802 = arith.constant 0 : i32
        %swap3A_803 = arith.index_cast %swap3A_802 : i32 to index
        %swap3A_804 = arith.index_cast %mul3A_801 : i32 to index
        %swap3A_805 = tpu.vector_load %arg10[%swap3A_803, %swap3A_804] {strides = array<i32>} : memref<4x512xi32, #tpu.memory_space<vmem>>, vector<16xi32>,
        tpu.vector_store %arg10[%swap3A_803, %swap3A_804], %add3A_799 {strides = array<i32>} : memref<4x512xi32, #tpu.memory_space<vmem>>, vector<16xi32>,
        %mul3A_806 = arith.constant 4 : i32
        %mul3A_807 = vector.broadcast %mul3A_806 : i32 to vector<16xi32>
        %mul3A_808 = arith.muli %add3A_765, %mul3A_807 : vector<16xi32>
        %add3A_809 = arith.constant 1 : i32
        %add3A_810 = vector.broadcast %add3A_809 : i32 to vector<16xi32>
        %add3A_811 = arith.addi %mul3A_808, %add3A_810 : vector<16xi32>
        %gather3A_812 = tpu.vector_load_idx %arg8[%add3A_811] : memref<2048xi32, #tpu.memory_space<vmem>>[vector<16xi32>], vector<16xi32>,
        %add3A_813 = arith.addi %gather3A_812, %add3A_792 : vector<16xi32>
        %mul3A_814 = arith.constant 16 : i32
        %mul3A_815 = arith.muli %scan3A_761, %mul3A_814 : i32
        %swap3A_816 = arith.constant 1 : i32
        %swap3A_817 = arith.index_cast %swap3A_816 : i32 to index
        %swap3A_818 = arith.index_cast %mul3A_815 : i32 to index
        %swap3A_819 = tpu.vector_load %arg10[%swap3A_817, %swap3A_818] {strides = array<i32>} : memref<4x512xi32, #tpu.memory_space<vmem>>, vector<16xi32>,
        tpu.vector_store %arg10[%swap3A_817, %swap3A_818], %add3A_813 {strides = array<i32>} : memref<4x512xi32, #tpu.memory_space<vmem>>, vector<16xi32>,
        %mul3A_820 = arith.constant 4 : i32
        %mul3A_821 = vector.broadcast %mul3A_820 : i32 to vector<16xi32>
        %mul3A_822 = arith.muli %add3A_765, %mul3A_821 : vector<16xi32>
        %add3A_823 = arith.constant 2 : i32
        %add3A_824 = vector.broadcast %add3A_823 : i32 to vector<16xi32>
        %add3A_825 = arith.addi %mul3A_822, %add3A_824 : vector<16xi32>
        %gather3A_826 = tpu.vector_load_idx %arg8[%add3A_825] : memref<2048xi32, #tpu.memory_space<vmem>>[vector<16xi32>], vector<16xi32>,
        %add3A_827 = arith.addi %gather3A_826, %add3A_792 : vector<16xi32>
        %mul3A_828 = arith.constant 16 : i32
        %mul3A_829 = arith.muli %scan3A_761, %mul3A_828 : i32
        %swap3A_830 = arith.constant 2 : i32
        %swap3A_831 = arith.index_cast %swap3A_830 : i32 to index
        %swap3A_832 = arith.index_cast %mul3A_829 : i32 to index
        %swap3A_833 = tpu.vector_load %arg10[%swap3A_831, %swap3A_832] {strides = array<i32>} : memref<4x512xi32, #tpu.memory_space<vmem>>, vector<16xi32>,
        tpu.vector_store %arg10[%swap3A_831, %swap3A_832], %add3A_827 {strides = array<i32>} : memref<4x512xi32, #tpu.memory_space<vmem>>, vector<16xi32>,
        %mul3A_834 = arith.constant 4 : i32
        %mul3A_835 = vector.broadcast %mul3A_834 : i32 to vector<16xi32>
        %mul3A_836 = arith.muli %add3A_765, %mul3A_835 : vector<16xi32>
        %add3A_837 = arith.constant 3 : i32
        %add3A_838 = vector.broadcast %add3A_837 : i32 to vector<16xi32>
        %add3A_839 = arith.addi %mul3A_836, %add3A_838 : vector<16xi32>
        %gather3A_840 = tpu.vector_load_idx %arg8[%add3A_839] : memref<2048xi32, #tpu.memory_space<vmem>>[vector<16xi32>], vector<16xi32>,
        %add3A_841 = arith.addi %gather3A_840, %add3A_792 : vector<16xi32>
        %mul3A_842 = arith.constant 16 : i32
        %mul3A_843 = arith.muli %scan3A_761, %mul3A_842 : i32
        %swap3A_844 = arith.constant 3 : i32
        %swap3A_845 = arith.index_cast %swap3A_844 : i32 to index
        %swap3A_846 = arith.index_cast %mul3A_843 : i32 to index
        %swap3A_847 = tpu.vector_load %arg10[%swap3A_845, %swap3A_846] {strides = array<i32>} : memref<4x512xi32, #tpu.memory_space<vmem>>, vector<16xi32>,
        tpu.vector_store %arg10[%swap3A_845, %swap3A_846], %add3A_841 {strides = array<i32>} : memref<4x512xi32, #tpu.memory_space<vmem>>, vector<16xi32>,
      }
      %scan3A_227 = arith.constant 32 : i32
      %dma_start3A_228 = arith.constant 0 : i32
      %dma_start3A_229 = arith.constant 0 : i32
      %dma_start3A_230 = arith.constant 0 : i32
      %dma_start3A_231 = tpu.memref_slice %arg12[%dma_start3A_229, %dma_start3A_230] : memref<2048x8xf32, #tpu.memory_space<vmem>> -> memref<128x8xf32, #tpu.memory_space<vmem>>
      %dma_start3A_232 = arith.constant 0 : i32
      %dma_start3A_233 = tpu.memref_slice %arg10[%dma_start3A_228, %dma_start3A_232] : memref<4x512xi32, #tpu.memory_space<vmem>> -> memref<1x128xi32, #tpu.memory_space<vmem>>
      %dma_start3A_234 = tpu.memref_squeeze %dma_start3A_233 : memref<1x128xi32, #tpu.memory_space<vmem>> -> memref<128xi32, #tpu.memory_space<vmem>>
      %dma_start3A_235 = arith.constant 0 : i32
      %dma_start3A_236 = arith.constant 0 : i32
      %dma_start3A_237 = tpu.memref_slice %arg6[%dma_start3A_235, %dma_start3A_236] : memref<800000x8xf32, #tpu.memory_space<hbm>> -> memref<800000x8xf32, #tpu.memory_space<hbm>>
      tpu.enqueue_indirect_dma source(%dma_start3A_237 : memref<800000x8xf32, #tpu.memory_space<hbm>>) target(%dma_start3A_231 : memref<128x8xf32, #tpu.memory_space<vmem>>) offsets(%dma_start3A_234 : memref<128xi32, #tpu.memory_space<vmem>>) semaphore(%arg17 : memref<!tpu.dma_semaphore, #tpu.memory_space<semaphore_mem>>)
      %dma_start3A_238 = arith.constant 0 : i32
      %dma_start3A_239 = arith.constant 128 : i32
      %dma_start3A_240 = arith.constant 0 : i32
      %dma_start3A_241 = tpu.memref_slice %arg12[%dma_start3A_239, %dma_start3A_240] : memref<2048x8xf32, #tpu.memory_space<vmem>> -> memref<128x8xf32, #tpu.memory_space<vmem>>
      %dma_start3A_242 = arith.constant 128 : i32
      %dma_start3A_243 = tpu.memref_slice %arg10[%dma_start3A_238, %dma_start3A_242] : memref<4x512xi32, #tpu.memory_space<vmem>> -> memref<1x128xi32, #tpu.memory_space<vmem>>
      %dma_start3A_244 = tpu.memref_squeeze %dma_start3A_243 : memref<1x128xi32, #tpu.memory_space<vmem>> -> memref<128xi32, #tpu.memory_space<vmem>>
      %dma_start3A_245 = arith.constant 0 : i32
      %dma_start3A_246 = arith.constant 0 : i32
      %dma_start3A_247 = tpu.memref_slice %arg6[%dma_start3A_245, %dma_start3A_246] : memref<800000x8xf32, #tpu.memory_space<hbm>> -> memref<800000x8xf32, #tpu.memory_space<hbm>>
      tpu.enqueue_indirect_dma source(%dma_start3A_247 : memref<800000x8xf32, #tpu.memory_space<hbm>>) target(%dma_start3A_241 : memref<128x8xf32, #tpu.memory_space<vmem>>) offsets(%dma_start3A_244 : memref<128xi32, #tpu.memory_space<vmem>>) semaphore(%arg17 : memref<!tpu.dma_semaphore, #tpu.memory_space<semaphore_mem>>)
      %dma_start3A_248 = arith.constant 0 : i32
      %dma_start3A_249 = arith.constant 256 : i32
      %dma_start3A_250 = arith.constant 0 : i32
      %dma_start3A_251 = tpu.memref_slice %arg12[%dma_start3A_249, %dma_start3A_250] : memref<2048x8xf32, #tpu.memory_space<vmem>> -> memref<128x8xf32, #tpu.memory_space<vmem>>
      %dma_start3A_252 = arith.constant 256 : i32
      %dma_start3A_253 = tpu.memref_slice %arg10[%dma_start3A_248, %dma_start3A_252] : memref<4x512xi32, #tpu.memory_space<vmem>> -> memref<1x128xi32, #tpu.memory_space<vmem>>
      %dma_start3A_254 = tpu.memref_squeeze %dma_start3A_253 : memref<1x128xi32, #tpu.memory_space<vmem>> -> memref<128xi32, #tpu.memory_space<vmem>>
      %dma_start3A_255 = arith.constant 0 : i32
      %dma_start3A_256 = arith.constant 0 : i32
      %dma_start3A_257 = tpu.memref_slice %arg6[%dma_start3A_255, %dma_start3A_256] : memref<800000x8xf32, #tpu.memory_space<hbm>> -> memref<800000x8xf32, #tpu.memory_space<hbm>>
      tpu.enqueue_indirect_dma source(%dma_start3A_257 : memref<800000x8xf32, #tpu.memory_space<hbm>>) target(%dma_start3A_251 : memref<128x8xf32, #tpu.memory_space<vmem>>) offsets(%dma_start3A_254 : memref<128xi32, #tpu.memory_space<vmem>>) semaphore(%arg17 : memref<!tpu.dma_semaphore, #tpu.memory_space<semaphore_mem>>)
      %dma_start3A_258 = arith.constant 0 : i32
      %dma_start3A_259 = arith.constant 384 : i32
      %dma_start3A_260 = arith.constant 0 : i32
      %dma_start3A_261 = tpu.memref_slice %arg12[%dma_start3A_259, %dma_start3A_260] : memref<2048x8xf32, #tpu.memory_space<vmem>> -> memref<128x8xf32, #tpu.memory_space<vmem>>
      %dma_start3A_262 = arith.constant 384 : i32
      %dma_start3A_263 = tpu.memref_slice %arg10[%dma_start3A_258, %dma_start3A_262] : memref<4x512xi32, #tpu.memory_space<vmem>> -> memref<1x128xi32, #tpu.memory_space<vmem>>
      %dma_start3A_264 = tpu.memref_squeeze %dma_start3A_263 : memref<1x128xi32, #tpu.memory_space<vmem>> -> memref<128xi32, #tpu.memory_space<vmem>>
      %dma_start3A_265 = arith.constant 0 : i32
      %dma_start3A_266 = arith.constant 0 : i32
      %dma_start3A_267 = tpu.memref_slice %arg6[%dma_start3A_265, %dma_start3A_266] : memref<800000x8xf32, #tpu.memory_space<hbm>> -> memref<800000x8xf32, #tpu.memory_space<hbm>>
      tpu.enqueue_indirect_dma source(%dma_start3A_267 : memref<800000x8xf32, #tpu.memory_space<hbm>>) target(%dma_start3A_261 : memref<128x8xf32, #tpu.memory_space<vmem>>) offsets(%dma_start3A_264 : memref<128xi32, #tpu.memory_space<vmem>>) semaphore(%arg17 : memref<!tpu.dma_semaphore, #tpu.memory_space<semaphore_mem>>)
      %dma_start3A_268 = arith.constant 1 : i32
      %dma_start3A_269 = arith.constant 512 : i32
      %dma_start3A_270 = arith.constant 0 : i32
      %dma_start3A_271 = tpu.memref_slice %arg12[%dma_start3A_269, %dma_start3A_270] : memref<2048x8xf32, #tpu.memory_space<vmem>> -> memref<128x8xf32, #tpu.memory_space<vmem>>
      %dma_start3A_272 = arith.constant 0 : i32
      %dma_start3A_273 = tpu.memref_slice %arg10[%dma_start3A_268, %dma_start3A_272] : memref<4x512xi32, #tpu.memory_space<vmem>> -> memref<1x128xi32, #tpu.memory_space<vmem>>
      %dma_start3A_274 = tpu.memref_squeeze %dma_start3A_273 : memref<1x128xi32, #tpu.memory_space<vmem>> -> memref<128xi32, #tpu.memory_space<vmem>>
      %dma_start3A_275 = arith.constant 0 : i32
      %dma_start3A_276 = arith.constant 0 : i32
      %dma_start3A_277 = tpu.memref_slice %arg6[%dma_start3A_275, %dma_start3A_276] : memref<800000x8xf32, #tpu.memory_space<hbm>> -> memref<800000x8xf32, #tpu.memory_space<hbm>>
      tpu.enqueue_indirect_dma source(%dma_start3A_277 : memref<800000x8xf32, #tpu.memory_space<hbm>>) target(%dma_start3A_271 : memref<128x8xf32, #tpu.memory_space<vmem>>) offsets(%dma_start3A_274 : memref<128xi32, #tpu.memory_space<vmem>>) semaphore(%arg17 : memref<!tpu.dma_semaphore, #tpu.memory_space<semaphore_mem>>)
      %dma_start3A_278 = arith.constant 1 : i32
      %dma_start3A_279 = arith.constant 640 : i32
      %dma_start3A_280 = arith.constant 0 : i32
      %dma_start3A_281 = tpu.memref_slice %arg12[%dma_start3A_279, %dma_start3A_280] : memref<2048x8xf32, #tpu.memory_space<vmem>> -> memref<128x8xf32, #tpu.memory_space<vmem>>
      %dma_start3A_282 = arith.constant 128 : i32
      %dma_start3A_283 = tpu.memref_slice %arg10[%dma_start3A_278, %dma_start3A_282] : memref<4x512xi32, #tpu.memory_space<vmem>> -> memref<1x128xi32, #tpu.memory_space<vmem>>
      %dma_start3A_284 = tpu.memref_squeeze %dma_start3A_283 : memref<1x128xi32, #tpu.memory_space<vmem>> -> memref<128xi32, #tpu.memory_space<vmem>>
      %dma_start3A_285 = arith.constant 0 : i32
      %dma_start3A_286 = arith.constant 0 : i32
      %dma_start3A_287 = tpu.memref_slice %arg6[%dma_start3A_285, %dma_start3A_286] : memref<800000x8xf32, #tpu.memory_space<hbm>> -> memref<800000x8xf32, #tpu.memory_space<hbm>>
      tpu.enqueue_indirect_dma source(%dma_start3A_287 : memref<800000x8xf32, #tpu.memory_space<hbm>>) target(%dma_start3A_281 : memref<128x8xf32, #tpu.memory_space<vmem>>) offsets(%dma_start3A_284 : memref<128xi32, #tpu.memory_space<vmem>>) semaphore(%arg17 : memref<!tpu.dma_semaphore, #tpu.memory_space<semaphore_mem>>)
      %dma_start3A_288 = arith.constant 1 : i32
      %dma_start3A_289 = arith.constant 768 : i32
      %dma_start3A_290 = arith.constant 0 : i32
      %dma_start3A_291 = tpu.memref_slice %arg12[%dma_start3A_289, %dma_start3A_290] : memref<2048x8xf32, #tpu.memory_space<vmem>> -> memref<128x8xf32, #tpu.memory_space<vmem>>
      %dma_start3A_292 = arith.constant 256 : i32
      %dma_start3A_293 = tpu.memref_slice %arg10[%dma_start3A_288, %dma_start3A_292] : memref<4x512xi32, #tpu.memory_space<vmem>> -> memref<1x128xi32, #tpu.memory_space<vmem>>
      %dma_start3A_294 = tpu.memref_squeeze %dma_start3A_293 : memref<1x128xi32, #tpu.memory_space<vmem>> -> memref<128xi32, #tpu.memory_space<vmem>>
      %dma_start3A_295 = arith.constant 0 : i32
      %dma_start3A_296 = arith.constant 0 : i32
      %dma_start3A_297 = tpu.memref_slice %arg6[%dma_start3A_295, %dma_start3A_296] : memref<800000x8xf32, #tpu.memory_space<hbm>> -> memref<800000x8xf32, #tpu.memory_space<hbm>>
      tpu.enqueue_indirect_dma source(%dma_start3A_297 : memref<800000x8xf32, #tpu.memory_space<hbm>>) target(%dma_start3A_291 : memref<128x8xf32, #tpu.memory_space<vmem>>) offsets(%dma_start3A_294 : memref<128xi32, #tpu.memory_space<vmem>>) semaphore(%arg17 : memref<!tpu.dma_semaphore, #tpu.memory_space<semaphore_mem>>)
      %dma_start3A_298 = arith.constant 1 : i32
      %dma_start3A_299 = arith.constant 896 : i32
      %dma_start3A_300 = arith.constant 0 : i32
      %dma_start3A_301 = tpu.memref_slice %arg12[%dma_start3A_299, %dma_start3A_300] : memref<2048x8xf32, #tpu.memory_space<vmem>> -> memref<128x8xf32, #tpu.memory_space<vmem>>
      %dma_start3A_302 = arith.constant 384 : i32
      %dma_start3A_303 = tpu.memref_slice %arg10[%dma_start3A_298, %dma_start3A_302] : memref<4x512xi32, #tpu.memory_space<vmem>> -> memref<1x128xi32, #tpu.memory_space<vmem>>
      %dma_start3A_304 = tpu.memref_squeeze %dma_start3A_303 : memref<1x128xi32, #tpu.memory_space<vmem>> -> memref<128xi32, #tpu.memory_space<vmem>>
      %dma_start3A_305 = arith.constant 0 : i32
      %dma_start3A_306 = arith.constant 0 : i32
      %dma_start3A_307 = tpu.memref_slice %arg6[%dma_start3A_305, %dma_start3A_306] : memref<800000x8xf32, #tpu.memory_space<hbm>> -> memref<800000x8xf32, #tpu.memory_space<hbm>>
      tpu.enqueue_indirect_dma source(%dma_start3A_307 : memref<800000x8xf32, #tpu.memory_space<hbm>>) target(%dma_start3A_301 : memref<128x8xf32, #tpu.memory_space<vmem>>) offsets(%dma_start3A_304 : memref<128xi32, #tpu.memory_space<vmem>>) semaphore(%arg17 : memref<!tpu.dma_semaphore, #tpu.memory_space<semaphore_mem>>)
      %dma_start3A_308 = arith.constant 2 : i32
      %dma_start3A_309 = arith.constant 1024 : i32
      %dma_start3A_310 = arith.constant 0 : i32
      %dma_start3A_311 = tpu.memref_slice %arg12[%dma_start3A_309, %dma_start3A_310] : memref<2048x8xf32, #tpu.memory_space<vmem>> -> memref<128x8xf32, #tpu.memory_space<vmem>>
      %dma_start3A_312 = arith.constant 0 : i32
      %dma_start3A_313 = tpu.memref_slice %arg10[%dma_start3A_308, %dma_start3A_312] : memref<4x512xi32, #tpu.memory_space<vmem>> -> memref<1x128xi32, #tpu.memory_space<vmem>>
      %dma_start3A_314 = tpu.memref_squeeze %dma_start3A_313 : memref<1x128xi32, #tpu.memory_space<vmem>> -> memref<128xi32, #tpu.memory_space<vmem>>
      %dma_start3A_315 = arith.constant 0 : i32
      %dma_start3A_316 = arith.constant 0 : i32
      %dma_start3A_317 = tpu.memref_slice %arg6[%dma_start3A_315, %dma_start3A_316] : memref<800000x8xf32, #tpu.memory_space<hbm>> -> memref<800000x8xf32, #tpu.memory_space<hbm>>
      tpu.enqueue_indirect_dma source(%dma_start3A_317 : memref<800000x8xf32, #tpu.memory_space<hbm>>) target(%dma_start3A_311 : memref<128x8xf32, #tpu.memory_space<vmem>>) offsets(%dma_start3A_314 : memref<128xi32, #tpu.memory_space<vmem>>) semaphore(%arg17 : memref<!tpu.dma_semaphore, #tpu.memory_space<semaphore_mem>>)
      %dma_start3A_318 = arith.constant 2 : i32
      %dma_start3A_319 = arith.constant 1152 : i32
      %dma_start3A_320 = arith.constant 0 : i32
      %dma_start3A_321 = tpu.memref_slice %arg12[%dma_start3A_319, %dma_start3A_320] : memref<2048x8xf32, #tpu.memory_space<vmem>> -> memref<128x8xf32, #tpu.memory_space<vmem>>
      %dma_start3A_322 = arith.constant 128 : i32
      %dma_start3A_323 = tpu.memref_slice %arg10[%dma_start3A_318, %dma_start3A_322] : memref<4x512xi32, #tpu.memory_space<vmem>> -> memref<1x128xi32, #tpu.memory_space<vmem>>
      %dma_start3A_324 = tpu.memref_squeeze %dma_start3A_323 : memref<1x128xi32, #tpu.memory_space<vmem>> -> memref<128xi32, #tpu.memory_space<vmem>>
      %dma_start3A_325 = arith.constant 0 : i32
      %dma_start3A_326 = arith.constant 0 : i32
      %dma_start3A_327 = tpu.memref_slice %arg6[%dma_start3A_325, %dma_start3A_326] : memref<800000x8xf32, #tpu.memory_space<hbm>> -> memref<800000x8xf32, #tpu.memory_space<hbm>>
      tpu.enqueue_indirect_dma source(%dma_start3A_327 : memref<800000x8xf32, #tpu.memory_space<hbm>>) target(%dma_start3A_321 : memref<128x8xf32, #tpu.memory_space<vmem>>) offsets(%dma_start3A_324 : memref<128xi32, #tpu.memory_space<vmem>>) semaphore(%arg17 : memref<!tpu.dma_semaphore, #tpu.memory_space<semaphore_mem>>)
      %dma_start3A_328 = arith.constant 2 : i32
      %dma_start3A_329 = arith.constant 1280 : i32
      %dma_start3A_330 = arith.constant 0 : i32
      %dma_start3A_331 = tpu.memref_slice %arg12[%dma_start3A_329, %dma_start3A_330] : memref<2048x8xf32, #tpu.memory_space<vmem>> -> memref<128x8xf32, #tpu.memory_space<vmem>>
      %dma_start3A_332 = arith.constant 256 : i32
      %dma_start3A_333 = tpu.memref_slice %arg10[%dma_start3A_328, %dma_start3A_332] : memref<4x512xi32, #tpu.memory_space<vmem>> -> memref<1x128xi32, #tpu.memory_space<vmem>>
      %dma_start3A_334 = tpu.memref_squeeze %dma_start3A_333 : memref<1x128xi32, #tpu.memory_space<vmem>> -> memref<128xi32, #tpu.memory_space<vmem>>
      %dma_start3A_335 = arith.constant 0 : i32
      %dma_start3A_336 = arith.constant 0 : i32
      %dma_start3A_337 = tpu.memref_slice %arg6[%dma_start3A_335, %dma_start3A_336] : memref<800000x8xf32, #tpu.memory_space<hbm>> -> memref<800000x8xf32, #tpu.memory_space<hbm>>
      tpu.enqueue_indirect_dma source(%dma_start3A_337 : memref<800000x8xf32, #tpu.memory_space<hbm>>) target(%dma_start3A_331 : memref<128x8xf32, #tpu.memory_space<vmem>>) offsets(%dma_start3A_334 : memref<128xi32, #tpu.memory_space<vmem>>) semaphore(%arg17 : memref<!tpu.dma_semaphore, #tpu.memory_space<semaphore_mem>>)
      %dma_start3A_338 = arith.constant 2 : i32
      %dma_start3A_339 = arith.constant 1408 : i32
      %dma_start3A_340 = arith.constant 0 : i32
      %dma_start3A_341 = tpu.memref_slice %arg12[%dma_start3A_339, %dma_start3A_340] : memref<2048x8xf32, #tpu.memory_space<vmem>> -> memref<128x8xf32, #tpu.memory_space<vmem>>
      %dma_start3A_342 = arith.constant 384 : i32
      %dma_start3A_343 = tpu.memref_slice %arg10[%dma_start3A_338, %dma_start3A_342] : memref<4x512xi32, #tpu.memory_space<vmem>> -> memref<1x128xi32, #tpu.memory_space<vmem>>
      %dma_start3A_344 = tpu.memref_squeeze %dma_start3A_343 : memref<1x128xi32, #tpu.memory_space<vmem>> -> memref<128xi32, #tpu.memory_space<vmem>>
      %dma_start3A_345 = arith.constant 0 : i32
      %dma_start3A_346 = arith.constant 0 : i32
      %dma_start3A_347 = tpu.memref_slice %arg6[%dma_start3A_345, %dma_start3A_346] : memref<800000x8xf32, #tpu.memory_space<hbm>> -> memref<800000x8xf32, #tpu.memory_space<hbm>>
      tpu.enqueue_indirect_dma source(%dma_start3A_347 : memref<800000x8xf32, #tpu.memory_space<hbm>>) target(%dma_start3A_341 : memref<128x8xf32, #tpu.memory_space<vmem>>) offsets(%dma_start3A_344 : memref<128xi32, #tpu.memory_space<vmem>>) semaphore(%arg17 : memref<!tpu.dma_semaphore, #tpu.memory_space<semaphore_mem>>)
      %dma_start3A_348 = arith.constant 3 : i32
      %dma_start3A_349 = arith.constant 1536 : i32
      %dma_start3A_350 = arith.constant 0 : i32
      %dma_start3A_351 = tpu.memref_slice %arg12[%dma_start3A_349, %dma_start3A_350] : memref<2048x8xf32, #tpu.memory_space<vmem>> -> memref<128x8xf32, #tpu.memory_space<vmem>>
      %dma_start3A_352 = arith.constant 0 : i32
      %dma_start3A_353 = tpu.memref_slice %arg10[%dma_start3A_348, %dma_start3A_352] : memref<4x512xi32, #tpu.memory_space<vmem>> -> memref<1x128xi32, #tpu.memory_space<vmem>>
      %dma_start3A_354 = tpu.memref_squeeze %dma_start3A_353 : memref<1x128xi32, #tpu.memory_space<vmem>> -> memref<128xi32, #tpu.memory_space<vmem>>
      %dma_start3A_355 = arith.constant 0 : i32
      %dma_start3A_356 = arith.constant 0 : i32
      %dma_start3A_357 = tpu.memref_slice %arg6[%dma_start3A_355, %dma_start3A_356] : memref<800000x8xf32, #tpu.memory_space<hbm>> -> memref<800000x8xf32, #tpu.memory_space<hbm>>
      tpu.enqueue_indirect_dma source(%dma_start3A_357 : memref<800000x8xf32, #tpu.memory_space<hbm>>) target(%dma_start3A_351 : memref<128x8xf32, #tpu.memory_space<vmem>>) offsets(%dma_start3A_354 : memref<128xi32, #tpu.memory_space<vmem>>) semaphore(%arg17 : memref<!tpu.dma_semaphore, #tpu.memory_space<semaphore_mem>>)
      %dma_start3A_358 = arith.constant 3 : i32
      %dma_start3A_359 = arith.constant 1664 : i32
      %dma_start3A_360 = arith.constant 0 : i32
      %dma_start3A_361 = tpu.memref_slice %arg12[%dma_start3A_359, %dma_start3A_360] : memref<2048x8xf32, #tpu.memory_space<vmem>> -> memref<128x8xf32, #tpu.memory_space<vmem>>
      %dma_start3A_362 = arith.constant 128 : i32
      %dma_start3A_363 = tpu.memref_slice %arg10[%dma_start3A_358, %dma_start3A_362] : memref<4x512xi32, #tpu.memory_space<vmem>> -> memref<1x128xi32, #tpu.memory_space<vmem>>
      %dma_start3A_364 = tpu.memref_squeeze %dma_start3A_363 : memref<1x128xi32, #tpu.memory_space<vmem>> -> memref<128xi32, #tpu.memory_space<vmem>>
      %dma_start3A_365 = arith.constant 0 : i32
      %dma_start3A_366 = arith.constant 0 : i32
      %dma_start3A_367 = tpu.memref_slice %arg6[%dma_start3A_365, %dma_start3A_366] : memref<800000x8xf32, #tpu.memory_space<hbm>> -> memref<800000x8xf32, #tpu.memory_space<hbm>>
      tpu.enqueue_indirect_dma source(%dma_start3A_367 : memref<800000x8xf32, #tpu.memory_space<hbm>>) target(%dma_start3A_361 : memref<128x8xf32, #tpu.memory_space<vmem>>) offsets(%dma_start3A_364 : memref<128xi32, #tpu.memory_space<vmem>>) semaphore(%arg17 : memref<!tpu.dma_semaphore, #tpu.memory_space<semaphore_mem>>)
      %dma_start3A_368 = arith.constant 3 : i32
      %dma_start3A_369 = arith.constant 1792 : i32
      %dma_start3A_370 = arith.constant 0 : i32
      %dma_start3A_371 = tpu.memref_slice %arg12[%dma_start3A_369, %dma_start3A_370] : memref<2048x8xf32, #tpu.memory_space<vmem>> -> memref<128x8xf32, #tpu.memory_space<vmem>>
      %dma_start3A_372 = arith.constant 256 : i32
      %dma_start3A_373 = tpu.memref_slice %arg10[%dma_start3A_368, %dma_start3A_372] : memref<4x512xi32, #tpu.memory_space<vmem>> -> memref<1x128xi32, #tpu.memory_space<vmem>>
      %dma_start3A_374 = tpu.memref_squeeze %dma_start3A_373 : memref<1x128xi32, #tpu.memory_space<vmem>> -> memref<128xi32, #tpu.memory_space<vmem>>
      %dma_start3A_375 = arith.constant 0 : i32
      %dma_start3A_376 = arith.constant 0 : i32
      %dma_start3A_377 = tpu.memref_slice %arg6[%dma_start3A_375, %dma_start3A_376] : memref<800000x8xf32, #tpu.memory_space<hbm>> -> memref<800000x8xf32, #tpu.memory_space<hbm>>
      tpu.enqueue_indirect_dma source(%dma_start3A_377 : memref<800000x8xf32, #tpu.memory_space<hbm>>) target(%dma_start3A_371 : memref<128x8xf32, #tpu.memory_space<vmem>>) offsets(%dma_start3A_374 : memref<128xi32, #tpu.memory_space<vmem>>) semaphore(%arg17 : memref<!tpu.dma_semaphore, #tpu.memory_space<semaphore_mem>>)
      %dma_start3A_378 = arith.constant 3 : i32
      %dma_start3A_379 = arith.constant 1920 : i32
      %dma_start3A_380 = arith.constant 0 : i32
      %dma_start3A_381 = tpu.memref_slice %arg12[%dma_start3A_379, %dma_start3A_380] : memref<2048x8xf32, #tpu.memory_space<vmem>> -> memref<128x8xf32, #tpu.memory_space<vmem>>
      %dma_start3A_382 = arith.constant 384 : i32
      %dma_start3A_383 = tpu.memref_slice %arg10[%dma_start3A_378, %dma_start3A_382] : memref<4x512xi32, #tpu.memory_space<vmem>> -> memref<1x128xi32, #tpu.memory_space<vmem>>
      %dma_start3A_384 = tpu.memref_squeeze %dma_start3A_383 : memref<1x128xi32, #tpu.memory_space<vmem>> -> memref<128xi32, #tpu.memory_space<vmem>>
      %dma_start3A_385 = arith.constant 0 : i32
      %dma_start3A_386 = arith.constant 0 : i32
      %dma_start3A_387 = tpu.memref_slice %arg6[%dma_start3A_385, %dma_start3A_386] : memref<800000x8xf32, #tpu.memory_space<hbm>> -> memref<800000x8xf32, #tpu.memory_space<hbm>>
      tpu.enqueue_indirect_dma source(%dma_start3A_387 : memref<800000x8xf32, #tpu.memory_space<hbm>>) target(%dma_start3A_381 : memref<128x8xf32, #tpu.memory_space<vmem>>) offsets(%dma_start3A_384 : memref<128xi32, #tpu.memory_space<vmem>>) semaphore(%arg17 : memref<!tpu.dma_semaphore, #tpu.memory_space<semaphore_mem>>)
      %mul3A_388 = arith.constant 2 : i32
      %mul3A_389 = arith.muli %mul3A_388, %scan3A_202 : i32
      %add3A_390 = arith.constant 2 : i32
      %add3A_391 = arith.addi %mul3A_389, %add3A_390 : i32
      %lt3A = arith.constant 74 : i32
      %lt3A_392 = arith.cmpi slt, %add3A_391, %lt3A : i32
      %convert_element_type3A = arith.extui %lt3A_392 : i1 to i32
      %cond3A = arith.constant 0 : i32
      %cond3A_393 = arith.cmpi ne, %convert_element_type3A, %cond3A : i32
      scf.if %cond3A_393 {
        %add3A_761 = arith.constant 2 : i32
        %add3A_762 = arith.addi %add3A_206, %add3A_761 : i32
        %mul3A_763 = arith.constant 512 : i32
        %mul3A_764 = arith.muli %add3A_762, %mul3A_763 : i32
        %min3A_765 = arith.constant 1199488 : i32
        %min3A_766 = arith.minsi %mul3A_764, %min3A_765 : i32
        %mul3A_767 = arith.constant 4 : i32
        %mul3A_768 = arith.muli %min3A_766, %mul3A_767 : i32
        %dma_start3A_769 = tpu.memref_slice %arg2[%mul3A_768] : memref<4800000xi32, #tpu.memory_space<hbm>> -> memref<2048xi32, #tpu.memory_space<hbm>>
        %dma_start3A_770 = tpu.memref_slice %arg2[%mul3A_768] : memref<4800000xi32, #tpu.memory_space<hbm>> -> memref<2048xi32, #tpu.memory_space<hbm>>
        tpu.enqueue_dma source(%dma_start3A_770 : memref<2048xi32, #tpu.memory_space<hbm>>) target(%arg7 : memref<2048xi32, #tpu.memory_space<vmem>>) target_semaphore(%arg18 : memref<!tpu.dma_semaphore, #tpu.memory_space<semaphore_mem>>)
      } else {
      }
      %dma_wait3A_394 = arith.constant 0 : i32
      %dma_wait3A_395 = arith.constant 0 : i32
      %dma_wait3A_396 = arith.constant 0 : i32
      %dma_wait3A_397 = tpu.memref_slice %arg11[%dma_wait3A_395, %dma_wait3A_396] : memref<2048x8xf32, #tpu.memory_space<vmem>> -> memref<128x8xf32, #tpu.memory_space<vmem>>
      %dma_wait3A_398 = arith.constant 0 : i32
      %dma_wait3A_399 = tpu.memref_slice %arg9[%dma_wait3A_394, %dma_wait3A_398] : memref<4x512xi32, #tpu.memory_space<vmem>> -> memref<1x128xi32, #tpu.memory_space<vmem>>
      %dma_wait3A_400 = tpu.memref_squeeze %dma_wait3A_399 : memref<1x128xi32, #tpu.memory_space<vmem>> -> memref<128xi32, #tpu.memory_space<vmem>>
      %dma_wait3A_401 = arith.constant 0 : i32
      %dma_wait3A_402 = arith.constant 0 : i32
      %dma_wait3A_403 = tpu.memref_slice %arg6[%dma_wait3A_401, %dma_wait3A_402] : memref<800000x8xf32, #tpu.memory_space<hbm>> -> memref<800000x8xf32, #tpu.memory_space<hbm>>
      tpu.wait_indirect_dma semaphore(%arg16 : memref<!tpu.dma_semaphore, #tpu.memory_space<semaphore_mem>>) src(%dma_wait3A_403 : memref<800000x8xf32, #tpu.memory_space<hbm>>) dst(%dma_wait3A_397 : memref<128x8xf32, #tpu.memory_space<vmem>>)
      %dma_wait3A_404 = arith.constant 0 : i32
      %dma_wait3A_405 = arith.constant 128 : i32
      %dma_wait3A_406 = arith.constant 0 : i32
      %dma_wait3A_407 = tpu.memref_slice %arg11[%dma_wait3A_405, %dma_wait3A_406] : memref<2048x8xf32, #tpu.memory_space<vmem>> -> memref<128x8xf32, #tpu.memory_space<vmem>>
      %dma_wait3A_408 = arith.constant 128 : i32
      %dma_wait3A_409 = tpu.memref_slice %arg9[%dma_wait3A_404, %dma_wait3A_408] : memref<4x512xi32, #tpu.memory_space<vmem>> -> memref<1x128xi32, #tpu.memory_space<vmem>>
      %dma_wait3A_410 = tpu.memref_squeeze %dma_wait3A_409 : memref<1x128xi32, #tpu.memory_space<vmem>> -> memref<128xi32, #tpu.memory_space<vmem>>
      %dma_wait3A_411 = arith.constant 0 : i32
      %dma_wait3A_412 = arith.constant 0 : i32
      %dma_wait3A_413 = tpu.memref_slice %arg6[%dma_wait3A_411, %dma_wait3A_412] : memref<800000x8xf32, #tpu.memory_space<hbm>> -> memref<800000x8xf32, #tpu.memory_space<hbm>>
      tpu.wait_indirect_dma semaphore(%arg16 : memref<!tpu.dma_semaphore, #tpu.memory_space<semaphore_mem>>) src(%dma_wait3A_413 : memref<800000x8xf32, #tpu.memory_space<hbm>>) dst(%dma_wait3A_407 : memref<128x8xf32, #tpu.memory_space<vmem>>)
      %dma_wait3A_414 = arith.constant 0 : i32
      %dma_wait3A_415 = arith.constant 256 : i32
      %dma_wait3A_416 = arith.constant 0 : i32
      %dma_wait3A_417 = tpu.memref_slice %arg11[%dma_wait3A_415, %dma_wait3A_416] : memref<2048x8xf32, #tpu.memory_space<vmem>> -> memref<128x8xf32, #tpu.memory_space<vmem>>
      %dma_wait3A_418 = arith.constant 256 : i32
      %dma_wait3A_419 = tpu.memref_slice %arg9[%dma_wait3A_414, %dma_wait3A_418] : memref<4x512xi32, #tpu.memory_space<vmem>> -> memref<1x128xi32, #tpu.memory_space<vmem>>
      %dma_wait3A_420 = tpu.memref_squeeze %dma_wait3A_419 : memref<1x128xi32, #tpu.memory_space<vmem>> -> memref<128xi32, #tpu.memory_space<vmem>>
      %dma_wait3A_421 = arith.constant 0 : i32
      %dma_wait3A_422 = arith.constant 0 : i32
      %dma_wait3A_423 = tpu.memref_slice %arg6[%dma_wait3A_421, %dma_wait3A_422] : memref<800000x8xf32, #tpu.memory_space<hbm>> -> memref<800000x8xf32, #tpu.memory_space<hbm>>
      tpu.wait_indirect_dma semaphore(%arg16 : memref<!tpu.dma_semaphore, #tpu.memory_space<semaphore_mem>>) src(%dma_wait3A_423 : memref<800000x8xf32, #tpu.memory_space<hbm>>) dst(%dma_wait3A_417 : memref<128x8xf32, #tpu.memory_space<vmem>>)
      %dma_wait3A_424 = arith.constant 0 : i32
      %dma_wait3A_425 = arith.constant 384 : i32
      %dma_wait3A_426 = arith.constant 0 : i32
      %dma_wait3A_427 = tpu.memref_slice %arg11[%dma_wait3A_425, %dma_wait3A_426] : memref<2048x8xf32, #tpu.memory_space<vmem>> -> memref<128x8xf32, #tpu.memory_space<vmem>>
      %dma_wait3A_428 = arith.constant 384 : i32
      %dma_wait3A_429 = tpu.memref_slice %arg9[%dma_wait3A_424, %dma_wait3A_428] : memref<4x512xi32, #tpu.memory_space<vmem>> -> memref<1x128xi32, #tpu.memory_space<vmem>>
      %dma_wait3A_430 = tpu.memref_squeeze %dma_wait3A_429 : memref<1x128xi32, #tpu.memory_space<vmem>> -> memref<128xi32, #tpu.memory_space<vmem>>
      %dma_wait3A_431 = arith.constant 0 : i32
      %dma_wait3A_432 = arith.constant 0 : i32
      %dma_wait3A_433 = tpu.memref_slice %arg6[%dma_wait3A_431, %dma_wait3A_432] : memref<800000x8xf32, #tpu.memory_space<hbm>> -> memref<800000x8xf32, #tpu.memory_space<hbm>>
      tpu.wait_indirect_dma semaphore(%arg16 : memref<!tpu.dma_semaphore, #tpu.memory_space<semaphore_mem>>) src(%dma_wait3A_433 : memref<800000x8xf32, #tpu.memory_space<hbm>>) dst(%dma_wait3A_427 : memref<128x8xf32, #tpu.memory_space<vmem>>)
      %dma_wait3A_434 = arith.constant 1 : i32
      %dma_wait3A_435 = arith.constant 512 : i32
      %dma_wait3A_436 = arith.constant 0 : i32
      %dma_wait3A_437 = tpu.memref_slice %arg11[%dma_wait3A_435, %dma_wait3A_436] : memref<2048x8xf32, #tpu.memory_space<vmem>> -> memref<128x8xf32, #tpu.memory_space<vmem>>
      %dma_wait3A_438 = arith.constant 0 : i32
      %dma_wait3A_439 = tpu.memref_slice %arg9[%dma_wait3A_434, %dma_wait3A_438] : memref<4x512xi32, #tpu.memory_space<vmem>> -> memref<1x128xi32, #tpu.memory_space<vmem>>
      %dma_wait3A_440 = tpu.memref_squeeze %dma_wait3A_439 : memref<1x128xi32, #tpu.memory_space<vmem>> -> memref<128xi32, #tpu.memory_space<vmem>>
      %dma_wait3A_441 = arith.constant 0 : i32
      %dma_wait3A_442 = arith.constant 0 : i32
      %dma_wait3A_443 = tpu.memref_slice %arg6[%dma_wait3A_441, %dma_wait3A_442] : memref<800000x8xf32, #tpu.memory_space<hbm>> -> memref<800000x8xf32, #tpu.memory_space<hbm>>
      tpu.wait_indirect_dma semaphore(%arg16 : memref<!tpu.dma_semaphore, #tpu.memory_space<semaphore_mem>>) src(%dma_wait3A_443 : memref<800000x8xf32, #tpu.memory_space<hbm>>) dst(%dma_wait3A_437 : memref<128x8xf32, #tpu.memory_space<vmem>>)
      %dma_wait3A_444 = arith.constant 1 : i32
      %dma_wait3A_445 = arith.constant 640 : i32
      %dma_wait3A_446 = arith.constant 0 : i32
      %dma_wait3A_447 = tpu.memref_slice %arg11[%dma_wait3A_445, %dma_wait3A_446] : memref<2048x8xf32, #tpu.memory_space<vmem>> -> memref<128x8xf32, #tpu.memory_space<vmem>>
      %dma_wait3A_448 = arith.constant 128 : i32
      %dma_wait3A_449 = tpu.memref_slice %arg9[%dma_wait3A_444, %dma_wait3A_448] : memref<4x512xi32, #tpu.memory_space<vmem>> -> memref<1x128xi32, #tpu.memory_space<vmem>>
      %dma_wait3A_450 = tpu.memref_squeeze %dma_wait3A_449 : memref<1x128xi32, #tpu.memory_space<vmem>> -> memref<128xi32, #tpu.memory_space<vmem>>
      %dma_wait3A_451 = arith.constant 0 : i32
      %dma_wait3A_452 = arith.constant 0 : i32
      %dma_wait3A_453 = tpu.memref_slice %arg6[%dma_wait3A_451, %dma_wait3A_452] : memref<800000x8xf32, #tpu.memory_space<hbm>> -> memref<800000x8xf32, #tpu.memory_space<hbm>>
      tpu.wait_indirect_dma semaphore(%arg16 : memref<!tpu.dma_semaphore, #tpu.memory_space<semaphore_mem>>) src(%dma_wait3A_453 : memref<800000x8xf32, #tpu.memory_space<hbm>>) dst(%dma_wait3A_447 : memref<128x8xf32, #tpu.memory_space<vmem>>)
      %dma_wait3A_454 = arith.constant 1 : i32
      %dma_wait3A_455 = arith.constant 768 : i32
      %dma_wait3A_456 = arith.constant 0 : i32
      %dma_wait3A_457 = tpu.memref_slice %arg11[%dma_wait3A_455, %dma_wait3A_456] : memref<2048x8xf32, #tpu.memory_space<vmem>> -> memref<128x8xf32, #tpu.memory_space<vmem>>
      %dma_wait3A_458 = arith.constant 256 : i32
      %dma_wait3A_459 = tpu.memref_slice %arg9[%dma_wait3A_454, %dma_wait3A_458] : memref<4x512xi32, #tpu.memory_space<vmem>> -> memref<1x128xi32, #tpu.memory_space<vmem>>
      %dma_wait3A_460 = tpu.memref_squeeze %dma_wait3A_459 : memref<1x128xi32, #tpu.memory_space<vmem>> -> memref<128xi32, #tpu.memory_space<vmem>>
      %dma_wait3A_461 = arith.constant 0 : i32
      %dma_wait3A_462 = arith.constant 0 : i32
      %dma_wait3A_463 = tpu.memref_slice %arg6[%dma_wait3A_461, %dma_wait3A_462] : memref<800000x8xf32, #tpu.memory_space<hbm>> -> memref<800000x8xf32, #tpu.memory_space<hbm>>
      tpu.wait_indirect_dma semaphore(%arg16 : memref<!tpu.dma_semaphore, #tpu.memory_space<semaphore_mem>>) src(%dma_wait3A_463 : memref<800000x8xf32, #tpu.memory_space<hbm>>) dst(%dma_wait3A_457 : memref<128x8xf32, #tpu.memory_space<vmem>>)
      %dma_wait3A_464 = arith.constant 1 : i32
      %dma_wait3A_465 = arith.constant 896 : i32
      %dma_wait3A_466 = arith.constant 0 : i32
      %dma_wait3A_467 = tpu.memref_slice %arg11[%dma_wait3A_465, %dma_wait3A_466] : memref<2048x8xf32, #tpu.memory_space<vmem>> -> memref<128x8xf32, #tpu.memory_space<vmem>>
      %dma_wait3A_468 = arith.constant 384 : i32
      %dma_wait3A_469 = tpu.memref_slice %arg9[%dma_wait3A_464, %dma_wait3A_468] : memref<4x512xi32, #tpu.memory_space<vmem>> -> memref<1x128xi32, #tpu.memory_space<vmem>>
      %dma_wait3A_470 = tpu.memref_squeeze %dma_wait3A_469 : memref<1x128xi32, #tpu.memory_space<vmem>> -> memref<128xi32, #tpu.memory_space<vmem>>
      %dma_wait3A_471 = arith.constant 0 : i32
      %dma_wait3A_472 = arith.constant 0 : i32
      %dma_wait3A_473 = tpu.memref_slice %arg6[%dma_wait3A_471, %dma_wait3A_472] : memref<800000x8xf32, #tpu.memory_space<hbm>> -> memref<800000x8xf32, #tpu.memory_space<hbm>>
      tpu.wait_indirect_dma semaphore(%arg16 : memref<!tpu.dma_semaphore, #tpu.memory_space<semaphore_mem>>) src(%dma_wait3A_473 : memref<800000x8xf32, #tpu.memory_space<hbm>>) dst(%dma_wait3A_467 : memref<128x8xf32, #tpu.memory_space<vmem>>)
      %dma_wait3A_474 = arith.constant 2 : i32
      %dma_wait3A_475 = arith.constant 1024 : i32
      %dma_wait3A_476 = arith.constant 0 : i32
      %dma_wait3A_477 = tpu.memref_slice %arg11[%dma_wait3A_475, %dma_wait3A_476] : memref<2048x8xf32, #tpu.memory_space<vmem>> -> memref<128x8xf32, #tpu.memory_space<vmem>>
      %dma_wait3A_478 = arith.constant 0 : i32
      %dma_wait3A_479 = tpu.memref_slice %arg9[%dma_wait3A_474, %dma_wait3A_478] : memref<4x512xi32, #tpu.memory_space<vmem>> -> memref<1x128xi32, #tpu.memory_space<vmem>>
      %dma_wait3A_480 = tpu.memref_squeeze %dma_wait3A_479 : memref<1x128xi32, #tpu.memory_space<vmem>> -> memref<128xi32, #tpu.memory_space<vmem>>
      %dma_wait3A_481 = arith.constant 0 : i32
      %dma_wait3A_482 = arith.constant 0 : i32
      %dma_wait3A_483 = tpu.memref_slice %arg6[%dma_wait3A_481, %dma_wait3A_482] : memref<800000x8xf32, #tpu.memory_space<hbm>> -> memref<800000x8xf32, #tpu.memory_space<hbm>>
      tpu.wait_indirect_dma semaphore(%arg16 : memref<!tpu.dma_semaphore, #tpu.memory_space<semaphore_mem>>) src(%dma_wait3A_483 : memref<800000x8xf32, #tpu.memory_space<hbm>>) dst(%dma_wait3A_477 : memref<128x8xf32, #tpu.memory_space<vmem>>)
      %dma_wait3A_484 = arith.constant 2 : i32
      %dma_wait3A_485 = arith.constant 1152 : i32
      %dma_wait3A_486 = arith.constant 0 : i32
      %dma_wait3A_487 = tpu.memref_slice %arg11[%dma_wait3A_485, %dma_wait3A_486] : memref<2048x8xf32, #tpu.memory_space<vmem>> -> memref<128x8xf32, #tpu.memory_space<vmem>>
      %dma_wait3A_488 = arith.constant 128 : i32
      %dma_wait3A_489 = tpu.memref_slice %arg9[%dma_wait3A_484, %dma_wait3A_488] : memref<4x512xi32, #tpu.memory_space<vmem>> -> memref<1x128xi32, #tpu.memory_space<vmem>>
      %dma_wait3A_490 = tpu.memref_squeeze %dma_wait3A_489 : memref<1x128xi32, #tpu.memory_space<vmem>> -> memref<128xi32, #tpu.memory_space<vmem>>
      %dma_wait3A_491 = arith.constant 0 : i32
      %dma_wait3A_492 = arith.constant 0 : i32
      %dma_wait3A_493 = tpu.memref_slice %arg6[%dma_wait3A_491, %dma_wait3A_492] : memref<800000x8xf32, #tpu.memory_space<hbm>> -> memref<800000x8xf32, #tpu.memory_space<hbm>>
      tpu.wait_indirect_dma semaphore(%arg16 : memref<!tpu.dma_semaphore, #tpu.memory_space<semaphore_mem>>) src(%dma_wait3A_493 : memref<800000x8xf32, #tpu.memory_space<hbm>>) dst(%dma_wait3A_487 : memref<128x8xf32, #tpu.memory_space<vmem>>)
      %dma_wait3A_494 = arith.constant 2 : i32
      %dma_wait3A_495 = arith.constant 1280 : i32
      %dma_wait3A_496 = arith.constant 0 : i32
      %dma_wait3A_497 = tpu.memref_slice %arg11[%dma_wait3A_495, %dma_wait3A_496] : memref<2048x8xf32, #tpu.memory_space<vmem>> -> memref<128x8xf32, #tpu.memory_space<vmem>>
      %dma_wait3A_498 = arith.constant 256 : i32
      %dma_wait3A_499 = tpu.memref_slice %arg9[%dma_wait3A_494, %dma_wait3A_498] : memref<4x512xi32, #tpu.memory_space<vmem>> -> memref<1x128xi32, #tpu.memory_space<vmem>>
      %dma_wait3A_500 = tpu.memref_squeeze %dma_wait3A_499 : memref<1x128xi32, #tpu.memory_space<vmem>> -> memref<128xi32, #tpu.memory_space<vmem>>
      %dma_wait3A_501 = arith.constant 0 : i32
      %dma_wait3A_502 = arith.constant 0 : i32
      %dma_wait3A_503 = tpu.memref_slice %arg6[%dma_wait3A_501, %dma_wait3A_502] : memref<800000x8xf32, #tpu.memory_space<hbm>> -> memref<800000x8xf32, #tpu.memory_space<hbm>>
      tpu.wait_indirect_dma semaphore(%arg16 : memref<!tpu.dma_semaphore, #tpu.memory_space<semaphore_mem>>) src(%dma_wait3A_503 : memref<800000x8xf32, #tpu.memory_space<hbm>>) dst(%dma_wait3A_497 : memref<128x8xf32, #tpu.memory_space<vmem>>)
      %dma_wait3A_504 = arith.constant 2 : i32
      %dma_wait3A_505 = arith.constant 1408 : i32
      %dma_wait3A_506 = arith.constant 0 : i32
      %dma_wait3A_507 = tpu.memref_slice %arg11[%dma_wait3A_505, %dma_wait3A_506] : memref<2048x8xf32, #tpu.memory_space<vmem>> -> memref<128x8xf32, #tpu.memory_space<vmem>>
      %dma_wait3A_508 = arith.constant 384 : i32
      %dma_wait3A_509 = tpu.memref_slice %arg9[%dma_wait3A_504, %dma_wait3A_508] : memref<4x512xi32, #tpu.memory_space<vmem>> -> memref<1x128xi32, #tpu.memory_space<vmem>>
      %dma_wait3A_510 = tpu.memref_squeeze %dma_wait3A_509 : memref<1x128xi32, #tpu.memory_space<vmem>> -> memref<128xi32, #tpu.memory_space<vmem>>
      %dma_wait3A_511 = arith.constant 0 : i32
      %dma_wait3A_512 = arith.constant 0 : i32
      %dma_wait3A_513 = tpu.memref_slice %arg6[%dma_wait3A_511, %dma_wait3A_512] : memref<800000x8xf32, #tpu.memory_space<hbm>> -> memref<800000x8xf32, #tpu.memory_space<hbm>>
      tpu.wait_indirect_dma semaphore(%arg16 : memref<!tpu.dma_semaphore, #tpu.memory_space<semaphore_mem>>) src(%dma_wait3A_513 : memref<800000x8xf32, #tpu.memory_space<hbm>>) dst(%dma_wait3A_507 : memref<128x8xf32, #tpu.memory_space<vmem>>)
      %dma_wait3A_514 = arith.constant 3 : i32
      %dma_wait3A_515 = arith.constant 1536 : i32
      %dma_wait3A_516 = arith.constant 0 : i32
      %dma_wait3A_517 = tpu.memref_slice %arg11[%dma_wait3A_515, %dma_wait3A_516] : memref<2048x8xf32, #tpu.memory_space<vmem>> -> memref<128x8xf32, #tpu.memory_space<vmem>>
      %dma_wait3A_518 = arith.constant 0 : i32
      %dma_wait3A_519 = tpu.memref_slice %arg9[%dma_wait3A_514, %dma_wait3A_518] : memref<4x512xi32, #tpu.memory_space<vmem>> -> memref<1x128xi32, #tpu.memory_space<vmem>>
      %dma_wait3A_520 = tpu.memref_squeeze %dma_wait3A_519 : memref<1x128xi32, #tpu.memory_space<vmem>> -> memref<128xi32, #tpu.memory_space<vmem>>
      %dma_wait3A_521 = arith.constant 0 : i32
      %dma_wait3A_522 = arith.constant 0 : i32
      %dma_wait3A_523 = tpu.memref_slice %arg6[%dma_wait3A_521, %dma_wait3A_522] : memref<800000x8xf32, #tpu.memory_space<hbm>> -> memref<800000x8xf32, #tpu.memory_space<hbm>>
      tpu.wait_indirect_dma semaphore(%arg16 : memref<!tpu.dma_semaphore, #tpu.memory_space<semaphore_mem>>) src(%dma_wait3A_523 : memref<800000x8xf32, #tpu.memory_space<hbm>>) dst(%dma_wait3A_517 : memref<128x8xf32, #tpu.memory_space<vmem>>)
      %dma_wait3A_524 = arith.constant 3 : i32
      %dma_wait3A_525 = arith.constant 1664 : i32
      %dma_wait3A_526 = arith.constant 0 : i32
      %dma_wait3A_527 = tpu.memref_slice %arg11[%dma_wait3A_525, %dma_wait3A_526] : memref<2048x8xf32, #tpu.memory_space<vmem>> -> memref<128x8xf32, #tpu.memory_space<vmem>>
      %dma_wait3A_528 = arith.constant 128 : i32
      %dma_wait3A_529 = tpu.memref_slice %arg9[%dma_wait3A_524, %dma_wait3A_528] : memref<4x512xi32, #tpu.memory_space<vmem>> -> memref<1x128xi32, #tpu.memory_space<vmem>>
      %dma_wait3A_530 = tpu.memref_squeeze %dma_wait3A_529 : memref<1x128xi32, #tpu.memory_space<vmem>> -> memref<128xi32, #tpu.memory_space<vmem>>
      %dma_wait3A_531 = arith.constant 0 : i32
      %dma_wait3A_532 = arith.constant 0 : i32
      %dma_wait3A_533 = tpu.memref_slice %arg6[%dma_wait3A_531, %dma_wait3A_532] : memref<800000x8xf32, #tpu.memory_space<hbm>> -> memref<800000x8xf32, #tpu.memory_space<hbm>>
      tpu.wait_indirect_dma semaphore(%arg16 : memref<!tpu.dma_semaphore, #tpu.memory_space<semaphore_mem>>) src(%dma_wait3A_533 : memref<800000x8xf32, #tpu.memory_space<hbm>>) dst(%dma_wait3A_527 : memref<128x8xf32, #tpu.memory_space<vmem>>)
      %dma_wait3A_534 = arith.constant 3 : i32
      %dma_wait3A_535 = arith.constant 1792 : i32
      %dma_wait3A_536 = arith.constant 0 : i32
      %dma_wait3A_537 = tpu.memref_slice %arg11[%dma_wait3A_535, %dma_wait3A_536] : memref<2048x8xf32, #tpu.memory_space<vmem>> -> memref<128x8xf32, #tpu.memory_space<vmem>>
      %dma_wait3A_538 = arith.constant 256 : i32
      %dma_wait3A_539 = tpu.memref_slice %arg9[%dma_wait3A_534, %dma_wait3A_538] : memref<4x512xi32, #tpu.memory_space<vmem>> -> memref<1x128xi32, #tpu.memory_space<vmem>>
      %dma_wait3A_540 = tpu.memref_squeeze %dma_wait3A_539 : memref<1x128xi32, #tpu.memory_space<vmem>> -> memref<128xi32, #tpu.memory_space<vmem>>
      %dma_wait3A_541 = arith.constant 0 : i32
      %dma_wait3A_542 = arith.constant 0 : i32
      %dma_wait3A_543 = tpu.memref_slice %arg6[%dma_wait3A_541, %dma_wait3A_542] : memref<800000x8xf32, #tpu.memory_space<hbm>> -> memref<800000x8xf32, #tpu.memory_space<hbm>>
      tpu.wait_indirect_dma semaphore(%arg16 : memref<!tpu.dma_semaphore, #tpu.memory_space<semaphore_mem>>) src(%dma_wait3A_543 : memref<800000x8xf32, #tpu.memory_space<hbm>>) dst(%dma_wait3A_537 : memref<128x8xf32, #tpu.memory_space<vmem>>)
      %dma_wait3A_544 = arith.constant 3 : i32
      %dma_wait3A_545 = arith.constant 1920 : i32
      %dma_wait3A_546 = arith.constant 0 : i32
      %dma_wait3A_547 = tpu.memref_slice %arg11[%dma_wait3A_545, %dma_wait3A_546] : memref<2048x8xf32, #tpu.memory_space<vmem>> -> memref<128x8xf32, #tpu.memory_space<vmem>>
      %dma_wait3A_548 = arith.constant 384 : i32
      %dma_wait3A_549 = tpu.memref_slice %arg9[%dma_wait3A_544, %dma_wait3A_548] : memref<4x512xi32, #tpu.memory_space<vmem>> -> memref<1x128xi32, #tpu.memory_space<vmem>>
      %dma_wait3A_550 = tpu.memref_squeeze %dma_wait3A_549 : memref<1x128xi32, #tpu.memory_space<vmem>> -> memref<128xi32, #tpu.memory_space<vmem>>
      %dma_wait3A_551 = arith.constant 0 : i32
      %dma_wait3A_552 = arith.constant 0 : i32
      %dma_wait3A_553 = tpu.memref_slice %arg6[%dma_wait3A_551, %dma_wait3A_552] : memref<800000x8xf32, #tpu.memory_space<hbm>> -> memref<800000x8xf32, #tpu.memory_space<hbm>>
      tpu.wait_indirect_dma semaphore(%arg16 : memref<!tpu.dma_semaphore, #tpu.memory_space<semaphore_mem>>) src(%dma_wait3A_553 : memref<800000x8xf32, #tpu.memory_space<hbm>>) dst(%dma_wait3A_547 : memref<128x8xf32, #tpu.memory_space<vmem>>)
      %mul3A_554 = arith.constant 512 : i32
      %mul3A_555 = arith.muli %add3A_206, %mul3A_554 : i32
      %min3A_556 = arith.constant 1199488 : i32
      %min3A_557 = arith.minsi %mul3A_555, %min3A_556 : i32
      %mul3A_558 = arith.constant 512 : i32
      %mul3A_559 = arith.muli %add3A_206, %mul3A_558 : i32
      %sub3A = arith.subi %min3A_557, %mul3A_559 : i32
      %scan3A_560 = arith.constant 0 : i32
      %scan3A_561 = arith.constant 32 : i32
      %scan3A_562 = arith.addi %scan3A_560, %scan3A_561 : i32
      %scan3A_563 = arith.constant 1 : i32
      %scan3A_564 = scf.for %scan3A_761 = %scan3A_560 to %scan3A_562 step %scan3A_563 iter_args(%scan3A_762 = %scan3A_203) -> (vector<16xf32>)  : i32 {
        %iota3A = tpu.iota {dimensions = array<i32: 0>} : vector<16xi32>
        %mul3A_763 = arith.constant 16 : i32
        %mul3A_764 = arith.muli %scan3A_761, %mul3A_763 : i32
        %add3A_765 = arith.constant 0 : i32
        %add3A_766 = arith.addi %mul3A_764, %add3A_765 : i32
        %add3A_767 = vector.broadcast %add3A_766 : i32 to vector<16xi32>
        %add3A_768 = arith.addi %iota3A, %add3A_767 : vector<16xi32>
        %broadcast_in_dim3A_769 = arith.constant 0 : i32
        %broadcast_in_dim3A_770 = vector.broadcast %broadcast_in_dim3A_769 : i32 to vector<16xi32>
        %gather3A = tpu.vector_load_idx %arg11[%add3A_768, %broadcast_in_dim3A_770] : memref<2048x8xf32, #tpu.memory_space<vmem>>[vector<16xi32>, vector<16xi32>], vector<16xf32>,
        %iota3A_771 = tpu.iota {dimensions = array<i32: 0>} : vector<16xi32>
        %mul3A_772 = arith.constant 16 : i32
        %mul3A_773 = arith.muli %scan3A_761, %mul3A_772 : i32
        %add3A_774 = arith.constant 0 : i32
        %add3A_775 = arith.addi %mul3A_773, %add3A_774 : i32
        %add3A_776 = vector.broadcast %add3A_775 : i32 to vector<16xi32>
        %add3A_777 = arith.addi %iota3A_771, %add3A_776 : vector<16xi32>
        %broadcast_in_dim3A_778 = arith.constant 1 : i32
        %broadcast_in_dim3A_779 = vector.broadcast %broadcast_in_dim3A_778 : i32 to vector<16xi32>
        %gather3A_780 = tpu.vector_load_idx %arg11[%add3A_777, %broadcast_in_dim3A_779] : memref<2048x8xf32, #tpu.memory_space<vmem>>[vector<16xi32>, vector<16xi32>], vector<16xf32>,
        %iota3A_781 = tpu.iota {dimensions = array<i32: 0>} : vector<16xi32>
        %mul3A_782 = arith.constant 16 : i32
        %mul3A_783 = arith.muli %scan3A_761, %mul3A_782 : i32
        %add3A_784 = arith.constant 0 : i32
        %add3A_785 = arith.addi %mul3A_783, %add3A_784 : i32
        %add3A_786 = vector.broadcast %add3A_785 : i32 to vector<16xi32>
        %add3A_787 = arith.addi %iota3A_781, %add3A_786 : vector<16xi32>
        %broadcast_in_dim3A_788 = arith.constant 2 : i32
        %broadcast_in_dim3A_789 = vector.broadcast %broadcast_in_dim3A_788 : i32 to vector<16xi32>
        %gather3A_790 = tpu.vector_load_idx %arg11[%add3A_787, %broadcast_in_dim3A_789] : memref<2048x8xf32, #tpu.memory_space<vmem>>[vector<16xi32>, vector<16xi32>], vector<16xf32>,
        %iota3A_791 = tpu.iota {dimensions = array<i32: 0>} : vector<16xi32>
        %mul3A_792 = arith.constant 16 : i32
        %mul3A_793 = arith.muli %scan3A_761, %mul3A_792 : i32
        %add3A_794 = arith.constant 0 : i32
        %add3A_795 = arith.addi %mul3A_793, %add3A_794 : i32
        %add3A_796 = vector.broadcast %add3A_795 : i32 to vector<16xi32>
        %add3A_797 = arith.addi %iota3A_791, %add3A_796 : vector<16xi32>
        %broadcast_in_dim3A_798 = arith.constant 3 : i32
        %broadcast_in_dim3A_799 = vector.broadcast %broadcast_in_dim3A_798 : i32 to vector<16xi32>
        %gather3A_800 = tpu.vector_load_idx %arg11[%add3A_797, %broadcast_in_dim3A_799] : memref<2048x8xf32, #tpu.memory_space<vmem>>[vector<16xi32>, vector<16xi32>], vector<16xf32>,
        %iota3A_801 = tpu.iota {dimensions = array<i32: 0>} : vector<16xi32>
        %mul3A_802 = arith.constant 16 : i32
        %mul3A_803 = arith.muli %scan3A_761, %mul3A_802 : i32
        %add3A_804 = arith.constant 0 : i32
        %add3A_805 = arith.addi %mul3A_803, %add3A_804 : i32
        %add3A_806 = vector.broadcast %add3A_805 : i32 to vector<16xi32>
        %add3A_807 = arith.addi %iota3A_801, %add3A_806 : vector<16xi32>
        %broadcast_in_dim3A_808 = arith.constant 4 : i32
        %broadcast_in_dim3A_809 = vector.broadcast %broadcast_in_dim3A_808 : i32 to vector<16xi32>
        %gather3A_810 = tpu.vector_load_idx %arg11[%add3A_807, %broadcast_in_dim3A_809] : memref<2048x8xf32, #tpu.memory_space<vmem>>[vector<16xi32>, vector<16xi32>], vector<16xf32>,
        %iota3A_811 = tpu.iota {dimensions = array<i32: 0>} : vector<16xi32>
        %mul3A_812 = arith.constant 16 : i32
        %mul3A_813 = arith.muli %scan3A_761, %mul3A_812 : i32
        %add3A_814 = arith.constant 0 : i32
        %add3A_815 = arith.addi %mul3A_813, %add3A_814 : i32
        %add3A_816 = vector.broadcast %add3A_815 : i32 to vector<16xi32>
        %add3A_817 = arith.addi %iota3A_811, %add3A_816 : vector<16xi32>
        %broadcast_in_dim3A_818 = arith.constant 5 : i32
        %broadcast_in_dim3A_819 = vector.broadcast %broadcast_in_dim3A_818 : i32 to vector<16xi32>
        %gather3A_820 = tpu.vector_load_idx %arg11[%add3A_817, %broadcast_in_dim3A_819] : memref<2048x8xf32, #tpu.memory_space<vmem>>[vector<16xi32>, vector<16xi32>], vector<16xf32>,
        %iota3A_821 = tpu.iota {dimensions = array<i32: 0>} : vector<16xi32>
        %mul3A_822 = arith.constant 16 : i32
        %mul3A_823 = arith.muli %scan3A_761, %mul3A_822 : i32
        %add3A_824 = arith.constant 512 : i32
        %add3A_825 = arith.addi %mul3A_823, %add3A_824 : i32
        %add3A_826 = vector.broadcast %add3A_825 : i32 to vector<16xi32>
        %add3A_827 = arith.addi %iota3A_821, %add3A_826 : vector<16xi32>
        %broadcast_in_dim3A_828 = arith.constant 0 : i32
        %broadcast_in_dim3A_829 = vector.broadcast %broadcast_in_dim3A_828 : i32 to vector<16xi32>
        %gather3A_830 = tpu.vector_load_idx %arg11[%add3A_827, %broadcast_in_dim3A_829] : memref<2048x8xf32, #tpu.memory_space<vmem>>[vector<16xi32>, vector<16xi32>], vector<16xf32>,
        %iota3A_831 = tpu.iota {dimensions = array<i32: 0>} : vector<16xi32>
        %mul3A_832 = arith.constant 16 : i32
        %mul3A_833 = arith.muli %scan3A_761, %mul3A_832 : i32
        %add3A_834 = arith.constant 512 : i32
        %add3A_835 = arith.addi %mul3A_833, %add3A_834 : i32
        %add3A_836 = vector.broadcast %add3A_835 : i32 to vector<16xi32>
        %add3A_837 = arith.addi %iota3A_831, %add3A_836 : vector<16xi32>
        %broadcast_in_dim3A_838 = arith.constant 1 : i32
        %broadcast_in_dim3A_839 = vector.broadcast %broadcast_in_dim3A_838 : i32 to vector<16xi32>
        %gather3A_840 = tpu.vector_load_idx %arg11[%add3A_837, %broadcast_in_dim3A_839] : memref<2048x8xf32, #tpu.memory_space<vmem>>[vector<16xi32>, vector<16xi32>], vector<16xf32>,
        %iota3A_841 = tpu.iota {dimensions = array<i32: 0>} : vector<16xi32>
        %mul3A_842 = arith.constant 16 : i32
        %mul3A_843 = arith.muli %scan3A_761, %mul3A_842 : i32
        %add3A_844 = arith.constant 512 : i32
        %add3A_845 = arith.addi %mul3A_843, %add3A_844 : i32
        %add3A_846 = vector.broadcast %add3A_845 : i32 to vector<16xi32>
        %add3A_847 = arith.addi %iota3A_841, %add3A_846 : vector<16xi32>
        %broadcast_in_dim3A_848 = arith.constant 2 : i32
        %broadcast_in_dim3A_849 = vector.broadcast %broadcast_in_dim3A_848 : i32 to vector<16xi32>
        %gather3A_850 = tpu.vector_load_idx %arg11[%add3A_847, %broadcast_in_dim3A_849] : memref<2048x8xf32, #tpu.memory_space<vmem>>[vector<16xi32>, vector<16xi32>], vector<16xf32>,
        %iota3A_851 = tpu.iota {dimensions = array<i32: 0>} : vector<16xi32>
        %mul3A_852 = arith.constant 16 : i32
        %mul3A_853 = arith.muli %scan3A_761, %mul3A_852 : i32
        %add3A_854 = arith.constant 512 : i32
        %add3A_855 = arith.addi %mul3A_853, %add3A_854 : i32
        %add3A_856 = vector.broadcast %add3A_855 : i32 to vector<16xi32>
        %add3A_857 = arith.addi %iota3A_851, %add3A_856 : vector<16xi32>
        %broadcast_in_dim3A_858 = arith.constant 3 : i32
        %broadcast_in_dim3A_859 = vector.broadcast %broadcast_in_dim3A_858 : i32 to vector<16xi32>
        %gather3A_860 = tpu.vector_load_idx %arg11[%add3A_857, %broadcast_in_dim3A_859] : memref<2048x8xf32, #tpu.memory_space<vmem>>[vector<16xi32>, vector<16xi32>], vector<16xf32>,
        %iota3A_861 = tpu.iota {dimensions = array<i32: 0>} : vector<16xi32>
        %mul3A_862 = arith.constant 16 : i32
        %mul3A_863 = arith.muli %scan3A_761, %mul3A_862 : i32
        %add3A_864 = arith.constant 512 : i32
        %add3A_865 = arith.addi %mul3A_863, %add3A_864 : i32
        %add3A_866 = vector.broadcast %add3A_865 : i32 to vector<16xi32>
        %add3A_867 = arith.addi %iota3A_861, %add3A_866 : vector<16xi32>
        %broadcast_in_dim3A_868 = arith.constant 4 : i32
        %broadcast_in_dim3A_869 = vector.broadcast %broadcast_in_dim3A_868 : i32 to vector<16xi32>
        %gather3A_870 = tpu.vector_load_idx %arg11[%add3A_867, %broadcast_in_dim3A_869] : memref<2048x8xf32, #tpu.memory_space<vmem>>[vector<16xi32>, vector<16xi32>], vector<16xf32>,
        %iota3A_871 = tpu.iota {dimensions = array<i32: 0>} : vector<16xi32>
        %mul3A_872 = arith.constant 16 : i32
        %mul3A_873 = arith.muli %scan3A_761, %mul3A_872 : i32
        %add3A_874 = arith.constant 512 : i32
        %add3A_875 = arith.addi %mul3A_873, %add3A_874 : i32
        %add3A_876 = vector.broadcast %add3A_875 : i32 to vector<16xi32>
        %add3A_877 = arith.addi %iota3A_871, %add3A_876 : vector<16xi32>
        %broadcast_in_dim3A_878 = arith.constant 5 : i32
        %broadcast_in_dim3A_879 = vector.broadcast %broadcast_in_dim3A_878 : i32 to vector<16xi32>
        %gather3A_880 = tpu.vector_load_idx %arg11[%add3A_877, %broadcast_in_dim3A_879] : memref<2048x8xf32, #tpu.memory_space<vmem>>[vector<16xi32>, vector<16xi32>], vector<16xf32>,
        %iota3A_881 = tpu.iota {dimensions = array<i32: 0>} : vector<16xi32>
        %mul3A_882 = arith.constant 16 : i32
        %mul3A_883 = arith.muli %scan3A_761, %mul3A_882 : i32
        %add3A_884 = arith.constant 1024 : i32
        %add3A_885 = arith.addi %mul3A_883, %add3A_884 : i32
        %add3A_886 = vector.broadcast %add3A_885 : i32 to vector<16xi32>
        %add3A_887 = arith.addi %iota3A_881, %add3A_886 : vector<16xi32>
        %broadcast_in_dim3A_888 = arith.constant 0 : i32
        %broadcast_in_dim3A_889 = vector.broadcast %broadcast_in_dim3A_888 : i32 to vector<16xi32>
        %gather3A_890 = tpu.vector_load_idx %arg11[%add3A_887, %broadcast_in_dim3A_889] : memref<2048x8xf32, #tpu.memory_space<vmem>>[vector<16xi32>, vector<16xi32>], vector<16xf32>,
        %iota3A_891 = tpu.iota {dimensions = array<i32: 0>} : vector<16xi32>
        %mul3A_892 = arith.constant 16 : i32
        %mul3A_893 = arith.muli %scan3A_761, %mul3A_892 : i32
        %add3A_894 = arith.constant 1024 : i32
        %add3A_895 = arith.addi %mul3A_893, %add3A_894 : i32
        %add3A_896 = vector.broadcast %add3A_895 : i32 to vector<16xi32>
        %add3A_897 = arith.addi %iota3A_891, %add3A_896 : vector<16xi32>
        %broadcast_in_dim3A_898 = arith.constant 1 : i32
        %broadcast_in_dim3A_899 = vector.broadcast %broadcast_in_dim3A_898 : i32 to vector<16xi32>
        %gather3A_900 = tpu.vector_load_idx %arg11[%add3A_897, %broadcast_in_dim3A_899] : memref<2048x8xf32, #tpu.memory_space<vmem>>[vector<16xi32>, vector<16xi32>], vector<16xf32>,
        %iota3A_901 = tpu.iota {dimensions = array<i32: 0>} : vector<16xi32>
        %mul3A_902 = arith.constant 16 : i32
        %mul3A_903 = arith.muli %scan3A_761, %mul3A_902 : i32
        %add3A_904 = arith.constant 1024 : i32
        %add3A_905 = arith.addi %mul3A_903, %add3A_904 : i32
        %add3A_906 = vector.broadcast %add3A_905 : i32 to vector<16xi32>
        %add3A_907 = arith.addi %iota3A_901, %add3A_906 : vector<16xi32>
        %broadcast_in_dim3A_908 = arith.constant 2 : i32
        %broadcast_in_dim3A_909 = vector.broadcast %broadcast_in_dim3A_908 : i32 to vector<16xi32>
        %gather3A_910 = tpu.vector_load_idx %arg11[%add3A_907, %broadcast_in_dim3A_909] : memref<2048x8xf32, #tpu.memory_space<vmem>>[vector<16xi32>, vector<16xi32>], vector<16xf32>,
        %iota3A_911 = tpu.iota {dimensions = array<i32: 0>} : vector<16xi32>
        %mul3A_912 = arith.constant 16 : i32
        %mul3A_913 = arith.muli %scan3A_761, %mul3A_912 : i32
        %add3A_914 = arith.constant 1024 : i32
        %add3A_915 = arith.addi %mul3A_913, %add3A_914 : i32
        %add3A_916 = vector.broadcast %add3A_915 : i32 to vector<16xi32>
        %add3A_917 = arith.addi %iota3A_911, %add3A_916 : vector<16xi32>
        %broadcast_in_dim3A_918 = arith.constant 3 : i32
        %broadcast_in_dim3A_919 = vector.broadcast %broadcast_in_dim3A_918 : i32 to vector<16xi32>
        %gather3A_920 = tpu.vector_load_idx %arg11[%add3A_917, %broadcast_in_dim3A_919] : memref<2048x8xf32, #tpu.memory_space<vmem>>[vector<16xi32>, vector<16xi32>], vector<16xf32>,
        %iota3A_921 = tpu.iota {dimensions = array<i32: 0>} : vector<16xi32>
        %mul3A_922 = arith.constant 16 : i32
        %mul3A_923 = arith.muli %scan3A_761, %mul3A_922 : i32
        %add3A_924 = arith.constant 1024 : i32
        %add3A_925 = arith.addi %mul3A_923, %add3A_924 : i32
        %add3A_926 = vector.broadcast %add3A_925 : i32 to vector<16xi32>
        %add3A_927 = arith.addi %iota3A_921, %add3A_926 : vector<16xi32>
        %broadcast_in_dim3A_928 = arith.constant 4 : i32
        %broadcast_in_dim3A_929 = vector.broadcast %broadcast_in_dim3A_928 : i32 to vector<16xi32>
        %gather3A_930 = tpu.vector_load_idx %arg11[%add3A_927, %broadcast_in_dim3A_929] : memref<2048x8xf32, #tpu.memory_space<vmem>>[vector<16xi32>, vector<16xi32>], vector<16xf32>,
        %iota3A_931 = tpu.iota {dimensions = array<i32: 0>} : vector<16xi32>
        %mul3A_932 = arith.constant 16 : i32
        %mul3A_933 = arith.muli %scan3A_761, %mul3A_932 : i32
        %add3A_934 = arith.constant 1024 : i32
        %add3A_935 = arith.addi %mul3A_933, %add3A_934 : i32
        %add3A_936 = vector.broadcast %add3A_935 : i32 to vector<16xi32>
        %add3A_937 = arith.addi %iota3A_931, %add3A_936 : vector<16xi32>
        %broadcast_in_dim3A_938 = arith.constant 5 : i32
        %broadcast_in_dim3A_939 = vector.broadcast %broadcast_in_dim3A_938 : i32 to vector<16xi32>
        %gather3A_940 = tpu.vector_load_idx %arg11[%add3A_937, %broadcast_in_dim3A_939] : memref<2048x8xf32, #tpu.memory_space<vmem>>[vector<16xi32>, vector<16xi32>], vector<16xf32>,
        %iota3A_941 = tpu.iota {dimensions = array<i32: 0>} : vector<16xi32>
        %mul3A_942 = arith.constant 16 : i32
        %mul3A_943 = arith.muli %scan3A_761, %mul3A_942 : i32
        %add3A_944 = arith.constant 1536 : i32
        %add3A_945 = arith.addi %mul3A_943, %add3A_944 : i32
        %add3A_946 = vector.broadcast %add3A_945 : i32 to vector<16xi32>
        %add3A_947 = arith.addi %iota3A_941, %add3A_946 : vector<16xi32>
        %broadcast_in_dim3A_948 = arith.constant 0 : i32
        %broadcast_in_dim3A_949 = vector.broadcast %broadcast_in_dim3A_948 : i32 to vector<16xi32>
        %gather3A_950 = tpu.vector_load_idx %arg11[%add3A_947, %broadcast_in_dim3A_949] : memref<2048x8xf32, #tpu.memory_space<vmem>>[vector<16xi32>, vector<16xi32>], vector<16xf32>,
        %iota3A_951 = tpu.iota {dimensions = array<i32: 0>} : vector<16xi32>
        %mul3A_952 = arith.constant 16 : i32
        %mul3A_953 = arith.muli %scan3A_761, %mul3A_952 : i32
        %add3A_954 = arith.constant 1536 : i32
        %add3A_955 = arith.addi %mul3A_953, %add3A_954 : i32
        %add3A_956 = vector.broadcast %add3A_955 : i32 to vector<16xi32>
        %add3A_957 = arith.addi %iota3A_951, %add3A_956 : vector<16xi32>
        %broadcast_in_dim3A_958 = arith.constant 1 : i32
        %broadcast_in_dim3A_959 = vector.broadcast %broadcast_in_dim3A_958 : i32 to vector<16xi32>
        %gather3A_960 = tpu.vector_load_idx %arg11[%add3A_957, %broadcast_in_dim3A_959] : memref<2048x8xf32, #tpu.memory_space<vmem>>[vector<16xi32>, vector<16xi32>], vector<16xf32>,
        %iota3A_961 = tpu.iota {dimensions = array<i32: 0>} : vector<16xi32>
        %mul3A_962 = arith.constant 16 : i32
        %mul3A_963 = arith.muli %scan3A_761, %mul3A_962 : i32
        %add3A_964 = arith.constant 1536 : i32
        %add3A_965 = arith.addi %mul3A_963, %add3A_964 : i32
        %add3A_966 = vector.broadcast %add3A_965 : i32 to vector<16xi32>
        %add3A_967 = arith.addi %iota3A_961, %add3A_966 : vector<16xi32>
        %broadcast_in_dim3A_968 = arith.constant 2 : i32
        %broadcast_in_dim3A_969 = vector.broadcast %broadcast_in_dim3A_968 : i32 to vector<16xi32>
        %gather3A_970 = tpu.vector_load_idx %arg11[%add3A_967, %broadcast_in_dim3A_969] : memref<2048x8xf32, #tpu.memory_space<vmem>>[vector<16xi32>, vector<16xi32>], vector<16xf32>,
        %iota3A_971 = tpu.iota {dimensions = array<i32: 0>} : vector<16xi32>
        %mul3A_972 = arith.constant 16 : i32
        %mul3A_973 = arith.muli %scan3A_761, %mul3A_972 : i32
        %add3A_974 = arith.constant 1536 : i32
        %add3A_975 = arith.addi %mul3A_973, %add3A_974 : i32
        %add3A_976 = vector.broadcast %add3A_975 : i32 to vector<16xi32>
        %add3A_977 = arith.addi %iota3A_971, %add3A_976 : vector<16xi32>
        %broadcast_in_dim3A_978 = arith.constant 3 : i32
        %broadcast_in_dim3A_979 = vector.broadcast %broadcast_in_dim3A_978 : i32 to vector<16xi32>
        %gather3A_980 = tpu.vector_load_idx %arg11[%add3A_977, %broadcast_in_dim3A_979] : memref<2048x8xf32, #tpu.memory_space<vmem>>[vector<16xi32>, vector<16xi32>], vector<16xf32>,
        %iota3A_981 = tpu.iota {dimensions = array<i32: 0>} : vector<16xi32>
        %mul3A_982 = arith.constant 16 : i32
        %mul3A_983 = arith.muli %scan3A_761, %mul3A_982 : i32
        %add3A_984 = arith.constant 1536 : i32
        %add3A_985 = arith.addi %mul3A_983, %add3A_984 : i32
        %add3A_986 = vector.broadcast %add3A_985 : i32 to vector<16xi32>
        %add3A_987 = arith.addi %iota3A_981, %add3A_986 : vector<16xi32>
        %broadcast_in_dim3A_988 = arith.constant 4 : i32
        %broadcast_in_dim3A_989 = vector.broadcast %broadcast_in_dim3A_988 : i32 to vector<16xi32>
        %gather3A_990 = tpu.vector_load_idx %arg11[%add3A_987, %broadcast_in_dim3A_989] : memref<2048x8xf32, #tpu.memory_space<vmem>>[vector<16xi32>, vector<16xi32>], vector<16xf32>,
        %iota3A_991 = tpu.iota {dimensions = array<i32: 0>} : vector<16xi32>
        %mul3A_992 = arith.constant 16 : i32
        %mul3A_993 = arith.muli %scan3A_761, %mul3A_992 : i32
        %add3A_994 = arith.constant 1536 : i32
        %add3A_995 = arith.addi %mul3A_993, %add3A_994 : i32
        %add3A_996 = vector.broadcast %add3A_995 : i32 to vector<16xi32>
        %add3A_997 = arith.addi %iota3A_991, %add3A_996 : vector<16xi32>
        %broadcast_in_dim3A_998 = arith.constant 5 : i32
        %broadcast_in_dim3A_999 = vector.broadcast %broadcast_in_dim3A_998 : i32 to vector<16xi32>
        %gather3A_1000 = tpu.vector_load_idx %arg11[%add3A_997, %broadcast_in_dim3A_999] : memref<2048x8xf32, #tpu.memory_space<vmem>>[vector<16xi32>, vector<16xi32>], vector<16xf32>,
        %sub3A_1001 = arith.subf %gather3A_830, %gather3A : vector<16xf32>
        %sub3A_1002 = arith.subf %gather3A_840, %gather3A_780 : vector<16xf32>
        %sub3A_1003 = arith.subf %gather3A_850, %gather3A_790 : vector<16xf32>
        %sub3A_1004 = arith.subf %gather3A_890, %gather3A : vector<16xf32>
        %sub3A_1005 = arith.subf %gather3A_900, %gather3A_780 : vector<16xf32>
        %sub3A_1006 = arith.subf %gather3A_910, %gather3A_790 : vector<16xf32>
        %sub3A_1007 = arith.subf %gather3A_950, %gather3A : vector<16xf32>
        %sub3A_1008 = arith.subf %gather3A_960, %gather3A_780 : vector<16xf32>
        %sub3A_1009 = arith.subf %gather3A_970, %gather3A_790 : vector<16xf32>
        %mul3A_1010 = arith.mulf %sub3A_1002, %sub3A_1006 : vector<16xf32>
        %mul3A_1011 = arith.mulf %sub3A_1003, %sub3A_1005 : vector<16xf32>
        %sub3A_1012 = arith.subf %mul3A_1010, %mul3A_1011 : vector<16xf32>
        %mul3A_1013 = arith.mulf %sub3A_1003, %sub3A_1004 : vector<16xf32>
        %mul3A_1014 = arith.mulf %sub3A_1001, %sub3A_1006 : vector<16xf32>
        %sub3A_1015 = arith.subf %mul3A_1013, %mul3A_1014 : vector<16xf32>
        %mul3A_1016 = arith.mulf %sub3A_1001, %sub3A_1005 : vector<16xf32>
        %mul3A_1017 = arith.mulf %sub3A_1002, %sub3A_1004 : vector<16xf32>
        %sub3A_1018 = arith.subf %mul3A_1016, %mul3A_1017 : vector<16xf32>
        %mul3A_1019 = arith.mulf %sub3A_1002, %sub3A_1009 : vector<16xf32>
        %mul3A_1020 = arith.mulf %sub3A_1003, %sub3A_1008 : vector<16xf32>
        %sub3A_1021 = arith.subf %mul3A_1019, %mul3A_1020 : vector<16xf32>
        %mul3A_1022 = arith.mulf %sub3A_1003, %sub3A_1007 : vector<16xf32>
        %mul3A_1023 = arith.mulf %sub3A_1001, %sub3A_1009 : vector<16xf32>
        %sub3A_1024 = arith.subf %mul3A_1022, %mul3A_1023 : vector<16xf32>
        %mul3A_1025 = arith.mulf %sub3A_1001, %sub3A_1008 : vector<16xf32>
        %mul3A_1026 = arith.mulf %sub3A_1002, %sub3A_1007 : vector<16xf32>
        %sub3A_1027 = arith.subf %mul3A_1025, %mul3A_1026 : vector<16xf32>
        %mul3A_1028 = arith.mulf %sub3A_1012, %sub3A_1021 : vector<16xf32>
        %mul3A_1029 = arith.mulf %sub3A_1015, %sub3A_1024 : vector<16xf32>
        %add3A_1030 = arith.addf %mul3A_1028, %mul3A_1029 : vector<16xf32>
        %mul3A_1031 = arith.mulf %sub3A_1018, %sub3A_1027 : vector<16xf32>
        %add3A_1032 = arith.addf %add3A_1030, %mul3A_1031 : vector<16xf32>
        %mul3A_1033 = arith.mulf %sub3A_1012, %sub3A_1012 : vector<16xf32>
        %mul3A_1034 = arith.mulf %sub3A_1015, %sub3A_1015 : vector<16xf32>
        %add3A_1035 = arith.addf %mul3A_1033, %mul3A_1034 : vector<16xf32>
        %mul3A_1036 = arith.mulf %sub3A_1018, %sub3A_1018 : vector<16xf32>
        %add3A_1037 = arith.addf %add3A_1035, %mul3A_1036 : vector<16xf32>
        %mul3A_1038 = arith.mulf %sub3A_1021, %sub3A_1021 : vector<16xf32>
        %mul3A_1039 = arith.mulf %sub3A_1024, %sub3A_1024 : vector<16xf32>
        %add3A_1040 = arith.addf %mul3A_1038, %mul3A_1039 : vector<16xf32>
        %mul3A_1041 = arith.mulf %sub3A_1027, %sub3A_1027 : vector<16xf32>
        %add3A_1042 = arith.addf %add3A_1040, %mul3A_1041 : vector<16xf32>
        %bitcast3A = vector.bitcast %add3A_1037 : vector<16xf32> to vector<16xi32>
        %shift_right_logical3A = arith.constant 1 : i32
        %shift_right_logical3A_1043 = vector.broadcast %shift_right_logical3A : i32 to vector<16xi32>
        %shift_right_logical3A_1044 = arith.shrui %bitcast3A, %shift_right_logical3A_1043 : vector<16xi32>
        %sub3A_1045 = arith.constant 1597463007 : i32
        %sub3A_1046 = vector.broadcast %sub3A_1045 : i32 to vector<16xi32>
        %sub3A_1047 = arith.subi %sub3A_1046, %shift_right_logical3A_1044 : vector<16xi32>
        %bitcast3A_1048 = vector.bitcast %sub3A_1047 : vector<16xi32> to vector<16xf32>
        %mul3A_1049 = arith.constant 5.000000e-01 : f32
        %mul3A_1050 = vector.broadcast %mul3A_1049 : f32 to vector<16xf32>
        %mul3A_1051 = arith.mulf %mul3A_1050, %add3A_1037 : vector<16xf32>
        %mul3A_1052 = arith.mulf %mul3A_1051, %bitcast3A_1048 : vector<16xf32>
        %mul3A_1053 = arith.mulf %mul3A_1052, %bitcast3A_1048 : vector<16xf32>
        %sub3A_1054 = arith.constant 1.500000e+00 : f32
        %sub3A_1055 = vector.broadcast %sub3A_1054 : f32 to vector<16xf32>
        %sub3A_1056 = arith.subf %sub3A_1055, %mul3A_1053 : vector<16xf32>
        %mul3A_1057 = arith.mulf %bitcast3A_1048, %sub3A_1056 : vector<16xf32>
        %mul3A_1058 = arith.constant 5.000000e-01 : f32
        %mul3A_1059 = vector.broadcast %mul3A_1058 : f32 to vector<16xf32>
        %mul3A_1060 = arith.mulf %mul3A_1059, %add3A_1037 : vector<16xf32>
        %mul3A_1061 = arith.mulf %mul3A_1060, %mul3A_1057 : vector<16xf32>
        %mul3A_1062 = arith.mulf %mul3A_1061, %mul3A_1057 : vector<16xf32>
        %sub3A_1063 = arith.constant 1.500000e+00 : f32
        %sub3A_1064 = vector.broadcast %sub3A_1063 : f32 to vector<16xf32>
        %sub3A_1065 = arith.subf %sub3A_1064, %mul3A_1062 : vector<16xf32>
        %mul3A_1066 = arith.mulf %mul3A_1057, %sub3A_1065 : vector<16xf32>
        %mul3A_1067 = arith.constant 5.000000e-01 : f32
        %mul3A_1068 = vector.broadcast %mul3A_1067 : f32 to vector<16xf32>
        %mul3A_1069 = arith.mulf %mul3A_1068, %add3A_1037 : vector<16xf32>
        %mul3A_1070 = arith.mulf %mul3A_1069, %mul3A_1066 : vector<16xf32>
        %mul3A_1071 = arith.mulf %mul3A_1070, %mul3A_1066 : vector<16xf32>
        %sub3A_1072 = arith.constant 1.500000e+00 : f32
        %sub3A_1073 = vector.broadcast %sub3A_1072 : f32 to vector<16xf32>
        %sub3A_1074 = arith.subf %sub3A_1073, %mul3A_1071 : vector<16xf32>
        %mul3A_1075 = arith.mulf %mul3A_1066, %sub3A_1074 : vector<16xf32>
        %mul3A_1076 = arith.mulf %add3A_1037, %mul3A_1075 : vector<16xf32>
        %add3A_1077 = arith.constant 9.99999993E-9 : f32
        %add3A_1078 = vector.broadcast %add3A_1077 : f32 to vector<16xf32>
        %add3A_1079 = arith.addf %mul3A_1076, %add3A_1078 : vector<16xf32>
        %bitcast3A_1080 = vector.bitcast %add3A_1042 : vector<16xf32> to vector<16xi32>
        %shift_right_logical3A_1081 = arith.constant 1 : i32
        %shift_right_logical3A_1082 = vector.broadcast %shift_right_logical3A_1081 : i32 to vector<16xi32>
        %shift_right_logical3A_1083 = arith.shrui %bitcast3A_1080, %shift_right_logical3A_1082 : vector<16xi32>
        %sub3A_1084 = arith.constant 1597463007 : i32
        %sub3A_1085 = vector.broadcast %sub3A_1084 : i32 to vector<16xi32>
        %sub3A_1086 = arith.subi %sub3A_1085, %shift_right_logical3A_1083 : vector<16xi32>
        %bitcast3A_1087 = vector.bitcast %sub3A_1086 : vector<16xi32> to vector<16xf32>
        %mul3A_1088 = arith.constant 5.000000e-01 : f32
        %mul3A_1089 = vector.broadcast %mul3A_1088 : f32 to vector<16xf32>
        %mul3A_1090 = arith.mulf %mul3A_1089, %add3A_1042 : vector<16xf32>
        %mul3A_1091 = arith.mulf %mul3A_1090, %bitcast3A_1087 : vector<16xf32>
        %mul3A_1092 = arith.mulf %mul3A_1091, %bitcast3A_1087 : vector<16xf32>
        %sub3A_1093 = arith.constant 1.500000e+00 : f32
        %sub3A_1094 = vector.broadcast %sub3A_1093 : f32 to vector<16xf32>
        %sub3A_1095 = arith.subf %sub3A_1094, %mul3A_1092 : vector<16xf32>
        %mul3A_1096 = arith.mulf %bitcast3A_1087, %sub3A_1095 : vector<16xf32>
        %mul3A_1097 = arith.constant 5.000000e-01 : f32
        %mul3A_1098 = vector.broadcast %mul3A_1097 : f32 to vector<16xf32>
        %mul3A_1099 = arith.mulf %mul3A_1098, %add3A_1042 : vector<16xf32>
        %mul3A_1100 = arith.mulf %mul3A_1099, %mul3A_1096 : vector<16xf32>
        %mul3A_1101 = arith.mulf %mul3A_1100, %mul3A_1096 : vector<16xf32>
        %sub3A_1102 = arith.constant 1.500000e+00 : f32
        %sub3A_1103 = vector.broadcast %sub3A_1102 : f32 to vector<16xf32>
        %sub3A_1104 = arith.subf %sub3A_1103, %mul3A_1101 : vector<16xf32>
        %mul3A_1105 = arith.mulf %mul3A_1096, %sub3A_1104 : vector<16xf32>
        %mul3A_1106 = arith.constant 5.000000e-01 : f32
        %mul3A_1107 = vector.broadcast %mul3A_1106 : f32 to vector<16xf32>
        %mul3A_1108 = arith.mulf %mul3A_1107, %add3A_1042 : vector<16xf32>
        %mul3A_1109 = arith.mulf %mul3A_1108, %mul3A_1105 : vector<16xf32>
        %mul3A_1110 = arith.mulf %mul3A_1109, %mul3A_1105 : vector<16xf32>
        %sub3A_1111 = arith.constant 1.500000e+00 : f32
        %sub3A_1112 = vector.broadcast %sub3A_1111 : f32 to vector<16xf32>
        %sub3A_1113 = arith.subf %sub3A_1112, %mul3A_1110 : vector<16xf32>
        %mul3A_1114 = arith.mulf %mul3A_1105, %sub3A_1113 : vector<16xf32>
        %mul3A_1115 = arith.mulf %add3A_1042, %mul3A_1114 : vector<16xf32>
        %add3A_1116 = arith.constant 9.99999993E-9 : f32
        %add3A_1117 = vector.broadcast %add3A_1116 : f32 to vector<16xf32>
        %add3A_1118 = arith.addf %mul3A_1115, %add3A_1117 : vector<16xf32>
        %mul3A_1119 = arith.mulf %add3A_1079, %add3A_1118 : vector<16xf32>
        %div3A = arith.divf %add3A_1032, %mul3A_1119 : vector<16xf32>
        %jit3A = arith.constant -0.999998986 : f32
        %jit3A_1120 = arith.constant 0.999998986 : f32
        %max3A = vector.broadcast %jit3A : f32 to vector<16xf32>
        %max3A_1121 = arith.maximumf %max3A, %div3A : vector<16xf32>
        %min3A_1122 = vector.broadcast %jit3A_1120 : f32 to vector<16xf32>
        %min3A_1123 = arith.minimumf %min3A_1122, %max3A_1121 : vector<16xf32>
        %sub3A_1124 = arith.subf %gather3A_860, %gather3A_800 : vector<16xf32>
        %sub3A_1125 = arith.subf %gather3A_870, %gather3A_810 : vector<16xf32>
        %sub3A_1126 = arith.subf %gather3A_880, %gather3A_820 : vector<16xf32>
        %sub3A_1127 = arith.subf %gather3A_920, %gather3A_800 : vector<16xf32>
        %sub3A_1128 = arith.subf %gather3A_930, %gather3A_810 : vector<16xf32>
        %sub3A_1129 = arith.subf %gather3A_940, %gather3A_820 : vector<16xf32>
        %sub3A_1130 = arith.subf %gather3A_980, %gather3A_800 : vector<16xf32>
        %sub3A_1131 = arith.subf %gather3A_990, %gather3A_810 : vector<16xf32>
        %sub3A_1132 = arith.subf %gather3A_1000, %gather3A_820 : vector<16xf32>
        %mul3A_1133 = arith.mulf %sub3A_1125, %sub3A_1129 : vector<16xf32>
        %mul3A_1134 = arith.mulf %sub3A_1126, %sub3A_1128 : vector<16xf32>
        %sub3A_1135 = arith.subf %mul3A_1133, %mul3A_1134 : vector<16xf32>
        %mul3A_1136 = arith.mulf %sub3A_1126, %sub3A_1127 : vector<16xf32>
        %mul3A_1137 = arith.mulf %sub3A_1124, %sub3A_1129 : vector<16xf32>
        %sub3A_1138 = arith.subf %mul3A_1136, %mul3A_1137 : vector<16xf32>
        %mul3A_1139 = arith.mulf %sub3A_1124, %sub3A_1128 : vector<16xf32>
        %mul3A_1140 = arith.mulf %sub3A_1125, %sub3A_1127 : vector<16xf32>
        %sub3A_1141 = arith.subf %mul3A_1139, %mul3A_1140 : vector<16xf32>
        %mul3A_1142 = arith.mulf %sub3A_1125, %sub3A_1132 : vector<16xf32>
        %mul3A_1143 = arith.mulf %sub3A_1126, %sub3A_1131 : vector<16xf32>
        %sub3A_1144 = arith.subf %mul3A_1142, %mul3A_1143 : vector<16xf32>
        %mul3A_1145 = arith.mulf %sub3A_1126, %sub3A_1130 : vector<16xf32>
        %mul3A_1146 = arith.mulf %sub3A_1124, %sub3A_1132 : vector<16xf32>
        %sub3A_1147 = arith.subf %mul3A_1145, %mul3A_1146 : vector<16xf32>
        %mul3A_1148 = arith.mulf %sub3A_1124, %sub3A_1131 : vector<16xf32>
        %mul3A_1149 = arith.mulf %sub3A_1125, %sub3A_1130 : vector<16xf32>
        %sub3A_1150 = arith.subf %mul3A_1148, %mul3A_1149 : vector<16xf32>
        %mul3A_1151 = arith.mulf %sub3A_1135, %sub3A_1144 : vector<16xf32>
        %mul3A_1152 = arith.mulf %sub3A_1138, %sub3A_1147 : vector<16xf32>
        %add3A_1153 = arith.addf %mul3A_1151, %mul3A_1152 : vector<16xf32>
        %mul3A_1154 = arith.mulf %sub3A_1141, %sub3A_1150 : vector<16xf32>
        %add3A_1155 = arith.addf %add3A_1153, %mul3A_1154 : vector<16xf32>
        %mul3A_1156 = arith.mulf %sub3A_1135, %sub3A_1135 : vector<16xf32>
        %mul3A_1157 = arith.mulf %sub3A_1138, %sub3A_1138 : vector<16xf32>
        %add3A_1158 = arith.addf %mul3A_1156, %mul3A_1157 : vector<16xf32>
        %mul3A_1159 = arith.mulf %sub3A_1141, %sub3A_1141 : vector<16xf32>
        %add3A_1160 = arith.addf %add3A_1158, %mul3A_1159 : vector<16xf32>
        %mul3A_1161 = arith.mulf %sub3A_1144, %sub3A_1144 : vector<16xf32>
        %mul3A_1162 = arith.mulf %sub3A_1147, %sub3A_1147 : vector<16xf32>
        %add3A_1163 = arith.addf %mul3A_1161, %mul3A_1162 : vector<16xf32>
        %mul3A_1164 = arith.mulf %sub3A_1150, %sub3A_1150 : vector<16xf32>
        %add3A_1165 = arith.addf %add3A_1163, %mul3A_1164 : vector<16xf32>
        %bitcast3A_1166 = vector.bitcast %add3A_1160 : vector<16xf32> to vector<16xi32>
        %shift_right_logical3A_1167 = arith.constant 1 : i32
        %shift_right_logical3A_1168 = vector.broadcast %shift_right_logical3A_1167 : i32 to vector<16xi32>
        %shift_right_logical3A_1169 = arith.shrui %bitcast3A_1166, %shift_right_logical3A_1168 : vector<16xi32>
        %sub3A_1170 = arith.constant 1597463007 : i32
        %sub3A_1171 = vector.broadcast %sub3A_1170 : i32 to vector<16xi32>
        %sub3A_1172 = arith.subi %sub3A_1171, %shift_right_logical3A_1169 : vector<16xi32>
        %bitcast3A_1173 = vector.bitcast %sub3A_1172 : vector<16xi32> to vector<16xf32>
        %mul3A_1174 = arith.constant 5.000000e-01 : f32
        %mul3A_1175 = vector.broadcast %mul3A_1174 : f32 to vector<16xf32>
        %mul3A_1176 = arith.mulf %mul3A_1175, %add3A_1160 : vector<16xf32>
        %mul3A_1177 = arith.mulf %mul3A_1176, %bitcast3A_1173 : vector<16xf32>
        %mul3A_1178 = arith.mulf %mul3A_1177, %bitcast3A_1173 : vector<16xf32>
        %sub3A_1179 = arith.constant 1.500000e+00 : f32
        %sub3A_1180 = vector.broadcast %sub3A_1179 : f32 to vector<16xf32>
        %sub3A_1181 = arith.subf %sub3A_1180, %mul3A_1178 : vector<16xf32>
        %mul3A_1182 = arith.mulf %bitcast3A_1173, %sub3A_1181 : vector<16xf32>
        %mul3A_1183 = arith.constant 5.000000e-01 : f32
        %mul3A_1184 = vector.broadcast %mul3A_1183 : f32 to vector<16xf32>
        %mul3A_1185 = arith.mulf %mul3A_1184, %add3A_1160 : vector<16xf32>
        %mul3A_1186 = arith.mulf %mul3A_1185, %mul3A_1182 : vector<16xf32>
        %mul3A_1187 = arith.mulf %mul3A_1186, %mul3A_1182 : vector<16xf32>
        %sub3A_1188 = arith.constant 1.500000e+00 : f32
        %sub3A_1189 = vector.broadcast %sub3A_1188 : f32 to vector<16xf32>
        %sub3A_1190 = arith.subf %sub3A_1189, %mul3A_1187 : vector<16xf32>
        %mul3A_1191 = arith.mulf %mul3A_1182, %sub3A_1190 : vector<16xf32>
        %mul3A_1192 = arith.constant 5.000000e-01 : f32
        %mul3A_1193 = vector.broadcast %mul3A_1192 : f32 to vector<16xf32>
        %mul3A_1194 = arith.mulf %mul3A_1193, %add3A_1160 : vector<16xf32>
        %mul3A_1195 = arith.mulf %mul3A_1194, %mul3A_1191 : vector<16xf32>
        %mul3A_1196 = arith.mulf %mul3A_1195, %mul3A_1191 : vector<16xf32>
        %sub3A_1197 = arith.constant 1.500000e+00 : f32
        %sub3A_1198 = vector.broadcast %sub3A_1197 : f32 to vector<16xf32>
        %sub3A_1199 = arith.subf %sub3A_1198, %mul3A_1196 : vector<16xf32>
        %mul3A_1200 = arith.mulf %mul3A_1191, %sub3A_1199 : vector<16xf32>
        %mul3A_1201 = arith.mulf %add3A_1160, %mul3A_1200 : vector<16xf32>
        %add3A_1202 = arith.constant 9.99999993E-9 : f32
        %add3A_1203 = vector.broadcast %add3A_1202 : f32 to vector<16xf32>
        %add3A_1204 = arith.addf %mul3A_1201, %add3A_1203 : vector<16xf32>
        %bitcast3A_1205 = vector.bitcast %add3A_1165 : vector<16xf32> to vector<16xi32>
        %shift_right_logical3A_1206 = arith.constant 1 : i32
        %shift_right_logical3A_1207 = vector.broadcast %shift_right_logical3A_1206 : i32 to vector<16xi32>
        %shift_right_logical3A_1208 = arith.shrui %bitcast3A_1205, %shift_right_logical3A_1207 : vector<16xi32>
        %sub3A_1209 = arith.constant 1597463007 : i32
        %sub3A_1210 = vector.broadcast %sub3A_1209 : i32 to vector<16xi32>
        %sub3A_1211 = arith.subi %sub3A_1210, %shift_right_logical3A_1208 : vector<16xi32>
        %bitcast3A_1212 = vector.bitcast %sub3A_1211 : vector<16xi32> to vector<16xf32>
        %mul3A_1213 = arith.constant 5.000000e-01 : f32
        %mul3A_1214 = vector.broadcast %mul3A_1213 : f32 to vector<16xf32>
        %mul3A_1215 = arith.mulf %mul3A_1214, %add3A_1165 : vector<16xf32>
        %mul3A_1216 = arith.mulf %mul3A_1215, %bitcast3A_1212 : vector<16xf32>
        %mul3A_1217 = arith.mulf %mul3A_1216, %bitcast3A_1212 : vector<16xf32>
        %sub3A_1218 = arith.constant 1.500000e+00 : f32
        %sub3A_1219 = vector.broadcast %sub3A_1218 : f32 to vector<16xf32>
        %sub3A_1220 = arith.subf %sub3A_1219, %mul3A_1217 : vector<16xf32>
        %mul3A_1221 = arith.mulf %bitcast3A_1212, %sub3A_1220 : vector<16xf32>
        %mul3A_1222 = arith.constant 5.000000e-01 : f32
        %mul3A_1223 = vector.broadcast %mul3A_1222 : f32 to vector<16xf32>
        %mul3A_1224 = arith.mulf %mul3A_1223, %add3A_1165 : vector<16xf32>
        %mul3A_1225 = arith.mulf %mul3A_1224, %mul3A_1221 : vector<16xf32>
        %mul3A_1226 = arith.mulf %mul3A_1225, %mul3A_1221 : vector<16xf32>
        %sub3A_1227 = arith.constant 1.500000e+00 : f32
        %sub3A_1228 = vector.broadcast %sub3A_1227 : f32 to vector<16xf32>
        %sub3A_1229 = arith.subf %sub3A_1228, %mul3A_1226 : vector<16xf32>
        %mul3A_1230 = arith.mulf %mul3A_1221, %sub3A_1229 : vector<16xf32>
        %mul3A_1231 = arith.constant 5.000000e-01 : f32
        %mul3A_1232 = vector.broadcast %mul3A_1231 : f32 to vector<16xf32>
        %mul3A_1233 = arith.mulf %mul3A_1232, %add3A_1165 : vector<16xf32>
        %mul3A_1234 = arith.mulf %mul3A_1233, %mul3A_1230 : vector<16xf32>
        %mul3A_1235 = arith.mulf %mul3A_1234, %mul3A_1230 : vector<16xf32>
        %sub3A_1236 = arith.constant 1.500000e+00 : f32
        %sub3A_1237 = vector.broadcast %sub3A_1236 : f32 to vector<16xf32>
        %sub3A_1238 = arith.subf %sub3A_1237, %mul3A_1235 : vector<16xf32>
        %mul3A_1239 = arith.mulf %mul3A_1230, %sub3A_1238 : vector<16xf32>
        %mul3A_1240 = arith.mulf %add3A_1165, %mul3A_1239 : vector<16xf32>
        %add3A_1241 = arith.constant 9.99999993E-9 : f32
        %add3A_1242 = vector.broadcast %add3A_1241 : f32 to vector<16xf32>
        %add3A_1243 = arith.addf %mul3A_1240, %add3A_1242 : vector<16xf32>
        %mul3A_1244 = arith.mulf %add3A_1204, %add3A_1243 : vector<16xf32>
        %div3A_1245 = arith.divf %add3A_1155, %mul3A_1244 : vector<16xf32>
        %jit3A_1246 = arith.constant -0.999998986 : f32
        %jit3A_1247 = arith.constant 0.999998986 : f32
        %max3A_1248 = vector.broadcast %jit3A_1246 : f32 to vector<16xf32>
        %max3A_1249 = arith.maximumf %max3A_1248, %div3A_1245 : vector<16xf32>
        %min3A_1250 = vector.broadcast %jit3A_1247 : f32 to vector<16xf32>
        %min3A_1251 = arith.minimumf %min3A_1250, %max3A_1249 : vector<16xf32>
        %abs3A = math.absf %min3A_1251 : vector<16xf32>
        %sub3A_1252 = arith.constant 1.000000e+00 : f32
        %sub3A_1253 = vector.broadcast %sub3A_1252 : f32 to vector<16xf32>
        %sub3A_1254 = arith.subf %sub3A_1253, %abs3A : vector<16xf32>
        %bitcast3A_1255 = vector.bitcast %sub3A_1254 : vector<16xf32> to vector<16xi32>
        %shift_right_logical3A_1256 = arith.constant 1 : i32
        %shift_right_logical3A_1257 = vector.broadcast %shift_right_logical3A_1256 : i32 to vector<16xi32>
        %shift_right_logical3A_1258 = arith.shrui %bitcast3A_1255, %shift_right_logical3A_1257 : vector<16xi32>
        %sub3A_1259 = arith.constant 1597463007 : i32
        %sub3A_1260 = vector.broadcast %sub3A_1259 : i32 to vector<16xi32>
        %sub3A_1261 = arith.subi %sub3A_1260, %shift_right_logical3A_1258 : vector<16xi32>
        %bitcast3A_1262 = vector.bitcast %sub3A_1261 : vector<16xi32> to vector<16xf32>
        %mul3A_1263 = arith.constant 5.000000e-01 : f32
        %mul3A_1264 = vector.broadcast %mul3A_1263 : f32 to vector<16xf32>
        %mul3A_1265 = arith.mulf %mul3A_1264, %sub3A_1254 : vector<16xf32>
        %mul3A_1266 = arith.mulf %mul3A_1265, %bitcast3A_1262 : vector<16xf32>
        %mul3A_1267 = arith.mulf %mul3A_1266, %bitcast3A_1262 : vector<16xf32>
        %sub3A_1268 = arith.constant 1.500000e+00 : f32
        %sub3A_1269 = vector.broadcast %sub3A_1268 : f32 to vector<16xf32>
        %sub3A_1270 = arith.subf %sub3A_1269, %mul3A_1267 : vector<16xf32>
        %mul3A_1271 = arith.mulf %bitcast3A_1262, %sub3A_1270 : vector<16xf32>
        %mul3A_1272 = arith.constant 5.000000e-01 : f32
        %mul3A_1273 = vector.broadcast %mul3A_1272 : f32 to vector<16xf32>
        %mul3A_1274 = arith.mulf %mul3A_1273, %sub3A_1254 : vector<16xf32>
        %mul3A_1275 = arith.mulf %mul3A_1274, %mul3A_1271 : vector<16xf32>
        %mul3A_1276 = arith.mulf %mul3A_1275, %mul3A_1271 : vector<16xf32>
        %sub3A_1277 = arith.constant 1.500000e+00 : f32
        %sub3A_1278 = vector.broadcast %sub3A_1277 : f32 to vector<16xf32>
        %sub3A_1279 = arith.subf %sub3A_1278, %mul3A_1276 : vector<16xf32>
        %mul3A_1280 = arith.mulf %mul3A_1271, %sub3A_1279 : vector<16xf32>
        %mul3A_1281 = arith.constant 5.000000e-01 : f32
        %mul3A_1282 = vector.broadcast %mul3A_1281 : f32 to vector<16xf32>
        %mul3A_1283 = arith.mulf %mul3A_1282, %sub3A_1254 : vector<16xf32>
        %mul3A_1284 = arith.mulf %mul3A_1283, %mul3A_1280 : vector<16xf32>
        %mul3A_1285 = arith.mulf %mul3A_1284, %mul3A_1280 : vector<16xf32>
        %sub3A_1286 = arith.constant 1.500000e+00 : f32
        %sub3A_1287 = vector.broadcast %sub3A_1286 : f32 to vector<16xf32>
        %sub3A_1288 = arith.subf %sub3A_1287, %mul3A_1285 : vector<16xf32>
        %mul3A_1289 = arith.mulf %mul3A_1280, %sub3A_1288 : vector<16xf32>
        %mul3A_1290 = arith.mulf %sub3A_1254, %mul3A_1289 : vector<16xf32>
        %broadcast_in_dim3A_1291 = arith.constant -0.0012624911 : f32
        %broadcast_in_dim3A_1292 = vector.broadcast %broadcast_in_dim3A_1291 : f32 to vector<16xf32>
        %mul3A_1293 = arith.mulf %broadcast_in_dim3A_1292, %abs3A : vector<16xf32>
        %add3A_1294 = arith.constant 6.670090e-03 : f32
        %add3A_1295 = vector.broadcast %add3A_1294 : f32 to vector<16xf32>
        %add3A_1296 = arith.addf %mul3A_1293, %add3A_1295 : vector<16xf32>
        %mul3A_1297 = arith.mulf %add3A_1296, %abs3A : vector<16xf32>
        %add3A_1298 = arith.constant -0.0170881264 : f32
        %add3A_1299 = vector.broadcast %add3A_1298 : f32 to vector<16xf32>
        %add3A_1300 = arith.addf %mul3A_1297, %add3A_1299 : vector<16xf32>
        %mul3A_1301 = arith.mulf %add3A_1300, %abs3A : vector<16xf32>
        %add3A_1302 = arith.constant 0.0308918804 : f32
        %add3A_1303 = vector.broadcast %add3A_1302 : f32 to vector<16xf32>
        %add3A_1304 = arith.addf %mul3A_1301, %add3A_1303 : vector<16xf32>
        %mul3A_1305 = arith.mulf %add3A_1304, %abs3A : vector<16xf32>
        %add3A_1306 = arith.constant -0.0501743034 : f32
        %add3A_1307 = vector.broadcast %add3A_1306 : f32 to vector<16xf32>
        %add3A_1308 = arith.addf %mul3A_1305, %add3A_1307 : vector<16xf32>
        %mul3A_1309 = arith.mulf %add3A_1308, %abs3A : vector<16xf32>
        %add3A_1310 = arith.constant 0.0889789909 : f32
        %add3A_1311 = vector.broadcast %add3A_1310 : f32 to vector<16xf32>
        %add3A_1312 = arith.addf %mul3A_1309, %add3A_1311 : vector<16xf32>
        %mul3A_1313 = arith.mulf %add3A_1312, %abs3A : vector<16xf32>
        %add3A_1314 = arith.constant -0.214598805 : f32
        %add3A_1315 = vector.broadcast %add3A_1314 : f32 to vector<16xf32>
        %add3A_1316 = arith.addf %mul3A_1313, %add3A_1315 : vector<16xf32>
        %mul3A_1317 = arith.mulf %add3A_1316, %abs3A : vector<16xf32>
        %add3A_1318 = arith.constant 1.57079625 : f32
        %add3A_1319 = vector.broadcast %add3A_1318 : f32 to vector<16xf32>
        %add3A_1320 = arith.addf %mul3A_1317, %add3A_1319 : vector<16xf32>
        %mul3A_1321 = arith.mulf %mul3A_1290, %add3A_1320 : vector<16xf32>
        %ge3A = arith.constant 0.000000e+00 : f32
        %ge3A_1322 = vector.broadcast %ge3A : f32 to vector<16xf32>
        %ge3A_1323 = arith.cmpf oge, %min3A_1251, %ge3A_1322 : vector<16xf32>
        %sub3A_1324 = arith.constant 3.14159274 : f32
        %sub3A_1325 = vector.broadcast %sub3A_1324 : f32 to vector<16xf32>
        %sub3A_1326 = arith.subf %sub3A_1325, %mul3A_1321 : vector<16xf32>
        %select_n3A = arith.select %ge3A_1323, %mul3A_1321, %sub3A_1326 : vector<16xi1>, vector<16xf32>
        %abs3A_1327 = math.absf %min3A_1123 : vector<16xf32>
        %sub3A_1328 = arith.constant 1.000000e+00 : f32
        %sub3A_1329 = vector.broadcast %sub3A_1328 : f32 to vector<16xf32>
        %sub3A_1330 = arith.subf %sub3A_1329, %abs3A_1327 : vector<16xf32>
        %bitcast3A_1331 = vector.bitcast %sub3A_1330 : vector<16xf32> to vector<16xi32>
        %shift_right_logical3A_1332 = arith.constant 1 : i32
        %shift_right_logical3A_1333 = vector.broadcast %shift_right_logical3A_1332 : i32 to vector<16xi32>
        %shift_right_logical3A_1334 = arith.shrui %bitcast3A_1331, %shift_right_logical3A_1333 : vector<16xi32>
        %sub3A_1335 = arith.constant 1597463007 : i32
        %sub3A_1336 = vector.broadcast %sub3A_1335 : i32 to vector<16xi32>
        %sub3A_1337 = arith.subi %sub3A_1336, %shift_right_logical3A_1334 : vector<16xi32>
        %bitcast3A_1338 = vector.bitcast %sub3A_1337 : vector<16xi32> to vector<16xf32>
        %mul3A_1339 = arith.constant 5.000000e-01 : f32
        %mul3A_1340 = vector.broadcast %mul3A_1339 : f32 to vector<16xf32>
        %mul3A_1341 = arith.mulf %mul3A_1340, %sub3A_1330 : vector<16xf32>
        %mul3A_1342 = arith.mulf %mul3A_1341, %bitcast3A_1338 : vector<16xf32>
        %mul3A_1343 = arith.mulf %mul3A_1342, %bitcast3A_1338 : vector<16xf32>
        %sub3A_1344 = arith.constant 1.500000e+00 : f32
        %sub3A_1345 = vector.broadcast %sub3A_1344 : f32 to vector<16xf32>
        %sub3A_1346 = arith.subf %sub3A_1345, %mul3A_1343 : vector<16xf32>
        %mul3A_1347 = arith.mulf %bitcast3A_1338, %sub3A_1346 : vector<16xf32>
        %mul3A_1348 = arith.constant 5.000000e-01 : f32
        %mul3A_1349 = vector.broadcast %mul3A_1348 : f32 to vector<16xf32>
        %mul3A_1350 = arith.mulf %mul3A_1349, %sub3A_1330 : vector<16xf32>
        %mul3A_1351 = arith.mulf %mul3A_1350, %mul3A_1347 : vector<16xf32>
        %mul3A_1352 = arith.mulf %mul3A_1351, %mul3A_1347 : vector<16xf32>
        %sub3A_1353 = arith.constant 1.500000e+00 : f32
        %sub3A_1354 = vector.broadcast %sub3A_1353 : f32 to vector<16xf32>
        %sub3A_1355 = arith.subf %sub3A_1354, %mul3A_1352 : vector<16xf32>
        %mul3A_1356 = arith.mulf %mul3A_1347, %sub3A_1355 : vector<16xf32>
        %mul3A_1357 = arith.constant 5.000000e-01 : f32
        %mul3A_1358 = vector.broadcast %mul3A_1357 : f32 to vector<16xf32>
        %mul3A_1359 = arith.mulf %mul3A_1358, %sub3A_1330 : vector<16xf32>
        %mul3A_1360 = arith.mulf %mul3A_1359, %mul3A_1356 : vector<16xf32>
        %mul3A_1361 = arith.mulf %mul3A_1360, %mul3A_1356 : vector<16xf32>
        %sub3A_1362 = arith.constant 1.500000e+00 : f32
        %sub3A_1363 = vector.broadcast %sub3A_1362 : f32 to vector<16xf32>
        %sub3A_1364 = arith.subf %sub3A_1363, %mul3A_1361 : vector<16xf32>
        %mul3A_1365 = arith.mulf %mul3A_1356, %sub3A_1364 : vector<16xf32>
        %mul3A_1366 = arith.mulf %sub3A_1330, %mul3A_1365 : vector<16xf32>
        %broadcast_in_dim3A_1367 = arith.constant -0.0012624911 : f32
        %broadcast_in_dim3A_1368 = vector.broadcast %broadcast_in_dim3A_1367 : f32 to vector<16xf32>
        %mul3A_1369 = arith.mulf %broadcast_in_dim3A_1368, %abs3A_1327 : vector<16xf32>
        %add3A_1370 = arith.constant 6.670090e-03 : f32
        %add3A_1371 = vector.broadcast %add3A_1370 : f32 to vector<16xf32>
        %add3A_1372 = arith.addf %mul3A_1369, %add3A_1371 : vector<16xf32>
        %mul3A_1373 = arith.mulf %add3A_1372, %abs3A_1327 : vector<16xf32>
        %add3A_1374 = arith.constant -0.0170881264 : f32
        %add3A_1375 = vector.broadcast %add3A_1374 : f32 to vector<16xf32>
        %add3A_1376 = arith.addf %mul3A_1373, %add3A_1375 : vector<16xf32>
        %mul3A_1377 = arith.mulf %add3A_1376, %abs3A_1327 : vector<16xf32>
        %add3A_1378 = arith.constant 0.0308918804 : f32
        %add3A_1379 = vector.broadcast %add3A_1378 : f32 to vector<16xf32>
        %add3A_1380 = arith.addf %mul3A_1377, %add3A_1379 : vector<16xf32>
        %mul3A_1381 = arith.mulf %add3A_1380, %abs3A_1327 : vector<16xf32>
        %add3A_1382 = arith.constant -0.0501743034 : f32
        %add3A_1383 = vector.broadcast %add3A_1382 : f32 to vector<16xf32>
        %add3A_1384 = arith.addf %mul3A_1381, %add3A_1383 : vector<16xf32>
        %mul3A_1385 = arith.mulf %add3A_1384, %abs3A_1327 : vector<16xf32>
        %add3A_1386 = arith.constant 0.0889789909 : f32
        %add3A_1387 = vector.broadcast %add3A_1386 : f32 to vector<16xf32>
        %add3A_1388 = arith.addf %mul3A_1385, %add3A_1387 : vector<16xf32>
        %mul3A_1389 = arith.mulf %add3A_1388, %abs3A_1327 : vector<16xf32>
        %add3A_1390 = arith.constant -0.214598805 : f32
        %add3A_1391 = vector.broadcast %add3A_1390 : f32 to vector<16xf32>
        %add3A_1392 = arith.addf %mul3A_1389, %add3A_1391 : vector<16xf32>
        %mul3A_1393 = arith.mulf %add3A_1392, %abs3A_1327 : vector<16xf32>
        %add3A_1394 = arith.constant 1.57079625 : f32
        %add3A_1395 = vector.broadcast %add3A_1394 : f32 to vector<16xf32>
        %add3A_1396 = arith.addf %mul3A_1393, %add3A_1395 : vector<16xf32>
        %mul3A_1397 = arith.mulf %mul3A_1366, %add3A_1396 : vector<16xf32>
        %ge3A_1398 = arith.constant 0.000000e+00 : f32
        %ge3A_1399 = vector.broadcast %ge3A_1398 : f32 to vector<16xf32>
        %ge3A_1400 = arith.cmpf oge, %min3A_1123, %ge3A_1399 : vector<16xf32>
        %sub3A_1401 = arith.constant 3.14159274 : f32
        %sub3A_1402 = vector.broadcast %sub3A_1401 : f32 to vector<16xf32>
        %sub3A_1403 = arith.subf %sub3A_1402, %mul3A_1397 : vector<16xf32>
        %select_n3A_1404 = arith.select %ge3A_1400, %mul3A_1397, %sub3A_1403 : vector<16xi1>, vector<16xf32>
        %sub3A_1405 = arith.subf %select_n3A, %select_n3A_1404 : vector<16xf32>
        %iota3A_1406 = tpu.iota {dimensions = array<i32: 0>} : vector<16xi32>
        %mul3A_1407 = arith.constant 16 : i32
        %mul3A_1408 = arith.muli %scan3A_761, %mul3A_1407 : i32
        %add3A_1409 = vector.broadcast %mul3A_1408 : i32 to vector<16xi32>
        %add3A_1410 = arith.addi %iota3A_1406, %add3A_1409 : vector<16xi32>
        %add3A_1411 = vector.broadcast %sub3A : i32 to vector<16xi32>
        %add3A_1412 = arith.addi %add3A_1410, %add3A_1411 : vector<16xi32>
        %ge3A_1413 = arith.constant 0 : i32
        %ge3A_1414 = vector.broadcast %ge3A_1413 : i32 to vector<16xi32>
        %ge3A_1415 = arith.cmpi sge, %add3A_1412, %ge3A_1414 : vector<16xi32>
        %jit3A_1416 = arith.constant 0.000000e+00 : f32
        %broadcast_in_dim3A_1417 = vector.broadcast %jit3A_1416 : f32 to vector<16xf32>
        %select_n3A_1418 = arith.select %ge3A_1415, %sub3A_1405, %broadcast_in_dim3A_1417 : vector<16xi1>, vector<16xf32>
        %mul3A_1419 = arith.mulf %select_n3A_1418, %select_n3A_1418 : vector<16xf32>
        %add3A_1420 = arith.addf %scan3A_762, %mul3A_1419 : vector<16xf32>
        scf.yield %add3A_1420 : vector<16xf32>
      }
      %scan3A_565 = arith.constant 32 : i32
      %mul3A_566 = arith.constant 2 : i32
      %mul3A_567 = arith.muli %mul3A_566, %scan3A_202 : i32
      %add3A_568 = arith.constant 2 : i32
      %add3A_569 = arith.addi %mul3A_567, %add3A_568 : i32
      %lt3A_570 = arith.constant 74 : i32
      %lt3A_571 = arith.cmpi slt, %add3A_569, %lt3A_570 : i32
      %convert_element_type3A_572 = arith.extui %lt3A_571 : i1 to i32
      %cond3A_573 = arith.constant 0 : i32
      %cond3A_574 = arith.cmpi ne, %convert_element_type3A_572, %cond3A_573 : i32
      scf.if %cond3A_574 {
        %add3A_761 = arith.constant 2 : i32
        %add3A_762 = arith.addi %add3A_206, %add3A_761 : i32
        %mul3A_763 = arith.constant 512 : i32
        %mul3A_764 = arith.muli %add3A_762, %mul3A_763 : i32
        %min3A_765 = arith.constant 1199488 : i32
        %min3A_766 = arith.minsi %mul3A_764, %min3A_765 : i32
        %mul3A_767 = arith.constant 4 : i32
        %mul3A_768 = arith.muli %min3A_766, %mul3A_767 : i32
        %dma_wait3A_769 = tpu.memref_slice %arg2[%mul3A_768] : memref<4800000xi32, #tpu.memory_space<hbm>> -> memref<2048xi32, #tpu.memory_space<hbm>>
        %dma_wait3A_770 = tpu.memref_slice %arg2[%mul3A_768] : memref<4800000xi32, #tpu.memory_space<hbm>> -> memref<2048xi32, #tpu.memory_space<hbm>>
        tpu.wait_dma2 semaphore(%arg18 : memref<!tpu.dma_semaphore, #tpu.memory_space<semaphore_mem>>) src(%dma_wait3A_770 : memref<2048xi32, #tpu.memory_space<hbm>>) dst(%arg7 : memref<2048xi32, #tpu.memory_space<vmem>>)
        %add3A_771 = arith.constant 2 : i32
        %add3A_772 = arith.addi %add3A_206, %add3A_771 : i32
        %mul3A_773 = arith.constant 512 : i32
        %mul3A_774 = arith.muli %add3A_772, %mul3A_773 : i32
        %min3A_775 = arith.constant 1199488 : i32
        %min3A_776 = arith.minsi %mul3A_774, %min3A_775 : i32
        %scan3A_777 = arith.constant 0 : i32
        %scan3A_778 = arith.constant 0 : i32
        %scan3A_779 = arith.constant 32 : i32
        %scan3A_780 = arith.addi %scan3A_778, %scan3A_779 : i32
        %scan3A_781 = arith.constant 1 : i32
        scf.for %scan3A_943 = %scan3A_778 to %scan3A_780 step %scan3A_781  : i32 {
          %iota3A = tpu.iota {dimensions = array<i32: 0>} : vector<16xi32>
          %mul3A_944 = arith.constant 16 : i32
          %mul3A_945 = arith.muli %scan3A_943, %mul3A_944 : i32
          %add3A_946 = vector.broadcast %mul3A_945 : i32 to vector<16xi32>
          %add3A_947 = arith.addi %iota3A, %add3A_946 : vector<16xi32>
          %broadcast_in_dim3A_948 = vector.broadcast %mul3A_2 : i32 to vector<16xi32>
          %add3A_949 = vector.broadcast %min3A_776 : i32 to vector<16xi32>
          %add3A_950 = arith.addi %add3A_947, %add3A_949 : vector<16xi32>
          %ge3A = arith.constant 300000 : i32
          %ge3A_951 = vector.broadcast %ge3A : i32 to vector<16xi32>
          %ge3A_952 = arith.cmpi sge, %add3A_950, %ge3A_951 : vector<16xi32>
          %jit3A = arith.constant 100000 : i32
          %jit3A_953 = arith.constant 0 : i32
          %broadcast_in_dim3A_954 = vector.broadcast %jit3A : i32 to vector<16xi32>
          %broadcast_in_dim3A_955 = vector.broadcast %jit3A_953 : i32 to vector<16xi32>
          %select_n3A = arith.select %ge3A_952, %broadcast_in_dim3A_954, %broadcast_in_dim3A_955 : vector<16xi1>, vector<16xi32>
          %add3A_956 = arith.addi %broadcast_in_dim3A_948, %select_n3A : vector<16xi32>
          %ge3A_957 = arith.constant 600000 : i32
          %ge3A_958 = vector.broadcast %ge3A_957 : i32 to vector<16xi32>
          %ge3A_959 = arith.cmpi sge, %add3A_950, %ge3A_958 : vector<16xi32>
          %jit3A_960 = arith.constant 100000 : i32
          %jit3A_961 = arith.constant 0 : i32
          %broadcast_in_dim3A_962 = vector.broadcast %jit3A_960 : i32 to vector<16xi32>
          %broadcast_in_dim3A_963 = vector.broadcast %jit3A_961 : i32 to vector<16xi32>
          %select_n3A_964 = arith.select %ge3A_959, %broadcast_in_dim3A_962, %broadcast_in_dim3A_963 : vector<16xi1>, vector<16xi32>
          %add3A_965 = arith.addi %add3A_956, %select_n3A_964 : vector<16xi32>
          %ge3A_966 = arith.constant 900000 : i32
          %ge3A_967 = vector.broadcast %ge3A_966 : i32 to vector<16xi32>
          %ge3A_968 = arith.cmpi sge, %add3A_950, %ge3A_967 : vector<16xi32>
          %jit3A_969 = arith.constant 100000 : i32
          %jit3A_970 = arith.constant 0 : i32
          %broadcast_in_dim3A_971 = vector.broadcast %jit3A_969 : i32 to vector<16xi32>
          %broadcast_in_dim3A_972 = vector.broadcast %jit3A_970 : i32 to vector<16xi32>
          %select_n3A_973 = arith.select %ge3A_968, %broadcast_in_dim3A_971, %broadcast_in_dim3A_972 : vector<16xi1>, vector<16xi32>
          %add3A_974 = arith.addi %add3A_965, %select_n3A_973 : vector<16xi32>
          %mul3A_975 = arith.constant 4 : i32
          %mul3A_976 = vector.broadcast %mul3A_975 : i32 to vector<16xi32>
          %mul3A_977 = arith.muli %add3A_947, %mul3A_976 : vector<16xi32>
          %add3A_978 = arith.constant 0 : i32
          %add3A_979 = vector.broadcast %add3A_978 : i32 to vector<16xi32>
          %add3A_980 = arith.addi %mul3A_977, %add3A_979 : vector<16xi32>
          %gather3A = tpu.vector_load_idx %arg7[%add3A_980] : memref<2048xi32, #tpu.memory_space<vmem>>[vector<16xi32>], vector<16xi32>,
          %add3A_981 = arith.addi %gather3A, %add3A_974 : vector<16xi32>
          %mul3A_982 = arith.constant 16 : i32
          %mul3A_983 = arith.muli %scan3A_943, %mul3A_982 : i32
          %swap3A_984 = arith.constant 0 : i32
          %swap3A_985 = arith.index_cast %swap3A_984 : i32 to index
          %swap3A_986 = arith.index_cast %mul3A_983 : i32 to index
          %swap3A_987 = tpu.vector_load %arg9[%swap3A_985, %swap3A_986] {strides = array<i32>} : memref<4x512xi32, #tpu.memory_space<vmem>>, vector<16xi32>,
          tpu.vector_store %arg9[%swap3A_985, %swap3A_986], %add3A_981 {strides = array<i32>} : memref<4x512xi32, #tpu.memory_space<vmem>>, vector<16xi32>,
          %mul3A_988 = arith.constant 4 : i32
          %mul3A_989 = vector.broadcast %mul3A_988 : i32 to vector<16xi32>
          %mul3A_990 = arith.muli %add3A_947, %mul3A_989 : vector<16xi32>
          %add3A_991 = arith.constant 1 : i32
          %add3A_992 = vector.broadcast %add3A_991 : i32 to vector<16xi32>
          %add3A_993 = arith.addi %mul3A_990, %add3A_992 : vector<16xi32>
          %gather3A_994 = tpu.vector_load_idx %arg7[%add3A_993] : memref<2048xi32, #tpu.memory_space<vmem>>[vector<16xi32>], vector<16xi32>,
          %add3A_995 = arith.addi %gather3A_994, %add3A_974 : vector<16xi32>
          %mul3A_996 = arith.constant 16 : i32
          %mul3A_997 = arith.muli %scan3A_943, %mul3A_996 : i32
          %swap3A_998 = arith.constant 1 : i32
          %swap3A_999 = arith.index_cast %swap3A_998 : i32 to index
          %swap3A_1000 = arith.index_cast %mul3A_997 : i32 to index
          %swap3A_1001 = tpu.vector_load %arg9[%swap3A_999, %swap3A_1000] {strides = array<i32>} : memref<4x512xi32, #tpu.memory_space<vmem>>, vector<16xi32>,
          tpu.vector_store %arg9[%swap3A_999, %swap3A_1000], %add3A_995 {strides = array<i32>} : memref<4x512xi32, #tpu.memory_space<vmem>>, vector<16xi32>,
          %mul3A_1002 = arith.constant 4 : i32
          %mul3A_1003 = vector.broadcast %mul3A_1002 : i32 to vector<16xi32>
          %mul3A_1004 = arith.muli %add3A_947, %mul3A_1003 : vector<16xi32>
          %add3A_1005 = arith.constant 2 : i32
          %add3A_1006 = vector.broadcast %add3A_1005 : i32 to vector<16xi32>
          %add3A_1007 = arith.addi %mul3A_1004, %add3A_1006 : vector<16xi32>
          %gather3A_1008 = tpu.vector_load_idx %arg7[%add3A_1007] : memref<2048xi32, #tpu.memory_space<vmem>>[vector<16xi32>], vector<16xi32>,
          %add3A_1009 = arith.addi %gather3A_1008, %add3A_974 : vector<16xi32>
          %mul3A_1010 = arith.constant 16 : i32
          %mul3A_1011 = arith.muli %scan3A_943, %mul3A_1010 : i32
          %swap3A_1012 = arith.constant 2 : i32
          %swap3A_1013 = arith.index_cast %swap3A_1012 : i32 to index
          %swap3A_1014 = arith.index_cast %mul3A_1011 : i32 to index
          %swap3A_1015 = tpu.vector_load %arg9[%swap3A_1013, %swap3A_1014] {strides = array<i32>} : memref<4x512xi32, #tpu.memory_space<vmem>>, vector<16xi32>,
          tpu.vector_store %arg9[%swap3A_1013, %swap3A_1014], %add3A_1009 {strides = array<i32>} : memref<4x512xi32, #tpu.memory_space<vmem>>, vector<16xi32>,
          %mul3A_1016 = arith.constant 4 : i32
          %mul3A_1017 = vector.broadcast %mul3A_1016 : i32 to vector<16xi32>
          %mul3A_1018 = arith.muli %add3A_947, %mul3A_1017 : vector<16xi32>
          %add3A_1019 = arith.constant 3 : i32
          %add3A_1020 = vector.broadcast %add3A_1019 : i32 to vector<16xi32>
          %add3A_1021 = arith.addi %mul3A_1018, %add3A_1020 : vector<16xi32>
          %gather3A_1022 = tpu.vector_load_idx %arg7[%add3A_1021] : memref<2048xi32, #tpu.memory_space<vmem>>[vector<16xi32>], vector<16xi32>,
          %add3A_1023 = arith.addi %gather3A_1022, %add3A_974 : vector<16xi32>
          %mul3A_1024 = arith.constant 16 : i32
          %mul3A_1025 = arith.muli %scan3A_943, %mul3A_1024 : i32
          %swap3A_1026 = arith.constant 3 : i32
          %swap3A_1027 = arith.index_cast %swap3A_1026 : i32 to index
          %swap3A_1028 = arith.index_cast %mul3A_1025 : i32 to index
          %swap3A_1029 = tpu.vector_load %arg9[%swap3A_1027, %swap3A_1028] {strides = array<i32>} : memref<4x512xi32, #tpu.memory_space<vmem>>, vector<16xi32>,
          tpu.vector_store %arg9[%swap3A_1027, %swap3A_1028], %add3A_1023 {strides = array<i32>} : memref<4x512xi32, #tpu.memory_space<vmem>>, vector<16xi32>,
        }
        %scan3A_782 = arith.constant 32 : i32
        %dma_start3A_783 = arith.constant 0 : i32
        %dma_start3A_784 = arith.constant 0 : i32
        %dma_start3A_785 = arith.constant 0 : i32
        %dma_start3A_786 = tpu.memref_slice %arg11[%dma_start3A_784, %dma_start3A_785] : memref<2048x8xf32, #tpu.memory_space<vmem>> -> memref<128x8xf32, #tpu.memory_space<vmem>>
        %dma_start3A_787 = arith.constant 0 : i32
        %dma_start3A_788 = tpu.memref_slice %arg9[%dma_start3A_783, %dma_start3A_787] : memref<4x512xi32, #tpu.memory_space<vmem>> -> memref<1x128xi32, #tpu.memory_space<vmem>>
        %dma_start3A_789 = tpu.memref_squeeze %dma_start3A_788 : memref<1x128xi32, #tpu.memory_space<vmem>> -> memref<128xi32, #tpu.memory_space<vmem>>
        %dma_start3A_790 = arith.constant 0 : i32
        %dma_start3A_791 = arith.constant 0 : i32
        %dma_start3A_792 = tpu.memref_slice %arg6[%dma_start3A_790, %dma_start3A_791] : memref<800000x8xf32, #tpu.memory_space<hbm>> -> memref<800000x8xf32, #tpu.memory_space<hbm>>
        tpu.enqueue_indirect_dma source(%dma_start3A_792 : memref<800000x8xf32, #tpu.memory_space<hbm>>) target(%dma_start3A_786 : memref<128x8xf32, #tpu.memory_space<vmem>>) offsets(%dma_start3A_789 : memref<128xi32, #tpu.memory_space<vmem>>) semaphore(%arg16 : memref<!tpu.dma_semaphore, #tpu.memory_space<semaphore_mem>>)
        %dma_start3A_793 = arith.constant 0 : i32
        %dma_start3A_794 = arith.constant 128 : i32
        %dma_start3A_795 = arith.constant 0 : i32
        %dma_start3A_796 = tpu.memref_slice %arg11[%dma_start3A_794, %dma_start3A_795] : memref<2048x8xf32, #tpu.memory_space<vmem>> -> memref<128x8xf32, #tpu.memory_space<vmem>>
        %dma_start3A_797 = arith.constant 128 : i32
        %dma_start3A_798 = tpu.memref_slice %arg9[%dma_start3A_793, %dma_start3A_797] : memref<4x512xi32, #tpu.memory_space<vmem>> -> memref<1x128xi32, #tpu.memory_space<vmem>>
        %dma_start3A_799 = tpu.memref_squeeze %dma_start3A_798 : memref<1x128xi32, #tpu.memory_space<vmem>> -> memref<128xi32, #tpu.memory_space<vmem>>
        %dma_start3A_800 = arith.constant 0 : i32
        %dma_start3A_801 = arith.constant 0 : i32
        %dma_start3A_802 = tpu.memref_slice %arg6[%dma_start3A_800, %dma_start3A_801] : memref<800000x8xf32, #tpu.memory_space<hbm>> -> memref<800000x8xf32, #tpu.memory_space<hbm>>
        tpu.enqueue_indirect_dma source(%dma_start3A_802 : memref<800000x8xf32, #tpu.memory_space<hbm>>) target(%dma_start3A_796 : memref<128x8xf32, #tpu.memory_space<vmem>>) offsets(%dma_start3A_799 : memref<128xi32, #tpu.memory_space<vmem>>) semaphore(%arg16 : memref<!tpu.dma_semaphore, #tpu.memory_space<semaphore_mem>>)
        %dma_start3A_803 = arith.constant 0 : i32
        %dma_start3A_804 = arith.constant 256 : i32
        %dma_start3A_805 = arith.constant 0 : i32
        %dma_start3A_806 = tpu.memref_slice %arg11[%dma_start3A_804, %dma_start3A_805] : memref<2048x8xf32, #tpu.memory_space<vmem>> -> memref<128x8xf32, #tpu.memory_space<vmem>>
        %dma_start3A_807 = arith.constant 256 : i32
        %dma_start3A_808 = tpu.memref_slice %arg9[%dma_start3A_803, %dma_start3A_807] : memref<4x512xi32, #tpu.memory_space<vmem>> -> memref<1x128xi32, #tpu.memory_space<vmem>>
        %dma_start3A_809 = tpu.memref_squeeze %dma_start3A_808 : memref<1x128xi32, #tpu.memory_space<vmem>> -> memref<128xi32, #tpu.memory_space<vmem>>
        %dma_start3A_810 = arith.constant 0 : i32
        %dma_start3A_811 = arith.constant 0 : i32
        %dma_start3A_812 = tpu.memref_slice %arg6[%dma_start3A_810, %dma_start3A_811] : memref<800000x8xf32, #tpu.memory_space<hbm>> -> memref<800000x8xf32, #tpu.memory_space<hbm>>
        tpu.enqueue_indirect_dma source(%dma_start3A_812 : memref<800000x8xf32, #tpu.memory_space<hbm>>) target(%dma_start3A_806 : memref<128x8xf32, #tpu.memory_space<vmem>>) offsets(%dma_start3A_809 : memref<128xi32, #tpu.memory_space<vmem>>) semaphore(%arg16 : memref<!tpu.dma_semaphore, #tpu.memory_space<semaphore_mem>>)
        %dma_start3A_813 = arith.constant 0 : i32
        %dma_start3A_814 = arith.constant 384 : i32
        %dma_start3A_815 = arith.constant 0 : i32
        %dma_start3A_816 = tpu.memref_slice %arg11[%dma_start3A_814, %dma_start3A_815] : memref<2048x8xf32, #tpu.memory_space<vmem>> -> memref<128x8xf32, #tpu.memory_space<vmem>>
        %dma_start3A_817 = arith.constant 384 : i32
        %dma_start3A_818 = tpu.memref_slice %arg9[%dma_start3A_813, %dma_start3A_817] : memref<4x512xi32, #tpu.memory_space<vmem>> -> memref<1x128xi32, #tpu.memory_space<vmem>>
        %dma_start3A_819 = tpu.memref_squeeze %dma_start3A_818 : memref<1x128xi32, #tpu.memory_space<vmem>> -> memref<128xi32, #tpu.memory_space<vmem>>
        %dma_start3A_820 = arith.constant 0 : i32
        %dma_start3A_821 = arith.constant 0 : i32
        %dma_start3A_822 = tpu.memref_slice %arg6[%dma_start3A_820, %dma_start3A_821] : memref<800000x8xf32, #tpu.memory_space<hbm>> -> memref<800000x8xf32, #tpu.memory_space<hbm>>
        tpu.enqueue_indirect_dma source(%dma_start3A_822 : memref<800000x8xf32, #tpu.memory_space<hbm>>) target(%dma_start3A_816 : memref<128x8xf32, #tpu.memory_space<vmem>>) offsets(%dma_start3A_819 : memref<128xi32, #tpu.memory_space<vmem>>) semaphore(%arg16 : memref<!tpu.dma_semaphore, #tpu.memory_space<semaphore_mem>>)
        %dma_start3A_823 = arith.constant 1 : i32
        %dma_start3A_824 = arith.constant 512 : i32
        %dma_start3A_825 = arith.constant 0 : i32
        %dma_start3A_826 = tpu.memref_slice %arg11[%dma_start3A_824, %dma_start3A_825] : memref<2048x8xf32, #tpu.memory_space<vmem>> -> memref<128x8xf32, #tpu.memory_space<vmem>>
        %dma_start3A_827 = arith.constant 0 : i32
        %dma_start3A_828 = tpu.memref_slice %arg9[%dma_start3A_823, %dma_start3A_827] : memref<4x512xi32, #tpu.memory_space<vmem>> -> memref<1x128xi32, #tpu.memory_space<vmem>>
        %dma_start3A_829 = tpu.memref_squeeze %dma_start3A_828 : memref<1x128xi32, #tpu.memory_space<vmem>> -> memref<128xi32, #tpu.memory_space<vmem>>
        %dma_start3A_830 = arith.constant 0 : i32
        %dma_start3A_831 = arith.constant 0 : i32
        %dma_start3A_832 = tpu.memref_slice %arg6[%dma_start3A_830, %dma_start3A_831] : memref<800000x8xf32, #tpu.memory_space<hbm>> -> memref<800000x8xf32, #tpu.memory_space<hbm>>
        tpu.enqueue_indirect_dma source(%dma_start3A_832 : memref<800000x8xf32, #tpu.memory_space<hbm>>) target(%dma_start3A_826 : memref<128x8xf32, #tpu.memory_space<vmem>>) offsets(%dma_start3A_829 : memref<128xi32, #tpu.memory_space<vmem>>) semaphore(%arg16 : memref<!tpu.dma_semaphore, #tpu.memory_space<semaphore_mem>>)
        %dma_start3A_833 = arith.constant 1 : i32
        %dma_start3A_834 = arith.constant 640 : i32
        %dma_start3A_835 = arith.constant 0 : i32
        %dma_start3A_836 = tpu.memref_slice %arg11[%dma_start3A_834, %dma_start3A_835] : memref<2048x8xf32, #tpu.memory_space<vmem>> -> memref<128x8xf32, #tpu.memory_space<vmem>>
        %dma_start3A_837 = arith.constant 128 : i32
        %dma_start3A_838 = tpu.memref_slice %arg9[%dma_start3A_833, %dma_start3A_837] : memref<4x512xi32, #tpu.memory_space<vmem>> -> memref<1x128xi32, #tpu.memory_space<vmem>>
        %dma_start3A_839 = tpu.memref_squeeze %dma_start3A_838 : memref<1x128xi32, #tpu.memory_space<vmem>> -> memref<128xi32, #tpu.memory_space<vmem>>
        %dma_start3A_840 = arith.constant 0 : i32
        %dma_start3A_841 = arith.constant 0 : i32
        %dma_start3A_842 = tpu.memref_slice %arg6[%dma_start3A_840, %dma_start3A_841] : memref<800000x8xf32, #tpu.memory_space<hbm>> -> memref<800000x8xf32, #tpu.memory_space<hbm>>
        tpu.enqueue_indirect_dma source(%dma_start3A_842 : memref<800000x8xf32, #tpu.memory_space<hbm>>) target(%dma_start3A_836 : memref<128x8xf32, #tpu.memory_space<vmem>>) offsets(%dma_start3A_839 : memref<128xi32, #tpu.memory_space<vmem>>) semaphore(%arg16 : memref<!tpu.dma_semaphore, #tpu.memory_space<semaphore_mem>>)
        %dma_start3A_843 = arith.constant 1 : i32
        %dma_start3A_844 = arith.constant 768 : i32
        %dma_start3A_845 = arith.constant 0 : i32
        %dma_start3A_846 = tpu.memref_slice %arg11[%dma_start3A_844, %dma_start3A_845] : memref<2048x8xf32, #tpu.memory_space<vmem>> -> memref<128x8xf32, #tpu.memory_space<vmem>>
        %dma_start3A_847 = arith.constant 256 : i32
        %dma_start3A_848 = tpu.memref_slice %arg9[%dma_start3A_843, %dma_start3A_847] : memref<4x512xi32, #tpu.memory_space<vmem>> -> memref<1x128xi32, #tpu.memory_space<vmem>>
        %dma_start3A_849 = tpu.memref_squeeze %dma_start3A_848 : memref<1x128xi32, #tpu.memory_space<vmem>> -> memref<128xi32, #tpu.memory_space<vmem>>
        %dma_start3A_850 = arith.constant 0 : i32
        %dma_start3A_851 = arith.constant 0 : i32
        %dma_start3A_852 = tpu.memref_slice %arg6[%dma_start3A_850, %dma_start3A_851] : memref<800000x8xf32, #tpu.memory_space<hbm>> -> memref<800000x8xf32, #tpu.memory_space<hbm>>
        tpu.enqueue_indirect_dma source(%dma_start3A_852 : memref<800000x8xf32, #tpu.memory_space<hbm>>) target(%dma_start3A_846 : memref<128x8xf32, #tpu.memory_space<vmem>>) offsets(%dma_start3A_849 : memref<128xi32, #tpu.memory_space<vmem>>) semaphore(%arg16 : memref<!tpu.dma_semaphore, #tpu.memory_space<semaphore_mem>>)
        %dma_start3A_853 = arith.constant 1 : i32
        %dma_start3A_854 = arith.constant 896 : i32
        %dma_start3A_855 = arith.constant 0 : i32
        %dma_start3A_856 = tpu.memref_slice %arg11[%dma_start3A_854, %dma_start3A_855] : memref<2048x8xf32, #tpu.memory_space<vmem>> -> memref<128x8xf32, #tpu.memory_space<vmem>>
        %dma_start3A_857 = arith.constant 384 : i32
        %dma_start3A_858 = tpu.memref_slice %arg9[%dma_start3A_853, %dma_start3A_857] : memref<4x512xi32, #tpu.memory_space<vmem>> -> memref<1x128xi32, #tpu.memory_space<vmem>>
        %dma_start3A_859 = tpu.memref_squeeze %dma_start3A_858 : memref<1x128xi32, #tpu.memory_space<vmem>> -> memref<128xi32, #tpu.memory_space<vmem>>
        %dma_start3A_860 = arith.constant 0 : i32
        %dma_start3A_861 = arith.constant 0 : i32
        %dma_start3A_862 = tpu.memref_slice %arg6[%dma_start3A_860, %dma_start3A_861] : memref<800000x8xf32, #tpu.memory_space<hbm>> -> memref<800000x8xf32, #tpu.memory_space<hbm>>
        tpu.enqueue_indirect_dma source(%dma_start3A_862 : memref<800000x8xf32, #tpu.memory_space<hbm>>) target(%dma_start3A_856 : memref<128x8xf32, #tpu.memory_space<vmem>>) offsets(%dma_start3A_859 : memref<128xi32, #tpu.memory_space<vmem>>) semaphore(%arg16 : memref<!tpu.dma_semaphore, #tpu.memory_space<semaphore_mem>>)
        %dma_start3A_863 = arith.constant 2 : i32
        %dma_start3A_864 = arith.constant 1024 : i32
        %dma_start3A_865 = arith.constant 0 : i32
        %dma_start3A_866 = tpu.memref_slice %arg11[%dma_start3A_864, %dma_start3A_865] : memref<2048x8xf32, #tpu.memory_space<vmem>> -> memref<128x8xf32, #tpu.memory_space<vmem>>
        %dma_start3A_867 = arith.constant 0 : i32
        %dma_start3A_868 = tpu.memref_slice %arg9[%dma_start3A_863, %dma_start3A_867] : memref<4x512xi32, #tpu.memory_space<vmem>> -> memref<1x128xi32, #tpu.memory_space<vmem>>
        %dma_start3A_869 = tpu.memref_squeeze %dma_start3A_868 : memref<1x128xi32, #tpu.memory_space<vmem>> -> memref<128xi32, #tpu.memory_space<vmem>>
        %dma_start3A_870 = arith.constant 0 : i32
        %dma_start3A_871 = arith.constant 0 : i32
        %dma_start3A_872 = tpu.memref_slice %arg6[%dma_start3A_870, %dma_start3A_871] : memref<800000x8xf32, #tpu.memory_space<hbm>> -> memref<800000x8xf32, #tpu.memory_space<hbm>>
        tpu.enqueue_indirect_dma source(%dma_start3A_872 : memref<800000x8xf32, #tpu.memory_space<hbm>>) target(%dma_start3A_866 : memref<128x8xf32, #tpu.memory_space<vmem>>) offsets(%dma_start3A_869 : memref<128xi32, #tpu.memory_space<vmem>>) semaphore(%arg16 : memref<!tpu.dma_semaphore, #tpu.memory_space<semaphore_mem>>)
        %dma_start3A_873 = arith.constant 2 : i32
        %dma_start3A_874 = arith.constant 1152 : i32
        %dma_start3A_875 = arith.constant 0 : i32
        %dma_start3A_876 = tpu.memref_slice %arg11[%dma_start3A_874, %dma_start3A_875] : memref<2048x8xf32, #tpu.memory_space<vmem>> -> memref<128x8xf32, #tpu.memory_space<vmem>>
        %dma_start3A_877 = arith.constant 128 : i32
        %dma_start3A_878 = tpu.memref_slice %arg9[%dma_start3A_873, %dma_start3A_877] : memref<4x512xi32, #tpu.memory_space<vmem>> -> memref<1x128xi32, #tpu.memory_space<vmem>>
        %dma_start3A_879 = tpu.memref_squeeze %dma_start3A_878 : memref<1x128xi32, #tpu.memory_space<vmem>> -> memref<128xi32, #tpu.memory_space<vmem>>
        %dma_start3A_880 = arith.constant 0 : i32
        %dma_start3A_881 = arith.constant 0 : i32
        %dma_start3A_882 = tpu.memref_slice %arg6[%dma_start3A_880, %dma_start3A_881] : memref<800000x8xf32, #tpu.memory_space<hbm>> -> memref<800000x8xf32, #tpu.memory_space<hbm>>
        tpu.enqueue_indirect_dma source(%dma_start3A_882 : memref<800000x8xf32, #tpu.memory_space<hbm>>) target(%dma_start3A_876 : memref<128x8xf32, #tpu.memory_space<vmem>>) offsets(%dma_start3A_879 : memref<128xi32, #tpu.memory_space<vmem>>) semaphore(%arg16 : memref<!tpu.dma_semaphore, #tpu.memory_space<semaphore_mem>>)
        %dma_start3A_883 = arith.constant 2 : i32
        %dma_start3A_884 = arith.constant 1280 : i32
        %dma_start3A_885 = arith.constant 0 : i32
        %dma_start3A_886 = tpu.memref_slice %arg11[%dma_start3A_884, %dma_start3A_885] : memref<2048x8xf32, #tpu.memory_space<vmem>> -> memref<128x8xf32, #tpu.memory_space<vmem>>
        %dma_start3A_887 = arith.constant 256 : i32
        %dma_start3A_888 = tpu.memref_slice %arg9[%dma_start3A_883, %dma_start3A_887] : memref<4x512xi32, #tpu.memory_space<vmem>> -> memref<1x128xi32, #tpu.memory_space<vmem>>
        %dma_start3A_889 = tpu.memref_squeeze %dma_start3A_888 : memref<1x128xi32, #tpu.memory_space<vmem>> -> memref<128xi32, #tpu.memory_space<vmem>>
        %dma_start3A_890 = arith.constant 0 : i32
        %dma_start3A_891 = arith.constant 0 : i32
        %dma_start3A_892 = tpu.memref_slice %arg6[%dma_start3A_890, %dma_start3A_891] : memref<800000x8xf32, #tpu.memory_space<hbm>> -> memref<800000x8xf32, #tpu.memory_space<hbm>>
        tpu.enqueue_indirect_dma source(%dma_start3A_892 : memref<800000x8xf32, #tpu.memory_space<hbm>>) target(%dma_start3A_886 : memref<128x8xf32, #tpu.memory_space<vmem>>) offsets(%dma_start3A_889 : memref<128xi32, #tpu.memory_space<vmem>>) semaphore(%arg16 : memref<!tpu.dma_semaphore, #tpu.memory_space<semaphore_mem>>)
        %dma_start3A_893 = arith.constant 2 : i32
        %dma_start3A_894 = arith.constant 1408 : i32
        %dma_start3A_895 = arith.constant 0 : i32
        %dma_start3A_896 = tpu.memref_slice %arg11[%dma_start3A_894, %dma_start3A_895] : memref<2048x8xf32, #tpu.memory_space<vmem>> -> memref<128x8xf32, #tpu.memory_space<vmem>>
        %dma_start3A_897 = arith.constant 384 : i32
        %dma_start3A_898 = tpu.memref_slice %arg9[%dma_start3A_893, %dma_start3A_897] : memref<4x512xi32, #tpu.memory_space<vmem>> -> memref<1x128xi32, #tpu.memory_space<vmem>>
        %dma_start3A_899 = tpu.memref_squeeze %dma_start3A_898 : memref<1x128xi32, #tpu.memory_space<vmem>> -> memref<128xi32, #tpu.memory_space<vmem>>
        %dma_start3A_900 = arith.constant 0 : i32
        %dma_start3A_901 = arith.constant 0 : i32
        %dma_start3A_902 = tpu.memref_slice %arg6[%dma_start3A_900, %dma_start3A_901] : memref<800000x8xf32, #tpu.memory_space<hbm>> -> memref<800000x8xf32, #tpu.memory_space<hbm>>
        tpu.enqueue_indirect_dma source(%dma_start3A_902 : memref<800000x8xf32, #tpu.memory_space<hbm>>) target(%dma_start3A_896 : memref<128x8xf32, #tpu.memory_space<vmem>>) offsets(%dma_start3A_899 : memref<128xi32, #tpu.memory_space<vmem>>) semaphore(%arg16 : memref<!tpu.dma_semaphore, #tpu.memory_space<semaphore_mem>>)
        %dma_start3A_903 = arith.constant 3 : i32
        %dma_start3A_904 = arith.constant 1536 : i32
        %dma_start3A_905 = arith.constant 0 : i32
        %dma_start3A_906 = tpu.memref_slice %arg11[%dma_start3A_904, %dma_start3A_905] : memref<2048x8xf32, #tpu.memory_space<vmem>> -> memref<128x8xf32, #tpu.memory_space<vmem>>
        %dma_start3A_907 = arith.constant 0 : i32
        %dma_start3A_908 = tpu.memref_slice %arg9[%dma_start3A_903, %dma_start3A_907] : memref<4x512xi32, #tpu.memory_space<vmem>> -> memref<1x128xi32, #tpu.memory_space<vmem>>
        %dma_start3A_909 = tpu.memref_squeeze %dma_start3A_908 : memref<1x128xi32, #tpu.memory_space<vmem>> -> memref<128xi32, #tpu.memory_space<vmem>>
        %dma_start3A_910 = arith.constant 0 : i32
        %dma_start3A_911 = arith.constant 0 : i32
        %dma_start3A_912 = tpu.memref_slice %arg6[%dma_start3A_910, %dma_start3A_911] : memref<800000x8xf32, #tpu.memory_space<hbm>> -> memref<800000x8xf32, #tpu.memory_space<hbm>>
        tpu.enqueue_indirect_dma source(%dma_start3A_912 : memref<800000x8xf32, #tpu.memory_space<hbm>>) target(%dma_start3A_906 : memref<128x8xf32, #tpu.memory_space<vmem>>) offsets(%dma_start3A_909 : memref<128xi32, #tpu.memory_space<vmem>>) semaphore(%arg16 : memref<!tpu.dma_semaphore, #tpu.memory_space<semaphore_mem>>)
        %dma_start3A_913 = arith.constant 3 : i32
        %dma_start3A_914 = arith.constant 1664 : i32
        %dma_start3A_915 = arith.constant 0 : i32
        %dma_start3A_916 = tpu.memref_slice %arg11[%dma_start3A_914, %dma_start3A_915] : memref<2048x8xf32, #tpu.memory_space<vmem>> -> memref<128x8xf32, #tpu.memory_space<vmem>>
        %dma_start3A_917 = arith.constant 128 : i32
        %dma_start3A_918 = tpu.memref_slice %arg9[%dma_start3A_913, %dma_start3A_917] : memref<4x512xi32, #tpu.memory_space<vmem>> -> memref<1x128xi32, #tpu.memory_space<vmem>>
        %dma_start3A_919 = tpu.memref_squeeze %dma_start3A_918 : memref<1x128xi32, #tpu.memory_space<vmem>> -> memref<128xi32, #tpu.memory_space<vmem>>
        %dma_start3A_920 = arith.constant 0 : i32
        %dma_start3A_921 = arith.constant 0 : i32
        %dma_start3A_922 = tpu.memref_slice %arg6[%dma_start3A_920, %dma_start3A_921] : memref<800000x8xf32, #tpu.memory_space<hbm>> -> memref<800000x8xf32, #tpu.memory_space<hbm>>
        tpu.enqueue_indirect_dma source(%dma_start3A_922 : memref<800000x8xf32, #tpu.memory_space<hbm>>) target(%dma_start3A_916 : memref<128x8xf32, #tpu.memory_space<vmem>>) offsets(%dma_start3A_919 : memref<128xi32, #tpu.memory_space<vmem>>) semaphore(%arg16 : memref<!tpu.dma_semaphore, #tpu.memory_space<semaphore_mem>>)
        %dma_start3A_923 = arith.constant 3 : i32
        %dma_start3A_924 = arith.constant 1792 : i32
        %dma_start3A_925 = arith.constant 0 : i32
        %dma_start3A_926 = tpu.memref_slice %arg11[%dma_start3A_924, %dma_start3A_925] : memref<2048x8xf32, #tpu.memory_space<vmem>> -> memref<128x8xf32, #tpu.memory_space<vmem>>
        %dma_start3A_927 = arith.constant 256 : i32
        %dma_start3A_928 = tpu.memref_slice %arg9[%dma_start3A_923, %dma_start3A_927] : memref<4x512xi32, #tpu.memory_space<vmem>> -> memref<1x128xi32, #tpu.memory_space<vmem>>
        %dma_start3A_929 = tpu.memref_squeeze %dma_start3A_928 : memref<1x128xi32, #tpu.memory_space<vmem>> -> memref<128xi32, #tpu.memory_space<vmem>>
        %dma_start3A_930 = arith.constant 0 : i32
        %dma_start3A_931 = arith.constant 0 : i32
        %dma_start3A_932 = tpu.memref_slice %arg6[%dma_start3A_930, %dma_start3A_931] : memref<800000x8xf32, #tpu.memory_space<hbm>> -> memref<800000x8xf32, #tpu.memory_space<hbm>>
        tpu.enqueue_indirect_dma source(%dma_start3A_932 : memref<800000x8xf32, #tpu.memory_space<hbm>>) target(%dma_start3A_926 : memref<128x8xf32, #tpu.memory_space<vmem>>) offsets(%dma_start3A_929 : memref<128xi32, #tpu.memory_space<vmem>>) semaphore(%arg16 : memref<!tpu.dma_semaphore, #tpu.memory_space<semaphore_mem>>)
        %dma_start3A_933 = arith.constant 3 : i32
        %dma_start3A_934 = arith.constant 1920 : i32
        %dma_start3A_935 = arith.constant 0 : i32
        %dma_start3A_936 = tpu.memref_slice %arg11[%dma_start3A_934, %dma_start3A_935] : memref<2048x8xf32, #tpu.memory_space<vmem>> -> memref<128x8xf32, #tpu.memory_space<vmem>>
        %dma_start3A_937 = arith.constant 384 : i32
        %dma_start3A_938 = tpu.memref_slice %arg9[%dma_start3A_933, %dma_start3A_937] : memref<4x512xi32, #tpu.memory_space<vmem>> -> memref<1x128xi32, #tpu.memory_space<vmem>>
        %dma_start3A_939 = tpu.memref_squeeze %dma_start3A_938 : memref<1x128xi32, #tpu.memory_space<vmem>> -> memref<128xi32, #tpu.memory_space<vmem>>
        %dma_start3A_940 = arith.constant 0 : i32
        %dma_start3A_941 = arith.constant 0 : i32
        %dma_start3A_942 = tpu.memref_slice %arg6[%dma_start3A_940, %dma_start3A_941] : memref<800000x8xf32, #tpu.memory_space<hbm>> -> memref<800000x8xf32, #tpu.memory_space<hbm>>
        tpu.enqueue_indirect_dma source(%dma_start3A_942 : memref<800000x8xf32, #tpu.memory_space<hbm>>) target(%dma_start3A_936 : memref<128x8xf32, #tpu.memory_space<vmem>>) offsets(%dma_start3A_939 : memref<128xi32, #tpu.memory_space<vmem>>) semaphore(%arg16 : memref<!tpu.dma_semaphore, #tpu.memory_space<semaphore_mem>>)
      } else {
      }
      %dma_wait3A_575 = arith.constant 0 : i32
      %dma_wait3A_576 = arith.constant 0 : i32
      %dma_wait3A_577 = arith.constant 0 : i32
      %dma_wait3A_578 = tpu.memref_slice %arg12[%dma_wait3A_576, %dma_wait3A_577] : memref<2048x8xf32, #tpu.memory_space<vmem>> -> memref<128x8xf32, #tpu.memory_space<vmem>>
      %dma_wait3A_579 = arith.constant 0 : i32
      %dma_wait3A_580 = tpu.memref_slice %arg10[%dma_wait3A_575, %dma_wait3A_579] : memref<4x512xi32, #tpu.memory_space<vmem>> -> memref<1x128xi32, #tpu.memory_space<vmem>>
      %dma_wait3A_581 = tpu.memref_squeeze %dma_wait3A_580 : memref<1x128xi32, #tpu.memory_space<vmem>> -> memref<128xi32, #tpu.memory_space<vmem>>
      %dma_wait3A_582 = arith.constant 0 : i32
      %dma_wait3A_583 = arith.constant 0 : i32
      %dma_wait3A_584 = tpu.memref_slice %arg6[%dma_wait3A_582, %dma_wait3A_583] : memref<800000x8xf32, #tpu.memory_space<hbm>> -> memref<800000x8xf32, #tpu.memory_space<hbm>>
      tpu.wait_indirect_dma semaphore(%arg17 : memref<!tpu.dma_semaphore, #tpu.memory_space<semaphore_mem>>) src(%dma_wait3A_584 : memref<800000x8xf32, #tpu.memory_space<hbm>>) dst(%dma_wait3A_578 : memref<128x8xf32, #tpu.memory_space<vmem>>)
      %dma_wait3A_585 = arith.constant 0 : i32
      %dma_wait3A_586 = arith.constant 128 : i32
      %dma_wait3A_587 = arith.constant 0 : i32
      %dma_wait3A_588 = tpu.memref_slice %arg12[%dma_wait3A_586, %dma_wait3A_587] : memref<2048x8xf32, #tpu.memory_space<vmem>> -> memref<128x8xf32, #tpu.memory_space<vmem>>
      %dma_wait3A_589 = arith.constant 128 : i32
      %dma_wait3A_590 = tpu.memref_slice %arg10[%dma_wait3A_585, %dma_wait3A_589] : memref<4x512xi32, #tpu.memory_space<vmem>> -> memref<1x128xi32, #tpu.memory_space<vmem>>
      %dma_wait3A_591 = tpu.memref_squeeze %dma_wait3A_590 : memref<1x128xi32, #tpu.memory_space<vmem>> -> memref<128xi32, #tpu.memory_space<vmem>>
      %dma_wait3A_592 = arith.constant 0 : i32
      %dma_wait3A_593 = arith.constant 0 : i32
      %dma_wait3A_594 = tpu.memref_slice %arg6[%dma_wait3A_592, %dma_wait3A_593] : memref<800000x8xf32, #tpu.memory_space<hbm>> -> memref<800000x8xf32, #tpu.memory_space<hbm>>
      tpu.wait_indirect_dma semaphore(%arg17 : memref<!tpu.dma_semaphore, #tpu.memory_space<semaphore_mem>>) src(%dma_wait3A_594 : memref<800000x8xf32, #tpu.memory_space<hbm>>) dst(%dma_wait3A_588 : memref<128x8xf32, #tpu.memory_space<vmem>>)
      %dma_wait3A_595 = arith.constant 0 : i32
      %dma_wait3A_596 = arith.constant 256 : i32
      %dma_wait3A_597 = arith.constant 0 : i32
      %dma_wait3A_598 = tpu.memref_slice %arg12[%dma_wait3A_596, %dma_wait3A_597] : memref<2048x8xf32, #tpu.memory_space<vmem>> -> memref<128x8xf32, #tpu.memory_space<vmem>>
      %dma_wait3A_599 = arith.constant 256 : i32
      %dma_wait3A_600 = tpu.memref_slice %arg10[%dma_wait3A_595, %dma_wait3A_599] : memref<4x512xi32, #tpu.memory_space<vmem>> -> memref<1x128xi32, #tpu.memory_space<vmem>>
      %dma_wait3A_601 = tpu.memref_squeeze %dma_wait3A_600 : memref<1x128xi32, #tpu.memory_space<vmem>> -> memref<128xi32, #tpu.memory_space<vmem>>
      %dma_wait3A_602 = arith.constant 0 : i32
      %dma_wait3A_603 = arith.constant 0 : i32
      %dma_wait3A_604 = tpu.memref_slice %arg6[%dma_wait3A_602, %dma_wait3A_603] : memref<800000x8xf32, #tpu.memory_space<hbm>> -> memref<800000x8xf32, #tpu.memory_space<hbm>>
      tpu.wait_indirect_dma semaphore(%arg17 : memref<!tpu.dma_semaphore, #tpu.memory_space<semaphore_mem>>) src(%dma_wait3A_604 : memref<800000x8xf32, #tpu.memory_space<hbm>>) dst(%dma_wait3A_598 : memref<128x8xf32, #tpu.memory_space<vmem>>)
      %dma_wait3A_605 = arith.constant 0 : i32
      %dma_wait3A_606 = arith.constant 384 : i32
      %dma_wait3A_607 = arith.constant 0 : i32
      %dma_wait3A_608 = tpu.memref_slice %arg12[%dma_wait3A_606, %dma_wait3A_607] : memref<2048x8xf32, #tpu.memory_space<vmem>> -> memref<128x8xf32, #tpu.memory_space<vmem>>
      %dma_wait3A_609 = arith.constant 384 : i32
      %dma_wait3A_610 = tpu.memref_slice %arg10[%dma_wait3A_605, %dma_wait3A_609] : memref<4x512xi32, #tpu.memory_space<vmem>> -> memref<1x128xi32, #tpu.memory_space<vmem>>
      %dma_wait3A_611 = tpu.memref_squeeze %dma_wait3A_610 : memref<1x128xi32, #tpu.memory_space<vmem>> -> memref<128xi32, #tpu.memory_space<vmem>>
      %dma_wait3A_612 = arith.constant 0 : i32
      %dma_wait3A_613 = arith.constant 0 : i32
      %dma_wait3A_614 = tpu.memref_slice %arg6[%dma_wait3A_612, %dma_wait3A_613] : memref<800000x8xf32, #tpu.memory_space<hbm>> -> memref<800000x8xf32, #tpu.memory_space<hbm>>
      tpu.wait_indirect_dma semaphore(%arg17 : memref<!tpu.dma_semaphore, #tpu.memory_space<semaphore_mem>>) src(%dma_wait3A_614 : memref<800000x8xf32, #tpu.memory_space<hbm>>) dst(%dma_wait3A_608 : memref<128x8xf32, #tpu.memory_space<vmem>>)
      %dma_wait3A_615 = arith.constant 1 : i32
      %dma_wait3A_616 = arith.constant 512 : i32
      %dma_wait3A_617 = arith.constant 0 : i32
      %dma_wait3A_618 = tpu.memref_slice %arg12[%dma_wait3A_616, %dma_wait3A_617] : memref<2048x8xf32, #tpu.memory_space<vmem>> -> memref<128x8xf32, #tpu.memory_space<vmem>>
      %dma_wait3A_619 = arith.constant 0 : i32
      %dma_wait3A_620 = tpu.memref_slice %arg10[%dma_wait3A_615, %dma_wait3A_619] : memref<4x512xi32, #tpu.memory_space<vmem>> -> memref<1x128xi32, #tpu.memory_space<vmem>>
      %dma_wait3A_621 = tpu.memref_squeeze %dma_wait3A_620 : memref<1x128xi32, #tpu.memory_space<vmem>> -> memref<128xi32, #tpu.memory_space<vmem>>
      %dma_wait3A_622 = arith.constant 0 : i32
      %dma_wait3A_623 = arith.constant 0 : i32
      %dma_wait3A_624 = tpu.memref_slice %arg6[%dma_wait3A_622, %dma_wait3A_623] : memref<800000x8xf32, #tpu.memory_space<hbm>> -> memref<800000x8xf32, #tpu.memory_space<hbm>>
      tpu.wait_indirect_dma semaphore(%arg17 : memref<!tpu.dma_semaphore, #tpu.memory_space<semaphore_mem>>) src(%dma_wait3A_624 : memref<800000x8xf32, #tpu.memory_space<hbm>>) dst(%dma_wait3A_618 : memref<128x8xf32, #tpu.memory_space<vmem>>)
      %dma_wait3A_625 = arith.constant 1 : i32
      %dma_wait3A_626 = arith.constant 640 : i32
      %dma_wait3A_627 = arith.constant 0 : i32
      %dma_wait3A_628 = tpu.memref_slice %arg12[%dma_wait3A_626, %dma_wait3A_627] : memref<2048x8xf32, #tpu.memory_space<vmem>> -> memref<128x8xf32, #tpu.memory_space<vmem>>
      %dma_wait3A_629 = arith.constant 128 : i32
      %dma_wait3A_630 = tpu.memref_slice %arg10[%dma_wait3A_625, %dma_wait3A_629] : memref<4x512xi32, #tpu.memory_space<vmem>> -> memref<1x128xi32, #tpu.memory_space<vmem>>
      %dma_wait3A_631 = tpu.memref_squeeze %dma_wait3A_630 : memref<1x128xi32, #tpu.memory_space<vmem>> -> memref<128xi32, #tpu.memory_space<vmem>>
      %dma_wait3A_632 = arith.constant 0 : i32
      %dma_wait3A_633 = arith.constant 0 : i32
      %dma_wait3A_634 = tpu.memref_slice %arg6[%dma_wait3A_632, %dma_wait3A_633] : memref<800000x8xf32, #tpu.memory_space<hbm>> -> memref<800000x8xf32, #tpu.memory_space<hbm>>
      tpu.wait_indirect_dma semaphore(%arg17 : memref<!tpu.dma_semaphore, #tpu.memory_space<semaphore_mem>>) src(%dma_wait3A_634 : memref<800000x8xf32, #tpu.memory_space<hbm>>) dst(%dma_wait3A_628 : memref<128x8xf32, #tpu.memory_space<vmem>>)
      %dma_wait3A_635 = arith.constant 1 : i32
      %dma_wait3A_636 = arith.constant 768 : i32
      %dma_wait3A_637 = arith.constant 0 : i32
      %dma_wait3A_638 = tpu.memref_slice %arg12[%dma_wait3A_636, %dma_wait3A_637] : memref<2048x8xf32, #tpu.memory_space<vmem>> -> memref<128x8xf32, #tpu.memory_space<vmem>>
      %dma_wait3A_639 = arith.constant 256 : i32
      %dma_wait3A_640 = tpu.memref_slice %arg10[%dma_wait3A_635, %dma_wait3A_639] : memref<4x512xi32, #tpu.memory_space<vmem>> -> memref<1x128xi32, #tpu.memory_space<vmem>>
      %dma_wait3A_641 = tpu.memref_squeeze %dma_wait3A_640 : memref<1x128xi32, #tpu.memory_space<vmem>> -> memref<128xi32, #tpu.memory_space<vmem>>
      %dma_wait3A_642 = arith.constant 0 : i32
      %dma_wait3A_643 = arith.constant 0 : i32
      %dma_wait3A_644 = tpu.memref_slice %arg6[%dma_wait3A_642, %dma_wait3A_643] : memref<800000x8xf32, #tpu.memory_space<hbm>> -> memref<800000x8xf32, #tpu.memory_space<hbm>>
      tpu.wait_indirect_dma semaphore(%arg17 : memref<!tpu.dma_semaphore, #tpu.memory_space<semaphore_mem>>) src(%dma_wait3A_644 : memref<800000x8xf32, #tpu.memory_space<hbm>>) dst(%dma_wait3A_638 : memref<128x8xf32, #tpu.memory_space<vmem>>)
      %dma_wait3A_645 = arith.constant 1 : i32
      %dma_wait3A_646 = arith.constant 896 : i32
      %dma_wait3A_647 = arith.constant 0 : i32
      %dma_wait3A_648 = tpu.memref_slice %arg12[%dma_wait3A_646, %dma_wait3A_647] : memref<2048x8xf32, #tpu.memory_space<vmem>> -> memref<128x8xf32, #tpu.memory_space<vmem>>
      %dma_wait3A_649 = arith.constant 384 : i32
      %dma_wait3A_650 = tpu.memref_slice %arg10[%dma_wait3A_645, %dma_wait3A_649] : memref<4x512xi32, #tpu.memory_space<vmem>> -> memref<1x128xi32, #tpu.memory_space<vmem>>
      %dma_wait3A_651 = tpu.memref_squeeze %dma_wait3A_650 : memref<1x128xi32, #tpu.memory_space<vmem>> -> memref<128xi32, #tpu.memory_space<vmem>>
      %dma_wait3A_652 = arith.constant 0 : i32
      %dma_wait3A_653 = arith.constant 0 : i32
      %dma_wait3A_654 = tpu.memref_slice %arg6[%dma_wait3A_652, %dma_wait3A_653] : memref<800000x8xf32, #tpu.memory_space<hbm>> -> memref<800000x8xf32, #tpu.memory_space<hbm>>
      tpu.wait_indirect_dma semaphore(%arg17 : memref<!tpu.dma_semaphore, #tpu.memory_space<semaphore_mem>>) src(%dma_wait3A_654 : memref<800000x8xf32, #tpu.memory_space<hbm>>) dst(%dma_wait3A_648 : memref<128x8xf32, #tpu.memory_space<vmem>>)
      %dma_wait3A_655 = arith.constant 2 : i32
      %dma_wait3A_656 = arith.constant 1024 : i32
      %dma_wait3A_657 = arith.constant 0 : i32
      %dma_wait3A_658 = tpu.memref_slice %arg12[%dma_wait3A_656, %dma_wait3A_657] : memref<2048x8xf32, #tpu.memory_space<vmem>> -> memref<128x8xf32, #tpu.memory_space<vmem>>
      %dma_wait3A_659 = arith.constant 0 : i32
      %dma_wait3A_660 = tpu.memref_slice %arg10[%dma_wait3A_655, %dma_wait3A_659] : memref<4x512xi32, #tpu.memory_space<vmem>> -> memref<1x128xi32, #tpu.memory_space<vmem>>
      %dma_wait3A_661 = tpu.memref_squeeze %dma_wait3A_660 : memref<1x128xi32, #tpu.memory_space<vmem>> -> memref<128xi32, #tpu.memory_space<vmem>>
      %dma_wait3A_662 = arith.constant 0 : i32
      %dma_wait3A_663 = arith.constant 0 : i32
      %dma_wait3A_664 = tpu.memref_slice %arg6[%dma_wait3A_662, %dma_wait3A_663] : memref<800000x8xf32, #tpu.memory_space<hbm>> -> memref<800000x8xf32, #tpu.memory_space<hbm>>
      tpu.wait_indirect_dma semaphore(%arg17 : memref<!tpu.dma_semaphore, #tpu.memory_space<semaphore_mem>>) src(%dma_wait3A_664 : memref<800000x8xf32, #tpu.memory_space<hbm>>) dst(%dma_wait3A_658 : memref<128x8xf32, #tpu.memory_space<vmem>>)
      %dma_wait3A_665 = arith.constant 2 : i32
      %dma_wait3A_666 = arith.constant 1152 : i32
      %dma_wait3A_667 = arith.constant 0 : i32
      %dma_wait3A_668 = tpu.memref_slice %arg12[%dma_wait3A_666, %dma_wait3A_667] : memref<2048x8xf32, #tpu.memory_space<vmem>> -> memref<128x8xf32, #tpu.memory_space<vmem>>
      %dma_wait3A_669 = arith.constant 128 : i32
      %dma_wait3A_670 = tpu.memref_slice %arg10[%dma_wait3A_665, %dma_wait3A_669] : memref<4x512xi32, #tpu.memory_space<vmem>> -> memref<1x128xi32, #tpu.memory_space<vmem>>
      %dma_wait3A_671 = tpu.memref_squeeze %dma_wait3A_670 : memref<1x128xi32, #tpu.memory_space<vmem>> -> memref<128xi32, #tpu.memory_space<vmem>>
      %dma_wait3A_672 = arith.constant 0 : i32
      %dma_wait3A_673 = arith.constant 0 : i32
      %dma_wait3A_674 = tpu.memref_slice %arg6[%dma_wait3A_672, %dma_wait3A_673] : memref<800000x8xf32, #tpu.memory_space<hbm>> -> memref<800000x8xf32, #tpu.memory_space<hbm>>
      tpu.wait_indirect_dma semaphore(%arg17 : memref<!tpu.dma_semaphore, #tpu.memory_space<semaphore_mem>>) src(%dma_wait3A_674 : memref<800000x8xf32, #tpu.memory_space<hbm>>) dst(%dma_wait3A_668 : memref<128x8xf32, #tpu.memory_space<vmem>>)
      %dma_wait3A_675 = arith.constant 2 : i32
      %dma_wait3A_676 = arith.constant 1280 : i32
      %dma_wait3A_677 = arith.constant 0 : i32
      %dma_wait3A_678 = tpu.memref_slice %arg12[%dma_wait3A_676, %dma_wait3A_677] : memref<2048x8xf32, #tpu.memory_space<vmem>> -> memref<128x8xf32, #tpu.memory_space<vmem>>
      %dma_wait3A_679 = arith.constant 256 : i32
      %dma_wait3A_680 = tpu.memref_slice %arg10[%dma_wait3A_675, %dma_wait3A_679] : memref<4x512xi32, #tpu.memory_space<vmem>> -> memref<1x128xi32, #tpu.memory_space<vmem>>
      %dma_wait3A_681 = tpu.memref_squeeze %dma_wait3A_680 : memref<1x128xi32, #tpu.memory_space<vmem>> -> memref<128xi32, #tpu.memory_space<vmem>>
      %dma_wait3A_682 = arith.constant 0 : i32
      %dma_wait3A_683 = arith.constant 0 : i32
      %dma_wait3A_684 = tpu.memref_slice %arg6[%dma_wait3A_682, %dma_wait3A_683] : memref<800000x8xf32, #tpu.memory_space<hbm>> -> memref<800000x8xf32, #tpu.memory_space<hbm>>
      tpu.wait_indirect_dma semaphore(%arg17 : memref<!tpu.dma_semaphore, #tpu.memory_space<semaphore_mem>>) src(%dma_wait3A_684 : memref<800000x8xf32, #tpu.memory_space<hbm>>) dst(%dma_wait3A_678 : memref<128x8xf32, #tpu.memory_space<vmem>>)
      %dma_wait3A_685 = arith.constant 2 : i32
      %dma_wait3A_686 = arith.constant 1408 : i32
      %dma_wait3A_687 = arith.constant 0 : i32
      %dma_wait3A_688 = tpu.memref_slice %arg12[%dma_wait3A_686, %dma_wait3A_687] : memref<2048x8xf32, #tpu.memory_space<vmem>> -> memref<128x8xf32, #tpu.memory_space<vmem>>
      %dma_wait3A_689 = arith.constant 384 : i32
      %dma_wait3A_690 = tpu.memref_slice %arg10[%dma_wait3A_685, %dma_wait3A_689] : memref<4x512xi32, #tpu.memory_space<vmem>> -> memref<1x128xi32, #tpu.memory_space<vmem>>
      %dma_wait3A_691 = tpu.memref_squeeze %dma_wait3A_690 : memref<1x128xi32, #tpu.memory_space<vmem>> -> memref<128xi32, #tpu.memory_space<vmem>>
      %dma_wait3A_692 = arith.constant 0 : i32
      %dma_wait3A_693 = arith.constant 0 : i32
      %dma_wait3A_694 = tpu.memref_slice %arg6[%dma_wait3A_692, %dma_wait3A_693] : memref<800000x8xf32, #tpu.memory_space<hbm>> -> memref<800000x8xf32, #tpu.memory_space<hbm>>
      tpu.wait_indirect_dma semaphore(%arg17 : memref<!tpu.dma_semaphore, #tpu.memory_space<semaphore_mem>>) src(%dma_wait3A_694 : memref<800000x8xf32, #tpu.memory_space<hbm>>) dst(%dma_wait3A_688 : memref<128x8xf32, #tpu.memory_space<vmem>>)
      %dma_wait3A_695 = arith.constant 3 : i32
      %dma_wait3A_696 = arith.constant 1536 : i32
      %dma_wait3A_697 = arith.constant 0 : i32
      %dma_wait3A_698 = tpu.memref_slice %arg12[%dma_wait3A_696, %dma_wait3A_697] : memref<2048x8xf32, #tpu.memory_space<vmem>> -> memref<128x8xf32, #tpu.memory_space<vmem>>
      %dma_wait3A_699 = arith.constant 0 : i32
      %dma_wait3A_700 = tpu.memref_slice %arg10[%dma_wait3A_695, %dma_wait3A_699] : memref<4x512xi32, #tpu.memory_space<vmem>> -> memref<1x128xi32, #tpu.memory_space<vmem>>
      %dma_wait3A_701 = tpu.memref_squeeze %dma_wait3A_700 : memref<1x128xi32, #tpu.memory_space<vmem>> -> memref<128xi32, #tpu.memory_space<vmem>>
      %dma_wait3A_702 = arith.constant 0 : i32
      %dma_wait3A_703 = arith.constant 0 : i32
      %dma_wait3A_704 = tpu.memref_slice %arg6[%dma_wait3A_702, %dma_wait3A_703] : memref<800000x8xf32, #tpu.memory_space<hbm>> -> memref<800000x8xf32, #tpu.memory_space<hbm>>
      tpu.wait_indirect_dma semaphore(%arg17 : memref<!tpu.dma_semaphore, #tpu.memory_space<semaphore_mem>>) src(%dma_wait3A_704 : memref<800000x8xf32, #tpu.memory_space<hbm>>) dst(%dma_wait3A_698 : memref<128x8xf32, #tpu.memory_space<vmem>>)
      %dma_wait3A_705 = arith.constant 3 : i32
      %dma_wait3A_706 = arith.constant 1664 : i32
      %dma_wait3A_707 = arith.constant 0 : i32
      %dma_wait3A_708 = tpu.memref_slice %arg12[%dma_wait3A_706, %dma_wait3A_707] : memref<2048x8xf32, #tpu.memory_space<vmem>> -> memref<128x8xf32, #tpu.memory_space<vmem>>
      %dma_wait3A_709 = arith.constant 128 : i32
      %dma_wait3A_710 = tpu.memref_slice %arg10[%dma_wait3A_705, %dma_wait3A_709] : memref<4x512xi32, #tpu.memory_space<vmem>> -> memref<1x128xi32, #tpu.memory_space<vmem>>
      %dma_wait3A_711 = tpu.memref_squeeze %dma_wait3A_710 : memref<1x128xi32, #tpu.memory_space<vmem>> -> memref<128xi32, #tpu.memory_space<vmem>>
      %dma_wait3A_712 = arith.constant 0 : i32
      %dma_wait3A_713 = arith.constant 0 : i32
      %dma_wait3A_714 = tpu.memref_slice %arg6[%dma_wait3A_712, %dma_wait3A_713] : memref<800000x8xf32, #tpu.memory_space<hbm>> -> memref<800000x8xf32, #tpu.memory_space<hbm>>
      tpu.wait_indirect_dma semaphore(%arg17 : memref<!tpu.dma_semaphore, #tpu.memory_space<semaphore_mem>>) src(%dma_wait3A_714 : memref<800000x8xf32, #tpu.memory_space<hbm>>) dst(%dma_wait3A_708 : memref<128x8xf32, #tpu.memory_space<vmem>>)
      %dma_wait3A_715 = arith.constant 3 : i32
      %dma_wait3A_716 = arith.constant 1792 : i32
      %dma_wait3A_717 = arith.constant 0 : i32
      %dma_wait3A_718 = tpu.memref_slice %arg12[%dma_wait3A_716, %dma_wait3A_717] : memref<2048x8xf32, #tpu.memory_space<vmem>> -> memref<128x8xf32, #tpu.memory_space<vmem>>
      %dma_wait3A_719 = arith.constant 256 : i32
      %dma_wait3A_720 = tpu.memref_slice %arg10[%dma_wait3A_715, %dma_wait3A_719] : memref<4x512xi32, #tpu.memory_space<vmem>> -> memref<1x128xi32, #tpu.memory_space<vmem>>
      %dma_wait3A_721 = tpu.memref_squeeze %dma_wait3A_720 : memref<1x128xi32, #tpu.memory_space<vmem>> -> memref<128xi32, #tpu.memory_space<vmem>>
      %dma_wait3A_722 = arith.constant 0 : i32
      %dma_wait3A_723 = arith.constant 0 : i32
      %dma_wait3A_724 = tpu.memref_slice %arg6[%dma_wait3A_722, %dma_wait3A_723] : memref<800000x8xf32, #tpu.memory_space<hbm>> -> memref<800000x8xf32, #tpu.memory_space<hbm>>
      tpu.wait_indirect_dma semaphore(%arg17 : memref<!tpu.dma_semaphore, #tpu.memory_space<semaphore_mem>>) src(%dma_wait3A_724 : memref<800000x8xf32, #tpu.memory_space<hbm>>) dst(%dma_wait3A_718 : memref<128x8xf32, #tpu.memory_space<vmem>>)
      %dma_wait3A_725 = arith.constant 3 : i32
      %dma_wait3A_726 = arith.constant 1920 : i32
      %dma_wait3A_727 = arith.constant 0 : i32
      %dma_wait3A_728 = tpu.memref_slice %arg12[%dma_wait3A_726, %dma_wait3A_727] : memref<2048x8xf32, #tpu.memory_space<vmem>> -> memref<128x8xf32, #tpu.memory_space<vmem>>
      %dma_wait3A_729 = arith.constant 384 : i32
      %dma_wait3A_730 = tpu.memref_slice %arg10[%dma_wait3A_725, %dma_wait3A_729] : memref<4x512xi32, #tpu.memory_space<vmem>> -> memref<1x128xi32, #tpu.memory_space<vmem>>
      %dma_wait3A_731 = tpu.memref_squeeze %dma_wait3A_730 : memref<1x128xi32, #tpu.memory_space<vmem>> -> memref<128xi32, #tpu.memory_space<vmem>>
      %dma_wait3A_732 = arith.constant 0 : i32
      %dma_wait3A_733 = arith.constant 0 : i32
      %dma_wait3A_734 = tpu.memref_slice %arg6[%dma_wait3A_732, %dma_wait3A_733] : memref<800000x8xf32, #tpu.memory_space<hbm>> -> memref<800000x8xf32, #tpu.memory_space<hbm>>
      tpu.wait_indirect_dma semaphore(%arg17 : memref<!tpu.dma_semaphore, #tpu.memory_space<semaphore_mem>>) src(%dma_wait3A_734 : memref<800000x8xf32, #tpu.memory_space<hbm>>) dst(%dma_wait3A_728 : memref<128x8xf32, #tpu.memory_space<vmem>>)
      %mul3A_735 = arith.constant 2 : i32
      %mul3A_736 = arith.muli %mul3A_735, %scan3A_202 : i32
      %add3A_737 = arith.constant 3 : i32
      %add3A_738 = arith.addi %mul3A_736, %add3A_737 : i32
      %lt3A_739 = arith.constant 74 : i32
      %lt3A_740 = arith.cmpi slt, %add3A_738, %lt3A_739 : i32
      %convert_element_type3A_741 = arith.extui %lt3A_740 : i1 to i32
      %cond3A_742 = arith.constant 0 : i32
      %cond3A_743 = arith.cmpi ne, %convert_element_type3A_741, %cond3A_742 : i32
      scf.if %cond3A_743 {
        %add3A_761 = arith.constant 3 : i32
        %add3A_762 = arith.addi %add3A_206, %add3A_761 : i32
        %mul3A_763 = arith.constant 512 : i32
        %mul3A_764 = arith.muli %add3A_762, %mul3A_763 : i32
        %min3A_765 = arith.constant 1199488 : i32
        %min3A_766 = arith.minsi %mul3A_764, %min3A_765 : i32
        %mul3A_767 = arith.constant 4 : i32
        %mul3A_768 = arith.muli %min3A_766, %mul3A_767 : i32
        %dma_start3A_769 = tpu.memref_slice %arg2[%mul3A_768] : memref<4800000xi32, #tpu.memory_space<hbm>> -> memref<2048xi32, #tpu.memory_space<hbm>>
        %dma_start3A_770 = tpu.memref_slice %arg2[%mul3A_768] : memref<4800000xi32, #tpu.memory_space<hbm>> -> memref<2048xi32, #tpu.memory_space<hbm>>
        tpu.enqueue_dma source(%dma_start3A_770 : memref<2048xi32, #tpu.memory_space<hbm>>) target(%arg8 : memref<2048xi32, #tpu.memory_space<vmem>>) target_semaphore(%arg19 : memref<!tpu.dma_semaphore, #tpu.memory_space<semaphore_mem>>)
      } else {
      }
      %add3A_744 = arith.constant 1 : i32
      %add3A_745 = arith.addi %add3A_206, %add3A_744 : i32
      %mul3A_746 = arith.constant 512 : i32
      %mul3A_747 = arith.muli %add3A_745, %mul3A_746 : i32
      %min3A_748 = arith.constant 1199488 : i32
      %min3A_749 = arith.minsi %mul3A_747, %min3A_748 : i32
      %add3A_750 = arith.constant 1 : i32
      %add3A_751 = arith.addi %add3A_206, %add3A_750 : i32
      %mul3A_752 = arith.constant 512 : i32
      %mul3A_753 = arith.muli %add3A_751, %mul3A_752 : i32
      %sub3A_754 = arith.subi %min3A_749, %mul3A_753 : i32
      %scan3A_755 = arith.constant 0 : i32
      %scan3A_756 = arith.constant 32 : i32
      %scan3A_757 = arith.addi %scan3A_755, %scan3A_756 : i32
      %scan3A_758 = arith.constant 1 : i32
      %scan3A_759 = scf.for %scan3A_761 = %scan3A_755 to %scan3A_757 step %scan3A_758 iter_args(%scan3A_762 = %scan3A_564) -> (vector<16xf32>)  : i32 {
        %iota3A = tpu.iota {dimensions = array<i32: 0>} : vector<16xi32>
        %mul3A_763 = arith.constant 16 : i32
        %mul3A_764 = arith.muli %scan3A_761, %mul3A_763 : i32
        %add3A_765 = arith.constant 0 : i32
        %add3A_766 = arith.addi %mul3A_764, %add3A_765 : i32
        %add3A_767 = vector.broadcast %add3A_766 : i32 to vector<16xi32>
        %add3A_768 = arith.addi %iota3A, %add3A_767 : vector<16xi32>
        %broadcast_in_dim3A_769 = arith.constant 0 : i32
        %broadcast_in_dim3A_770 = vector.broadcast %broadcast_in_dim3A_769 : i32 to vector<16xi32>
        %gather3A = tpu.vector_load_idx %arg12[%add3A_768, %broadcast_in_dim3A_770] : memref<2048x8xf32, #tpu.memory_space<vmem>>[vector<16xi32>, vector<16xi32>], vector<16xf32>,
        %iota3A_771 = tpu.iota {dimensions = array<i32: 0>} : vector<16xi32>
        %mul3A_772 = arith.constant 16 : i32
        %mul3A_773 = arith.muli %scan3A_761, %mul3A_772 : i32
        %add3A_774 = arith.constant 0 : i32
        %add3A_775 = arith.addi %mul3A_773, %add3A_774 : i32
        %add3A_776 = vector.broadcast %add3A_775 : i32 to vector<16xi32>
        %add3A_777 = arith.addi %iota3A_771, %add3A_776 : vector<16xi32>
        %broadcast_in_dim3A_778 = arith.constant 1 : i32
        %broadcast_in_dim3A_779 = vector.broadcast %broadcast_in_dim3A_778 : i32 to vector<16xi32>
        %gather3A_780 = tpu.vector_load_idx %arg12[%add3A_777, %broadcast_in_dim3A_779] : memref<2048x8xf32, #tpu.memory_space<vmem>>[vector<16xi32>, vector<16xi32>], vector<16xf32>,
        %iota3A_781 = tpu.iota {dimensions = array<i32: 0>} : vector<16xi32>
        %mul3A_782 = arith.constant 16 : i32
        %mul3A_783 = arith.muli %scan3A_761, %mul3A_782 : i32
        %add3A_784 = arith.constant 0 : i32
        %add3A_785 = arith.addi %mul3A_783, %add3A_784 : i32
        %add3A_786 = vector.broadcast %add3A_785 : i32 to vector<16xi32>
        %add3A_787 = arith.addi %iota3A_781, %add3A_786 : vector<16xi32>
        %broadcast_in_dim3A_788 = arith.constant 2 : i32
        %broadcast_in_dim3A_789 = vector.broadcast %broadcast_in_dim3A_788 : i32 to vector<16xi32>
        %gather3A_790 = tpu.vector_load_idx %arg12[%add3A_787, %broadcast_in_dim3A_789] : memref<2048x8xf32, #tpu.memory_space<vmem>>[vector<16xi32>, vector<16xi32>], vector<16xf32>,
        %iota3A_791 = tpu.iota {dimensions = array<i32: 0>} : vector<16xi32>
        %mul3A_792 = arith.constant 16 : i32
        %mul3A_793 = arith.muli %scan3A_761, %mul3A_792 : i32
        %add3A_794 = arith.constant 0 : i32
        %add3A_795 = arith.addi %mul3A_793, %add3A_794 : i32
        %add3A_796 = vector.broadcast %add3A_795 : i32 to vector<16xi32>
        %add3A_797 = arith.addi %iota3A_791, %add3A_796 : vector<16xi32>
        %broadcast_in_dim3A_798 = arith.constant 3 : i32
        %broadcast_in_dim3A_799 = vector.broadcast %broadcast_in_dim3A_798 : i32 to vector<16xi32>
        %gather3A_800 = tpu.vector_load_idx %arg12[%add3A_797, %broadcast_in_dim3A_799] : memref<2048x8xf32, #tpu.memory_space<vmem>>[vector<16xi32>, vector<16xi32>], vector<16xf32>,
        %iota3A_801 = tpu.iota {dimensions = array<i32: 0>} : vector<16xi32>
        %mul3A_802 = arith.constant 16 : i32
        %mul3A_803 = arith.muli %scan3A_761, %mul3A_802 : i32
        %add3A_804 = arith.constant 0 : i32
        %add3A_805 = arith.addi %mul3A_803, %add3A_804 : i32
        %add3A_806 = vector.broadcast %add3A_805 : i32 to vector<16xi32>
        %add3A_807 = arith.addi %iota3A_801, %add3A_806 : vector<16xi32>
        %broadcast_in_dim3A_808 = arith.constant 4 : i32
        %broadcast_in_dim3A_809 = vector.broadcast %broadcast_in_dim3A_808 : i32 to vector<16xi32>
        %gather3A_810 = tpu.vector_load_idx %arg12[%add3A_807, %broadcast_in_dim3A_809] : memref<2048x8xf32, #tpu.memory_space<vmem>>[vector<16xi32>, vector<16xi32>], vector<16xf32>,
        %iota3A_811 = tpu.iota {dimensions = array<i32: 0>} : vector<16xi32>
        %mul3A_812 = arith.constant 16 : i32
        %mul3A_813 = arith.muli %scan3A_761, %mul3A_812 : i32
        %add3A_814 = arith.constant 0 : i32
        %add3A_815 = arith.addi %mul3A_813, %add3A_814 : i32
        %add3A_816 = vector.broadcast %add3A_815 : i32 to vector<16xi32>
        %add3A_817 = arith.addi %iota3A_811, %add3A_816 : vector<16xi32>
        %broadcast_in_dim3A_818 = arith.constant 5 : i32
        %broadcast_in_dim3A_819 = vector.broadcast %broadcast_in_dim3A_818 : i32 to vector<16xi32>
        %gather3A_820 = tpu.vector_load_idx %arg12[%add3A_817, %broadcast_in_dim3A_819] : memref<2048x8xf32, #tpu.memory_space<vmem>>[vector<16xi32>, vector<16xi32>], vector<16xf32>,
        %iota3A_821 = tpu.iota {dimensions = array<i32: 0>} : vector<16xi32>
        %mul3A_822 = arith.constant 16 : i32
        %mul3A_823 = arith.muli %scan3A_761, %mul3A_822 : i32
        %add3A_824 = arith.constant 512 : i32
        %add3A_825 = arith.addi %mul3A_823, %add3A_824 : i32
        %add3A_826 = vector.broadcast %add3A_825 : i32 to vector<16xi32>
        %add3A_827 = arith.addi %iota3A_821, %add3A_826 : vector<16xi32>
        %broadcast_in_dim3A_828 = arith.constant 0 : i32
        %broadcast_in_dim3A_829 = vector.broadcast %broadcast_in_dim3A_828 : i32 to vector<16xi32>
        %gather3A_830 = tpu.vector_load_idx %arg12[%add3A_827, %broadcast_in_dim3A_829] : memref<2048x8xf32, #tpu.memory_space<vmem>>[vector<16xi32>, vector<16xi32>], vector<16xf32>,
        %iota3A_831 = tpu.iota {dimensions = array<i32: 0>} : vector<16xi32>
        %mul3A_832 = arith.constant 16 : i32
        %mul3A_833 = arith.muli %scan3A_761, %mul3A_832 : i32
        %add3A_834 = arith.constant 512 : i32
        %add3A_835 = arith.addi %mul3A_833, %add3A_834 : i32
        %add3A_836 = vector.broadcast %add3A_835 : i32 to vector<16xi32>
        %add3A_837 = arith.addi %iota3A_831, %add3A_836 : vector<16xi32>
        %broadcast_in_dim3A_838 = arith.constant 1 : i32
        %broadcast_in_dim3A_839 = vector.broadcast %broadcast_in_dim3A_838 : i32 to vector<16xi32>
        %gather3A_840 = tpu.vector_load_idx %arg12[%add3A_837, %broadcast_in_dim3A_839] : memref<2048x8xf32, #tpu.memory_space<vmem>>[vector<16xi32>, vector<16xi32>], vector<16xf32>,
        %iota3A_841 = tpu.iota {dimensions = array<i32: 0>} : vector<16xi32>
        %mul3A_842 = arith.constant 16 : i32
        %mul3A_843 = arith.muli %scan3A_761, %mul3A_842 : i32
        %add3A_844 = arith.constant 512 : i32
        %add3A_845 = arith.addi %mul3A_843, %add3A_844 : i32
        %add3A_846 = vector.broadcast %add3A_845 : i32 to vector<16xi32>
        %add3A_847 = arith.addi %iota3A_841, %add3A_846 : vector<16xi32>
        %broadcast_in_dim3A_848 = arith.constant 2 : i32
        %broadcast_in_dim3A_849 = vector.broadcast %broadcast_in_dim3A_848 : i32 to vector<16xi32>
        %gather3A_850 = tpu.vector_load_idx %arg12[%add3A_847, %broadcast_in_dim3A_849] : memref<2048x8xf32, #tpu.memory_space<vmem>>[vector<16xi32>, vector<16xi32>], vector<16xf32>,
        %iota3A_851 = tpu.iota {dimensions = array<i32: 0>} : vector<16xi32>
        %mul3A_852 = arith.constant 16 : i32
        %mul3A_853 = arith.muli %scan3A_761, %mul3A_852 : i32
        %add3A_854 = arith.constant 512 : i32
        %add3A_855 = arith.addi %mul3A_853, %add3A_854 : i32
        %add3A_856 = vector.broadcast %add3A_855 : i32 to vector<16xi32>
        %add3A_857 = arith.addi %iota3A_851, %add3A_856 : vector<16xi32>
        %broadcast_in_dim3A_858 = arith.constant 3 : i32
        %broadcast_in_dim3A_859 = vector.broadcast %broadcast_in_dim3A_858 : i32 to vector<16xi32>
        %gather3A_860 = tpu.vector_load_idx %arg12[%add3A_857, %broadcast_in_dim3A_859] : memref<2048x8xf32, #tpu.memory_space<vmem>>[vector<16xi32>, vector<16xi32>], vector<16xf32>,
        %iota3A_861 = tpu.iota {dimensions = array<i32: 0>} : vector<16xi32>
        %mul3A_862 = arith.constant 16 : i32
        %mul3A_863 = arith.muli %scan3A_761, %mul3A_862 : i32
        %add3A_864 = arith.constant 512 : i32
        %add3A_865 = arith.addi %mul3A_863, %add3A_864 : i32
        %add3A_866 = vector.broadcast %add3A_865 : i32 to vector<16xi32>
        %add3A_867 = arith.addi %iota3A_861, %add3A_866 : vector<16xi32>
        %broadcast_in_dim3A_868 = arith.constant 4 : i32
        %broadcast_in_dim3A_869 = vector.broadcast %broadcast_in_dim3A_868 : i32 to vector<16xi32>
        %gather3A_870 = tpu.vector_load_idx %arg12[%add3A_867, %broadcast_in_dim3A_869] : memref<2048x8xf32, #tpu.memory_space<vmem>>[vector<16xi32>, vector<16xi32>], vector<16xf32>,
        %iota3A_871 = tpu.iota {dimensions = array<i32: 0>} : vector<16xi32>
        %mul3A_872 = arith.constant 16 : i32
        %mul3A_873 = arith.muli %scan3A_761, %mul3A_872 : i32
        %add3A_874 = arith.constant 512 : i32
        %add3A_875 = arith.addi %mul3A_873, %add3A_874 : i32
        %add3A_876 = vector.broadcast %add3A_875 : i32 to vector<16xi32>
        %add3A_877 = arith.addi %iota3A_871, %add3A_876 : vector<16xi32>
        %broadcast_in_dim3A_878 = arith.constant 5 : i32
        %broadcast_in_dim3A_879 = vector.broadcast %broadcast_in_dim3A_878 : i32 to vector<16xi32>
        %gather3A_880 = tpu.vector_load_idx %arg12[%add3A_877, %broadcast_in_dim3A_879] : memref<2048x8xf32, #tpu.memory_space<vmem>>[vector<16xi32>, vector<16xi32>], vector<16xf32>,
        %iota3A_881 = tpu.iota {dimensions = array<i32: 0>} : vector<16xi32>
        %mul3A_882 = arith.constant 16 : i32
        %mul3A_883 = arith.muli %scan3A_761, %mul3A_882 : i32
        %add3A_884 = arith.constant 1024 : i32
        %add3A_885 = arith.addi %mul3A_883, %add3A_884 : i32
        %add3A_886 = vector.broadcast %add3A_885 : i32 to vector<16xi32>
        %add3A_887 = arith.addi %iota3A_881, %add3A_886 : vector<16xi32>
        %broadcast_in_dim3A_888 = arith.constant 0 : i32
        %broadcast_in_dim3A_889 = vector.broadcast %broadcast_in_dim3A_888 : i32 to vector<16xi32>
        %gather3A_890 = tpu.vector_load_idx %arg12[%add3A_887, %broadcast_in_dim3A_889] : memref<2048x8xf32, #tpu.memory_space<vmem>>[vector<16xi32>, vector<16xi32>], vector<16xf32>,
        %iota3A_891 = tpu.iota {dimensions = array<i32: 0>} : vector<16xi32>
        %mul3A_892 = arith.constant 16 : i32
        %mul3A_893 = arith.muli %scan3A_761, %mul3A_892 : i32
        %add3A_894 = arith.constant 1024 : i32
        %add3A_895 = arith.addi %mul3A_893, %add3A_894 : i32
        %add3A_896 = vector.broadcast %add3A_895 : i32 to vector<16xi32>
        %add3A_897 = arith.addi %iota3A_891, %add3A_896 : vector<16xi32>
        %broadcast_in_dim3A_898 = arith.constant 1 : i32
        %broadcast_in_dim3A_899 = vector.broadcast %broadcast_in_dim3A_898 : i32 to vector<16xi32>
        %gather3A_900 = tpu.vector_load_idx %arg12[%add3A_897, %broadcast_in_dim3A_899] : memref<2048x8xf32, #tpu.memory_space<vmem>>[vector<16xi32>, vector<16xi32>], vector<16xf32>,
        %iota3A_901 = tpu.iota {dimensions = array<i32: 0>} : vector<16xi32>
        %mul3A_902 = arith.constant 16 : i32
        %mul3A_903 = arith.muli %scan3A_761, %mul3A_902 : i32
        %add3A_904 = arith.constant 1024 : i32
        %add3A_905 = arith.addi %mul3A_903, %add3A_904 : i32
        %add3A_906 = vector.broadcast %add3A_905 : i32 to vector<16xi32>
        %add3A_907 = arith.addi %iota3A_901, %add3A_906 : vector<16xi32>
        %broadcast_in_dim3A_908 = arith.constant 2 : i32
        %broadcast_in_dim3A_909 = vector.broadcast %broadcast_in_dim3A_908 : i32 to vector<16xi32>
        %gather3A_910 = tpu.vector_load_idx %arg12[%add3A_907, %broadcast_in_dim3A_909] : memref<2048x8xf32, #tpu.memory_space<vmem>>[vector<16xi32>, vector<16xi32>], vector<16xf32>,
        %iota3A_911 = tpu.iota {dimensions = array<i32: 0>} : vector<16xi32>
        %mul3A_912 = arith.constant 16 : i32
        %mul3A_913 = arith.muli %scan3A_761, %mul3A_912 : i32
        %add3A_914 = arith.constant 1024 : i32
        %add3A_915 = arith.addi %mul3A_913, %add3A_914 : i32
        %add3A_916 = vector.broadcast %add3A_915 : i32 to vector<16xi32>
        %add3A_917 = arith.addi %iota3A_911, %add3A_916 : vector<16xi32>
        %broadcast_in_dim3A_918 = arith.constant 3 : i32
        %broadcast_in_dim3A_919 = vector.broadcast %broadcast_in_dim3A_918 : i32 to vector<16xi32>
        %gather3A_920 = tpu.vector_load_idx %arg12[%add3A_917, %broadcast_in_dim3A_919] : memref<2048x8xf32, #tpu.memory_space<vmem>>[vector<16xi32>, vector<16xi32>], vector<16xf32>,
        %iota3A_921 = tpu.iota {dimensions = array<i32: 0>} : vector<16xi32>
        %mul3A_922 = arith.constant 16 : i32
        %mul3A_923 = arith.muli %scan3A_761, %mul3A_922 : i32
        %add3A_924 = arith.constant 1024 : i32
        %add3A_925 = arith.addi %mul3A_923, %add3A_924 : i32
        %add3A_926 = vector.broadcast %add3A_925 : i32 to vector<16xi32>
        %add3A_927 = arith.addi %iota3A_921, %add3A_926 : vector<16xi32>
        %broadcast_in_dim3A_928 = arith.constant 4 : i32
        %broadcast_in_dim3A_929 = vector.broadcast %broadcast_in_dim3A_928 : i32 to vector<16xi32>
        %gather3A_930 = tpu.vector_load_idx %arg12[%add3A_927, %broadcast_in_dim3A_929] : memref<2048x8xf32, #tpu.memory_space<vmem>>[vector<16xi32>, vector<16xi32>], vector<16xf32>,
        %iota3A_931 = tpu.iota {dimensions = array<i32: 0>} : vector<16xi32>
        %mul3A_932 = arith.constant 16 : i32
        %mul3A_933 = arith.muli %scan3A_761, %mul3A_932 : i32
        %add3A_934 = arith.constant 1024 : i32
        %add3A_935 = arith.addi %mul3A_933, %add3A_934 : i32
        %add3A_936 = vector.broadcast %add3A_935 : i32 to vector<16xi32>
        %add3A_937 = arith.addi %iota3A_931, %add3A_936 : vector<16xi32>
        %broadcast_in_dim3A_938 = arith.constant 5 : i32
        %broadcast_in_dim3A_939 = vector.broadcast %broadcast_in_dim3A_938 : i32 to vector<16xi32>
        %gather3A_940 = tpu.vector_load_idx %arg12[%add3A_937, %broadcast_in_dim3A_939] : memref<2048x8xf32, #tpu.memory_space<vmem>>[vector<16xi32>, vector<16xi32>], vector<16xf32>,
        %iota3A_941 = tpu.iota {dimensions = array<i32: 0>} : vector<16xi32>
        %mul3A_942 = arith.constant 16 : i32
        %mul3A_943 = arith.muli %scan3A_761, %mul3A_942 : i32
        %add3A_944 = arith.constant 1536 : i32
        %add3A_945 = arith.addi %mul3A_943, %add3A_944 : i32
        %add3A_946 = vector.broadcast %add3A_945 : i32 to vector<16xi32>
        %add3A_947 = arith.addi %iota3A_941, %add3A_946 : vector<16xi32>
        %broadcast_in_dim3A_948 = arith.constant 0 : i32
        %broadcast_in_dim3A_949 = vector.broadcast %broadcast_in_dim3A_948 : i32 to vector<16xi32>
        %gather3A_950 = tpu.vector_load_idx %arg12[%add3A_947, %broadcast_in_dim3A_949] : memref<2048x8xf32, #tpu.memory_space<vmem>>[vector<16xi32>, vector<16xi32>], vector<16xf32>,
        %iota3A_951 = tpu.iota {dimensions = array<i32: 0>} : vector<16xi32>
        %mul3A_952 = arith.constant 16 : i32
        %mul3A_953 = arith.muli %scan3A_761, %mul3A_952 : i32
        %add3A_954 = arith.constant 1536 : i32
        %add3A_955 = arith.addi %mul3A_953, %add3A_954 : i32
        %add3A_956 = vector.broadcast %add3A_955 : i32 to vector<16xi32>
        %add3A_957 = arith.addi %iota3A_951, %add3A_956 : vector<16xi32>
        %broadcast_in_dim3A_958 = arith.constant 1 : i32
        %broadcast_in_dim3A_959 = vector.broadcast %broadcast_in_dim3A_958 : i32 to vector<16xi32>
        %gather3A_960 = tpu.vector_load_idx %arg12[%add3A_957, %broadcast_in_dim3A_959] : memref<2048x8xf32, #tpu.memory_space<vmem>>[vector<16xi32>, vector<16xi32>], vector<16xf32>,
        %iota3A_961 = tpu.iota {dimensions = array<i32: 0>} : vector<16xi32>
        %mul3A_962 = arith.constant 16 : i32
        %mul3A_963 = arith.muli %scan3A_761, %mul3A_962 : i32
        %add3A_964 = arith.constant 1536 : i32
        %add3A_965 = arith.addi %mul3A_963, %add3A_964 : i32
        %add3A_966 = vector.broadcast %add3A_965 : i32 to vector<16xi32>
        %add3A_967 = arith.addi %iota3A_961, %add3A_966 : vector<16xi32>
        %broadcast_in_dim3A_968 = arith.constant 2 : i32
        %broadcast_in_dim3A_969 = vector.broadcast %broadcast_in_dim3A_968 : i32 to vector<16xi32>
        %gather3A_970 = tpu.vector_load_idx %arg12[%add3A_967, %broadcast_in_dim3A_969] : memref<2048x8xf32, #tpu.memory_space<vmem>>[vector<16xi32>, vector<16xi32>], vector<16xf32>,
        %iota3A_971 = tpu.iota {dimensions = array<i32: 0>} : vector<16xi32>
        %mul3A_972 = arith.constant 16 : i32
        %mul3A_973 = arith.muli %scan3A_761, %mul3A_972 : i32
        %add3A_974 = arith.constant 1536 : i32
        %add3A_975 = arith.addi %mul3A_973, %add3A_974 : i32
        %add3A_976 = vector.broadcast %add3A_975 : i32 to vector<16xi32>
        %add3A_977 = arith.addi %iota3A_971, %add3A_976 : vector<16xi32>
        %broadcast_in_dim3A_978 = arith.constant 3 : i32
        %broadcast_in_dim3A_979 = vector.broadcast %broadcast_in_dim3A_978 : i32 to vector<16xi32>
        %gather3A_980 = tpu.vector_load_idx %arg12[%add3A_977, %broadcast_in_dim3A_979] : memref<2048x8xf32, #tpu.memory_space<vmem>>[vector<16xi32>, vector<16xi32>], vector<16xf32>,
        %iota3A_981 = tpu.iota {dimensions = array<i32: 0>} : vector<16xi32>
        %mul3A_982 = arith.constant 16 : i32
        %mul3A_983 = arith.muli %scan3A_761, %mul3A_982 : i32
        %add3A_984 = arith.constant 1536 : i32
        %add3A_985 = arith.addi %mul3A_983, %add3A_984 : i32
        %add3A_986 = vector.broadcast %add3A_985 : i32 to vector<16xi32>
        %add3A_987 = arith.addi %iota3A_981, %add3A_986 : vector<16xi32>
        %broadcast_in_dim3A_988 = arith.constant 4 : i32
        %broadcast_in_dim3A_989 = vector.broadcast %broadcast_in_dim3A_988 : i32 to vector<16xi32>
        %gather3A_990 = tpu.vector_load_idx %arg12[%add3A_987, %broadcast_in_dim3A_989] : memref<2048x8xf32, #tpu.memory_space<vmem>>[vector<16xi32>, vector<16xi32>], vector<16xf32>,
        %iota3A_991 = tpu.iota {dimensions = array<i32: 0>} : vector<16xi32>
        %mul3A_992 = arith.constant 16 : i32
        %mul3A_993 = arith.muli %scan3A_761, %mul3A_992 : i32
        %add3A_994 = arith.constant 1536 : i32
        %add3A_995 = arith.addi %mul3A_993, %add3A_994 : i32
        %add3A_996 = vector.broadcast %add3A_995 : i32 to vector<16xi32>
        %add3A_997 = arith.addi %iota3A_991, %add3A_996 : vector<16xi32>
        %broadcast_in_dim3A_998 = arith.constant 5 : i32
        %broadcast_in_dim3A_999 = vector.broadcast %broadcast_in_dim3A_998 : i32 to vector<16xi32>
        %gather3A_1000 = tpu.vector_load_idx %arg12[%add3A_997, %broadcast_in_dim3A_999] : memref<2048x8xf32, #tpu.memory_space<vmem>>[vector<16xi32>, vector<16xi32>], vector<16xf32>,
        %sub3A_1001 = arith.subf %gather3A_830, %gather3A : vector<16xf32>
        %sub3A_1002 = arith.subf %gather3A_840, %gather3A_780 : vector<16xf32>
        %sub3A_1003 = arith.subf %gather3A_850, %gather3A_790 : vector<16xf32>
        %sub3A_1004 = arith.subf %gather3A_890, %gather3A : vector<16xf32>
        %sub3A_1005 = arith.subf %gather3A_900, %gather3A_780 : vector<16xf32>
        %sub3A_1006 = arith.subf %gather3A_910, %gather3A_790 : vector<16xf32>
        %sub3A_1007 = arith.subf %gather3A_950, %gather3A : vector<16xf32>
        %sub3A_1008 = arith.subf %gather3A_960, %gather3A_780 : vector<16xf32>
        %sub3A_1009 = arith.subf %gather3A_970, %gather3A_790 : vector<16xf32>
        %mul3A_1010 = arith.mulf %sub3A_1002, %sub3A_1006 : vector<16xf32>
        %mul3A_1011 = arith.mulf %sub3A_1003, %sub3A_1005 : vector<16xf32>
        %sub3A_1012 = arith.subf %mul3A_1010, %mul3A_1011 : vector<16xf32>
        %mul3A_1013 = arith.mulf %sub3A_1003, %sub3A_1004 : vector<16xf32>
        %mul3A_1014 = arith.mulf %sub3A_1001, %sub3A_1006 : vector<16xf32>
        %sub3A_1015 = arith.subf %mul3A_1013, %mul3A_1014 : vector<16xf32>
        %mul3A_1016 = arith.mulf %sub3A_1001, %sub3A_1005 : vector<16xf32>
        %mul3A_1017 = arith.mulf %sub3A_1002, %sub3A_1004 : vector<16xf32>
        %sub3A_1018 = arith.subf %mul3A_1016, %mul3A_1017 : vector<16xf32>
        %mul3A_1019 = arith.mulf %sub3A_1002, %sub3A_1009 : vector<16xf32>
        %mul3A_1020 = arith.mulf %sub3A_1003, %sub3A_1008 : vector<16xf32>
        %sub3A_1021 = arith.subf %mul3A_1019, %mul3A_1020 : vector<16xf32>
        %mul3A_1022 = arith.mulf %sub3A_1003, %sub3A_1007 : vector<16xf32>
        %mul3A_1023 = arith.mulf %sub3A_1001, %sub3A_1009 : vector<16xf32>
        %sub3A_1024 = arith.subf %mul3A_1022, %mul3A_1023 : vector<16xf32>
        %mul3A_1025 = arith.mulf %sub3A_1001, %sub3A_1008 : vector<16xf32>
        %mul3A_1026 = arith.mulf %sub3A_1002, %sub3A_1007 : vector<16xf32>
        %sub3A_1027 = arith.subf %mul3A_1025, %mul3A_1026 : vector<16xf32>
        %mul3A_1028 = arith.mulf %sub3A_1012, %sub3A_1021 : vector<16xf32>
        %mul3A_1029 = arith.mulf %sub3A_1015, %sub3A_1024 : vector<16xf32>
        %add3A_1030 = arith.addf %mul3A_1028, %mul3A_1029 : vector<16xf32>
        %mul3A_1031 = arith.mulf %sub3A_1018, %sub3A_1027 : vector<16xf32>
        %add3A_1032 = arith.addf %add3A_1030, %mul3A_1031 : vector<16xf32>
        %mul3A_1033 = arith.mulf %sub3A_1012, %sub3A_1012 : vector<16xf32>
        %mul3A_1034 = arith.mulf %sub3A_1015, %sub3A_1015 : vector<16xf32>
        %add3A_1035 = arith.addf %mul3A_1033, %mul3A_1034 : vector<16xf32>
        %mul3A_1036 = arith.mulf %sub3A_1018, %sub3A_1018 : vector<16xf32>
        %add3A_1037 = arith.addf %add3A_1035, %mul3A_1036 : vector<16xf32>
        %mul3A_1038 = arith.mulf %sub3A_1021, %sub3A_1021 : vector<16xf32>
        %mul3A_1039 = arith.mulf %sub3A_1024, %sub3A_1024 : vector<16xf32>
        %add3A_1040 = arith.addf %mul3A_1038, %mul3A_1039 : vector<16xf32>
        %mul3A_1041 = arith.mulf %sub3A_1027, %sub3A_1027 : vector<16xf32>
        %add3A_1042 = arith.addf %add3A_1040, %mul3A_1041 : vector<16xf32>
        %bitcast3A = vector.bitcast %add3A_1037 : vector<16xf32> to vector<16xi32>
        %shift_right_logical3A = arith.constant 1 : i32
        %shift_right_logical3A_1043 = vector.broadcast %shift_right_logical3A : i32 to vector<16xi32>
        %shift_right_logical3A_1044 = arith.shrui %bitcast3A, %shift_right_logical3A_1043 : vector<16xi32>
        %sub3A_1045 = arith.constant 1597463007 : i32
        %sub3A_1046 = vector.broadcast %sub3A_1045 : i32 to vector<16xi32>
        %sub3A_1047 = arith.subi %sub3A_1046, %shift_right_logical3A_1044 : vector<16xi32>
        %bitcast3A_1048 = vector.bitcast %sub3A_1047 : vector<16xi32> to vector<16xf32>
        %mul3A_1049 = arith.constant 5.000000e-01 : f32
        %mul3A_1050 = vector.broadcast %mul3A_1049 : f32 to vector<16xf32>
        %mul3A_1051 = arith.mulf %mul3A_1050, %add3A_1037 : vector<16xf32>
        %mul3A_1052 = arith.mulf %mul3A_1051, %bitcast3A_1048 : vector<16xf32>
        %mul3A_1053 = arith.mulf %mul3A_1052, %bitcast3A_1048 : vector<16xf32>
        %sub3A_1054 = arith.constant 1.500000e+00 : f32
        %sub3A_1055 = vector.broadcast %sub3A_1054 : f32 to vector<16xf32>
        %sub3A_1056 = arith.subf %sub3A_1055, %mul3A_1053 : vector<16xf32>
        %mul3A_1057 = arith.mulf %bitcast3A_1048, %sub3A_1056 : vector<16xf32>
        %mul3A_1058 = arith.constant 5.000000e-01 : f32
        %mul3A_1059 = vector.broadcast %mul3A_1058 : f32 to vector<16xf32>
        %mul3A_1060 = arith.mulf %mul3A_1059, %add3A_1037 : vector<16xf32>
        %mul3A_1061 = arith.mulf %mul3A_1060, %mul3A_1057 : vector<16xf32>
        %mul3A_1062 = arith.mulf %mul3A_1061, %mul3A_1057 : vector<16xf32>
        %sub3A_1063 = arith.constant 1.500000e+00 : f32
        %sub3A_1064 = vector.broadcast %sub3A_1063 : f32 to vector<16xf32>
        %sub3A_1065 = arith.subf %sub3A_1064, %mul3A_1062 : vector<16xf32>
        %mul3A_1066 = arith.mulf %mul3A_1057, %sub3A_1065 : vector<16xf32>
        %mul3A_1067 = arith.constant 5.000000e-01 : f32
        %mul3A_1068 = vector.broadcast %mul3A_1067 : f32 to vector<16xf32>
        %mul3A_1069 = arith.mulf %mul3A_1068, %add3A_1037 : vector<16xf32>
        %mul3A_1070 = arith.mulf %mul3A_1069, %mul3A_1066 : vector<16xf32>
        %mul3A_1071 = arith.mulf %mul3A_1070, %mul3A_1066 : vector<16xf32>
        %sub3A_1072 = arith.constant 1.500000e+00 : f32
        %sub3A_1073 = vector.broadcast %sub3A_1072 : f32 to vector<16xf32>
        %sub3A_1074 = arith.subf %sub3A_1073, %mul3A_1071 : vector<16xf32>
        %mul3A_1075 = arith.mulf %mul3A_1066, %sub3A_1074 : vector<16xf32>
        %mul3A_1076 = arith.mulf %add3A_1037, %mul3A_1075 : vector<16xf32>
        %add3A_1077 = arith.constant 9.99999993E-9 : f32
        %add3A_1078 = vector.broadcast %add3A_1077 : f32 to vector<16xf32>
        %add3A_1079 = arith.addf %mul3A_1076, %add3A_1078 : vector<16xf32>
        %bitcast3A_1080 = vector.bitcast %add3A_1042 : vector<16xf32> to vector<16xi32>
        %shift_right_logical3A_1081 = arith.constant 1 : i32
        %shift_right_logical3A_1082 = vector.broadcast %shift_right_logical3A_1081 : i32 to vector<16xi32>
        %shift_right_logical3A_1083 = arith.shrui %bitcast3A_1080, %shift_right_logical3A_1082 : vector<16xi32>
        %sub3A_1084 = arith.constant 1597463007 : i32
        %sub3A_1085 = vector.broadcast %sub3A_1084 : i32 to vector<16xi32>
        %sub3A_1086 = arith.subi %sub3A_1085, %shift_right_logical3A_1083 : vector<16xi32>
        %bitcast3A_1087 = vector.bitcast %sub3A_1086 : vector<16xi32> to vector<16xf32>
        %mul3A_1088 = arith.constant 5.000000e-01 : f32
        %mul3A_1089 = vector.broadcast %mul3A_1088 : f32 to vector<16xf32>
        %mul3A_1090 = arith.mulf %mul3A_1089, %add3A_1042 : vector<16xf32>
        %mul3A_1091 = arith.mulf %mul3A_1090, %bitcast3A_1087 : vector<16xf32>
        %mul3A_1092 = arith.mulf %mul3A_1091, %bitcast3A_1087 : vector<16xf32>
        %sub3A_1093 = arith.constant 1.500000e+00 : f32
        %sub3A_1094 = vector.broadcast %sub3A_1093 : f32 to vector<16xf32>
        %sub3A_1095 = arith.subf %sub3A_1094, %mul3A_1092 : vector<16xf32>
        %mul3A_1096 = arith.mulf %bitcast3A_1087, %sub3A_1095 : vector<16xf32>
        %mul3A_1097 = arith.constant 5.000000e-01 : f32
        %mul3A_1098 = vector.broadcast %mul3A_1097 : f32 to vector<16xf32>
        %mul3A_1099 = arith.mulf %mul3A_1098, %add3A_1042 : vector<16xf32>
        %mul3A_1100 = arith.mulf %mul3A_1099, %mul3A_1096 : vector<16xf32>
        %mul3A_1101 = arith.mulf %mul3A_1100, %mul3A_1096 : vector<16xf32>
        %sub3A_1102 = arith.constant 1.500000e+00 : f32
        %sub3A_1103 = vector.broadcast %sub3A_1102 : f32 to vector<16xf32>
        %sub3A_1104 = arith.subf %sub3A_1103, %mul3A_1101 : vector<16xf32>
        %mul3A_1105 = arith.mulf %mul3A_1096, %sub3A_1104 : vector<16xf32>
        %mul3A_1106 = arith.constant 5.000000e-01 : f32
        %mul3A_1107 = vector.broadcast %mul3A_1106 : f32 to vector<16xf32>
        %mul3A_1108 = arith.mulf %mul3A_1107, %add3A_1042 : vector<16xf32>
        %mul3A_1109 = arith.mulf %mul3A_1108, %mul3A_1105 : vector<16xf32>
        %mul3A_1110 = arith.mulf %mul3A_1109, %mul3A_1105 : vector<16xf32>
        %sub3A_1111 = arith.constant 1.500000e+00 : f32
        %sub3A_1112 = vector.broadcast %sub3A_1111 : f32 to vector<16xf32>
        %sub3A_1113 = arith.subf %sub3A_1112, %mul3A_1110 : vector<16xf32>
        %mul3A_1114 = arith.mulf %mul3A_1105, %sub3A_1113 : vector<16xf32>
        %mul3A_1115 = arith.mulf %add3A_1042, %mul3A_1114 : vector<16xf32>
        %add3A_1116 = arith.constant 9.99999993E-9 : f32
        %add3A_1117 = vector.broadcast %add3A_1116 : f32 to vector<16xf32>
        %add3A_1118 = arith.addf %mul3A_1115, %add3A_1117 : vector<16xf32>
        %mul3A_1119 = arith.mulf %add3A_1079, %add3A_1118 : vector<16xf32>
        %div3A = arith.divf %add3A_1032, %mul3A_1119 : vector<16xf32>
        %jit3A = arith.constant -0.999998986 : f32
        %jit3A_1120 = arith.constant 0.999998986 : f32
        %max3A = vector.broadcast %jit3A : f32 to vector<16xf32>
        %max3A_1121 = arith.maximumf %max3A, %div3A : vector<16xf32>
        %min3A_1122 = vector.broadcast %jit3A_1120 : f32 to vector<16xf32>
        %min3A_1123 = arith.minimumf %min3A_1122, %max3A_1121 : vector<16xf32>
        %sub3A_1124 = arith.subf %gather3A_860, %gather3A_800 : vector<16xf32>
        %sub3A_1125 = arith.subf %gather3A_870, %gather3A_810 : vector<16xf32>
        %sub3A_1126 = arith.subf %gather3A_880, %gather3A_820 : vector<16xf32>
        %sub3A_1127 = arith.subf %gather3A_920, %gather3A_800 : vector<16xf32>
        %sub3A_1128 = arith.subf %gather3A_930, %gather3A_810 : vector<16xf32>
        %sub3A_1129 = arith.subf %gather3A_940, %gather3A_820 : vector<16xf32>
        %sub3A_1130 = arith.subf %gather3A_980, %gather3A_800 : vector<16xf32>
        %sub3A_1131 = arith.subf %gather3A_990, %gather3A_810 : vector<16xf32>
        %sub3A_1132 = arith.subf %gather3A_1000, %gather3A_820 : vector<16xf32>
        %mul3A_1133 = arith.mulf %sub3A_1125, %sub3A_1129 : vector<16xf32>
        %mul3A_1134 = arith.mulf %sub3A_1126, %sub3A_1128 : vector<16xf32>
        %sub3A_1135 = arith.subf %mul3A_1133, %mul3A_1134 : vector<16xf32>
        %mul3A_1136 = arith.mulf %sub3A_1126, %sub3A_1127 : vector<16xf32>
        %mul3A_1137 = arith.mulf %sub3A_1124, %sub3A_1129 : vector<16xf32>
        %sub3A_1138 = arith.subf %mul3A_1136, %mul3A_1137 : vector<16xf32>
        %mul3A_1139 = arith.mulf %sub3A_1124, %sub3A_1128 : vector<16xf32>
        %mul3A_1140 = arith.mulf %sub3A_1125, %sub3A_1127 : vector<16xf32>
        %sub3A_1141 = arith.subf %mul3A_1139, %mul3A_1140 : vector<16xf32>
        %mul3A_1142 = arith.mulf %sub3A_1125, %sub3A_1132 : vector<16xf32>
        %mul3A_1143 = arith.mulf %sub3A_1126, %sub3A_1131 : vector<16xf32>
        %sub3A_1144 = arith.subf %mul3A_1142, %mul3A_1143 : vector<16xf32>
        %mul3A_1145 = arith.mulf %sub3A_1126, %sub3A_1130 : vector<16xf32>
        %mul3A_1146 = arith.mulf %sub3A_1124, %sub3A_1132 : vector<16xf32>
        %sub3A_1147 = arith.subf %mul3A_1145, %mul3A_1146 : vector<16xf32>
        %mul3A_1148 = arith.mulf %sub3A_1124, %sub3A_1131 : vector<16xf32>
        %mul3A_1149 = arith.mulf %sub3A_1125, %sub3A_1130 : vector<16xf32>
        %sub3A_1150 = arith.subf %mul3A_1148, %mul3A_1149 : vector<16xf32>
        %mul3A_1151 = arith.mulf %sub3A_1135, %sub3A_1144 : vector<16xf32>
        %mul3A_1152 = arith.mulf %sub3A_1138, %sub3A_1147 : vector<16xf32>
        %add3A_1153 = arith.addf %mul3A_1151, %mul3A_1152 : vector<16xf32>
        %mul3A_1154 = arith.mulf %sub3A_1141, %sub3A_1150 : vector<16xf32>
        %add3A_1155 = arith.addf %add3A_1153, %mul3A_1154 : vector<16xf32>
        %mul3A_1156 = arith.mulf %sub3A_1135, %sub3A_1135 : vector<16xf32>
        %mul3A_1157 = arith.mulf %sub3A_1138, %sub3A_1138 : vector<16xf32>
        %add3A_1158 = arith.addf %mul3A_1156, %mul3A_1157 : vector<16xf32>
        %mul3A_1159 = arith.mulf %sub3A_1141, %sub3A_1141 : vector<16xf32>
        %add3A_1160 = arith.addf %add3A_1158, %mul3A_1159 : vector<16xf32>
        %mul3A_1161 = arith.mulf %sub3A_1144, %sub3A_1144 : vector<16xf32>
        %mul3A_1162 = arith.mulf %sub3A_1147, %sub3A_1147 : vector<16xf32>
        %add3A_1163 = arith.addf %mul3A_1161, %mul3A_1162 : vector<16xf32>
        %mul3A_1164 = arith.mulf %sub3A_1150, %sub3A_1150 : vector<16xf32>
        %add3A_1165 = arith.addf %add3A_1163, %mul3A_1164 : vector<16xf32>
        %bitcast3A_1166 = vector.bitcast %add3A_1160 : vector<16xf32> to vector<16xi32>
        %shift_right_logical3A_1167 = arith.constant 1 : i32
        %shift_right_logical3A_1168 = vector.broadcast %shift_right_logical3A_1167 : i32 to vector<16xi32>
        %shift_right_logical3A_1169 = arith.shrui %bitcast3A_1166, %shift_right_logical3A_1168 : vector<16xi32>
        %sub3A_1170 = arith.constant 1597463007 : i32
        %sub3A_1171 = vector.broadcast %sub3A_1170 : i32 to vector<16xi32>
        %sub3A_1172 = arith.subi %sub3A_1171, %shift_right_logical3A_1169 : vector<16xi32>
        %bitcast3A_1173 = vector.bitcast %sub3A_1172 : vector<16xi32> to vector<16xf32>
        %mul3A_1174 = arith.constant 5.000000e-01 : f32
        %mul3A_1175 = vector.broadcast %mul3A_1174 : f32 to vector<16xf32>
        %mul3A_1176 = arith.mulf %mul3A_1175, %add3A_1160 : vector<16xf32>
        %mul3A_1177 = arith.mulf %mul3A_1176, %bitcast3A_1173 : vector<16xf32>
        %mul3A_1178 = arith.mulf %mul3A_1177, %bitcast3A_1173 : vector<16xf32>
        %sub3A_1179 = arith.constant 1.500000e+00 : f32
        %sub3A_1180 = vector.broadcast %sub3A_1179 : f32 to vector<16xf32>
        %sub3A_1181 = arith.subf %sub3A_1180, %mul3A_1178 : vector<16xf32>
        %mul3A_1182 = arith.mulf %bitcast3A_1173, %sub3A_1181 : vector<16xf32>
        %mul3A_1183 = arith.constant 5.000000e-01 : f32
        %mul3A_1184 = vector.broadcast %mul3A_1183 : f32 to vector<16xf32>
        %mul3A_1185 = arith.mulf %mul3A_1184, %add3A_1160 : vector<16xf32>
        %mul3A_1186 = arith.mulf %mul3A_1185, %mul3A_1182 : vector<16xf32>
        %mul3A_1187 = arith.mulf %mul3A_1186, %mul3A_1182 : vector<16xf32>
        %sub3A_1188 = arith.constant 1.500000e+00 : f32
        %sub3A_1189 = vector.broadcast %sub3A_1188 : f32 to vector<16xf32>
        %sub3A_1190 = arith.subf %sub3A_1189, %mul3A_1187 : vector<16xf32>
        %mul3A_1191 = arith.mulf %mul3A_1182, %sub3A_1190 : vector<16xf32>
        %mul3A_1192 = arith.constant 5.000000e-01 : f32
        %mul3A_1193 = vector.broadcast %mul3A_1192 : f32 to vector<16xf32>
        %mul3A_1194 = arith.mulf %mul3A_1193, %add3A_1160 : vector<16xf32>
        %mul3A_1195 = arith.mulf %mul3A_1194, %mul3A_1191 : vector<16xf32>
        %mul3A_1196 = arith.mulf %mul3A_1195, %mul3A_1191 : vector<16xf32>
        %sub3A_1197 = arith.constant 1.500000e+00 : f32
        %sub3A_1198 = vector.broadcast %sub3A_1197 : f32 to vector<16xf32>
        %sub3A_1199 = arith.subf %sub3A_1198, %mul3A_1196 : vector<16xf32>
        %mul3A_1200 = arith.mulf %mul3A_1191, %sub3A_1199 : vector<16xf32>
        %mul3A_1201 = arith.mulf %add3A_1160, %mul3A_1200 : vector<16xf32>
        %add3A_1202 = arith.constant 9.99999993E-9 : f32
        %add3A_1203 = vector.broadcast %add3A_1202 : f32 to vector<16xf32>
        %add3A_1204 = arith.addf %mul3A_1201, %add3A_1203 : vector<16xf32>
        %bitcast3A_1205 = vector.bitcast %add3A_1165 : vector<16xf32> to vector<16xi32>
        %shift_right_logical3A_1206 = arith.constant 1 : i32
        %shift_right_logical3A_1207 = vector.broadcast %shift_right_logical3A_1206 : i32 to vector<16xi32>
        %shift_right_logical3A_1208 = arith.shrui %bitcast3A_1205, %shift_right_logical3A_1207 : vector<16xi32>
        %sub3A_1209 = arith.constant 1597463007 : i32
        %sub3A_1210 = vector.broadcast %sub3A_1209 : i32 to vector<16xi32>
        %sub3A_1211 = arith.subi %sub3A_1210, %shift_right_logical3A_1208 : vector<16xi32>
        %bitcast3A_1212 = vector.bitcast %sub3A_1211 : vector<16xi32> to vector<16xf32>
        %mul3A_1213 = arith.constant 5.000000e-01 : f32
        %mul3A_1214 = vector.broadcast %mul3A_1213 : f32 to vector<16xf32>
        %mul3A_1215 = arith.mulf %mul3A_1214, %add3A_1165 : vector<16xf32>
        %mul3A_1216 = arith.mulf %mul3A_1215, %bitcast3A_1212 : vector<16xf32>
        %mul3A_1217 = arith.mulf %mul3A_1216, %bitcast3A_1212 : vector<16xf32>
        %sub3A_1218 = arith.constant 1.500000e+00 : f32
        %sub3A_1219 = vector.broadcast %sub3A_1218 : f32 to vector<16xf32>
        %sub3A_1220 = arith.subf %sub3A_1219, %mul3A_1217 : vector<16xf32>
        %mul3A_1221 = arith.mulf %bitcast3A_1212, %sub3A_1220 : vector<16xf32>
        %mul3A_1222 = arith.constant 5.000000e-01 : f32
        %mul3A_1223 = vector.broadcast %mul3A_1222 : f32 to vector<16xf32>
        %mul3A_1224 = arith.mulf %mul3A_1223, %add3A_1165 : vector<16xf32>
        %mul3A_1225 = arith.mulf %mul3A_1224, %mul3A_1221 : vector<16xf32>
        %mul3A_1226 = arith.mulf %mul3A_1225, %mul3A_1221 : vector<16xf32>
        %sub3A_1227 = arith.constant 1.500000e+00 : f32
        %sub3A_1228 = vector.broadcast %sub3A_1227 : f32 to vector<16xf32>
        %sub3A_1229 = arith.subf %sub3A_1228, %mul3A_1226 : vector<16xf32>
        %mul3A_1230 = arith.mulf %mul3A_1221, %sub3A_1229 : vector<16xf32>
        %mul3A_1231 = arith.constant 5.000000e-01 : f32
        %mul3A_1232 = vector.broadcast %mul3A_1231 : f32 to vector<16xf32>
        %mul3A_1233 = arith.mulf %mul3A_1232, %add3A_1165 : vector<16xf32>
        %mul3A_1234 = arith.mulf %mul3A_1233, %mul3A_1230 : vector<16xf32>
        %mul3A_1235 = arith.mulf %mul3A_1234, %mul3A_1230 : vector<16xf32>
        %sub3A_1236 = arith.constant 1.500000e+00 : f32
        %sub3A_1237 = vector.broadcast %sub3A_1236 : f32 to vector<16xf32>
        %sub3A_1238 = arith.subf %sub3A_1237, %mul3A_1235 : vector<16xf32>
        %mul3A_1239 = arith.mulf %mul3A_1230, %sub3A_1238 : vector<16xf32>
        %mul3A_1240 = arith.mulf %add3A_1165, %mul3A_1239 : vector<16xf32>
        %add3A_1241 = arith.constant 9.99999993E-9 : f32
        %add3A_1242 = vector.broadcast %add3A_1241 : f32 to vector<16xf32>
        %add3A_1243 = arith.addf %mul3A_1240, %add3A_1242 : vector<16xf32>
        %mul3A_1244 = arith.mulf %add3A_1204, %add3A_1243 : vector<16xf32>
        %div3A_1245 = arith.divf %add3A_1155, %mul3A_1244 : vector<16xf32>
        %jit3A_1246 = arith.constant -0.999998986 : f32
        %jit3A_1247 = arith.constant 0.999998986 : f32
        %max3A_1248 = vector.broadcast %jit3A_1246 : f32 to vector<16xf32>
        %max3A_1249 = arith.maximumf %max3A_1248, %div3A_1245 : vector<16xf32>
        %min3A_1250 = vector.broadcast %jit3A_1247 : f32 to vector<16xf32>
        %min3A_1251 = arith.minimumf %min3A_1250, %max3A_1249 : vector<16xf32>
        %abs3A = math.absf %min3A_1251 : vector<16xf32>
        %sub3A_1252 = arith.constant 1.000000e+00 : f32
        %sub3A_1253 = vector.broadcast %sub3A_1252 : f32 to vector<16xf32>
        %sub3A_1254 = arith.subf %sub3A_1253, %abs3A : vector<16xf32>
        %bitcast3A_1255 = vector.bitcast %sub3A_1254 : vector<16xf32> to vector<16xi32>
        %shift_right_logical3A_1256 = arith.constant 1 : i32
        %shift_right_logical3A_1257 = vector.broadcast %shift_right_logical3A_1256 : i32 to vector<16xi32>
        %shift_right_logical3A_1258 = arith.shrui %bitcast3A_1255, %shift_right_logical3A_1257 : vector<16xi32>
        %sub3A_1259 = arith.constant 1597463007 : i32
        %sub3A_1260 = vector.broadcast %sub3A_1259 : i32 to vector<16xi32>
        %sub3A_1261 = arith.subi %sub3A_1260, %shift_right_logical3A_1258 : vector<16xi32>
        %bitcast3A_1262 = vector.bitcast %sub3A_1261 : vector<16xi32> to vector<16xf32>
        %mul3A_1263 = arith.constant 5.000000e-01 : f32
        %mul3A_1264 = vector.broadcast %mul3A_1263 : f32 to vector<16xf32>
        %mul3A_1265 = arith.mulf %mul3A_1264, %sub3A_1254 : vector<16xf32>
        %mul3A_1266 = arith.mulf %mul3A_1265, %bitcast3A_1262 : vector<16xf32>
        %mul3A_1267 = arith.mulf %mul3A_1266, %bitcast3A_1262 : vector<16xf32>
        %sub3A_1268 = arith.constant 1.500000e+00 : f32
        %sub3A_1269 = vector.broadcast %sub3A_1268 : f32 to vector<16xf32>
        %sub3A_1270 = arith.subf %sub3A_1269, %mul3A_1267 : vector<16xf32>
        %mul3A_1271 = arith.mulf %bitcast3A_1262, %sub3A_1270 : vector<16xf32>
        %mul3A_1272 = arith.constant 5.000000e-01 : f32
        %mul3A_1273 = vector.broadcast %mul3A_1272 : f32 to vector<16xf32>
        %mul3A_1274 = arith.mulf %mul3A_1273, %sub3A_1254 : vector<16xf32>
        %mul3A_1275 = arith.mulf %mul3A_1274, %mul3A_1271 : vector<16xf32>
        %mul3A_1276 = arith.mulf %mul3A_1275, %mul3A_1271 : vector<16xf32>
        %sub3A_1277 = arith.constant 1.500000e+00 : f32
        %sub3A_1278 = vector.broadcast %sub3A_1277 : f32 to vector<16xf32>
        %sub3A_1279 = arith.subf %sub3A_1278, %mul3A_1276 : vector<16xf32>
        %mul3A_1280 = arith.mulf %mul3A_1271, %sub3A_1279 : vector<16xf32>
        %mul3A_1281 = arith.constant 5.000000e-01 : f32
        %mul3A_1282 = vector.broadcast %mul3A_1281 : f32 to vector<16xf32>
        %mul3A_1283 = arith.mulf %mul3A_1282, %sub3A_1254 : vector<16xf32>
        %mul3A_1284 = arith.mulf %mul3A_1283, %mul3A_1280 : vector<16xf32>
        %mul3A_1285 = arith.mulf %mul3A_1284, %mul3A_1280 : vector<16xf32>
        %sub3A_1286 = arith.constant 1.500000e+00 : f32
        %sub3A_1287 = vector.broadcast %sub3A_1286 : f32 to vector<16xf32>
        %sub3A_1288 = arith.subf %sub3A_1287, %mul3A_1285 : vector<16xf32>
        %mul3A_1289 = arith.mulf %mul3A_1280, %sub3A_1288 : vector<16xf32>
        %mul3A_1290 = arith.mulf %sub3A_1254, %mul3A_1289 : vector<16xf32>
        %broadcast_in_dim3A_1291 = arith.constant -0.0012624911 : f32
        %broadcast_in_dim3A_1292 = vector.broadcast %broadcast_in_dim3A_1291 : f32 to vector<16xf32>
        %mul3A_1293 = arith.mulf %broadcast_in_dim3A_1292, %abs3A : vector<16xf32>
        %add3A_1294 = arith.constant 6.670090e-03 : f32
        %add3A_1295 = vector.broadcast %add3A_1294 : f32 to vector<16xf32>
        %add3A_1296 = arith.addf %mul3A_1293, %add3A_1295 : vector<16xf32>
        %mul3A_1297 = arith.mulf %add3A_1296, %abs3A : vector<16xf32>
        %add3A_1298 = arith.constant -0.0170881264 : f32
        %add3A_1299 = vector.broadcast %add3A_1298 : f32 to vector<16xf32>
        %add3A_1300 = arith.addf %mul3A_1297, %add3A_1299 : vector<16xf32>
        %mul3A_1301 = arith.mulf %add3A_1300, %abs3A : vector<16xf32>
        %add3A_1302 = arith.constant 0.0308918804 : f32
        %add3A_1303 = vector.broadcast %add3A_1302 : f32 to vector<16xf32>
        %add3A_1304 = arith.addf %mul3A_1301, %add3A_1303 : vector<16xf32>
        %mul3A_1305 = arith.mulf %add3A_1304, %abs3A : vector<16xf32>
        %add3A_1306 = arith.constant -0.0501743034 : f32
        %add3A_1307 = vector.broadcast %add3A_1306 : f32 to vector<16xf32>
        %add3A_1308 = arith.addf %mul3A_1305, %add3A_1307 : vector<16xf32>
        %mul3A_1309 = arith.mulf %add3A_1308, %abs3A : vector<16xf32>
        %add3A_1310 = arith.constant 0.0889789909 : f32
        %add3A_1311 = vector.broadcast %add3A_1310 : f32 to vector<16xf32>
        %add3A_1312 = arith.addf %mul3A_1309, %add3A_1311 : vector<16xf32>
        %mul3A_1313 = arith.mulf %add3A_1312, %abs3A : vector<16xf32>
        %add3A_1314 = arith.constant -0.214598805 : f32
        %add3A_1315 = vector.broadcast %add3A_1314 : f32 to vector<16xf32>
        %add3A_1316 = arith.addf %mul3A_1313, %add3A_1315 : vector<16xf32>
        %mul3A_1317 = arith.mulf %add3A_1316, %abs3A : vector<16xf32>
        %add3A_1318 = arith.constant 1.57079625 : f32
        %add3A_1319 = vector.broadcast %add3A_1318 : f32 to vector<16xf32>
        %add3A_1320 = arith.addf %mul3A_1317, %add3A_1319 : vector<16xf32>
        %mul3A_1321 = arith.mulf %mul3A_1290, %add3A_1320 : vector<16xf32>
        %ge3A = arith.constant 0.000000e+00 : f32
        %ge3A_1322 = vector.broadcast %ge3A : f32 to vector<16xf32>
        %ge3A_1323 = arith.cmpf oge, %min3A_1251, %ge3A_1322 : vector<16xf32>
        %sub3A_1324 = arith.constant 3.14159274 : f32
        %sub3A_1325 = vector.broadcast %sub3A_1324 : f32 to vector<16xf32>
        %sub3A_1326 = arith.subf %sub3A_1325, %mul3A_1321 : vector<16xf32>
        %select_n3A = arith.select %ge3A_1323, %mul3A_1321, %sub3A_1326 : vector<16xi1>, vector<16xf32>
        %abs3A_1327 = math.absf %min3A_1123 : vector<16xf32>
        %sub3A_1328 = arith.constant 1.000000e+00 : f32
        %sub3A_1329 = vector.broadcast %sub3A_1328 : f32 to vector<16xf32>
        %sub3A_1330 = arith.subf %sub3A_1329, %abs3A_1327 : vector<16xf32>
        %bitcast3A_1331 = vector.bitcast %sub3A_1330 : vector<16xf32> to vector<16xi32>
        %shift_right_logical3A_1332 = arith.constant 1 : i32
        %shift_right_logical3A_1333 = vector.broadcast %shift_right_logical3A_1332 : i32 to vector<16xi32>
        %shift_right_logical3A_1334 = arith.shrui %bitcast3A_1331, %shift_right_logical3A_1333 : vector<16xi32>
        %sub3A_1335 = arith.constant 1597463007 : i32
        %sub3A_1336 = vector.broadcast %sub3A_1335 : i32 to vector<16xi32>
        %sub3A_1337 = arith.subi %sub3A_1336, %shift_right_logical3A_1334 : vector<16xi32>
        %bitcast3A_1338 = vector.bitcast %sub3A_1337 : vector<16xi32> to vector<16xf32>
        %mul3A_1339 = arith.constant 5.000000e-01 : f32
        %mul3A_1340 = vector.broadcast %mul3A_1339 : f32 to vector<16xf32>
        %mul3A_1341 = arith.mulf %mul3A_1340, %sub3A_1330 : vector<16xf32>
        %mul3A_1342 = arith.mulf %mul3A_1341, %bitcast3A_1338 : vector<16xf32>
        %mul3A_1343 = arith.mulf %mul3A_1342, %bitcast3A_1338 : vector<16xf32>
        %sub3A_1344 = arith.constant 1.500000e+00 : f32
        %sub3A_1345 = vector.broadcast %sub3A_1344 : f32 to vector<16xf32>
        %sub3A_1346 = arith.subf %sub3A_1345, %mul3A_1343 : vector<16xf32>
        %mul3A_1347 = arith.mulf %bitcast3A_1338, %sub3A_1346 : vector<16xf32>
        %mul3A_1348 = arith.constant 5.000000e-01 : f32
        %mul3A_1349 = vector.broadcast %mul3A_1348 : f32 to vector<16xf32>
        %mul3A_1350 = arith.mulf %mul3A_1349, %sub3A_1330 : vector<16xf32>
        %mul3A_1351 = arith.mulf %mul3A_1350, %mul3A_1347 : vector<16xf32>
        %mul3A_1352 = arith.mulf %mul3A_1351, %mul3A_1347 : vector<16xf32>
        %sub3A_1353 = arith.constant 1.500000e+00 : f32
        %sub3A_1354 = vector.broadcast %sub3A_1353 : f32 to vector<16xf32>
        %sub3A_1355 = arith.subf %sub3A_1354, %mul3A_1352 : vector<16xf32>
        %mul3A_1356 = arith.mulf %mul3A_1347, %sub3A_1355 : vector<16xf32>
        %mul3A_1357 = arith.constant 5.000000e-01 : f32
        %mul3A_1358 = vector.broadcast %mul3A_1357 : f32 to vector<16xf32>
        %mul3A_1359 = arith.mulf %mul3A_1358, %sub3A_1330 : vector<16xf32>
        %mul3A_1360 = arith.mulf %mul3A_1359, %mul3A_1356 : vector<16xf32>
        %mul3A_1361 = arith.mulf %mul3A_1360, %mul3A_1356 : vector<16xf32>
        %sub3A_1362 = arith.constant 1.500000e+00 : f32
        %sub3A_1363 = vector.broadcast %sub3A_1362 : f32 to vector<16xf32>
        %sub3A_1364 = arith.subf %sub3A_1363, %mul3A_1361 : vector<16xf32>
        %mul3A_1365 = arith.mulf %mul3A_1356, %sub3A_1364 : vector<16xf32>
        %mul3A_1366 = arith.mulf %sub3A_1330, %mul3A_1365 : vector<16xf32>
        %broadcast_in_dim3A_1367 = arith.constant -0.0012624911 : f32
        %broadcast_in_dim3A_1368 = vector.broadcast %broadcast_in_dim3A_1367 : f32 to vector<16xf32>
        %mul3A_1369 = arith.mulf %broadcast_in_dim3A_1368, %abs3A_1327 : vector<16xf32>
        %add3A_1370 = arith.constant 6.670090e-03 : f32
        %add3A_1371 = vector.broadcast %add3A_1370 : f32 to vector<16xf32>
        %add3A_1372 = arith.addf %mul3A_1369, %add3A_1371 : vector<16xf32>
        %mul3A_1373 = arith.mulf %add3A_1372, %abs3A_1327 : vector<16xf32>
        %add3A_1374 = arith.constant -0.0170881264 : f32
        %add3A_1375 = vector.broadcast %add3A_1374 : f32 to vector<16xf32>
        %add3A_1376 = arith.addf %mul3A_1373, %add3A_1375 : vector<16xf32>
        %mul3A_1377 = arith.mulf %add3A_1376, %abs3A_1327 : vector<16xf32>
        %add3A_1378 = arith.constant 0.0308918804 : f32
        %add3A_1379 = vector.broadcast %add3A_1378 : f32 to vector<16xf32>
        %add3A_1380 = arith.addf %mul3A_1377, %add3A_1379 : vector<16xf32>
        %mul3A_1381 = arith.mulf %add3A_1380, %abs3A_1327 : vector<16xf32>
        %add3A_1382 = arith.constant -0.0501743034 : f32
        %add3A_1383 = vector.broadcast %add3A_1382 : f32 to vector<16xf32>
        %add3A_1384 = arith.addf %mul3A_1381, %add3A_1383 : vector<16xf32>
        %mul3A_1385 = arith.mulf %add3A_1384, %abs3A_1327 : vector<16xf32>
        %add3A_1386 = arith.constant 0.0889789909 : f32
        %add3A_1387 = vector.broadcast %add3A_1386 : f32 to vector<16xf32>
        %add3A_1388 = arith.addf %mul3A_1385, %add3A_1387 : vector<16xf32>
        %mul3A_1389 = arith.mulf %add3A_1388, %abs3A_1327 : vector<16xf32>
        %add3A_1390 = arith.constant -0.214598805 : f32
        %add3A_1391 = vector.broadcast %add3A_1390 : f32 to vector<16xf32>
        %add3A_1392 = arith.addf %mul3A_1389, %add3A_1391 : vector<16xf32>
        %mul3A_1393 = arith.mulf %add3A_1392, %abs3A_1327 : vector<16xf32>
        %add3A_1394 = arith.constant 1.57079625 : f32
        %add3A_1395 = vector.broadcast %add3A_1394 : f32 to vector<16xf32>
        %add3A_1396 = arith.addf %mul3A_1393, %add3A_1395 : vector<16xf32>
        %mul3A_1397 = arith.mulf %mul3A_1366, %add3A_1396 : vector<16xf32>
        %ge3A_1398 = arith.constant 0.000000e+00 : f32
        %ge3A_1399 = vector.broadcast %ge3A_1398 : f32 to vector<16xf32>
        %ge3A_1400 = arith.cmpf oge, %min3A_1123, %ge3A_1399 : vector<16xf32>
        %sub3A_1401 = arith.constant 3.14159274 : f32
        %sub3A_1402 = vector.broadcast %sub3A_1401 : f32 to vector<16xf32>
        %sub3A_1403 = arith.subf %sub3A_1402, %mul3A_1397 : vector<16xf32>
        %select_n3A_1404 = arith.select %ge3A_1400, %mul3A_1397, %sub3A_1403 : vector<16xi1>, vector<16xf32>
        %sub3A_1405 = arith.subf %select_n3A, %select_n3A_1404 : vector<16xf32>
        %iota3A_1406 = tpu.iota {dimensions = array<i32: 0>} : vector<16xi32>
        %mul3A_1407 = arith.constant 16 : i32
        %mul3A_1408 = arith.muli %scan3A_761, %mul3A_1407 : i32
        %add3A_1409 = vector.broadcast %mul3A_1408 : i32 to vector<16xi32>
        %add3A_1410 = arith.addi %iota3A_1406, %add3A_1409 : vector<16xi32>
        %add3A_1411 = vector.broadcast %sub3A_754 : i32 to vector<16xi32>
        %add3A_1412 = arith.addi %add3A_1410, %add3A_1411 : vector<16xi32>
        %ge3A_1413 = arith.constant 0 : i32
        %ge3A_1414 = vector.broadcast %ge3A_1413 : i32 to vector<16xi32>
        %ge3A_1415 = arith.cmpi sge, %add3A_1412, %ge3A_1414 : vector<16xi32>
        %jit3A_1416 = arith.constant 0.000000e+00 : f32
        %broadcast_in_dim3A_1417 = vector.broadcast %jit3A_1416 : f32 to vector<16xf32>
        %select_n3A_1418 = arith.select %ge3A_1415, %sub3A_1405, %broadcast_in_dim3A_1417 : vector<16xi1>, vector<16xf32>
        %mul3A_1419 = arith.mulf %select_n3A_1418, %select_n3A_1418 : vector<16xf32>
        %add3A_1420 = arith.addf %scan3A_762, %mul3A_1419 : vector<16xf32>
        scf.yield %add3A_1420 : vector<16xf32>
      }
      %scan3A_760 = arith.constant 32 : i32
      scf.yield %scan3A_759 : vector<16xf32>
    }
    %scan3A_200 = arith.constant 37 : i32
    %swap3A = arith.constant 0 : index
    %swap3A_201 = tpu.vector_load %arg15[%swap3A] {strides = array<i32>} : memref<16xf32, #tpu.memory_space<vmem>>, vector<16xf32>,
    tpu.vector_store %arg15[%swap3A], %scan3A_199 {strides = array<i32>} : memref<16xf32, #tpu.memory_space<vmem>>, vector<16xf32>,
    "tpu.region"() ({
      %run_scoped3A = tpu.sem_alloc : memref<!tpu.dma_semaphore, #tpu.memory_space<semaphore_mem>>
      %dma_start3A_202 = arith.constant 0 : i32
      %dma_start3A_203 = tpu.memref_slice %arg5[%add3A, %dma_start3A_202] : memref<32x16xf32, #tpu.memory_space<hbm>> -> memref<1x16xf32, #tpu.memory_space<hbm>>
      %dma_start3A_204 = tpu.memref_squeeze %dma_start3A_203 : memref<1x16xf32, #tpu.memory_space<hbm>> -> memref<16xf32, #tpu.memory_space<hbm>>
      %dma_start3A_205 = arith.constant 0 : i32
      %dma_start3A_206 = tpu.memref_slice %arg5[%add3A, %dma_start3A_205] : memref<32x16xf32, #tpu.memory_space<hbm>> -> memref<1x16xf32, #tpu.memory_space<hbm>>
      %dma_start3A_207 = tpu.memref_squeeze %dma_start3A_206 : memref<1x16xf32, #tpu.memory_space<hbm>> -> memref<16xf32, #tpu.memory_space<hbm>>
      tpu.enqueue_dma source(%arg15 : memref<16xf32, #tpu.memory_space<vmem>>) target(%dma_start3A_207 : memref<16xf32, #tpu.memory_space<hbm>>) target_semaphore(%run_scoped3A : memref<!tpu.dma_semaphore, #tpu.memory_space<semaphore_mem>>)
      %dma_wait3A = arith.constant 0 : i32
      %dma_wait3A_208 = tpu.memref_slice %arg5[%add3A, %dma_wait3A] : memref<32x16xf32, #tpu.memory_space<hbm>> -> memref<1x16xf32, #tpu.memory_space<hbm>>
      %dma_wait3A_209 = tpu.memref_squeeze %dma_wait3A_208 : memref<1x16xf32, #tpu.memory_space<hbm>> -> memref<16xf32, #tpu.memory_space<hbm>>
      %dma_wait3A_210 = arith.constant 0 : i32
      %dma_wait3A_211 = tpu.memref_slice %arg5[%add3A, %dma_wait3A_210] : memref<32x16xf32, #tpu.memory_space<hbm>> -> memref<1x16xf32, #tpu.memory_space<hbm>>
      %dma_wait3A_212 = tpu.memref_squeeze %dma_wait3A_211 : memref<1x16xf32, #tpu.memory_space<hbm>> -> memref<16xf32, #tpu.memory_space<hbm>>
      tpu.wait_dma2 semaphore(%run_scoped3A : memref<!tpu.dma_semaphore, #tpu.memory_space<semaphore_mem>>) src(%arg15 : memref<16xf32, #tpu.memory_space<vmem>>) dst(%dma_wait3A_212 : memref<16xf32, #tpu.memory_space<hbm>>)
      tpu.yield
    }) : () -> ()
    return
  }
}

module attributes {stable_mosaic.version = 14 : i64} {
  func.func @body(%arg0: memref<32x16xf32, #tpu.memory_space<vmem>>, %arg1: memref<1x1xf32, #tpu.memory_space<smem>>) attributes {dimension_semantics = [], scalar_prefetch = 0 : i64, scratch_operands = 0 : i64, tpu.core_type = #tpu.core_type<tc>} {
    %get3A = arith.constant 0 : index
    %get3A_0 = arith.constant 0 : index
    %get3A_1 = vector.load %arg0[%get3A, %get3A_0] : memref<32x16xf32, #tpu.memory_space<vmem>>, vector<32x16xf32>
    %reduce_sum3A = vector.shape_cast %get3A_1 : vector<32x16xf32> to vector<1x32x16xf32>
    %reduce_sum3A_2 = arith.constant dense<0.000000e+00> : vector<1xf32>
    %reduce_sum3A_3 = vector.multi_reduction <add>, %reduce_sum3A, %reduce_sum3A_2 [1, 2] : vector<1x32x16xf32> to vector<1xf32>
    %reduce_sum3A_4 = vector.shape_cast %reduce_sum3A_3 : vector<1xf32> to vector<1x1x1xf32>
    %reduce_sum3A_5 = vector.extract %reduce_sum3A_4[0, 0, 0] : f32 from vector<1x1x1xf32>
    %mul3A = arith.constant 8.33333331E-7 : f32
    %mul3A_6 = arith.mulf %reduce_sum3A_5, %mul3A : f32
    %swap3A = arith.constant 0 : index
    %swap3A_7 = arith.constant 0 : index
    %swap3A_8 = memref.load %arg1[%swap3A, %swap3A_7] : memref<1x1xf32, #tpu.memory_space<smem>>
    memref.store %mul3A_6, %arg1[%swap3A, %swap3A_7] : memref<1x1xf32, #tpu.memory_space<smem>>
    return
  }
}

</mosaic_0001>

<sc_bundles>
// kernel: kernel.4.cloned.1.call-start
scs
__scs_entry_jumppad:
0x0: {  	(pc) =	sbr.rel $0x88, $3  }
0x1: {  	(tag) =	ssettag $0x0;
	lr =	simm.s32 $0x1  }
0x2: {  	[smem:$0x3F9E] =	sst lr;
	_ =	strace $0xD0000000  }
0x3: {  	_ = 	snop  }
0x4: {  	_ = 	snop  }
0x5: {  	_ = 	snop  }
0x6: {  	_ = 	snop  }
0x7: {  	_ = 	snop  }
__scs_overlays_trampoline_lowered:
0x8: {  	[smem:$0x3FAD] =	sst s0  }
0x9: {  	[smem:$0x3FAE] =	sst s1  }
0xa: {  	[smem:$0x3FAF] =	sst s2  }
0xb: {  	[smem:$0x3FB0] =	sst s3  }
0xc: {  	[smem:$0x3FB1] =	sst s4  }
0xd: {  	[smem:$0x3FB2] =	sst s5  }
0xe: {  	[smem:$0x3FB3] =	sst s6  }
0xf: {  	[smem:$0x3FB4] =	sst s7  }
0x10: {  	[smem:$0x3FB5] =	sst s8  }
0x11: {  	[smem:$0x3FB6] =	sst s9;
	s0 =	simm.s32 @!p0 $0x0  }
0x12: {  	s1 =	sld [smem:$0x3F9C];
	s0 =	simm.s32 @p0 $0x1  }
0x13: {  	[smem:$0x3FB7] =	sst s0;
	s0 =	simm.s32 @!p1 $0x0  }
0x14: {  	s2 =	sld [smem:$0x3F9B];
	s0 =	simm.s32 @p1 $0x1  }
0x15: {  	[smem:$0x3FB8] =	sst s0;
	s0 =	simm.s32 @!p2 $0x0  }
0x16: {  	s3 =	sld [smem:$0x3FDB];
	s0 =	simm.s32 @p2 $0x1  }
0x17: {  	s4 =	simm.s32 $0x1BF5;
	[smem:$0x3FBA] =	sst s0  }
0x18: {  	s0 =	sld [smem:$0x3F9D];
	_ =	swait.ge [sflag:s4], $0x0  }
0x19: {  	s7 =	sld [smem:$0x3F9E]  }
0x1a: {  	s8 =	sadd.s32 $0xFFFFE003, lr  }
0x1b: {  	s9 =	sadd.s32 $0xFFFFFEF7, lr;
	s5 =	simm.s32 $0xFFFFFFFF;
	p2 =	slt.u32 s8, $0xFFFFF086  }
0x1c: {  	p1 =	slt.u32 s9, $0xF7A;
	s5 =	simm.s32 @!p2 $0x0  }
0x1d: {  	s5 =	simm.s32 @p1 $0x1;
	p0 =	seq.s32 s7, s2  }
0x1e: {  	s7 =	smul.u32 @!p0 $0xF7A, s2;
	p2 =	seq.s32 @!p0 s5, $0x0  }
0x1f: {  	s9 =	smul.u32 $0xF7A, s1;
	s8 =	simm.s32 @!p0 $0x1BF5;
	p2 =	por !p2, p0  }
0x20: {  	[sflag:s8] =	ssyncset.s32 @!p0 $0xFFFFF086;
	s6 =	sadd.s32 @!p0 s3, s7;
	s7 =	simm.s32 @!p0 $0x108  }
0x21: {  	s3 =	sadd.s32 s3, s9;
	s6 =	sadd.s32 @!p0 $0x88, s6;
	s7 =	simm.s32 @p2 $0x1082  }
0x22: {  	[simem:s7], [sflag:s8] =	dma.local @!p0 [hbm:s6], $0xF7A  }
0x23: {  	s9 =	sor.u32 $0xD0000000, s2;
	s6 =	simm.s32 $0x108;
	_ =	swait.ge @!p0 [sflag:s8], $0x0  }
0x24: {  	s3 =	sadd.s32 $0x88, s3;
	s6 =	simm.s32 @!p1 $0x1082;
	[sflag:s4] =	ssyncset.s32 $0xFFFFF086  }
0x25: {  	[simem:s6], [sflag:s4] =	dma.local [hbm:s3], $0xF7A  }
0x26: {  	[smem:$0x3F9E] =	sst s1;
	(tag) =	ssettag s2;
	_ =	strace s9  }
0x27: {  	s1 =	sld [smem:$0x3FAE]  }
0x28: {  	s2 =	sld [smem:$0x3FAF]  }
0x29: {  	s4 =	sld [smem:$0x3FB1]  }
0x2a: {  	p0 =	seq.s32 s5, $0x0;
	s5 =	sld [smem:$0x3FB2]  }
0x2b: {  	s6 =	sld [smem:$0x3FB3]  }
0x2c: {  	s7 =	sld [smem:$0x3FB4]  }
0x2d: {  	s3 =	simm.s32 $0x108;
	s8 =	sld [smem:$0x3FB5]  }
0x2e: {  	s3 =	simm.s32 @!p0 $0x1082;
	s9 =	sld [smem:$0x3FB6]  }
0x2f: {  	lr =	sadd.s32 s0, s3;
	s0 =	sld [smem:$0x3FAD]  }
0x30: {  	s3 =	sld [smem:$0x3FB0]  }
0x31: {  	[smem:$0x3FB9] =	sst s10  }
0x32: {  	s10 =	sld [smem:$0x3FB7];
	_ =	sdelay $0x3  }
0x33: {  	p0 =	seq.s32 s10, $0x1;
	s10 =	sld [smem:$0x3FB9];
	_ =	sdelay $0x3  }
0x34: {  	[smem:$0x3FB9] =	sst s10  }
0x35: {  	s10 =	sld [smem:$0x3FB8];
	_ =	sdelay $0x3  }
0x36: {  	p1 =	seq.s32 s10, $0x1;
	s10 =	sld [smem:$0x3FB9];
	_ =	sdelay $0x3  }
0x37: {  	[smem:$0x3FB9] =	sst s10  }
0x38: {  	s10 =	sld [smem:$0x3FBA]  }
0x39: {  	_ = 	snop;
	(pc) =	sbr.ind lr, $3  }
0x3a: {  	_ = 	snop  }
0x3b: {  	_ = 	snop  }
0x3c: {  	p2 =	seq.s32 s10, $0x1;
	s10 =	sld [smem:$0x3FB9]  }
0x3d: {  	_ =	shalt  }
0x3e: {  	_ =	shalt  }
0x3f: {  	_ =	shalt  }
0x40: {  	_ =	shalt  }
0x41: {  	_ =	shalt  }
0x42: {  	_ =	shalt  }
0x43: {  	_ =	shalt  }
0x44: {  	_ =	shalt  }
0x45: {  	_ =	shalt  }
0x46: {  	_ =	shalt  }
0x47: {  	_ =	shalt  }
0x48: {  	_ =	shalt  }
0x49: {  	_ =	shalt  }
0x4a: {  	_ =	shalt  }
0x4b: {  	_ =	shalt  }
0x4c: {  	_ =	shalt  }
0x4d: {  	_ =	shalt  }
0x4e: {  	_ =	shalt  }
0x4f: {  	_ =	shalt  }
0x50: {  	_ =	shalt  }
0x51: {  	_ =	shalt  }
0x52: {  	_ =	shalt  }
0x53: {  	_ =	shalt  }
0x54: {  	_ =	shalt  }
0x55: {  	_ =	shalt  }
0x56: {  	_ =	shalt  }
0x57: {  	_ =	shalt  }
0x58: {  	_ =	shalt  }
0x59: {  	_ =	shalt  }
0x5a: {  	_ =	shalt  }
0x5b: {  	_ =	shalt  }
0x5c: {  	_ =	shalt  }
0x5d: {  	_ =	shalt  }
0x5e: {  	_ =	shalt  }
0x5f: {  	_ =	shalt  }
0x60: {  	_ =	shalt  }
0x61: {  	_ =	shalt  }
0x62: {  	_ =	shalt  }
0x63: {  	_ =	shalt  }
0x64: {  	_ =	shalt  }
0x65: {  	_ =	shalt  }
0x66: {  	_ =	shalt  }
0x67: {  	_ =	shalt  }
0x68: {  	_ =	shalt  }
0x69: {  	_ =	shalt  }
0x6a: {  	_ =	shalt  }
0x6b: {  	_ =	shalt  }
0x6c: {  	_ =	shalt  }
0x6d: {  	_ =	shalt  }
0x6e: {  	_ =	shalt  }
0x6f: {  	_ =	shalt  }
0x70: {  	_ =	shalt  }
0x71: {  	_ =	shalt  }
0x72: {  	_ =	shalt  }
0x73: {  	_ =	shalt  }
0x74: {  	_ =	shalt  }
0x75: {  	_ =	shalt  }
0x76: {  	_ =	shalt  }
0x77: {  	_ =	shalt  }
0x78: {  	_ =	shalt  }
0x79: {  	_ =	shalt  }
0x7a: {  	_ =	shalt  }
0x7b: {  	_ =	shalt  }
0x7c: {  	_ =	shalt  }
0x7d: {  	_ =	shalt  }
0x7e: {  	_ =	shalt  }
0x7f: {  	_ =	shalt  }
0x80: {  	_ =	shalt  }
0x81: {  	_ =	shalt  }
0x82: {  	_ =	shalt  }
0x83: {  	_ =	shalt  }
0x84: {  	_ =	shalt  }
0x85: {  	_ =	shalt  }
0x86: {  	_ =	shalt  }
0x87: {  	_ =	shalt  }
.Lfunc_end0:
.L_simem_size_0:
called_computation_lowered:
.L_overlay_start_0:
0x88: {  	s2 =	sld [smem:$0x3FD9]  }
0x89: {  	s3 =	sld [smem:$0x3FFE];
	_ =	sdelay $0x1  }
0x8a: {  	s1 =	srdreg.scid  }
0x8b: {  	s0 =	sand.u32 $0x1, s1  }
0x8c: {  	s17 =	sshll.u32 s0, $0xA;
	s2 =	sadd.s32 s3, s2  }
0x8d: {  	s3 =	sadd.s32 s2, s17  }
0x8e: {  	[smem:$0x3FC5] =	sst s3  }
0x8f: {  	_ = 	snop  }
0x90: {  	(tm) =	ssettm $0x1  }
0x91: {  	s18 =	sld [smem:$0x3FFB];
	_ =	sdelay $0x3  }
0x92: {  	_ =	strace s18  }
0x93: {  	s3 =	sld [smem:$0x3FFC];
	_ =	sdelay $0x3  }
0x94: {  	_ =	strace s3  }
0x95: {  	s3 =	sld [smem:$0x3FFD];
	_ =	sdelay $0x3  }
0x96: {  	_ =	strace s3  }
0x97: {  	_ =	strace $0x8FFFFFFF  }
0x98: {  	s19 =	sld [smem:$0x3FDB];
	_ =	sdelay $0x1  }
0x99: {  	s4 =	simm.s32 $_scs_section_size  }
0x9a: {  	s5 =	simm.s32 $_size__tile_overlayer_lowered;
	s6 =	simm.s32 $_tile_overlayer_lowered  }
0x9b: {  	s22 =	simm.s32 $0x1BFF;
	s21 =	sshll.u32 s6, $0x1;
	s3 =	sadd.s32 s4, s19  }
0x9c: {  	s7 =	simm.s32 $0x0;
	s20 =	sshll.u32 s5, $0x1;
	s5 =	sadd.s32 s21, s3  }
0x9d: {  	[timem:s7], [sflag:s22] =	dma.local [hbm:s5], s20  }
0x9e: {  	_ =	swait.ge [sflag:s22], s20  }
0x9f: {  	s4 =	ssub.s32 $0x0, s20;
	[sflag:s22] =	ssyncset.done $0x0  }
0xa0: {  	[sflag:s22] =	ssyncadd.s32 s4;
	_ =	sdelay $0x1  }
0xa1: {  	s23 =	simm.s32 $0x1B8B  }
0xa2: {  	_ =	swait.ge [sflag:s23], $0x1  }
0xa3: {  	[sflag:s23] =	ssyncset.done $0x0  }
0xa4: {  	s25 =	simm.s32 $0x1B8E;
	s24 =	sld [smem:$0x3FFE];
	[sflag:s23] =	ssyncadd.s32 $0xFFFFFFFF  }
0xa5: {  	s26 =	simm.s32 $execute0_lowered;
	[smem:$0x3FD2] =	sst s25  }
0xa6: {  	s5 =	sshll.u32 s26, $0x1;
	_ =	strace $0x80000046;
	[dreg:$0x1] =	wrdreg $0xFFFFFFFF  }
0xa7: {  	s28 =	simm.s32 $_size_execute0_lowered;
	s3 =	sadd.s32 s3, s5;
	[dreg:$0x0] =	wrdreg $0x0  }
0xa8: {  	s5 =	sshll.u32 s28, $0x1;
	[dreg:$0x2] =	wrdreg s3  }
0xa9: {  	[dreg:$0x3] =	wrdreg s5  }
0xaa: {  	[dreg:$0x4] =	wrdreg $0xC0  }
0xab: {  	_ =	task [dreg:s7], $0x5FFFF  }
0xac: {  	[dreg:$0x1] =	wrdreg $0xFFFFFFFF  }
0xad: {  	[dreg:$0x0] =	wrdreg $0x60  }
0xae: {  	s2 =	sadd.s32 $0x800, s2;
	[dreg:$0x2] =	wrdreg s24  }
0xaf: {  	[dreg:$0x3] =	wrdreg s2  }
0xb0: {  	[dreg:$0x4] =	wrdreg $0x9  }
0xb1: {  	_ =	task.clear_ibuf [dreg:s7], $0x5FFFF;
	_ =	strace $0x90000046  }
0xb2: {  	s29 =	simm.s32 $0x9;
	_ =	strace $0x80000048  }
0xb3: {  	_ =	swait.ge [sflag:s29], $0x1  }
0xb4: {  	[sflag:s29] =	ssyncadd.s32 $0xFFFFFFFF  }
0xb5: {  	_ =	strace $0x90000048  }
0xb6: {  	_ =	sfence  }
0xb7: {  	s30 =	sld [smem:$0x0];
	_ =	sdelay $0x2  }
0xb8: {  	s31 =	sshll.u32 s1, $0xD;
	s1 =	sshrl.u32 s1, $0x2  }
0xb9: {  	s3 =	sand.u32 $0x4000, s31;
	s1 =	sadd.s32 s1, s30  }
0xba: {  	s0 =	sor.u32 s3, s0;
	s1 =	sshll.u32 s1, $0x11  }
0xbb: {  	s0 =	sor.u32 s1, s0  }
0xbc: {  	s0 =	sadd.s32 $0x8F2B, s0  }
0xbd: {  	[sflag:s0] =	ssyncadd.remote.s32 $0x1  }
0xbe: {  	_ =	sfence.sel $0xFFFF  }
0xbf: {  	[dreg:$0x0] =	wrdreg $0xFFFFFFFF;
	(pc) =	sbr.abs _section_cstart, $3  }
0xc0: {  	[dreg:$0x1] =	wrdreg $0xFFFFFFFF  }
0xc1: {  	_ =	task.clear_ibuf [dreg:s7], $0x2FFFF;
	_ =	strace $0x9FFFFFFF  }
0xc2: {  	(tm) =	ssettm $0x7FFFFFFF  }
0xc3: {  	_ =	shalt  }
tec
execute0_lowered:
.L_overlay_start_1:
0x0: {  	(tag) =	ssettag $0x1  }
0x1: {  	s0 =	rddreg [dreg:$0x0]  }
0x2: {  	s2 =	rddreg [dreg:$0x1]  }
0x3: {  	s3 =	simm.s32 $0x0;
	s1 =	srdreg.scid;
	s11 =	stileid.u32  }
0x4: {  	s14 =	simm.s32 $0xA000;
	s15 =	simm.s32 $0x5;
	s16 =	simm.s32 $0xE000  }
0x5: {  	s17 =	simm.s32 $0x2000;
	s18 =	simm.s32 $0x80;
	s13 =	simm.s32 $0x6000  }
0x6: {  	s12 =	simm.s32 $0x9C00;
	s19 =	simm.s32 $0x2;
	s20 =	simm.s32 $0x3  }
0x7: {  	s22 =	simm.s32 $0x0;
	[smem:$0x7FF] =	sst s3;
	s1 =	sand.u32 $0x1, s1  }
0x8: {  	s5 =	sshll.u32 s11, $0x1;
	s4 =	sadd.s32 $0x1250000, s0;
	s7 =	sadd.s32 $0x800, s0  }
0x9: {  	_ =	strace $0x80000047;
	s6 =	sor.u32 s1, s5;
	s5 =	sadd.s32 $0xC97400, s0  }
0xa: {  	s9 =	ssub.s32 $0x2, s1;
	s8 =	sshll.u32 s6, $0x1;
	s6 =	smul.u32 $0x9400, s6  }
0xb: {  	s10 =	sshrl.u32 s9, $0x1;
	s0 =	sadd.s32 s8, s0;
	s8 =	smul.u32 $0x61A80, s1  }
0xc: {  	s10 =	ssub.s32 s9, s10;
	s9 =	smul.u32 $0x61C0, s11;
	s0 =	sadd.s32 $0xCF9000, s0  }
0xd: {  	s30 =	sshrl.u32 s6, $0x1;
	s31 =	smax.u32 s10, $0x1;
	[dreg:$0x5] =	wrdreg s0  }
0xe: {  	s11 =	simm.s32 $0x4;
	s1 =	sadd.s32 s4, s30;
	[dreg:$0x6] =	wrdreg s31  }
0xf: {  	v1 =	vlaneseq.u32;
	v4 =	vimm.s32 $0x0;
	s10 =	simm.s32 $0x1;
	[dreg:$0x3] =	wrdreg s1;
	s1 =	sadd.s32 $0x100, s1  }
0x10: {  	v3 =	vmul.u32 $0x8, v1;
	v2 =	vmov s6;
	s0 =	simm.s32 $0x1F80;
	v0 =	vmov s8;
	[dreg:$0x4] =	wrdreg s1;
	s1 =	simm.s32 $0x800  }
.LBB2_1:
0x11: {  	[dreg:$0x7] =	wrdreg s22;
	s21 =	simm.s32 $0x0  }
.LBB2_2:
0x12: {  	s22 =	sshll.u32 s21, $0xB  }
0x13: {  	s22 =	sadd.s32 s9, s22  }
0x14: {  	s22 =	smin.u32 s22, $0x61280  }
0x15: {  	s24 =	simm.s32 $0x0;
	s23 =	sadd.s32 s5, s22  }
0x16: {  	[tilespmem:s14], [sflag:$0x5] =	stream.linear.gather [hbm4b:s23+s24], $0x4000, $0x38;
	[tilespmem:$0x12010] =	vst v63  }
0x17: {  	v5 =	vmov s24;
	_ =	swait.ge [sflag:s15], $0x4000  }
0x18: {  	v5 =	vshll.u32 v5, $0x3;
	[sflag:s15] =	ssyncset.done $0x0  }
0x19: {  	s30 =	sadd.s32 s7, s22;
	v5 =	vor.u32 v3, v5;
	[sflag:s15] =	ssyncadd.s32 $0xFFFFC000  }
0x1a: {  	[tilespmem:s16], [sflag:$0x5] =	stream.linear.gather [hbm4b:s30+s24], $0x4000, $0x38;
	[tilespmem:$0x12010] =	vst v63  }
0x1b: {  	_ =	swait.ge [sflag:s15], $0x4000  }
0x1c: {  	[sflag:s15] =	ssyncset.done $0x0  }
0x1d: {  	[sflag:s15] =	ssyncadd.s32 $0xFFFFC000  }
0x1e: {  	v6 =	vld.idx.msk [tilespmem:v5+s14+$0x0], $0xffff;
	_ =	sdelay $0x4  }
0x1f: {  	[tilespmem:v5+s17+$0x0] =	vst.idx.msk $0xffff, v6  }
0x20: {  	v7 =	vor.u32 $0x3, v5;
	v6 =	vld.idx.msk [tilespmem:v5+s16+$0x0], $0xffff  }
0x21: {  	v8 =	vor.u32 $0x1, v5;
	_ =	sdelay $0x3  }
0x22: {  	[tilespmem:v7+s17+$0x0] =	vst.idx.msk $0xffff, v6  }
0x23: {  	v6 =	vld.idx.msk [tilespmem:v8+s14+$0x0], $0xffff;
	_ =	sdelay $0x4  }
0x24: {  	[tilespmem:v8+s17+$0x0] =	vst.idx.msk $0xffff, v6  }
0x25: {  	v7 =	vor.u32 $0x4, v5;
	v6 =	vld.idx.msk [tilespmem:v8+s16+$0x0], $0xffff  }
0x26: {  	v8 =	vor.u32 $0x2, v5;
	_ =	sdelay $0x3  }
0x27: {  	[tilespmem:v7+s17+$0x0] =	vst.idx.msk $0xffff, v6  }
0x28: {  	v6 =	vld.idx.msk [tilespmem:v8+s14+$0x0], $0xffff;
	_ =	sdelay $0x4  }
0x29: {  	s31 =	simm.s32 $0x10;
	[tilespmem:v8+s17+$0x0] =	vst.idx.msk $0xffff, v6  }
0x2a: {  	s23 =	simm.s32 $0x20;
	v7 =	vmov s31;
	v6 =	vld.idx.msk [tilespmem:v8+s16+$0x0], $0xffff  }
.LBB2_3:
0x2b: {  	p0 =	sne.s32 s23, $0x7F0;
	v7 =	vshll.u32 v7, $0x3;
	v8 =	vor.u32 $0x5, v5  }
0x2c: {  	v5 =	vor.u32 v3, v7;
	_ =	sdelay $0x3  }
0x2d: {  	[tilespmem:v8+s17+$0x0] =	vst.idx.msk $0xffff, v6  }
0x2e: {  	v6 =	vld.idx.msk [tilespmem:v5+s14+$0x0], $0xffff;
	_ =	sdelay $0x5  }
0x2f: {  	[tilespmem:v5+s17+$0x0] =	vst.idx.msk $0xffff, v6  }
0x30: {  	v6 =	vld.idx.msk [tilespmem:v5+s16+$0x0], $0xffff  }
0x31: {  	v7 =	vor.u32 $0x3, v5  }
0x32: {  	v8 =	vor.u32 $0x1, v5;
	_ =	sdelay $0x3  }
0x33: {  	[tilespmem:v7+s17+$0x0] =	vst.idx.msk $0xffff, v6  }
0x34: {  	v6 =	vld.idx.msk [tilespmem:v8+s14+$0x0], $0xffff;
	_ =	sdelay $0x5  }
0x35: {  	[tilespmem:v8+s17+$0x0] =	vst.idx.msk $0xffff, v6  }
0x36: {  	v6 =	vld.idx.msk [tilespmem:v8+s16+$0x0], $0xffff  }
0x37: {  	v7 =	vor.u32 $0x4, v5  }
0x38: {  	v8 =	vor.u32 $0x2, v5;
	_ =	sdelay $0x3  }
0x39: {  	[tilespmem:v7+s17+$0x0] =	vst.idx.msk $0xffff, v6  }
0x3a: {  	v6 =	vld.idx.msk [tilespmem:v8+s14+$0x0], $0xffff;
	_ =	sdelay $0x2  }
.Ltmp0:
0x3b: {  	(pc) =	sbr.rel @p0 .LBB2_3-.Ltmp0, $3  }
0x3c: {  	_ =	sdelay $0x1  }
0x3d: {  	[tilespmem:v8+s17+$0x0] =	vst.idx.msk $0xffff, v6  }
0x3e: {  	v7 =	vmov s23;
	s23 =	sadd.s32 $0x10, s23;
	v6 =	vld.idx.msk [tilespmem:v8+s16+$0x0], $0xffff  }
0x3f: {  	v7 =	vshll.u32 v7, $0x3;
	v5 =	vor.u32 $0x5, v5  }
0x40: {  	v7 =	vor.u32 v3, v7;
	_ =	sdelay $0x3  }
0x41: {  	[tilespmem:v5+s17+$0x0] =	vst.idx.msk $0xffff, v6  }
0x42: {  	v5 =	vld.idx.msk [tilespmem:v7+s14+$0x0], $0xffff;
	_ =	sdelay $0x4  }
0x43: {  	[tilespmem:v7+s17+$0x0] =	vst.idx.msk $0xffff, v5  }
0x44: {  	v6 =	vor.u32 $0x3, v7;
	v5 =	vld.idx.msk [tilespmem:v7+s16+$0x0], $0xffff  }
0x45: {  	v8 =	vor.u32 $0x1, v7;
	_ =	sdelay $0x3  }
0x46: {  	[tilespmem:v6+s17+$0x0] =	vst.idx.msk $0xffff, v5  }
0x47: {  	v5 =	vld.idx.msk [tilespmem:v8+s14+$0x0], $0xffff;
	_ =	sdelay $0x4  }
0x48: {  	[tilespmem:v8+s17+$0x0] =	vst.idx.msk $0xffff, v5  }
0x49: {  	v6 =	vor.u32 $0x4, v7;
	v5 =	vld.idx.msk [tilespmem:v8+s16+$0x0], $0xffff  }
0x4a: {  	v63 =	vor.u32 $0x2, v7;
	_ =	sdelay $0x3  }
0x4b: {  	[tilespmem:v6+s17+$0x0] =	vst.idx.msk $0xffff, v5  }
0x4c: {  	v5 =	vld.idx.msk [tilespmem:v63+s14+$0x0], $0xffff;
	_ =	sdelay $0x4  }
0x4d: {  	[tilespmem:v63+s17+$0x0] =	vst.idx.msk $0xffff, v5  }
0x4e: {  	v6 =	vor.u32 $0x5, v7;
	v5 =	vld.idx.msk [tilespmem:v63+s16+$0x0], $0xffff;
	_ =	sdelay $0x2  }
0x4f: {  	s21 =	sadd.s32 $0x1, s21  }
0x50: {  	s22 =	sadd.s32 s8, s22;
	p0 =	sne.s32 s21, $0xD  }
.Ltmp1:
0x51: {  	s22 =	sadd.s32 s2, s22;
	[tilespmem:v6+s17+$0x0] =	vst.idx.msk $0xffff, v5;
	(pc) =	sbr.rel @p0 .LBB2_2-.Ltmp1, $4  }
0x52: {  	[hbm4b:s22+s3] =	stream.linear.scatter [tilespmem:s17], [sflag:$0x5], $0x4000, $0x38;
	[tilespmem:$0x12010] =	vst v63  }
0x53: {  	_ =	swait.ge [sflag:s15], $0x4000  }
0x54: {  	[sflag:s15] =	ssyncset.done $0x0  }
0x55: {  	[sflag:s15] =	ssyncadd.s32 $0xFFFFC000  }
0x56: {  	s21 =	simm.s32 $0x0  }
0x57: {  	[bflag:$0x0] =	sbarrier.arrive $0xFFFF;
	v5 =	vor.u32 s21, v1  }
0x58: {  	s22 =	rddreg [dreg:$0x3];
	v6 =	vshll.u32 v5, $0x2  }
0x59: {  	[tilespmem:s21], [sflag:$0x5] =	stream.linear.gather [hbm4b:s22+s21], $0x800, $0x38;
	[tilespmem:$0x12010] =	vst v63  }
0x5a: {  	_ =	swait.ge [sflag:s15], $0x800  }
0x5b: {  	[sflag:s15] =	ssyncset.done $0x0  }
0x5c: {  	v5 =	vadd.s32 v2, v5;
	[sflag:s15] =	ssyncadd.s32 $0xFFFFF800  }
0x5d: {  	vm0 =	vgt.u32 v5, $0x493DF;
	v7 =	vld.idx.msk [tilespmem:v6+s3+$0x0], $0xffff  }
0x5e: {  	vm15 =	vgt.u32 v5, $0x927BF;
	vm1 =	vgt.u32 v5, $0xDBB9F;
	v8 =	vsel vm0, $0x186A0, v4  }
0x5f: {  	v9 =	vor.u32 $0x1, v6;
	v5 =	vadd.s32 v0, v8;
	v8 =	vsel vm15, $0x186A0, v4  }
0x60: {  	v5 =	vadd.s32 v8, v5;
	v8 =	vsel vm1, $0x186A0, v4  }
0x61: {  	v5 =	vadd.s32 v8, v5  }
0x62: {  	s21 =	simm.s32 $0x1400;
	v7 =	vadd.s32 v5, v7  }
0x63: {  	[tilespmem:s21+$0xFFFFFC00] =	vst v7  }
0x64: {  	v7 =	vld.idx.msk [tilespmem:v9+s3+$0x0], $0xffff;
	_ =	sdelay $0x1  }
0x65: {  	v8 =	vor.u32 $0x2, v6;
	_ =	sdelay $0x2  }
0x66: {  	v7 =	vadd.s32 v5, v7  }
0x67: {  	[tilespmem:s21+$0xFFFFFE00] =	vst v7  }
0x68: {  	v7 =	vld.idx.msk [tilespmem:v8+s3+$0x0], $0xffff;
	_ =	sdelay $0x1  }
0x69: {  	v6 =	vor.u32 $0x3, v6;
	_ =	sdelay $0x2  }
0x6a: {  	v7 =	vadd.s32 v5, v7  }
0x6b: {  	[tilespmem:s21+$0x0] =	vst v7  }
0x6c: {  	s31 =	simm.s32 $0x10;
	v7 =	vld.idx.msk [tilespmem:v6+s3+$0x0], $0xffff  }
0x6d: {  	s22 =	simm.s32 $0x20;
	v6 =	vor.u32 s31, v1  }
.LBB2_6:
0x6e: {  	p0 =	sne.s32 s22, $0x1F0;
	v8 =	vshll.u32 v6, $0x2;
	_ =	sdelay $0x2  }
0x6f: {  	v5 =	vadd.s32 v5, v7  }
0x70: {  	[tilespmem:s21+$0x200] =	vst v5  }
0x71: {  	v5 =	vadd.s32 v2, v6;
	v6 =	vld.idx.msk [tilespmem:v8+s3+$0x0], $0xffff  }
0x72: {  	vm0 =	vgt.u32 v5, $0x493DF  }
0x73: {  	vm1 =	vgt.u32 v5, $0xDBB9F;
	v7 =	vsel vm0, $0x186A0, v4;
	vm0 =	vgt.u32 v5, $0x927BF  }
0x74: {  	v9 =	vor.u32 $0x1, v8;
	v5 =	vadd.s32 v0, v7;
	v7 =	vsel vm0, $0x186A0, v4  }
0x75: {  	v5 =	vadd.s32 v7, v5;
	v7 =	vsel vm1, $0x186A0, v4  }
0x76: {  	v5 =	vadd.s32 v7, v5  }
0x77: {  	s21 =	sadd.s32 $0x10, s21;
	v6 =	vadd.s32 v5, v6  }
0x78: {  	[tilespmem:s21+$0xFFFFFC00] =	vst v6  }
0x79: {  	v6 =	vld.idx.msk [tilespmem:v9+s3+$0x0], $0xffff;
	_ =	sdelay $0x2  }
0x7a: {  	v7 =	vor.u32 $0x2, v8;
	_ =	sdelay $0x2  }
0x7b: {  	v6 =	vadd.s32 v5, v6  }
0x7c: {  	[tilespmem:s21+$0xFFFFFE00] =	vst v6  }
0x7d: {  	v6 =	vld.idx.msk [tilespmem:v7+s3+$0x0], $0xffff;
	_ =	sdelay $0x2  }
0x7e: {  	v7 =	vor.u32 $0x3, v8;
	_ =	sdelay $0x2  }
.Ltmp2:
0x7f: {  	v6 =	vadd.s32 v5, v6;
	(pc) =	sbr.rel @p0 .LBB2_6-.Ltmp2, $3  }
0x80: {  	[tilespmem:s21+$0x0] =	vst v6  }
0x81: {  	v7 =	vld.idx.msk [tilespmem:v7+s3+$0x0], $0xffff;
	_ =	sdelay $0x1  }
0x82: {  	v6 =	vor.u32 s22, v1;
	s22 =	sadd.s32 $0x10, s22  }
0x83: {  	v8 =	vshll.u32 v6, $0x2;
	_ =	sdelay $0x2  }
0x84: {  	v5 =	vadd.s32 v5, v7  }
0x85: {  	[tilespmem:s21+$0x200] =	vst v5;
	v5 =	vadd.s32 v2, v6  }
0x86: {  	vm0 =	vgt.u32 v5, $0x493DF;
	v6 =	vld.idx.msk [tilespmem:v8+s3+$0x0], $0xffff  }
0x87: {  	v9 =	vor.u32 $0x1, v8;
	vm15 =	vgt.u32 v5, $0x927BF;
	v7 =	vsel vm0, $0x186A0, v4  }
0x88: {  	vm1 =	vgt.u32 v5, $0xDBB9F;
	v5 =	vadd.s32 v0, v7;
	v7 =	vsel vm15, $0x186A0, v4  }
0x89: {  	v5 =	vadd.s32 v7, v5;
	v7 =	vsel vm1, $0x186A0, v4  }
0x8a: {  	v5 =	vadd.s32 v7, v5  }
0x8b: {  	s24 =	sadd.s32 $0x10, s21;
	v6 =	vadd.s32 v5, v6  }
0x8c: {  	[tilespmem:s24+$0xFFFFFC00] =	vst v6  }
0x8d: {  	v6 =	vld.idx.msk [tilespmem:v9+s3+$0x0], $0xffff;
	_ =	sdelay $0x1  }
0x8e: {  	v7 =	vor.u32 $0x2, v8;
	_ =	sdelay $0x2  }
0x8f: {  	v6 =	vadd.s32 v5, v6  }
0x90: {  	[tilespmem:s24+$0xFFFFFE00] =	vst v6  }
0x91: {  	v6 =	vld.idx.msk [tilespmem:v7+s3+$0x0], $0xffff;
	_ =	sdelay $0x1  }
0x92: {  	v7 =	vor.u32 $0x3, v8;
	_ =	sdelay $0x2  }
0x93: {  	v6 =	vadd.s32 v5, v6  }
0x94: {  	[tilespmem:s24+$0x0] =	vst v6  }
0x95: {  	v6 =	vld.idx.msk [tilespmem:v7+s3+$0x0], $0xffff;
	_ =	sdelay $0x4  }
0x96: {  	v5 =	vadd.s32 v5, v6  }
0x97: {  	s25 =	simm.s32 $0x1000;
	[tilespmem:s24+$0x200] =	vst v5  }
0x98: {  	[tilespmem:s17], [sflag:$0x1] =	stream.indirect.gather [hbm4b:s2+s18], $0x8, s25, s18, $0xb8;
	[tilespmem:$0x12010] =	vst v63  }
0x99: {  	s26 =	simm.s32 $0x1080;
	s22 =	simm.s32 $0x2400  }
0x9a: {  	[tilespmem:s22], [sflag:$0x1] =	stream.indirect.gather [hbm4b:s2+s18], $0x8, s26, s18, $0xb8;
	[tilespmem:$0x12010] =	vst v63  }
0x9b: {  	s28 =	simm.s32 $0x1100;
	s29 =	simm.s32 $0x2800  }
0x9c: {  	[tilespmem:s29], [sflag:$0x1] =	stream.indirect.gather [hbm4b:s2+s18], $0x8, s28, s18, $0xb8;
	[tilespmem:$0x12010] =	vst v63  }
0x9d: {  	s30 =	simm.s32 $0x1180;
	s31 =	simm.s32 $0x2C00  }
0x9e: {  	[tilespmem:s31], [sflag:$0x1] =	stream.indirect.gather [hbm4b:s2+s18], $0x8, s30, s18, $0xb8;
	[tilespmem:$0x12010] =	vst v63  }
0x9f: {  	s23 =	simm.s32 $0x1200;
	s24 =	simm.s32 $0x3000  }
0xa0: {  	[tilespmem:s24], [sflag:$0x1] =	stream.indirect.gather [hbm4b:s2+s18], $0x8, s23, s18, $0xb8;
	[tilespmem:$0x12010] =	vst v63  }
0xa1: {  	s25 =	simm.s32 $0x1280;
	s26 =	simm.s32 $0x3400  }
0xa2: {  	[tilespmem:s26], [sflag:$0x1] =	stream.indirect.gather [hbm4b:s2+s18], $0x8, s25, s18, $0xb8;
	[tilespmem:$0x12010] =	vst v63  }
0xa3: {  	s28 =	simm.s32 $0x1300;
	s29 =	simm.s32 $0x3800  }
0xa4: {  	[tilespmem:s29], [sflag:$0x1] =	stream.indirect.gather [hbm4b:s2+s18], $0x8, s28, s18, $0xb8;
	[tilespmem:$0x12010] =	vst v63  }
0xa5: {  	s30 =	simm.s32 $0x1380;
	s31 =	simm.s32 $0x3C00  }
0xa6: {  	[tilespmem:s31], [sflag:$0x1] =	stream.indirect.gather [hbm4b:s2+s18], $0x8, s30, s18, $0xb8;
	[tilespmem:$0x12010] =	vst v63  }
0xa7: {  	s23 =	simm.s32 $0x1400;
	s24 =	simm.s32 $0x4000  }
0xa8: {  	[tilespmem:s24], [sflag:$0x1] =	stream.indirect.gather [hbm4b:s2+s18], $0x8, s23, s18, $0xb8;
	[tilespmem:$0x12010] =	vst v63  }
0xa9: {  	s25 =	simm.s32 $0x1480;
	s26 =	simm.s32 $0x4400  }
0xaa: {  	[tilespmem:s26], [sflag:$0x1] =	stream.indirect.gather [hbm4b:s2+s18], $0x8, s25, s18, $0xb8;
	[tilespmem:$0x12010] =	vst v63  }
0xab: {  	s28 =	simm.s32 $0x1500;
	s29 =	simm.s32 $0x4800  }
0xac: {  	[tilespmem:s29], [sflag:$0x1] =	stream.indirect.gather [hbm4b:s2+s18], $0x8, s28, s18, $0xb8;
	[tilespmem:$0x12010] =	vst v63  }
0xad: {  	s30 =	simm.s32 $0x1580;
	s31 =	simm.s32 $0x4C00  }
0xae: {  	[tilespmem:s31], [sflag:$0x1] =	stream.indirect.gather [hbm4b:s2+s18], $0x8, s30, s18, $0xb8;
	[tilespmem:$0x12010] =	vst v63  }
0xaf: {  	s22 =	simm.s32 $0x1600;
	s23 =	simm.s32 $0x5000  }
0xb0: {  	[tilespmem:s23], [sflag:$0x1] =	stream.indirect.gather [hbm4b:s2+s18], $0x8, s22, s18, $0xb8;
	[tilespmem:$0x12010] =	vst v63  }
0xb1: {  	s24 =	simm.s32 $0x1680;
	s25 =	simm.s32 $0x5400  }
0xb2: {  	[tilespmem:s25], [sflag:$0x1] =	stream.indirect.gather [hbm4b:s2+s18], $0x8, s24, s18, $0xb8;
	[tilespmem:$0x12010] =	vst v63  }
0xb3: {  	s26 =	simm.s32 $0x1700;
	s28 =	simm.s32 $0x5800  }
0xb4: {  	[tilespmem:s28], [sflag:$0x1] =	stream.indirect.gather [hbm4b:s2+s18], $0x8, s26, s18, $0xb8;
	[tilespmem:$0x12010] =	vst v63  }
0xb5: {  	s29 =	simm.s32 $0x1780;
	s30 =	simm.s32 $0x5C00  }
0xb6: {  	[tilespmem:s30], [sflag:$0x1] =	stream.indirect.gather [hbm4b:s2+s18], $0x8, s29, s18, $0xb8;
	[tilespmem:$0x12010] =	vst v63  }
0xb7: {  	s21 =	simm.s32 $0x0;
	s31 =	rddreg [dreg:$0x4];
	s22 =	simm.s32 $0x0  }
0xb8: {  	v5 =	vimm.f32 $0.0e+00;
	[tilespmem:s1], [sflag:$0x4] =	stream.linear.gather [hbm4b:s31+s21], $0x800, $0x38;
	[tilespmem:$0x12010] =	vst v63  }
.LBB2_8:
0xb9: {  	s23 =	sshll.u32 s22, $0xA;
	v7 =	vor.u32 s21, v1  }
0xba: {  	s25 =	sadd.s32 s6, s23;
	v8 =	vshll.u32 v7, $0x2  }
0xbb: {  	s23 =	sor.u32 $0x200, s25  }
0xbc: {  	_ =	swait.ge [sflag:s11], $0x800;
	s24 =	smin.u32 s23, $0x124D80  }
0xbd: {  	[sflag:s11] =	ssyncset.done $0x0;
	v6 =	vmov s24  }
0xbe: {  	[sflag:s11] =	ssyncadd.s32 $0xFFFFF800;
	v7 =	vadd.s32 v6, v7  }
0xbf: {  	v9 =	vld.idx.msk [tilespmem:v8+s1+$0x0], $0xffff;
	vm0 =	vgt.u32 v7, $0x493DF  }
0xc0: {  	v11 =	vor.u32 $0x1, v8;
	vm15 =	vgt.u32 v7, $0x927BF;
	v10 =	vsel vm0, $0x186A0, v4  }
0xc1: {  	vm1 =	vgt.u32 v7, $0xDBB9F;
	v7 =	vadd.s32 v0, v10;
	v10 =	vsel vm15, $0x186A0, v4  }
0xc2: {  	v7 =	vadd.s32 v10, v7;
	v10 =	vsel vm1, $0x186A0, v4  }
0xc3: {  	v7 =	vadd.s32 v10, v7  }
0xc4: {  	s26 =	simm.s32 $0x1C00;
	v9 =	vadd.s32 v7, v9  }
0xc5: {  	[tilespmem:s26+$0xFFFFFC00] =	vst v9  }
0xc6: {  	v9 =	vld.idx.msk [tilespmem:v11+s1+$0x0], $0xffff;
	_ =	sdelay $0x1  }
0xc7: {  	v10 =	vor.u32 $0x2, v8;
	_ =	sdelay $0x2  }
0xc8: {  	v9 =	vadd.s32 v7, v9  }
0xc9: {  	[tilespmem:s26+$0xFFFFFE00] =	vst v9  }
0xca: {  	v9 =	vld.idx.msk [tilespmem:v10+s1+$0x0], $0xffff;
	_ =	sdelay $0x1  }
0xcb: {  	v8 =	vor.u32 $0x3, v8;
	_ =	sdelay $0x2  }
0xcc: {  	v9 =	vadd.s32 v7, v9  }
0xcd: {  	[tilespmem:s26+$0x0] =	vst v9  }
0xce: {  	s28 =	simm.s32 $0x10;
	v9 =	vld.idx.msk [tilespmem:v8+s1+$0x0], $0xffff  }
0xcf: {  	v8 =	vor.u32 s28, v1;
	s28 =	simm.s32 $0x20  }
.LBB2_9:
0xd0: {  	p0 =	sne.s32 s28, $0x1F0;
	v10 =	vshll.u32 v8, $0x2;
	_ =	sdelay $0x2  }
0xd1: {  	v7 =	vadd.s32 v7, v9  }
0xd2: {  	[tilespmem:s26+$0x200] =	vst v7  }
0xd3: {  	v7 =	vadd.s32 v6, v8;
	v8 =	vld.idx.msk [tilespmem:v10+s1+$0x0], $0xffff  }
0xd4: {  	vm0 =	vgt.u32 v7, $0x493DF  }
0xd5: {  	vm1 =	vgt.u32 v7, $0xDBB9F;
	v9 =	vsel vm0, $0x186A0, v4;
	vm0 =	vgt.u32 v7, $0x927BF  }
0xd6: {  	v11 =	vor.u32 $0x1, v10;
	v7 =	vadd.s32 v0, v9;
	v9 =	vsel vm0, $0x186A0, v4  }
0xd7: {  	v7 =	vadd.s32 v9, v7;
	v9 =	vsel vm1, $0x186A0, v4  }
0xd8: {  	v7 =	vadd.s32 v9, v7  }
0xd9: {  	s26 =	sadd.s32 $0x10, s26;
	v8 =	vadd.s32 v7, v8  }
0xda: {  	[tilespmem:s26+$0xFFFFFC00] =	vst v8  }
0xdb: {  	v8 =	vld.idx.msk [tilespmem:v11+s1+$0x0], $0xffff;
	_ =	sdelay $0x2  }
0xdc: {  	v9 =	vor.u32 $0x2, v10;
	_ =	sdelay $0x2  }
0xdd: {  	v8 =	vadd.s32 v7, v8  }
0xde: {  	[tilespmem:s26+$0xFFFFFE00] =	vst v8  }
0xdf: {  	v8 =	vld.idx.msk [tilespmem:v9+s1+$0x0], $0xffff;
	_ =	sdelay $0x2  }
0xe0: {  	v9 =	vor.u32 $0x3, v10;
	_ =	sdelay $0x2  }
.Ltmp3:
0xe1: {  	v8 =	vadd.s32 v7, v8;
	(pc) =	sbr.rel @p0 .LBB2_9-.Ltmp3, $3  }
0xe2: {  	[tilespmem:s26+$0x0] =	vst v8  }
0xe3: {  	v9 =	vld.idx.msk [tilespmem:v9+s1+$0x0], $0xffff;
	_ =	sdelay $0x1  }
0xe4: {  	v8 =	vor.u32 s28, v1;
	s28 =	sadd.s32 $0x10, s28  }
0xe5: {  	v10 =	vshll.u32 v8, $0x2;
	_ =	sdelay $0x2  }
0xe6: {  	v7 =	vadd.s32 v7, v9  }
0xe7: {  	v6 =	vadd.s32 v6, v8;
	[tilespmem:s26+$0x200] =	vst v7  }
0xe8: {  	vm0 =	vgt.u32 v6, $0x493DF;
	v7 =	vld.idx.msk [tilespmem:v10+s1+$0x0], $0xffff  }
0xe9: {  	vm15 =	vgt.u32 v6, $0x927BF;
	vm1 =	vgt.u32 v6, $0xDBB9F;
	v8 =	vsel vm0, $0x186A0, v4  }
0xea: {  	v9 =	vor.u32 $0x1, v10;
	v6 =	vadd.s32 v0, v8;
	v8 =	vsel vm15, $0x186A0, v4  }
0xeb: {  	v6 =	vadd.s32 v8, v6;
	v8 =	vsel vm1, $0x186A0, v4  }
0xec: {  	v6 =	vadd.s32 v8, v6  }
0xed: {  	s31 =	sadd.s32 $0x10, s26;
	v7 =	vadd.s32 v6, v7  }
0xee: {  	[tilespmem:s31+$0xFFFFFC00] =	vst v7  }
0xef: {  	v7 =	vld.idx.msk [tilespmem:v9+s1+$0x0], $0xffff;
	_ =	sdelay $0x1  }
0xf0: {  	v8 =	vor.u32 $0x2, v10;
	_ =	sdelay $0x2  }
0xf1: {  	v7 =	vadd.s32 v6, v7  }
0xf2: {  	[tilespmem:s31+$0xFFFFFE00] =	vst v7  }
0xf3: {  	v7 =	vld.idx.msk [tilespmem:v8+s1+$0x0], $0xffff;
	_ =	sdelay $0x1  }
0xf4: {  	v8 =	vor.u32 $0x3, v10;
	_ =	sdelay $0x2  }
0xf5: {  	v7 =	vadd.s32 v6, v7  }
0xf6: {  	[tilespmem:s31+$0x0] =	vst v7  }
0xf7: {  	v7 =	vld.idx.msk [tilespmem:v8+s1+$0x0], $0xffff;
	_ =	sdelay $0x4  }
0xf8: {  	v6 =	vadd.s32 v6, v7  }
0xf9: {  	[tilespmem:s31+$0x200] =	vst v6;
	s31 =	simm.s32 $0x1800  }
0xfa: {  	[tilespmem:s13], [sflag:$0x2] =	stream.indirect.gather [hbm4b:s2+s18], $0x8, s31, s18, $0xb8;
	[tilespmem:$0x12010] =	vst v63  }
0xfb: {  	s28 =	simm.s32 $0x6400;
	s31 =	simm.s32 $0x1880  }
0xfc: {  	[tilespmem:s28], [sflag:$0x2] =	stream.indirect.gather [hbm4b:s2+s18], $0x8, s31, s18, $0xb8;
	[tilespmem:$0x12010] =	vst v63  }
0xfd: {  	s31 =	simm.s32 $0x1900;
	s28 =	simm.s32 $0x6800  }
0xfe: {  	[tilespmem:s28], [sflag:$0x2] =	stream.indirect.gather [hbm4b:s2+s18], $0x8, s31, s18, $0xb8;
	[tilespmem:$0x12010] =	vst v63  }
0xff: {  	s31 =	simm.s32 $0x1980;
	s28 =	simm.s32 $0x6C00  }
0x100: {  	[tilespmem:s28], [sflag:$0x2] =	stream.indirect.gather [hbm4b:s2+s18], $0x8, s31, s18, $0xb8;
	[tilespmem:$0x12010] =	vst v63  }
0x101: {  	s31 =	simm.s32 $0x1A00;
	s28 =	simm.s32 $0x7000  }
0x102: {  	[tilespmem:s28], [sflag:$0x2] =	stream.indirect.gather [hbm4b:s2+s18], $0x8, s31, s18, $0xb8;
	[tilespmem:$0x12010] =	vst v63  }
0x103: {  	s31 =	simm.s32 $0x1A80;
	s28 =	simm.s32 $0x7400  }
0x104: {  	[tilespmem:s28], [sflag:$0x2] =	stream.indirect.gather [hbm4b:s2+s18], $0x8, s31, s18, $0xb8;
	[tilespmem:$0x12010] =	vst v63  }
0x105: {  	s31 =	simm.s32 $0x1B00;
	s28 =	simm.s32 $0x7800  }
0x106: {  	[tilespmem:s28], [sflag:$0x2] =	stream.indirect.gather [hbm4b:s2+s18], $0x8, s31, s18, $0xb8;
	[tilespmem:$0x12010] =	vst v63  }
0x107: {  	s31 =	simm.s32 $0x1B80;
	s28 =	simm.s32 $0x7C00  }
0x108: {  	[tilespmem:s28], [sflag:$0x2] =	stream.indirect.gather [hbm4b:s2+s18], $0x8, s31, s18, $0xb8;
	[tilespmem:$0x12010] =	vst v63  }
0x109: {  	s31 =	simm.s32 $0x1C00;
	s28 =	simm.s32 $0x8000  }
0x10a: {  	[tilespmem:s28], [sflag:$0x2] =	stream.indirect.gather [hbm4b:s2+s18], $0x8, s31, s18, $0xb8;
	[tilespmem:$0x12010] =	vst v63  }
0x10b: {  	s31 =	simm.s32 $0x1C80;
	s28 =	simm.s32 $0x8400  }
0x10c: {  	[tilespmem:s28], [sflag:$0x2] =	stream.indirect.gather [hbm4b:s2+s18], $0x8, s31, s18, $0xb8;
	[tilespmem:$0x12010] =	vst v63  }
0x10d: {  	s31 =	simm.s32 $0x1D00;
	s28 =	simm.s32 $0x8800  }
0x10e: {  	[tilespmem:s28], [sflag:$0x2] =	stream.indirect.gather [hbm4b:s2+s18], $0x8, s31, s18, $0xb8;
	[tilespmem:$0x12010] =	vst v63  }
0x10f: {  	s31 =	simm.s32 $0x1D80;
	s28 =	simm.s32 $0x8C00  }
0x110: {  	[tilespmem:s28], [sflag:$0x2] =	stream.indirect.gather [hbm4b:s2+s18], $0x8, s31, s18, $0xb8;
	[tilespmem:$0x12010] =	vst v63  }
0x111: {  	p0 =	seq.s32 s22, $0x24;
	s31 =	simm.s32 $0x1E00;
	s28 =	simm.s32 $0x9000  }
0x112: {  	[tilespmem:s28], [sflag:$0x2] =	stream.indirect.gather [hbm4b:s2+s18], $0x8, s31, s18, $0xb8;
	[tilespmem:$0x12010] =	vst v63  }
0x113: {  	s26 =	smin.u32 @!p0 s25, $0x124980;
	s31 =	simm.s32 $0x1E80;
	s28 =	simm.s32 $0x9400  }
0x114: {  	[tilespmem:s28], [sflag:$0x2] =	stream.indirect.gather [hbm4b:s2+s18], $0x8, s31, s18, $0xb8;
	[tilespmem:$0x12010] =	vst v63  }
0x115: {  	s26 =	sshrl.u32 @!p0 s26, $0x1;
	s31 =	simm.s32 $0x1F00;
	s28 =	simm.s32 $0x9800  }
0x116: {  	[tilespmem:s28], [sflag:$0x2] =	stream.indirect.gather [hbm4b:s2+s18], $0x8, s31, s18, $0xb8;
	[tilespmem:$0x12010] =	vst v63  }
0x117: {  	s26 =	sadd.s32 @!p0 s4, s26  }
0x118: {  	[tilespmem:s12], [sflag:$0x2] =	stream.indirect.gather [hbm4b:s2+s18], $0x8, s0, s18, $0xb8;
	[tilespmem:$0x12010] =	vst v63  }
0x119: {  	s26 =	sadd.s32 @!p0 $0x200, s26;
	s28 =	simm.s32 @!p0 $0x0  }
0x11a: {  	[tilespmem:s28], [sflag:$0x3] =	stream.linear.gather @!p0 [hbm4b:s26+s28], $0x800, $0x38;
	[tilespmem:$0x12010] =	vst v63  }
0x11b: {  	_ =	swait.ge [sflag:s10], $0x400  }
0x11c: {  	[sflag:s10] =	ssyncset.done $0x0  }
0x11d: {  	[sflag:s10] =	ssyncadd.s32 $0xFFFFFC00  }
0x11e: {  	_ =	swait.ge [sflag:s10], $0x400  }
0x11f: {  	[sflag:s10] =	ssyncset.done $0x0  }
0x120: {  	[sflag:s10] =	ssyncadd.s32 $0xFFFFFC00  }
0x121: {  	_ =	swait.ge [sflag:s10], $0x400  }
0x122: {  	[sflag:s10] =	ssyncset.done $0x0  }
0x123: {  	[sflag:s10] =	ssyncadd.s32 $0xFFFFFC00  }
0x124: {  	_ =	swait.ge [sflag:s10], $0x400  }
0x125: {  	[sflag:s10] =	ssyncset.done $0x0  }
0x126: {  	[sflag:s10] =	ssyncadd.s32 $0xFFFFFC00  }
0x127: {  	_ =	swait.ge [sflag:s10], $0x400  }
0x128: {  	[sflag:s10] =	ssyncset.done $0x0  }
0x129: {  	[sflag:s10] =	ssyncadd.s32 $0xFFFFFC00  }
0x12a: {  	_ =	swait.ge [sflag:s10], $0x400  }
0x12b: {  	[sflag:s10] =	ssyncset.done $0x0  }
0x12c: {  	[sflag:s10] =	ssyncadd.s32 $0xFFFFFC00  }
0x12d: {  	_ =	swait.ge [sflag:s10], $0x400  }
0x12e: {  	[sflag:s10] =	ssyncset.done $0x0  }
0x12f: {  	[sflag:s10] =	ssyncadd.s32 $0xFFFFFC00  }
0x130: {  	_ =	swait.ge [sflag:s10], $0x400  }
0x131: {  	[sflag:s10] =	ssyncset.done $0x0  }
0x132: {  	[sflag:s10] =	ssyncadd.s32 $0xFFFFFC00  }
0x133: {  	_ =	swait.ge [sflag:s10], $0x400  }
0x134: {  	[sflag:s10] =	ssyncset.done $0x0  }
0x135: {  	[sflag:s10] =	ssyncadd.s32 $0xFFFFFC00  }
0x136: {  	_ =	swait.ge [sflag:s10], $0x400  }
0x137: {  	[sflag:s10] =	ssyncset.done $0x0  }
0x138: {  	[sflag:s10] =	ssyncadd.s32 $0xFFFFFC00  }
0x139: {  	_ =	swait.ge [sflag:s10], $0x400  }
0x13a: {  	[sflag:s10] =	ssyncset.done $0x0  }
0x13b: {  	[sflag:s10] =	ssyncadd.s32 $0xFFFFFC00  }
0x13c: {  	_ =	swait.ge [sflag:s10], $0x400  }
0x13d: {  	[sflag:s10] =	ssyncset.done $0x0  }
0x13e: {  	[sflag:s10] =	ssyncadd.s32 $0xFFFFFC00  }
0x13f: {  	_ =	swait.ge [sflag:s10], $0x400  }
0x140: {  	[sflag:s10] =	ssyncset.done $0x0  }
0x141: {  	[sflag:s10] =	ssyncadd.s32 $0xFFFFFC00  }
0x142: {  	_ =	swait.ge [sflag:s10], $0x400  }
0x143: {  	s26 =	simm.s32 $0x0;
	[sflag:s10] =	ssyncset.done $0x0  }
0x144: {  	v6 =	vmov s26;
	[sflag:s10] =	ssyncadd.s32 $0xFFFFFC00  }
0x145: {  	v6 =	vshll.u32 v6, $0x3;
	_ =	swait.ge [sflag:s10], $0x400  }
0x146: {  	v6 =	vor.u32 v3, v6;
	[sflag:s10] =	ssyncset.done $0x0  }
0x147: {  	v7 =	vor.u32 $0x1, v6;
	[sflag:s10] =	ssyncadd.s32 $0xFFFFFC00  }
0x148: {  	s28 =	simm.s32 $0x200;
	v8 =	vor.u32 $0x2, v6;
	_ =	swait.ge [sflag:s10], $0x400  }
0x149: {  	v9 =	vmov s28;
	s28 =	simm.s32 $0x400;
	v10 =	vor.u32 $0x3, v6;
	[sflag:s10] =	ssyncset.done $0x0  }
0x14a: {  	v11 =	vmov s28;
	s28 =	simm.s32 $0x600;
	v9 =	vshll.u32 v9, $0x3;
	v12 =	vor.u32 $0x4, v6;
	[sflag:s10] =	ssyncadd.s32 $0xFFFFFC00  }
0x14b: {  	v13 =	vmov s28;
	v11 =	vshll.u32 v11, $0x3;
	v9 =	vor.u32 v3, v9;
	v14 =	vld.idx.msk [tilespmem:v6+s17+$0x0], $0xffff  }
0x14c: {  	v13 =	vshll.u32 v13, $0x3;
	v11 =	vor.u32 v3, v11;
	v7 =	vld.idx.msk [tilespmem:v7+s17+$0x0], $0xffff  }
0x14d: {  	v13 =	vor.u32 v3, v13;
	v8 =	vld.idx.msk [tilespmem:v8+s17+$0x0], $0xffff  }
0x14e: {  	v15 =	vor.u32 $0x1, v9;
	v10 =	vld.idx.msk [tilespmem:v10+s17+$0x0], $0xffff  }
0x14f: {  	v16 =	vor.u32 $0x3, v9;
	v12 =	vld.idx.msk [tilespmem:v12+s17+$0x0], $0xffff  }
0x150: {  	v18 =	vor.u32 $0x1, v11;
	v17 =	vld.idx.msk [tilespmem:v9+s17+$0x0], $0xffff  }
0x151: {  	v20 =	vor.u32 $0x1, v13;
	v19 =	vld.idx.msk [tilespmem:v11+s17+$0x0], $0xffff  }
0x152: {  	v22 =	vor.u32 $0x4, v9;
	v21 =	vld.idx.msk [tilespmem:v13+s17+$0x0], $0xffff  }
0x153: {  	v23 =	vor.u32 $0x3, v11;
	v15 =	vld.idx.msk [tilespmem:v15+s17+$0x0], $0xffff  }
0x154: {  	v24 =	vor.u32 $0x4, v11;
	v16 =	vld.idx.msk [tilespmem:v16+s17+$0x0], $0xffff  }
0x155: {  	v25 =	vor.u32 $0x3, v13;
	v18 =	vld.idx.msk [tilespmem:v18+s17+$0x0], $0xffff  }
0x156: {  	v26 =	vor.u32 $0x4, v13;
	v20 =	vld.idx.msk [tilespmem:v20+s17+$0x0], $0xffff  }
0x157: {  	v27 =	vor.u32 $0x2, v11;
	v22 =	vld.idx.msk [tilespmem:v22+s17+$0x0], $0xffff  }
0x158: {  	v28 =	vor.u32 $0x2, v9;
	v23 =	vld.idx.msk [tilespmem:v23+s17+$0x0], $0xffff  }
0x159: {  	v29 =	vor.u32 $0x2, v13;
	v24 =	vld.idx.msk [tilespmem:v24+s17+$0x0], $0xffff  }
0x15a: {  	v6 =	vor.u32 $0x5, v6;
	v25 =	vld.idx.msk [tilespmem:v25+s17+$0x0], $0xffff;
	v17 =	vsub.f32 v17, v14  }
0x15b: {  	v11 =	vor.u32 $0x5, v11;
	v26 =	vld.idx.msk [tilespmem:v26+s17+$0x0], $0xffff;
	v19 =	vsub.f32 v19, v14;
	v15 =	vsub.f32 v15, v7  }
0x15c: {  	v13 =	vor.u32 $0x5, v13;
	v14 =	vsub.f32 v21, v14;
	v18 =	vsub.f32 v18, v7;
	v21 =	vld.idx.msk [tilespmem:v27+s17+$0x0], $0xffff  }
0x15d: {  	v9 =	vor.u32 $0x5, v9;
	v27 =	vld.idx.msk [tilespmem:v28+s17+$0x0], $0xffff;
	v7 =	vsub.f32 v20, v7;
	v16 =	vsub.f32 v16, v10  }
0x15e: {  	v20 =	vsub.f32 v22, v12;
	v22 =	vsub.f32 v23, v10;
	v23 =	vld.idx.msk [tilespmem:v29+s17+$0x0], $0xffff  }
0x15f: {  	v24 =	vsub.f32 v24, v12;
	v25 =	vsub.f32 v25, v10;
	v6 =	vld.idx.msk [tilespmem:v6+s17+$0x0], $0xffff;
	v10 =	vmul.f32 v18, v17  }
0x160: {  	v12 =	vsub.f32 v26, v12;
	v11 =	vld.idx.msk [tilespmem:v11+s17+$0x0], $0xffff;
	v28 =	vmul.f32 v19, v15;
	v29 =	vmul.f32 v7, v17  }
0x161: {  	v13 =	vld.idx.msk [tilespmem:v13+s17+$0x0], $0xffff;
	v26 =	vmul.f32 v14, v15;
	v30 =	vmul.f32 v24, v16;
	v21 =	vsub.f32 v21, v8  }
0x162: {  	v9 =	vld.idx.msk [tilespmem:v9+s17+$0x0], $0xffff;
	v31 =	vmul.f32 v22, v20;
	v32 =	vmul.f32 v12, v16;
	v27 =	vsub.f32 v27, v8  }
0x163: {  	v33 =	vmul.f32 v25, v20;
	v8 =	vsub.f32 v23, v8;
	v34 =	vmul.f32 v21, v15  }
0x164: {  	v18 =	vmul.f32 v18, v27;
	v19 =	vmul.f32 v19, v27  }
0x165: {  	v11 =	vsub.f32 v11, v6;
	v21 =	vmul.f32 v21, v17;
	v15 =	vmul.f32 v8, v15  }
0x166: {  	v36 =	vsub.f32 v13, v6;
	v23 =	vmul.f32 v7, v27;
	v14 =	vmul.f32 v14, v27  }
0x167: {  	v27 =	vsub.f32 v9, v6;
	v17 =	vmul.f32 v8, v17;
	v35 =	vmul.f32 v11, v20  }
0x168: {  	v6 =	vsub.f32 v10, v28;
	v7 =	vsub.f32 v29, v26;
	v26 =	vmul.f32 v11, v16  }
0x169: {  	v8 =	vsub.f32 v30, v31;
	v24 =	vmul.f32 v24, v27;
	v22 =	vmul.f32 v22, v27  }
0x16a: {  	v9 =	vsub.f32 v34, v18;
	v10 =	vsub.f32 v19, v21;
	v18 =	vmul.f32 v36, v20  }
0x16b: {  	v13 =	vsub.f32 v14, v17;
	v12 =	vmul.f32 v12, v27;
	v14 =	vmul.f32 v25, v27  }
0x16c: {  	v11 =	vsub.f32 v15, v23;
	v17 =	vmul.f32 v36, v16;
	v20 =	vmul.f32 v6, v6  }
0x16d: {  	v21 =	vmul.f32 v7, v7;
	v15 =	vsub.f32 v35, v24;
	v16 =	vsub.f32 v22, v26  }
0x16e: {  	v18 =	vsub.f32 v18, v12;
	v12 =	vmul.f32 v9, v9;
	v22 =	vmul.f32 v10, v10  }
0x16f: {  	v23 =	vmul.f32 v11, v11;
	v24 =	vmul.f32 v13, v13;
	v19 =	vsub.f32 v14, v17  }
0x170: {  	v17 =	vsub.f32 v32, v33;
	v14 =	vmul.f32 v15, v15;
	v25 =	vmul.f32 v16, v16  }
0x171: {  	v26 =	vmul.f32 v18, v18;
	v12 =	vadd.f32 v22, v12;
	v22 =	vmul.f32 v19, v19  }
0x172: {  	v23 =	vadd.f32 v24, v23;
	v24 =	vmul.f32 v8, v8;
	v14 =	vadd.f32 v25, v14  }
0x173: {  	v12 =	vadd.f32 v12, v20;
	v20 =	vadd.f32 v22, v26;
	v22 =	vmul.f32 v17, v17  }
0x174: {  	v21 =	vadd.f32 v23, v21;
	v14 =	vadd.f32 v14, v24  }
0x175: {  	v23 =	vshrl.u32 v12, $0x1;
	v24 =	vmul.f32 $5.000000000e-01, v12;
	v20 =	vadd.f32 v20, v22  }
0x176: {  	v22 =	vshrl.u32 v21, $0x1;
	v25 =	vmul.f32 $5.000000000e-01, v21;
	v26 =	vshrl.u32 v14, $0x1  }
0x177: {  	v27 =	vmul.f32 $5.000000000e-01, v14;
	v28 =	vshrl.u32 v20, $0x1;
	v29 =	vmul.f32 $5.000000000e-01, v20  }
0x178: {  	v23 =	vsub.s32 $0x5F3759DF, v23;
	v26 =	vsub.s32 $0x5F3759DF, v26;
	v28 =	vsub.s32 $0x5F3759DF, v28  }
0x179: {  	v22 =	vsub.s32 $0x5F3759DF, v22;
	v30 =	vmul.f32 v26, v27;
	v31 =	vmul.f32 v28, v29  }
0x17a: {  	v50 =	vmul.f32 v23, v24;
	v51 =	vmul.f32 v22, v25  }
0x17b: {  	v30 =	vmul.f32 v26, v30;
	v31 =	vmul.f32 v28, v31  }
0x17c: {  	v32 =	vmul.f32 v23, v50;
	v33 =	vmul.f32 v22, v51  }
0x17d: {  	v30 =	vsub.f32 $1.500000000e+00, v30;
	v31 =	vsub.f32 $1.500000000e+00, v31  }
0x17e: {  	v32 =	vsub.f32 $1.500000000e+00, v32;
	v33 =	vsub.f32 $1.500000000e+00, v33  }
0x17f: {  	s29 =	simm.s32 $0x210;
	v26 =	vmul.f32 v26, v30;
	v28 =	vmul.f32 v28, v31  }
0x180: {  	v53 =	vmov s29;
	s29 =	simm.s32 $0x410;
	v23 =	vmul.f32 v23, v32;
	v22 =	vmul.f32 v22, v33  }
0x181: {  	v54 =	vmov s29;
	v55 =	vmul.f32 v26, v27;
	v56 =	vmul.f32 v28, v29  }
0x182: {  	v57 =	vshll.u32 v53, $0x3;
	s28 =	simm.s32 $0x10;
	v58 =	vmul.f32 v23, v24;
	v37 =	vmul.f32 v22, v25  }
0x183: {  	v52 =	vmov s28;
	v32 =	vmul.f32 v55, v26;
	v33 =	vmul.f32 v56, v28  }
0x184: {  	v34 =	vshll.u32 v52, $0x3;
	v35 =	vmul.f32 v58, v23;
	v37 =	vmul.f32 v37, v22  }
0x185: {  	v36 =	vshll.u32 v54, $0x3;
	v32 =	vsub.f32 $1.500000000e+00, v32;
	v33 =	vsub.f32 $1.500000000e+00, v33  }
0x186: {  	v9 =	vmul.f32 v11, v9;
	v35 =	vsub.f32 $1.500000000e+00, v35;
	v37 =	vsub.f32 $1.500000000e+00, v37  }
0x187: {  	v36 =	vor.u32 v3, v36;
	v26 =	vmul.f32 v32, v26;
	v28 =	vmul.f32 v33, v28  }
0x188: {  	v44 =	vor.u32 $0x1, v36;
	v23 =	vmul.f32 v35, v23;
	v60 =	vmul.f32 v37, v22  }
0x189: {  	s29 =	simm.s32 $0x610;
	v52 =	vor.u32 $0x2, v36;
	v27 =	vmul.f32 v26, v27;
	v29 =	vmul.f32 v28, v29  }
0x18a: {  	v30 =	vmov s29;
	v24 =	vmul.f32 v23, v24;
	v25 =	vmul.f32 v60, v25  }
0x18b: {  	v31 =	vor.u32 v3, v34;
	v27 =	vmul.f32 v27, v26;
	v29 =	vmul.f32 v29, v28  }
0x18c: {  	v34 =	vor.u32 v3, v57;
	v24 =	vmul.f32 v24, v23;
	v25 =	vmul.f32 v25, v60  }
0x18d: {  	v30 =	vshll.u32 v30, $0x3;
	v27 =	vsub.f32 $1.500000000e+00, v27;
	v29 =	vsub.f32 $1.500000000e+00, v29  }
0x18e: {  	v43 =	vld.idx.msk [tilespmem:v36+s17+$0x0], $0xffff;
	v38 =	vor.u32 $0x1, v31;
	v24 =	vsub.f32 $1.500000000e+00, v24;
	v25 =	vsub.f32 $1.500000000e+00, v25  }
0x18f: {  	v11 =	vld.idx.msk [tilespmem:v52+s17+$0x0], $0xffff;
	v39 =	vor.u32 $0x2, v31;
	v26 =	vmul.f32 v27, v26;
	v27 =	vmul.f32 v29, v28  }
0x190: {  	v50 =	vld.idx.msk [tilespmem:v44+s17+$0x0], $0xffff;
	v40 =	vor.u32 $0x3, v31;
	v23 =	vmul.f32 v24, v23;
	v24 =	vmul.f32 v25, v60  }
0x191: {  	v63 =	vor.u32 $0x1, v34;
	v61 =	vld.idx.msk [tilespmem:v31+s17+$0x0], $0xffff;
	v14 =	vmul.f32 v26, v14;
	v20 =	vmul.f32 v27, v20  }
0x192: {  	v59 =	vor.u32 $0x4, v31;
	v41 =	vld.idx.msk [tilespmem:v34+s17+$0x0], $0xffff;
	v12 =	vmul.f32 v23, v12;
	v21 =	vmul.f32 v24, v21  }
0x193: {  	v62 =	vld.idx.msk [tilespmem:v38+s17+$0x0], $0xffff;
	v22 =	vor.u32 v3, v30;
	v14 =	vadd.f32 $9.999999930e-09, v14;
	v20 =	vadd.f32 $9.999999930e-09, v20  }
0x194: {  	v42 =	vor.u32 $0x3, v34;
	v38 =	vld.idx.msk [tilespmem:v39+s17+$0x0], $0xffff;
	v12 =	vadd.f32 $9.999999930e-09, v12;
	v21 =	vadd.f32 $9.999999930e-09, v21  }
0x195: {  	v48 =	vor.u32 $0x2, v34;
	v30 =	vld.idx.msk [tilespmem:v40+s17+$0x0], $0xffff;
	v14 =	vmul.f32 v20, v14  }
0x196: {  	v51 =	vor.u32 $0x3, v22;
	v25 =	vld.idx.msk [tilespmem:v63+s17+$0x0], $0xffff;
	v12 =	vmul.f32 v21, v12  }
0x197: {  	v6 =	vmul.f32 v7, v6;
	v32 =	vld.idx.msk [tilespmem:v59+s17+$0x0], $0xffff;
	v29 =	vor.u32 $0x1, v22;
	(erf) = vrcp.f32 v14  }
0x198: {  	v10 =	vmul.f32 v13, v10;
	v28 =	vld.idx.msk [tilespmem:v22+s17+$0x0], $0xffff;
	v24 =	vor.u32 $0x4, v36;
	(erf) = vrcp.f32 v12  }
0x199: {  	v15 =	vmul.f32 v18, v15;
	v16 =	vmul.f32 v19, v16;
	v23 =	vld.idx.msk [tilespmem:v42+s17+$0x0], $0xffff  }
0x19a: {  	v8 =	vmul.f32 v17, v8;
	v9 =	vadd.f32 v10, v9;
	v49 =	vor.u32 $0x4, v34;
	v26 =	vld.idx.msk [tilespmem:v48+s17+$0x0], $0xffff  }
0x19b: {  	v13 =	vadd.f32 v16, v15;
	v27 =	vor.u32 $0x3, v36;
	v54 =	vsub.f32 v25, v62;
	v25 =	vld.idx.msk [tilespmem:v51+s17+$0x0], $0xffff  }
0x19c: {  	v6 =	vadd.f32 v9, v6;
	v29 =	vld.idx.msk [tilespmem:v29+s17+$0x0], $0xffff  }
0x19d: {  	v7 =	vadd.f32 v13, v8;
	v53 =	vor.u32 $0x4, v22;
	v41 =	vsub.f32 v41, v61;
	v24 =	vld.idx.msk [tilespmem:v24+s17+$0x0], $0xffff  }
0x19e: {  	v46 =	vor.u32 $0x5, v31;
	v43 =	vsub.f32 v43, v61;
	v45 =	vsub.f32 v28, v61  }
0x19f: {  	v55 =	vor.u32 $0x2, v22;
	v31 =	vsub.f32 v50, v62;
	v9 =	vsub.f32 v11, v38;
	v20 =	vld.idx.msk [tilespmem:v49+s17+$0x0], $0xffff  }
0x1a0: {  	v21 =	vld.idx.msk [tilespmem:v27+s17+$0x0], $0xffff;
	v40 =	vsub.f32 v26, v38;
	v27 =	vmul.f32 v45, v54;
	v17 =	vsub.f32 v25, v30;
	v8 =	vpop (erf)  }
0x1a1: {  	v25 =	vmul.f32 v43, v54;
	v12 =	vsub.f32 v23, v30;
	v7 =	vmul.f32 v8, v7;
	v8 =	vpop (erf)  }
0x1a2: {  	v18 =	vld.idx.msk [tilespmem:v53+s17+$0x0], $0xffff;
	v37 =	vsub.f32 v29, v62;
	v33 =	vsub.f32 v24, v32;
	v6 =	vmul.f32 v8, v6  }
0x1a3: {  	v24 =	vmul.f32 v31, v41;
	v29 =	vmul.f32 v9, v54;
	v7 =	vmax.f32 v7, $-9.999989860e-01  }
0x1a4: {  	v14 =	vsub.f32 v20, v32;
	v8 =	vmax.f32 v6, $-9.999989860e-01;
	v6 =	vmin.f32 v7, $9.999989860e-01  }
0x1a5: {  	v20 =	vsub.f32 v21, v30;
	v7 =	vmin.f32 v8, $9.999989860e-01;
	v11 =	vand.u32 $0x7FFFFFFF, v6  }
0x1a6: {  	v23 =	vld.idx.msk [tilespmem:v55+s17+$0x0], $0xffff;
	v8 =	vsub.f32 $1.000000000e+00, v11;
	v16 =	vmul.f32 $1.262491100e-03, v11;
	v10 =	vand.u32 $0x7FFFFFFF, v7  }
0x1a7: {  	v21 =	vsub.f32 v18, v32;
	v30 =	vmul.f32 v31, v40;
	v58 =	vmul.f32 $1.262491100e-03, v10  }
0x1a8: {  	v56 =	vshrl.u32 v8, $0x1;
	v57 =	vsub.f32 $6.670089900e-03, v16;
	v16 =	vmul.f32 $5.000000000e-01, v8  }
0x1a9: {  	v32 =	vmul.f32 v9, v41;
	v9 =	vsub.f32 $1.000000000e+00, v10;
	v47 =	vsub.s32 $0x5F3759DF, v56  }
0x1aa: {  	v31 =	vmul.f32 v43, v40;
	v60 =	vsub.f32 $6.670089900e-03, v58;
	v62 =	vmul.f32 v47, v16  }
0x1ab: {  	v23 =	vsub.f32 v23, v38;
	v59 =	vshrl.u32 v9, $0x1;
	v18 =	vmul.f32 $5.000000000e-01, v9  }
0x1ac: {  	v43 =	vsub.s32 $0x5F3759DF, v59;
	v52 =	vmul.f32 v60, v10;
	v49 =	vmul.f32 v47, v62  }
0x1ad: {  	v61 =	vor.u32 $0x5, v36;
	v35 =	vmul.f32 v23, v54;
	v48 =	vmul.f32 v43, v18  }
0x1ae: {  	v63 =	vmul.f32 v57, v11;
	v53 =	vadd.f32 $-1.708812640e-02, v52;
	v54 =	vsub.f32 $1.500000000e+00, v49  }
0x1af: {  	v34 =	vor.u32 $0x5, v34;
	v26 =	vmul.f32 v37, v41;
	v48 =	vmul.f32 v43, v48  }
0x1b0: {  	v38 =	vadd.f32 $-1.708812640e-02, v63;
	v44 =	vmul.f32 v53, v10;
	v47 =	vmul.f32 v47, v54  }
0x1b1: {  	v19 =	vmul.f32 v33, v12;
	v36 =	vmul.f32 v37, v40;
	v55 =	vsub.f32 $1.500000000e+00, v48  }
0x1b2: {  	v56 =	vmul.f32 v38, v11;
	v58 =	vadd.f32 $3.089188040e-02, v44;
	v59 =	vmul.f32 v47, v16  }
0x1b3: {  	v42 =	vld.idx.msk [tilespmem:v61+s17+$0x0], $0xffff;
	v61 =	vor.u32 $0x5, v22;
	v38 =	vmul.f32 v45, v40;
	v43 =	vmul.f32 v43, v55  }
0x1b4: {  	v39 =	vld.idx.msk [tilespmem:v46+s17+$0x0], $0xffff;
	v57 =	vadd.f32 $3.089188040e-02, v56;
	v40 =	vmul.f32 v58, v10;
	v44 =	vmul.f32 v59, v47  }
0x1b5: {  	v34 =	vld.idx.msk [tilespmem:v34+s17+$0x0], $0xffff;
	v37 =	vmul.f32 v23, v41;
	v60 =	vmul.f32 v43, v18  }
0x1b6: {  	v22 =	vmul.f32 v57, v11;
	v23 =	vadd.f32 $-5.017430340e-02, v40;
	v44 =	vsub.f32 $1.500000000e+00, v44  }
0x1b7: {  	v15 =	vmul.f32 v17, v14;
	v45 =	vmul.f32 v60, v43  }
0x1b8: {  	v22 =	vadd.f32 $-5.017430340e-02, v22;
	v63 =	vmul.f32 v23, v10;
	v23 =	vmul.f32 v44, v47;
	v44 =	vld.idx.msk [tilespmem:v61+s17+$0x0], $0xffff  }
0x1b9: {  	v28 =	vmul.f32 v20, v14;
	v42 =	vsub.f32 v42, v39;
	v45 =	vsub.f32 $1.500000000e+00, v45  }
0x1ba: {  	v13 =	vmul.f32 v21, v12;
	v40 =	vsub.f32 v34, v39;
	v62 =	vmul.f32 v22, v11  }
0x1bb: {  	s29 =	smin.u32 s25, $0x124D80;
	v41 =	vmul.f32 v42, v14;
	v22 =	vmul.f32 v45, v43  }
0x1bc: {  	s30 =	simm.s32 $0x20;
	s29 =	ssub.s32 s29, s25;
	v43 =	vmul.f32 v33, v40;
	v33 =	vadd.f32 $8.897899090e-02, v62;
	v34 =	vadd.f32 $8.897899090e-02, v63  }
.LBB2_11:
0x1bd: {  	p1 =	sne.s32 s30, $0x1F0;
	v39 =	vsub.f32 v44, v39;
	v44 =	vmul.f32 v23, v16;
	v45 =	vmul.f32 v22, v18  }
0x1be: {  	v16 =	vsub.f32 v24, v25;
	v24 =	vmul.f32 v33, v11;
	v25 =	vmul.f32 v34, v10  }
0x1bf: {  	v18 =	vsub.f32 v26, v27;
	v26 =	vmul.f32 v44, v23;
	v27 =	vmul.f32 v45, v22  }
0x1c0: {  	v33 =	vmul.f32 v20, v40;
	v20 =	vadd.f32 $-2.145988050e-01, v24;
	v24 =	vadd.f32 $-2.145988050e-01, v25  }
0x1c1: {  	v25 =	vmul.f32 v42, v12;
	v26 =	vsub.f32 $1.500000000e+00, v26;
	v27 =	vsub.f32 $1.500000000e+00, v27  }
0x1c2: {  	v19 =	vsub.f32 v19, v28;
	v20 =	vmul.f32 v20, v11;
	v24 =	vmul.f32 v24, v10  }
0x1c3: {  	v10 =	vsub.f32 v29, v30;
	v23 =	vmul.f32 v26, v23;
	v22 =	vmul.f32 v27, v22  }
0x1c4: {  	v14 =	vmul.f32 v39, v14;
	v11 =	vsub.f32 v31, v32;
	v26 =	vadd.f32 $1.570796250e+00, v20  }
0x1c5: {  	v24 =	vadd.f32 $1.570796250e+00, v24;
	v23 =	vmul.f32 v23, v8;
	v22 =	vmul.f32 v22, v9  }
0x1c6: {  	v27 =	vmul.f32 v21, v40;
	v8 =	vsub.f32 v35, v36;
	v9 =	vsub.f32 v38, v37  }
0x1c7: {  	v20 =	vsub.f32 v41, v43;
	v23 =	vmul.f32 v23, v26;
	v24 =	vmul.f32 v22, v24  }
0x1c8: {  	v21 =	vsub.f32 v33, v25;
	v22 =	vsub.f32 v14, v27;
	v14 =	vmul.f32 v17, v40  }
0x1c9: {  	v12 =	vmul.f32 v39, v12;
	v17 =	vsub.f32 $3.141592740e+00, v23;
	v25 =	vsub.f32 $3.141592740e+00, v24  }
0x1ca: {  	vm0 =	vge.f32 v6, $0.0e+00;
	vm1 =	vge.f32 v7, $0.0e+00;
	v26 =	vmul.f32 v16, v16  }
0x1cb: {  	v27 =	vmul.f32 v18, v18;
	v6 =	vsel vm0, v23, v17;
	v7 =	vsel vm1, v24, v25  }
0x1cc: {  	s31 =	sadd.s32 s29, s26;
	s26 =	smov.u32 s28;
	s28 =	smov.u32 s30;
	v17 =	vmul.f32 v10, v10;
	v23 =	vmul.f32 v11, v11;
	v6 =	vsub.f32 v6, v7  }
0x1cd: {  	p2 =	sgt.s32 s31, $0xFFFFFFFF;
	v24 =	vmul.f32 v8, v8;
	v25 =	vmul.f32 v9, v9;
	v7 =	vsub.f32 v14, v12  }
0x1ce: {  	v12 =	vmul.f32 v20, v20;
	v14 =	vmul.f32 v21, v21;
	v28 =	vpsel !p2, $0x0, v6  }
0x1cf: {  	v6 =	vsub.f32 v13, v15;
	v13 =	vmul.f32 v22, v22;
	v15 =	vmul.f32 v28, v28  }
0x1d0: {  	v17 =	vadd.f32 v23, v17;
	v23 =	vadd.f32 v25, v24;
	v24 =	vmul.f32 v7, v7  }
0x1d1: {  	v25 =	vmul.f32 v19, v19;
	v14 =	vadd.f32 v14, v12;
	v5 =	vadd.f32 v15, v5  }
0x1d2: {  	v12 =	vadd.f32 v17, v26;
	v17 =	vmul.f32 v6, v6;
	v15 =	vadd.f32 v24, v13  }
0x1d3: {  	v14 =	vadd.f32 v14, v25;
	v13 =	vadd.f32 v23, v27  }
0x1d4: {  	v23 =	vshrl.u32 v12, $0x1;
	v24 =	vmul.f32 $5.000000000e-01, v12;
	v15 =	vadd.f32 v15, v17  }
0x1d5: {  	v26 =	vshrl.u32 v14, $0x1;
	v17 =	vshrl.u32 v13, $0x1;
	v25 =	vmul.f32 $5.000000000e-01, v13  }
0x1d6: {  	v27 =	vmul.f32 $5.000000000e-01, v14;
	v28 =	vshrl.u32 v15, $0x1;
	v29 =	vmul.f32 $5.000000000e-01, v15  }
0x1d7: {  	v23 =	vsub.s32 $0x5F3759DF, v23;
	v26 =	vsub.s32 $0x5F3759DF, v26;
	v28 =	vsub.s32 $0x5F3759DF, v28  }
0x1d8: {  	v17 =	vsub.s32 $0x5F3759DF, v17;
	v30 =	vmul.f32 v26, v27;
	v31 =	vmul.f32 v28, v29  }
0x1d9: {  	v32 =	vmul.f32 v23, v24;
	v33 =	vmul.f32 v17, v25  }
0x1da: {  	v34 =	vmov s30;
	v30 =	vmul.f32 v26, v30;
	v31 =	vmul.f32 v28, v31  }
0x1db: {  	s31 =	sadd.s32 $0x200, s30;
	v34 =	vshll.u32 v34, $0x3;
	v32 =	vmul.f32 v23, v32;
	v33 =	vmul.f32 v17, v33  }
0x1dc: {  	v35 =	vmov s31;
	s31 =	sadd.s32 $0x400, s30;
	v30 =	vsub.f32 $1.500000000e+00, v30;
	v31 =	vsub.f32 $1.500000000e+00, v31  }
0x1dd: {  	v36 =	vmov s31;
	s31 =	sadd.s32 $0x600, s30;
	v32 =	vsub.f32 $1.500000000e+00, v32;
	v33 =	vsub.f32 $1.500000000e+00, v33  }
0x1de: {  	v37 =	vmov s31;
	v26 =	vmul.f32 v26, v30;
	v28 =	vmul.f32 v28, v31  }
0x1df: {  	v23 =	vmul.f32 v23, v32;
	v30 =	vor.u32 v3, v34;
	v17 =	vmul.f32 v17, v33  }
0x1e0: {  	v32 =	vmul.f32 v26, v27;
	v31 =	vshll.u32 v35, $0x3;
	v33 =	vmul.f32 v28, v29  }
0x1e1: {  	v34 =	vshll.u32 v36, $0x3;
	v35 =	vmul.f32 v23, v24;
	v36 =	vmul.f32 v17, v25  }
0x1e2: {  	v37 =	vshll.u32 v37, $0x3;
	v32 =	vmul.f32 v32, v26;
	v33 =	vmul.f32 v33, v28  }
0x1e3: {  	v38 =	vor.u32 $0x1, v30;
	v35 =	vmul.f32 v35, v23;
	v36 =	vmul.f32 v36, v17  }
0x1e4: {  	v39 =	vor.u32 $0x2, v30;
	v32 =	vsub.f32 $1.500000000e+00, v32;
	v33 =	vsub.f32 $1.500000000e+00, v33  }
0x1e5: {  	v40 =	vor.u32 $0x3, v30;
	v35 =	vsub.f32 $1.500000000e+00, v35;
	v36 =	vsub.f32 $1.500000000e+00, v36  }
0x1e6: {  	v41 =	vor.u32 $0x4, v30;
	v26 =	vmul.f32 v32, v26;
	v28 =	vmul.f32 v33, v28  }
0x1e7: {  	v17 =	vmul.f32 v36, v17;
	v33 =	vor.u32 v3, v31;
	v31 =	vmul.f32 v35, v23;
	v32 =	vld.idx.msk [tilespmem:v30+s17+$0x0], $0xffff  }
0x1e8: {  	v36 =	vor.u32 v3, v34;
	v27 =	vmul.f32 v26, v27;
	v29 =	vmul.f32 v28, v29;
	v35 =	vld.idx.msk [tilespmem:v38+s17+$0x0], $0xffff  }
0x1e9: {  	v23 =	vor.u32 v3, v37;
	v25 =	vmul.f32 v17, v25;
	v24 =	vmul.f32 v31, v24;
	v34 =	vld.idx.msk [tilespmem:v39+s17+$0x0], $0xffff  }
0x1ea: {  	v37 =	vor.u32 $0x1, v33;
	v27 =	vmul.f32 v27, v26;
	v29 =	vmul.f32 v29, v28;
	v38 =	vld.idx.msk [tilespmem:v40+s17+$0x0], $0xffff  }
0x1eb: {  	v25 =	vmul.f32 v25, v17;
	v24 =	vmul.f32 v24, v31;
	v40 =	vor.u32 $0x2, v33;
	v39 =	vld.idx.msk [tilespmem:v41+s17+$0x0], $0xffff  }
0x1ec: {  	v42 =	vor.u32 $0x3, v33;
	v27 =	vsub.f32 $1.500000000e+00, v27;
	v29 =	vsub.f32 $1.500000000e+00, v29;
	v41 =	vld.idx.msk [tilespmem:v33+s17+$0x0], $0xffff  }
0x1ed: {  	v44 =	vor.u32 $0x1, v36;
	v25 =	vsub.f32 $1.500000000e+00, v25;
	v24 =	vsub.f32 $1.500000000e+00, v24;
	v43 =	vld.idx.msk [tilespmem:v36+s17+$0x0], $0xffff  }
0x1ee: {  	v46 =	vor.u32 $0x1, v23;
	v26 =	vmul.f32 v27, v26;
	v27 =	vmul.f32 v29, v28;
	v45 =	vld.idx.msk [tilespmem:v23+s17+$0x0], $0xffff  }
0x1ef: {  	v17 =	vmul.f32 v25, v17;
	v29 =	vor.u32 $0x4, v33;
	v24 =	vmul.f32 v24, v31;
	v28 =	vld.idx.msk [tilespmem:v37+s17+$0x0], $0xffff  }
0x1f0: {  	v14 =	vmul.f32 v26, v14;
	v31 =	vor.u32 $0x3, v36;
	v15 =	vmul.f32 v27, v15;
	v25 =	vld.idx.msk [tilespmem:v40+s17+$0x0], $0xffff  }
0x1f1: {  	v13 =	vmul.f32 v17, v13;
	v27 =	vor.u32 $0x4, v36;
	v12 =	vmul.f32 v24, v12;
	v26 =	vld.idx.msk [tilespmem:v42+s17+$0x0], $0xffff  }
0x1f2: {  	v14 =	vadd.f32 $9.999999930e-09, v14;
	v24 =	vor.u32 $0x3, v23;
	v15 =	vadd.f32 $9.999999930e-09, v15;
	v17 =	vld.idx.msk [tilespmem:v44+s17+$0x0], $0xffff  }
0x1f3: {  	v13 =	vadd.f32 $9.999999930e-09, v13;
	v12 =	vadd.f32 $9.999999930e-09, v12;
	v40 =	vld.idx.msk [tilespmem:v46+s17+$0x0], $0xffff  }
0x1f4: {  	v42 =	vor.u32 $0x5, v30;
	v14 =	vmul.f32 v15, v14;
	v29 =	vld.idx.msk [tilespmem:v29+s17+$0x0], $0xffff  }
0x1f5: {  	v15 =	vor.u32 $0x2, v36;
	v12 =	vmul.f32 v13, v12;
	v30 =	vld.idx.msk [tilespmem:v31+s17+$0x0], $0xffff;
	v31 =	vor.u32 $0x4, v23  }
0x1f6: {  	v37 =	vsub.f32 v41, v32;
	v41 =	vsub.f32 v43, v32;
	v13 =	vld.idx.msk [tilespmem:v27+s17+$0x0], $0xffff;
	(erf) = vrcp.f32 v14  }
0x1f7: {  	v44 =	vsub.f32 v45, v32;
	v43 =	vsub.f32 v28, v35;
	v24 =	vld.idx.msk [tilespmem:v24+s17+$0x0], $0xffff;
	(erf) = vrcp.f32 v12  }
0x1f8: {  	v36 =	vor.u32 $0x5, v36;
	v45 =	vsub.f32 v25, v34;
	v32 =	vsub.f32 v17, v35  }
0x1f9: {  	v46 =	vor.u32 $0x2, v23;
	v12 =	vsub.f32 v26, v38;
	v40 =	vsub.f32 v40, v35  }
0x1fa: {  	v7 =	vmul.f32 v7, v21;
	v17 =	vmul.f32 v22, v20;
	v14 =	vsub.f32 v29, v39;
	v28 =	vld.idx.msk [tilespmem:v31+s17+$0x0], $0xffff  }
0x1fb: {  	v8 =	vmul.f32 v8, v10;
	v9 =	vmul.f32 v9, v11;
	v20 =	vsub.f32 v30, v38;
	v15 =	vld.idx.msk [tilespmem:v15+s17+$0x0], $0xffff  }
0x1fc: {  	v6 =	vmul.f32 v6, v19;
	v7 =	vadd.f32 v7, v17;
	v47 =	vsub.f32 v13, v39  }
0x1fd: {  	v10 =	vadd.f32 v9, v8;
	v9 =	vmul.f32 v18, v16;
	v17 =	vsub.f32 v24, v38  }
0x1fe: {  	v25 =	vmul.f32 v41, v43;
	v6 =	vadd.f32 v7, v6;
	v24 =	vmul.f32 v32, v37  }
0x1ff: {  	v27 =	vmul.f32 v44, v43;
	v26 =	vmul.f32 v40, v37;
	v7 =	vadd.f32 v10, v9;
	v8 =	vpop (erf)  }
0x200: {  	v19 =	vmul.f32 v47, v12;
	v21 =	vsub.f32 v28, v39;
	v6 =	vmul.f32 v8, v6;
	v8 =	vpop (erf)  }
0x201: {  	v28 =	vmul.f32 v20, v14;
	v9 =	vsub.f32 v15, v34;
	v7 =	vmul.f32 v8, v7  }
0x202: {  	v15 =	vmul.f32 v17, v14;
	v13 =	vmul.f32 v21, v12;
	v6 =	vmax.f32 v6, $-9.999989860e-01  }
0x203: {  	v29 =	vmul.f32 v9, v43;
	v7 =	vmax.f32 v7, $-9.999989860e-01;
	v6 =	vmin.f32 v6, $9.999989860e-01  }
0x204: {  	v30 =	vmul.f32 v32, v45;
	v7 =	vmin.f32 v7, $9.999989860e-01;
	v11 =	vand.u32 $0x7FFFFFFF, v6  }
0x205: {  	v22 =	vld.idx.msk [tilespmem:v46+s17+$0x0], $0xffff;
	v8 =	vsub.f32 $1.000000000e+00, v11;
	v16 =	vmul.f32 $1.262491100e-03, v11;
	v10 =	vand.u32 $0x7FFFFFFF, v7  }
0x206: {  	v31 =	vmul.f32 v41, v45;
	v32 =	vmul.f32 v9, v37;
	v9 =	vsub.f32 $1.000000000e+00, v10  }
0x207: {  	v39 =	vmul.f32 $1.262491100e-03, v10;
	v35 =	vshrl.u32 v8, $0x1;
	v38 =	vsub.f32 $6.670089900e-03, v16  }
0x208: {  	v16 =	vmul.f32 $5.000000000e-01, v8;
	v41 =	vshrl.u32 v9, $0x1;
	v18 =	vmul.f32 $5.000000000e-01, v9  }
0x209: {  	v46 =	vsub.s32 $0x5F3759DF, v35;
	v35 =	vsub.f32 $6.670089900e-03, v39;
	v41 =	vsub.s32 $0x5F3759DF, v41  }
0x20a: {  	v39 =	vmul.f32 v46, v16;
	v48 =	vmul.f32 v41, v18  }
0x20b: {  	v22 =	vsub.f32 v22, v34;
	v34 =	vmul.f32 v38, v11;
	v38 =	vmul.f32 v35, v10  }
0x20c: {  	v33 =	vor.u32 $0x5, v33;
	v49 =	vmul.f32 v46, v39;
	v48 =	vmul.f32 v41, v48  }
0x20d: {  	v35 =	vmul.f32 v22, v43;
	v34 =	vadd.f32 $-1.708812640e-02, v34;
	v38 =	vadd.f32 $-1.708812640e-02, v38;
	v39 =	vld.idx.msk [tilespmem:v42+s17+$0x0], $0xffff  }
0x20e: {  	v42 =	vld.idx.msk [tilespmem:v36+s17+$0x0], $0xffff;
	v36 =	vmul.f32 v40, v45;
	v40 =	vsub.f32 $1.500000000e+00, v49;
	v43 =	vsub.f32 $1.500000000e+00, v48  }
0x20f: {  	v23 =	vor.u32 $0x5, v23;
	v34 =	vmul.f32 v34, v11;
	v48 =	vmul.f32 v38, v10  }
0x210: {  	v46 =	vmul.f32 v46, v40;
	v43 =	vmul.f32 v41, v43  }
0x211: {  	v38 =	vmul.f32 v44, v45;
	v34 =	vadd.f32 $3.089188040e-02, v34;
	v40 =	vadd.f32 $3.089188040e-02, v48;
	v33 =	vld.idx.msk [tilespmem:v33+s17+$0x0], $0xffff  }
0x212: {  	v41 =	vmul.f32 v46, v16;
	v45 =	vmul.f32 v43, v18  }
0x213: {  	v34 =	vmul.f32 v34, v11;
	v40 =	vmul.f32 v40, v10  }
0x214: {  	v42 =	vsub.f32 v42, v39;
	v44 =	vld.idx.msk [tilespmem:v23+s17+$0x0], $0xffff;
	v23 =	vmul.f32 v41, v46;
	v45 =	vmul.f32 v45, v43  }
.Ltmp4:
0x215: {  	v37 =	vmul.f32 v22, v37;
	v22 =	vadd.f32 $-5.017430340e-02, v34;
	v34 =	vadd.f32 $-5.017430340e-02, v40;
	(pc) =	sbr.rel @p1 .LBB2_11-.Ltmp4, $4  }
0x216: {  	v41 =	vmul.f32 v42, v14;
	v23 =	vsub.f32 $1.500000000e+00, v23;
	v45 =	vsub.f32 $1.500000000e+00, v45  }
0x217: {  	v40 =	vsub.f32 v33, v39;
	v33 =	vmul.f32 v22, v11;
	v34 =	vmul.f32 v34, v10  }
0x218: {  	v23 =	vmul.f32 v23, v46;
	v22 =	vmul.f32 v45, v43  }
0x219: {  	s30 =	sadd.s32 $0x10, s30;
	v43 =	vmul.f32 v47, v40;
	v33 =	vadd.f32 $8.897899090e-02, v33;
	v34 =	vadd.f32 $8.897899090e-02, v34  }
0x21a: {  	v39 =	vsub.f32 v44, v39  }
0x21b: {  	v24 =	vsub.f32 v24, v25;
	v25 =	vsub.f32 v26, v27  }
0x21c: {  	v20 =	vmul.f32 v20, v40;
	v63 =	vmul.f32 v42, v12;
	v19 =	vsub.f32 v19, v28  }
0x21d: {  	v27 =	vsub.f32 v29, v30;
	v28 =	vsub.f32 v31, v32;
	v21 =	vmul.f32 v21, v40  }
0x21e: {  	v29 =	vsub.f32 v35, v36;
	v17 =	vmul.f32 v17, v40;
	v14 =	vmul.f32 v39, v14  }
0x21f: {  	v31 =	vsub.f32 v41, v43;
	v42 =	vmul.f32 v39, v12;
	v43 =	vmul.f32 v24, v24  }
0x220: {  	v30 =	vsub.f32 v38, v37;
	v44 =	vmul.f32 v25, v25;
	v45 =	vmul.f32 v27, v27  }
0x221: {  	v20 =	vsub.f32 v20, v63;
	v46 =	vmul.f32 v28, v28;
	v36 =	vmul.f32 v29, v29  }
0x222: {  	v37 =	vmul.f32 v30, v30;
	v14 =	vsub.f32 v14, v21;
	v12 =	vsub.f32 v17, v42  }
0x223: {  	v13 =	vsub.f32 v13, v15;
	v47 =	vmul.f32 v31, v31;
	v48 =	vmul.f32 v20, v20  }
0x224: {  	v21 =	vadd.f32 v46, v45;
	v49 =	vmul.f32 v14, v14;
	v50 =	vmul.f32 v12, v12  }
0x225: {  	v51 =	vmul.f32 v19, v19;
	v36 =	vadd.f32 v37, v36;
	v17 =	vadd.f32 v48, v47  }
0x226: {  	v52 =	vmul.f32 v13, v13;
	v21 =	vadd.f32 v21, v43;
	v15 =	vadd.f32 v50, v49  }
0x227: {  	v32 =	vadd.f32 v36, v44;
	v17 =	vadd.f32 v17, v51  }
0x228: {  	v53 =	vshrl.u32 v21, $0x1;
	v54 =	vmul.f32 $5.000000000e-01, v21;
	v15 =	vadd.f32 v15, v52  }
0x229: {  	v55 =	vshrl.u32 v32, $0x1;
	v56 =	vmul.f32 $5.000000000e-01, v32;
	v57 =	vshrl.u32 v17, $0x1  }
0x22a: {  	v58 =	vmul.f32 $5.000000000e-01, v17;
	v59 =	vshrl.u32 v15, $0x1;
	v60 =	vmul.f32 $5.000000000e-01, v15  }
0x22b: {  	v35 =	vsub.s32 $0x5F3759DF, v53;
	v38 =	vsub.s32 $0x5F3759DF, v57;
	v40 =	vsub.s32 $0x5F3759DF, v59  }
0x22c: {  	v26 =	vsub.s32 $0x5F3759DF, v55;
	v61 =	vmul.f32 v38, v58;
	v62 =	vmul.f32 v40, v60  }
0x22d: {  	v63 =	vmul.f32 v35, v54;
	v45 =	vmul.f32 v26, v56  }
0x22e: {  	v42 =	vmul.f32 v38, v61;
	v43 =	vmul.f32 v40, v62  }
0x22f: {  	v44 =	vmul.f32 v35, v63;
	v45 =	vmul.f32 v26, v45  }
0x230: {  	v42 =	vsub.f32 $1.500000000e+00, v42;
	v43 =	vsub.f32 $1.500000000e+00, v43  }
0x231: {  	v44 =	vsub.f32 $1.500000000e+00, v44;
	v45 =	vsub.f32 $1.500000000e+00, v45  }
0x232: {  	v38 =	vmul.f32 v38, v42;
	v40 =	vmul.f32 v40, v43  }
0x233: {  	v35 =	vmul.f32 v35, v44;
	v26 =	vmul.f32 v26, v45  }
0x234: {  	v42 =	vmul.f32 v38, v58;
	v43 =	vmul.f32 v40, v60  }
0x235: {  	v44 =	vmul.f32 v35, v54;
	v45 =	vmul.f32 v26, v56  }
0x236: {  	v42 =	vmul.f32 v42, v38;
	v43 =	vmul.f32 v43, v40  }
0x237: {  	v44 =	vmul.f32 v44, v35;
	v45 =	vmul.f32 v45, v26  }
0x238: {  	v42 =	vsub.f32 $1.500000000e+00, v42;
	v43 =	vsub.f32 $1.500000000e+00, v43  }
0x239: {  	v44 =	vsub.f32 $1.500000000e+00, v44;
	v45 =	vsub.f32 $1.500000000e+00, v45  }
0x23a: {  	v38 =	vmul.f32 v42, v38;
	v40 =	vmul.f32 v43, v40  }
0x23b: {  	v35 =	vmul.f32 v44, v35;
	v26 =	vmul.f32 v45, v26  }
0x23c: {  	v39 =	vmul.f32 v38, v58;
	v41 =	vmul.f32 v40, v60  }
0x23d: {  	v36 =	vmul.f32 v35, v54;
	v37 =	vmul.f32 v26, v56  }
0x23e: {  	v39 =	vmul.f32 v39, v38;
	v41 =	vmul.f32 v41, v40  }
0x23f: {  	v36 =	vmul.f32 v36, v35;
	v37 =	vmul.f32 v37, v26  }
0x240: {  	v39 =	vsub.f32 $1.500000000e+00, v39;
	v41 =	vsub.f32 $1.500000000e+00, v41  }
0x241: {  	v36 =	vsub.f32 $1.500000000e+00, v36;
	v37 =	vsub.f32 $1.500000000e+00, v37  }
0x242: {  	v38 =	vmul.f32 v39, v38;
	v45 =	vmul.f32 v41, v40  }
0x243: {  	v35 =	vmul.f32 v36, v35;
	v26 =	vmul.f32 v37, v26  }
0x244: {  	v17 =	vmul.f32 v38, v17;
	v15 =	vmul.f32 v45, v15  }
0x245: {  	v21 =	vmul.f32 v35, v21;
	v26 =	vmul.f32 v26, v32  }
0x246: {  	v17 =	vadd.f32 $9.999999930e-09, v17;
	v15 =	vadd.f32 $9.999999930e-09, v15  }
0x247: {  	v21 =	vadd.f32 $9.999999930e-09, v21;
	v26 =	vadd.f32 $9.999999930e-09, v26  }
0x248: {  	v15 =	vmul.f32 v15, v17  }
0x249: {  	v46 =	vmul.f32 v26, v21  }
0x24a: {  	(erf) = vrcp.f32 v15  }
0x24b: {  	(erf) = vrcp.f32 v46;
	_ =	sdelay $0x2  }
0x24c: {  	v14 =	vmul.f32 v14, v31;
	v12 =	vmul.f32 v12, v20  }
0x24d: {  	v47 =	vmul.f32 v29, v27;
	v48 =	vmul.f32 v30, v28  }
0x24e: {  	v13 =	vmul.f32 v13, v19;
	v12 =	vadd.f32 v12, v14  }
0x24f: {  	v49 =	vadd.f32 v48, v47;
	v50 =	vmul.f32 v25, v24  }
0x250: {  	v12 =	vadd.f32 v12, v13  }
0x251: {  	v51 =	vadd.f32 v49, v50;
	v52 =	vpop (erf)  }
0x252: {  	v12 =	vmul.f32 v52, v12;
	v53 =	vpop (erf)  }
0x253: {  	v13 =	vmul.f32 v53, v51  }
0x254: {  	v55 =	vmul.f32 v22, v18;
	v12 =	vmax.f32 v12, $-9.999989860e-01  }
0x255: {  	v61 =	vmul.f32 v34, v10;
	v13 =	vmax.f32 v13, $-9.999989860e-01;
	v12 =	vmin.f32 v12, $9.999989860e-01  }
0x256: {  	v54 =	vmul.f32 v23, v16;
	v13 =	vmin.f32 v13, $9.999989860e-01;
	v56 =	vand.u32 $0x7FFFFFFF, v12  }
0x257: {  	v57 =	vsub.f32 $1.000000000e+00, v56;
	v58 =	vmul.f32 $1.262491100e-03, v56;
	v59 =	vand.u32 $0x7FFFFFFF, v13  }
0x258: {  	v14 =	vmul.f32 v54, v23;
	v60 =	vmul.f32 v33, v11;
	v62 =	vsub.f32 $1.000000000e+00, v59  }
0x259: {  	v32 =	vmul.f32 $1.262491100e-03, v59;
	v63 =	vshrl.u32 v57, $0x1;
	v18 =	vsub.f32 $6.670089900e-03, v58  }
0x25a: {  	v33 =	vmul.f32 $5.000000000e-01, v57;
	v34 =	vshrl.u32 v62, $0x1;
	v35 =	vmul.f32 $5.000000000e-01, v62  }
0x25b: {  	v25 =	vsub.s32 $0x5F3759DF, v63;
	v26 =	vsub.f32 $6.670089900e-03, v32;
	v28 =	vsub.s32 $0x5F3759DF, v34  }
0x25c: {  	v36 =	vmul.f32 v25, v33;
	v37 =	vmul.f32 v28, v35  }
0x25d: {  	v18 =	vmul.f32 v18, v56;
	v26 =	vmul.f32 v26, v59  }
0x25e: {  	v14 =	vsub.f32 $1.500000000e+00, v14;
	v30 =	vmul.f32 v25, v36;
	v31 =	vmul.f32 v28, v37  }
0x25f: {  	v18 =	vadd.f32 $-1.708812640e-02, v18;
	v26 =	vadd.f32 $-1.708812640e-02, v26  }
0x260: {  	v14 =	vmul.f32 v14, v23;
	v30 =	vsub.f32 $1.500000000e+00, v30;
	v31 =	vsub.f32 $1.500000000e+00, v31  }
0x261: {  	v20 =	vadd.f32 $-2.145988050e-01, v60;
	v18 =	vmul.f32 v18, v56;
	v26 =	vmul.f32 v26, v59  }
0x262: {  	v25 =	vmul.f32 v25, v30;
	v28 =	vmul.f32 v28, v31  }
0x263: {  	v38 =	vmul.f32 v20, v11;
	v18 =	vadd.f32 $3.089188040e-02, v18;
	v39 =	vadd.f32 $3.089188040e-02, v26  }
0x264: {  	v40 =	vmul.f32 v25, v33;
	v41 =	vmul.f32 v28, v35  }
0x265: {  	v18 =	vmul.f32 v18, v56;
	v20 =	vmul.f32 v39, v59  }
0x266: {  	v21 =	vadd.f32 $-2.145988050e-01, v61;
	v26 =	vmul.f32 v40, v25;
	v30 =	vmul.f32 v41, v28  }
0x267: {  	v15 =	vmul.f32 v55, v22;
	v18 =	vadd.f32 $-5.017430340e-02, v18;
	v20 =	vadd.f32 $-5.017430340e-02, v20  }
0x268: {  	v42 =	vmul.f32 v21, v10;
	v43 =	vsub.f32 $1.500000000e+00, v26;
	v44 =	vsub.f32 $1.500000000e+00, v30  }
0x269: {  	v15 =	vsub.f32 $1.500000000e+00, v15;
	v18 =	vmul.f32 v18, v56;
	v20 =	vmul.f32 v20, v59  }
0x26a: {  	v21 =	vmul.f32 v43, v25;
	v23 =	vmul.f32 v44, v28  }
0x26b: {  	v15 =	vmul.f32 v15, v22;
	v18 =	vadd.f32 $8.897899090e-02, v18;
	v20 =	vadd.f32 $8.897899090e-02, v20  }
0x26c: {  	v45 =	vmul.f32 v21, v33;
	v46 =	vmul.f32 v23, v35  }
0x26d: {  	v18 =	vmul.f32 v18, v56;
	v20 =	vmul.f32 v20, v59  }
0x26e: {  	v11 =	vadd.f32 $1.570796250e+00, v38;
	v22 =	vmul.f32 v45, v21;
	v25 =	vmul.f32 v46, v23  }
0x26f: {  	v8 =	vmul.f32 v14, v8;
	v47 =	vadd.f32 $-2.145988050e-01, v18;
	v48 =	vadd.f32 $-2.145988050e-01, v20  }
0x270: {  	v9 =	vmul.f32 v15, v9;
	v49 =	vsub.f32 $1.500000000e+00, v22;
	v50 =	vsub.f32 $1.500000000e+00, v25  }
0x271: {  	v10 =	vadd.f32 $1.570796250e+00, v42;
	v14 =	vmul.f32 v47, v56;
	v51 =	vmul.f32 v48, v59  }
0x272: {  	v15 =	vmul.f32 v49, v21;
	v52 =	vmul.f32 v50, v23  }
0x273: {  	v8 =	vmul.f32 v8, v11;
	v9 =	vmul.f32 v9, v10;
	v53 =	vadd.f32 $1.570796250e+00, v14  }
0x274: {  	v56 =	vadd.f32 $1.570796250e+00, v51;
	v54 =	vmul.f32 v15, v57;
	v55 =	vmul.f32 v52, v62  }
0x275: {  	vm0 =	vge.f32 v6, $0.0e+00;
	vm1 =	vge.f32 v7, $0.0e+00;
	v58 =	vsub.f32 $3.141592740e+00, v9  }
0x276: {  	v57 =	vsub.f32 $3.141592740e+00, v8;
	v6 =	vmul.f32 v54, v53;
	v59 =	vmul.f32 v55, v56  }
0x277: {  	v60 =	vsel vm1, v9, v58  }
0x278: {  	v7 =	vsel vm0, v8, v57;
	v61 =	vsub.f32 $3.141592740e+00, v6;
	v62 =	vsub.f32 $3.141592740e+00, v59  }
0x279: {  	s26 =	sadd.s32 s29, s26;
	vm14 =	vge.f32 v12, $0.0e+00;
	vm15 =	vge.f32 v13, $0.0e+00;
	v7 =	vsub.f32 v7, v60  }
0x27a: {  	p1 =	sgt.s32 s26, $0xFFFFFFFF;
	v6 =	vsel vm14, v6, v61;
	v63 =	vsel vm15, v59, v62  }
0x27b: {  	s31 =	sadd.s32 s29, s28;
	v7 =	vpsel !p1, $0x0, v7;
	v6 =	vsub.f32 v6, v63  }
.Ltmp5:
0x27c: {  	p6 =	sgt.s32 s31, $0xFFFFFFFF;
	v7 =	vmul.f32 v7, v7;
	(pc) =	sbr.rel @p0 .LBB2_16-.Ltmp5, $3  }
0x27d: {  	v6 =	vpsel !p6, $0x0, v6  }
0x27e: {  	v5 =	vadd.f32 v7, v5;
	v6 =	vmul.f32 v6, v6;
	_ =	sdelay $0x1  }
0x27f: {  	v5 =	vadd.f32 v6, v5  }
0x280: {  	s26 =	simm.s32 $0x0  }
0x281: {  	v7 =	vor.u32 s26, v1  }
0x282: {  	v8 =	vshll.u32 v7, $0x2  }
0x283: {  	s31 =	smin.u32 s25, $0x124980  }
0x284: {  	_ =	swait.ge [sflag:s20], $0x800;
	s26 =	sadd.s32 $0x400, s31  }
0x285: {  	[sflag:s20] =	ssyncset.done $0x0;
	v6 =	vmov s26  }
0x286: {  	[sflag:s20] =	ssyncadd.s32 $0xFFFFF800;
	v7 =	vadd.s32 v6, v7  }
0x287: {  	vm0 =	vgt.u32 v7, $0x493DF;
	v9 =	vld.idx.msk [tilespmem:v8+s3+$0x0], $0xffff  }
0x288: {  	v11 =	vor.u32 $0x1, v8;
	vm15 =	vgt.u32 v7, $0x927BF;
	v10 =	vsel vm0, $0x186A0, v4  }
0x289: {  	vm1 =	vgt.u32 v7, $0xDBB9F;
	v7 =	vadd.s32 v0, v10;
	v10 =	vsel vm15, $0x186A0, v4  }
0x28a: {  	v7 =	vadd.s32 v10, v7;
	v10 =	vsel vm1, $0x186A0, v4  }
0x28b: {  	v7 =	vadd.s32 v10, v7  }
0x28c: {  	s26 =	simm.s32 $0x1400;
	v9 =	vadd.s32 v7, v9  }
0x28d: {  	[tilespmem:s26+$0xFFFFFC00] =	vst v9  }
0x28e: {  	v9 =	vld.idx.msk [tilespmem:v11+s3+$0x0], $0xffff;
	_ =	sdelay $0x1  }
0x28f: {  	v10 =	vor.u32 $0x2, v8;
	_ =	sdelay $0x2  }
0x290: {  	v9 =	vadd.s32 v7, v9  }
0x291: {  	[tilespmem:s26+$0xFFFFFE00] =	vst v9  }
0x292: {  	v9 =	vld.idx.msk [tilespmem:v10+s3+$0x0], $0xffff;
	_ =	sdelay $0x1  }
0x293: {  	v8 =	vor.u32 $0x3, v8;
	_ =	sdelay $0x2  }
0x294: {  	v9 =	vadd.s32 v7, v9  }
0x295: {  	[tilespmem:s26+$0x0] =	vst v9  }
0x296: {  	s28 =	simm.s32 $0x10;
	v9 =	vld.idx.msk [tilespmem:v8+s3+$0x0], $0xffff  }
0x297: {  	v8 =	vor.u32 s28, v1;
	s28 =	simm.s32 $0x20  }
.LBB2_14:
0x298: {  	p1 =	sne.s32 s28, $0x1F0;
	v10 =	vshll.u32 v8, $0x2;
	_ =	sdelay $0x2  }
0x299: {  	v7 =	vadd.s32 v7, v9  }
0x29a: {  	[tilespmem:s26+$0x200] =	vst v7  }
0x29b: {  	v7 =	vadd.s32 v6, v8;
	v8 =	vld.idx.msk [tilespmem:v10+s3+$0x0], $0xffff  }
0x29c: {  	vm0 =	vgt.u32 v7, $0x493DF  }
0x29d: {  	vm1 =	vgt.u32 v7, $0xDBB9F;
	v9 =	vsel vm0, $0x186A0, v4;
	vm0 =	vgt.u32 v7, $0x927BF  }
0x29e: {  	v11 =	vor.u32 $0x1, v10;
	v7 =	vadd.s32 v0, v9;
	v9 =	vsel vm0, $0x186A0, v4  }
0x29f: {  	v7 =	vadd.s32 v9, v7;
	v9 =	vsel vm1, $0x186A0, v4  }
0x2a0: {  	v7 =	vadd.s32 v9, v7  }
0x2a1: {  	s26 =	sadd.s32 $0x10, s26;
	v8 =	vadd.s32 v7, v8  }
0x2a2: {  	[tilespmem:s26+$0xFFFFFC00] =	vst v8  }
0x2a3: {  	v8 =	vld.idx.msk [tilespmem:v11+s3+$0x0], $0xffff;
	_ =	sdelay $0x2  }
0x2a4: {  	v9 =	vor.u32 $0x2, v10;
	_ =	sdelay $0x2  }
0x2a5: {  	v8 =	vadd.s32 v7, v8  }
0x2a6: {  	[tilespmem:s26+$0xFFFFFE00] =	vst v8  }
0x2a7: {  	v8 =	vld.idx.msk [tilespmem:v9+s3+$0x0], $0xffff;
	_ =	sdelay $0x2  }
0x2a8: {  	v9 =	vor.u32 $0x3, v10;
	_ =	sdelay $0x2  }
.Ltmp6:
0x2a9: {  	v8 =	vadd.s32 v7, v8;
	(pc) =	sbr.rel @p1 .LBB2_14-.Ltmp6, $3  }
0x2aa: {  	[tilespmem:s26+$0x0] =	vst v8  }
0x2ab: {  	v9 =	vld.idx.msk [tilespmem:v9+s3+$0x0], $0xffff;
	_ =	sdelay $0x1  }
0x2ac: {  	v8 =	vor.u32 s28, v1;
	s28 =	sadd.s32 $0x10, s28  }
0x2ad: {  	v10 =	vshll.u32 v8, $0x2;
	_ =	sdelay $0x2  }
0x2ae: {  	v7 =	vadd.s32 v7, v9  }
0x2af: {  	v6 =	vadd.s32 v6, v8;
	[tilespmem:s26+$0x200] =	vst v7  }
0x2b0: {  	vm0 =	vgt.u32 v6, $0x493DF;
	v7 =	vld.idx.msk [tilespmem:v10+s3+$0x0], $0xffff  }
0x2b1: {  	vm15 =	vgt.u32 v6, $0x927BF;
	vm1 =	vgt.u32 v6, $0xDBB9F;
	v58 =	vsel vm0, $0x186A0, v4  }
0x2b2: {  	v60 =	vor.u32 $0x1, v10;
	v59 =	vsel vm15, $0x186A0, v4;
	v6 =	vadd.s32 v0, v58  }
0x2b3: {  	v61 =	vsel vm1, $0x186A0, v4;
	v6 =	vadd.s32 v59, v6  }
0x2b4: {  	v6 =	vadd.s32 v61, v6  }
0x2b5: {  	s28 =	sadd.s32 $0x10, s26;
	v7 =	vadd.s32 v6, v7  }
0x2b6: {  	[tilespmem:s28+$0xFFFFFC00] =	vst v7  }
0x2b7: {  	v7 =	vld.idx.msk [tilespmem:v60+s3+$0x0], $0xffff;
	_ =	sdelay $0x1  }
0x2b8: {  	v62 =	vor.u32 $0x2, v10;
	_ =	sdelay $0x2  }
0x2b9: {  	v7 =	vadd.s32 v6, v7  }
0x2ba: {  	[tilespmem:s28+$0xFFFFFE00] =	vst v7  }
0x2bb: {  	v7 =	vld.idx.msk [tilespmem:v62+s3+$0x0], $0xffff;
	_ =	sdelay $0x1  }
0x2bc: {  	v63 =	vor.u32 $0x3, v10;
	_ =	sdelay $0x2  }
0x2bd: {  	v7 =	vadd.s32 v6, v7  }
0x2be: {  	[tilespmem:s28+$0x0] =	vst v7  }
0x2bf: {  	v7 =	vld.idx.msk [tilespmem:v63+s3+$0x0], $0xffff;
	_ =	sdelay $0x4  }
0x2c0: {  	v6 =	vadd.s32 v6, v7  }
0x2c1: {  	s29 =	simm.s32 $0x1000;
	[tilespmem:s28+$0x200] =	vst v6  }
0x2c2: {  	[tilespmem:s17], [sflag:$0x1] =	stream.indirect.gather [hbm4b:s2+s18], $0x8, s29, s18, $0xb8;
	[tilespmem:$0x12010] =	vst v63  }
0x2c3: {  	s30 =	simm.s32 $0x1080;
	s28 =	simm.s32 $0x2400  }
0x2c4: {  	[tilespmem:s28], [sflag:$0x1] =	stream.indirect.gather [hbm4b:s2+s18], $0x8, s30, s18, $0xb8;
	[tilespmem:$0x12010] =	vst v63  }
0x2c5: {  	s31 =	simm.s32 $0x1100;
	s29 =	simm.s32 $0x2800  }
0x2c6: {  	[tilespmem:s29], [sflag:$0x1] =	stream.indirect.gather [hbm4b:s2+s18], $0x8, s31, s18, $0xb8;
	[tilespmem:$0x12010] =	vst v63  }
0x2c7: {  	s30 =	simm.s32 $0x1180;
	s31 =	simm.s32 $0x2C00  }
0x2c8: {  	[tilespmem:s31], [sflag:$0x1] =	stream.indirect.gather [hbm4b:s2+s18], $0x8, s30, s18, $0xb8;
	[tilespmem:$0x12010] =	vst v63  }
0x2c9: {  	s29 =	simm.s32 $0x1200;
	s30 =	simm.s32 $0x3000  }
0x2ca: {  	[tilespmem:s30], [sflag:$0x1] =	stream.indirect.gather [hbm4b:s2+s18], $0x8, s29, s18, $0xb8;
	[tilespmem:$0x12010] =	vst v63  }
0x2cb: {  	s31 =	simm.s32 $0x1280;
	s29 =	simm.s32 $0x3400  }
0x2cc: {  	[tilespmem:s29], [sflag:$0x1] =	stream.indirect.gather [hbm4b:s2+s18], $0x8, s31, s18, $0xb8;
	[tilespmem:$0x12010] =	vst v63  }
0x2cd: {  	s30 =	simm.s32 $0x1300;
	s31 =	simm.s32 $0x3800  }
0x2ce: {  	[tilespmem:s31], [sflag:$0x1] =	stream.indirect.gather [hbm4b:s2+s18], $0x8, s30, s18, $0xb8;
	[tilespmem:$0x12010] =	vst v63  }
0x2cf: {  	s29 =	simm.s32 $0x1380;
	s30 =	simm.s32 $0x3C00  }
0x2d0: {  	[tilespmem:s30], [sflag:$0x1] =	stream.indirect.gather [hbm4b:s2+s18], $0x8, s29, s18, $0xb8;
	[tilespmem:$0x12010] =	vst v63  }
0x2d1: {  	s31 =	simm.s32 $0x1400;
	s29 =	simm.s32 $0x4000  }
0x2d2: {  	[tilespmem:s29], [sflag:$0x1] =	stream.indirect.gather [hbm4b:s2+s18], $0x8, s31, s18, $0xb8;
	[tilespmem:$0x12010] =	vst v63  }
0x2d3: {  	s30 =	simm.s32 $0x1480;
	s31 =	simm.s32 $0x4400  }
0x2d4: {  	[tilespmem:s31], [sflag:$0x1] =	stream.indirect.gather [hbm4b:s2+s18], $0x8, s30, s18, $0xb8;
	[tilespmem:$0x12010] =	vst v63  }
0x2d5: {  	s29 =	simm.s32 $0x1500;
	s30 =	simm.s32 $0x4800  }
0x2d6: {  	[tilespmem:s30], [sflag:$0x1] =	stream.indirect.gather [hbm4b:s2+s18], $0x8, s29, s18, $0xb8;
	[tilespmem:$0x12010] =	vst v63  }
0x2d7: {  	s31 =	simm.s32 $0x1580;
	s29 =	simm.s32 $0x4C00  }
0x2d8: {  	[tilespmem:s29], [sflag:$0x1] =	stream.indirect.gather [hbm4b:s2+s18], $0x8, s31, s18, $0xb8;
	[tilespmem:$0x12010] =	vst v63  }
0x2d9: {  	s30 =	simm.s32 $0x1600;
	s31 =	simm.s32 $0x5000  }
0x2da: {  	[tilespmem:s31], [sflag:$0x1] =	stream.indirect.gather [hbm4b:s2+s18], $0x8, s30, s18, $0xb8;
	[tilespmem:$0x12010] =	vst v63  }
0x2db: {  	s29 =	simm.s32 $0x1680;
	s30 =	simm.s32 $0x5400  }
0x2dc: {  	[tilespmem:s30], [sflag:$0x1] =	stream.indirect.gather [hbm4b:s2+s18], $0x8, s29, s18, $0xb8;
	[tilespmem:$0x12010] =	vst v63  }
0x2dd: {  	s31 =	simm.s32 $0x1700;
	s29 =	simm.s32 $0x5800  }
0x2de: {  	[tilespmem:s29], [sflag:$0x1] =	stream.indirect.gather [hbm4b:s2+s18], $0x8, s31, s18, $0xb8;
	[tilespmem:$0x12010] =	vst v63  }
0x2df: {  	s30 =	simm.s32 $0x1780;
	s31 =	simm.s32 $0x5C00  }
0x2e0: {  	[tilespmem:s31], [sflag:$0x1] =	stream.indirect.gather [hbm4b:s2+s18], $0x8, s30, s18, $0xb8;
	[tilespmem:$0x12010] =	vst v63  }
.LBB2_16:
0x2e1: {  	_ =	swait.ge [sflag:s19], $0x400  }
0x2e2: {  	[sflag:s19] =	ssyncset.done $0x0  }
0x2e3: {  	[sflag:s19] =	ssyncadd.s32 $0xFFFFFC00  }
0x2e4: {  	_ =	swait.ge [sflag:s19], $0x400  }
0x2e5: {  	[sflag:s19] =	ssyncset.done $0x0  }
0x2e6: {  	[sflag:s19] =	ssyncadd.s32 $0xFFFFFC00  }
0x2e7: {  	_ =	swait.ge [sflag:s19], $0x400  }
0x2e8: {  	[sflag:s19] =	ssyncset.done $0x0  }
0x2e9: {  	[sflag:s19] =	ssyncadd.s32 $0xFFFFFC00  }
0x2ea: {  	_ =	swait.ge [sflag:s19], $0x400  }
0x2eb: {  	[sflag:s19] =	ssyncset.done $0x0  }
0x2ec: {  	[sflag:s19] =	ssyncadd.s32 $0xFFFFFC00  }
0x2ed: {  	_ =	swait.ge [sflag:s19], $0x400  }
0x2ee: {  	[sflag:s19] =	ssyncset.done $0x0  }
0x2ef: {  	[sflag:s19] =	ssyncadd.s32 $0xFFFFFC00  }
0x2f0: {  	_ =	swait.ge [sflag:s19], $0x400  }
0x2f1: {  	[sflag:s19] =	ssyncset.done $0x0  }
0x2f2: {  	[sflag:s19] =	ssyncadd.s32 $0xFFFFFC00  }
0x2f3: {  	_ =	swait.ge [sflag:s19], $0x400  }
0x2f4: {  	[sflag:s19] =	ssyncset.done $0x0  }
0x2f5: {  	[sflag:s19] =	ssyncadd.s32 $0xFFFFFC00  }
0x2f6: {  	_ =	swait.ge [sflag:s19], $0x400  }
0x2f7: {  	[sflag:s19] =	ssyncset.done $0x0  }
0x2f8: {  	[sflag:s19] =	ssyncadd.s32 $0xFFFFFC00  }
0x2f9: {  	_ =	swait.ge [sflag:s19], $0x400  }
0x2fa: {  	[sflag:s19] =	ssyncset.done $0x0  }
0x2fb: {  	[sflag:s19] =	ssyncadd.s32 $0xFFFFFC00  }
0x2fc: {  	_ =	swait.ge [sflag:s19], $0x400  }
0x2fd: {  	[sflag:s19] =	ssyncset.done $0x0  }
0x2fe: {  	[sflag:s19] =	ssyncadd.s32 $0xFFFFFC00  }
0x2ff: {  	_ =	swait.ge [sflag:s19], $0x400  }
0x300: {  	[sflag:s19] =	ssyncset.done $0x0  }
0x301: {  	[sflag:s19] =	ssyncadd.s32 $0xFFFFFC00  }
0x302: {  	_ =	swait.ge [sflag:s19], $0x400  }
0x303: {  	[sflag:s19] =	ssyncset.done $0x0  }
0x304: {  	[sflag:s19] =	ssyncadd.s32 $0xFFFFFC00  }
0x305: {  	_ =	swait.ge [sflag:s19], $0x400  }
0x306: {  	[sflag:s19] =	ssyncset.done $0x0  }
0x307: {  	[sflag:s19] =	ssyncadd.s32 $0xFFFFFC00  }
0x308: {  	_ =	swait.ge [sflag:s19], $0x400  }
0x309: {  	[sflag:s19] =	ssyncset.done $0x0  }
0x30a: {  	s26 =	smin.u32 @!p0 s25, $0x124780;
	s25 =	simm.s32 $0x0;
	[sflag:s19] =	ssyncadd.s32 $0xFFFFFC00  }
0x30b: {  	v6 =	vmov s25;
	_ =	swait.ge [sflag:s19], $0x400  }
0x30c: {  	v6 =	vshll.u32 v6, $0x3;
	[sflag:s19] =	ssyncset.done $0x0  }
0x30d: {  	s28 =	simm.s32 @!p0 $0x0;
	v6 =	vor.u32 v3, v6;
	[sflag:s19] =	ssyncadd.s32 $0xFFFFFC00  }
0x30e: {  	s29 =	simm.s32 @!p0 $0x800;
	s26 =	sshrl.u32 @!p0 s26, $0x1;
	v7 =	vor.u32 $0x1, v6;
	_ =	swait.ge [sflag:s19], $0x400  }
0x30f: {  	s30 =	simm.s32 $0x200;
	s26 =	sadd.s32 @!p0 s4, s26;
	v8 =	vor.u32 $0x2, v6;
	[sflag:s19] =	ssyncset.done $0x0  }
0x310: {  	s31 =	simm.s32 $0x400;
	v9 =	vmov s30;
	s26 =	sadd.s32 @!p0 $0x300, s26;
	v10 =	vor.u32 $0x3, v6;
	[sflag:s19] =	ssyncadd.s32 $0xFFFFFC00  }
0x311: {  	v11 =	vmov s31;
	v9 =	vshll.u32 v9, $0x3;
	v12 =	vor.u32 $0x4, v6;
	[tilespmem:s29], [sflag:$0x4] =	stream.linear.gather @!p0 [hbm4b:s26+s28], $0x800, $0x38;
	[tilespmem:$0x12010] =	vst v63  }
0x312: {  	v11 =	vshll.u32 v11, $0x3;
	v9 =	vor.u32 v3, v9;
	v14 =	vld.idx.msk [tilespmem:v6+s13+$0x0], $0xffff  }
0x313: {  	v11 =	vor.u32 v3, v11;
	v7 =	vld.idx.msk [tilespmem:v7+s13+$0x0], $0xffff  }
0x314: {  	v15 =	vor.u32 $0x1, v9;
	v8 =	vld.idx.msk [tilespmem:v8+s13+$0x0], $0xffff  }
0x315: {  	v16 =	vor.u32 $0x3, v9;
	v10 =	vld.idx.msk [tilespmem:v10+s13+$0x0], $0xffff  }
0x316: {  	v18 =	vor.u32 $0x1, v11;
	v12 =	vld.idx.msk [tilespmem:v12+s13+$0x0], $0xffff  }
0x317: {  	v22 =	vor.u32 $0x4, v9;
	v17 =	vld.idx.msk [tilespmem:v9+s13+$0x0], $0xffff  }
0x318: {  	v23 =	vor.u32 $0x3, v11;
	s28 =	simm.s32 $0x600;
	v19 =	vld.idx.msk [tilespmem:v11+s13+$0x0], $0xffff  }
0x319: {  	v24 =	vor.u32 $0x4, v11;
	v13 =	vmov s28;
	v15 =	vld.idx.msk [tilespmem:v15+s13+$0x0], $0xffff  }
0x31a: {  	v16 =	vld.idx.msk [tilespmem:v16+s13+$0x0], $0xffff;
	v6 =	vor.u32 $0x5, v6;
	v13 =	vshll.u32 v13, $0x3  }
0x31b: {  	v18 =	vld.idx.msk [tilespmem:v18+s13+$0x0], $0xffff;
	v13 =	vor.u32 v3, v13  }
0x31c: {  	v27 =	vor.u32 $0x2, v11;
	v22 =	vld.idx.msk [tilespmem:v22+s13+$0x0], $0xffff;
	v11 =	vor.u32 $0x5, v11  }
0x31d: {  	v23 =	vld.idx.msk [tilespmem:v23+s13+$0x0], $0xffff;
	v20 =	vor.u32 $0x1, v13  }
0x31e: {  	v24 =	vld.idx.msk [tilespmem:v24+s13+$0x0], $0xffff;
	v25 =	vor.u32 $0x3, v13  }
0x31f: {  	v26 =	vor.u32 $0x4, v13;
	v6 =	vld.idx.msk [tilespmem:v6+s13+$0x0], $0xffff  }
0x320: {  	v21 =	vld.idx.msk [tilespmem:v13+s13+$0x0], $0xffff  }
0x321: {  	v28 =	vor.u32 $0x2, v9;
	v11 =	vld.idx.msk [tilespmem:v11+s13+$0x0], $0xffff  }
0x322: {  	v20 =	vld.idx.msk [tilespmem:v20+s13+$0x0], $0xffff  }
0x323: {  	v29 =	vor.u32 $0x2, v13;
	v17 =	vsub.f32 v17, v14;
	v25 =	vld.idx.msk [tilespmem:v25+s13+$0x0], $0xffff  }
0x324: {  	v19 =	vsub.f32 v19, v14;
	v16 =	vsub.f32 v16, v10;
	v13 =	vor.u32 $0x5, v13;
	v26 =	vld.idx.msk [tilespmem:v26+s13+$0x0], $0xffff  }
0x325: {  	v24 =	vsub.f32 v24, v12;
	v14 =	vsub.f32 v21, v14;
	v21 =	vld.idx.msk [tilespmem:v27+s13+$0x0], $0xffff  }
0x326: {  	v9 =	vor.u32 $0x5, v9;
	v15 =	vsub.f32 v15, v7;
	v18 =	vsub.f32 v18, v7;
	v27 =	vld.idx.msk [tilespmem:v28+s13+$0x0], $0xffff  }
0x327: {  	v30 =	vmul.f32 v24, v16;
	v7 =	vsub.f32 v20, v7;
	v20 =	vsub.f32 v22, v12  }
0x328: {  	v28 =	vmul.f32 v19, v15;
	v22 =	vsub.f32 v23, v10;
	v25 =	vsub.f32 v25, v10  }
0x329: {  	v13 =	vld.idx.msk [tilespmem:v13+s13+$0x0], $0xffff;
	v10 =	vmul.f32 v18, v17;
	v12 =	vsub.f32 v26, v12;
	v26 =	vmul.f32 v14, v15  }
0x32a: {  	v11 =	vsub.f32 v11, v6;
	v23 =	vld.idx.msk [tilespmem:v29+s13+$0x0], $0xffff;
	v29 =	vmul.f32 v7, v17;
	v31 =	vmul.f32 v22, v20  }
0x32b: {  	v9 =	vld.idx.msk [tilespmem:v9+s13+$0x0], $0xffff;
	v32 =	vmul.f32 v12, v16;
	v21 =	vsub.f32 v21, v8;
	v27 =	vsub.f32 v27, v8  }
0x32c: {  	v33 =	vmul.f32 v25, v20;
	v35 =	vmul.f32 v11, v20  }
0x32d: {  	v34 =	vmul.f32 v21, v15;
	v18 =	vmul.f32 v18, v27  }
0x32e: {  	v36 =	vsub.f32 v13, v6;
	v19 =	vmul.f32 v19, v27;
	v21 =	vmul.f32 v21, v17  }
0x32f: {  	v8 =	vsub.f32 v23, v8;
	v23 =	vmul.f32 v7, v27;
	v14 =	vmul.f32 v14, v27  }
0x330: {  	v27 =	vsub.f32 v9, v6;
	v7 =	vsub.f32 v29, v26;
	v26 =	vmul.f32 v11, v16  }
0x331: {  	v6 =	vsub.f32 v10, v28;
	v15 =	vmul.f32 v8, v15;
	v17 =	vmul.f32 v8, v17  }
0x332: {  	v8 =	vsub.f32 v30, v31;
	v24 =	vmul.f32 v24, v27;
	v22 =	vmul.f32 v22, v27  }
0x333: {  	v9 =	vsub.f32 v34, v18;
	v18 =	vmul.f32 v36, v20;
	v12 =	vmul.f32 v12, v27  }
0x334: {  	v10 =	vsub.f32 v19, v21;
	v20 =	vmul.f32 v6, v6;
	v21 =	vmul.f32 v7, v7  }
0x335: {  	v11 =	vsub.f32 v15, v23;
	v13 =	vsub.f32 v14, v17;
	v14 =	vmul.f32 v25, v27  }
0x336: {  	v17 =	vmul.f32 v36, v16;
	v15 =	vsub.f32 v35, v24;
	v16 =	vsub.f32 v22, v26  }
0x337: {  	v18 =	vsub.f32 v18, v12;
	v12 =	vmul.f32 v9, v9;
	v22 =	vmul.f32 v10, v10  }
0x338: {  	v23 =	vmul.f32 v11, v11;
	v24 =	vmul.f32 v13, v13;
	v19 =	vsub.f32 v14, v17  }
0x339: {  	v17 =	vsub.f32 v32, v33;
	v14 =	vmul.f32 v15, v15;
	v25 =	vmul.f32 v16, v16  }
0x33a: {  	v26 =	vmul.f32 v18, v18;
	v12 =	vadd.f32 v22, v12;
	v22 =	vmul.f32 v19, v19  }
0x33b: {  	v23 =	vadd.f32 v24, v23;
	v24 =	vmul.f32 v8, v8;
	v14 =	vadd.f32 v25, v14  }
0x33c: {  	v12 =	vadd.f32 v12, v20;
	v20 =	vadd.f32 v22, v26;
	v22 =	vmul.f32 v17, v17  }
0x33d: {  	v21 =	vadd.f32 v23, v21;
	v14 =	vadd.f32 v14, v24  }
0x33e: {  	v23 =	vshrl.u32 v12, $0x1;
	v24 =	vmul.f32 $5.000000000e-01, v12;
	v20 =	vadd.f32 v20, v22  }
0x33f: {  	v22 =	vshrl.u32 v21, $0x1;
	v25 =	vmul.f32 $5.000000000e-01, v21;
	v26 =	vshrl.u32 v14, $0x1  }
0x340: {  	v27 =	vmul.f32 $5.000000000e-01, v14;
	v28 =	vshrl.u32 v20, $0x1;
	v29 =	vmul.f32 $5.000000000e-01, v20  }
0x341: {  	v23 =	vsub.s32 $0x5F3759DF, v23;
	v26 =	vsub.s32 $0x5F3759DF, v26;
	v28 =	vsub.s32 $0x5F3759DF, v28  }
0x342: {  	v22 =	vsub.s32 $0x5F3759DF, v22;
	v30 =	vmul.f32 v26, v27;
	v31 =	vmul.f32 v28, v29  }
0x343: {  	v50 =	vmul.f32 v23, v24;
	v51 =	vmul.f32 v22, v25  }
0x344: {  	v30 =	vmul.f32 v26, v30;
	v31 =	vmul.f32 v28, v31  }
0x345: {  	v32 =	vmul.f32 v23, v50;
	v33 =	vmul.f32 v22, v51  }
0x346: {  	v30 =	vsub.f32 $1.500000000e+00, v30;
	v31 =	vsub.f32 $1.500000000e+00, v31  }
0x347: {  	v32 =	vsub.f32 $1.500000000e+00, v32;
	v33 =	vsub.f32 $1.500000000e+00, v33  }
0x348: {  	s30 =	simm.s32 $0x410;
	v26 =	vmul.f32 v26, v30;
	v28 =	vmul.f32 v28, v31  }
0x349: {  	v54 =	vmov s30;
	s26 =	simm.s32 $0x10;
	v23 =	vmul.f32 v23, v32;
	v22 =	vmul.f32 v22, v33  }
0x34a: {  	s29 =	simm.s32 $0x210;
	v52 =	vmov s26;
	v55 =	vmul.f32 v26, v27;
	v56 =	vmul.f32 v28, v29  }
0x34b: {  	v53 =	vmov s29;
	v58 =	vmul.f32 v23, v24;
	v37 =	vmul.f32 v22, v25  }
0x34c: {  	v57 =	vshll.u32 v53, $0x3;
	v32 =	vmul.f32 v55, v26;
	v33 =	vmul.f32 v56, v28  }
0x34d: {  	v34 =	vshll.u32 v52, $0x3;
	v35 =	vmul.f32 v58, v23;
	v37 =	vmul.f32 v37, v22  }
0x34e: {  	v36 =	vshll.u32 v54, $0x3;
	v32 =	vsub.f32 $1.500000000e+00, v32;
	v33 =	vsub.f32 $1.500000000e+00, v33  }
0x34f: {  	v9 =	vmul.f32 v11, v9;
	v35 =	vsub.f32 $1.500000000e+00, v35;
	v37 =	vsub.f32 $1.500000000e+00, v37  }
0x350: {  	v36 =	vor.u32 v3, v36;
	v26 =	vmul.f32 v32, v26;
	v28 =	vmul.f32 v33, v28  }
0x351: {  	v44 =	vor.u32 $0x1, v36;
	v23 =	vmul.f32 v35, v23;
	v60 =	vmul.f32 v37, v22  }
0x352: {  	s31 =	simm.s32 $0x610;
	v52 =	vor.u32 $0x2, v36;
	v27 =	vmul.f32 v26, v27;
	v29 =	vmul.f32 v28, v29  }
0x353: {  	v30 =	vmov s31;
	v24 =	vmul.f32 v23, v24;
	v25 =	vmul.f32 v60, v25  }
0x354: {  	v31 =	vor.u32 v3, v34;
	v27 =	vmul.f32 v27, v26;
	v29 =	vmul.f32 v29, v28  }
0x355: {  	v30 =	vshll.u32 v30, $0x3;
	v24 =	vmul.f32 v24, v23;
	v25 =	vmul.f32 v25, v60  }
0x356: {  	v34 =	vor.u32 v3, v57;
	v27 =	vsub.f32 $1.500000000e+00, v27;
	v29 =	vsub.f32 $1.500000000e+00, v29  }
0x357: {  	v43 =	vld.idx.msk [tilespmem:v36+s13+$0x0], $0xffff;
	v38 =	vor.u32 $0x1, v31;
	v24 =	vsub.f32 $1.500000000e+00, v24;
	v25 =	vsub.f32 $1.500000000e+00, v25  }
0x358: {  	v11 =	vld.idx.msk [tilespmem:v52+s13+$0x0], $0xffff;
	v39 =	vor.u32 $0x2, v31;
	v26 =	vmul.f32 v27, v26;
	v27 =	vmul.f32 v29, v28  }
0x359: {  	v50 =	vld.idx.msk [tilespmem:v44+s13+$0x0], $0xffff;
	v40 =	vor.u32 $0x3, v31;
	v23 =	vmul.f32 v24, v23;
	v24 =	vmul.f32 v25, v60  }
0x35a: {  	v63 =	vor.u32 $0x1, v34;
	v61 =	vld.idx.msk [tilespmem:v31+s13+$0x0], $0xffff;
	v14 =	vmul.f32 v26, v14;
	v20 =	vmul.f32 v27, v20  }
0x35b: {  	v59 =	vor.u32 $0x4, v31;
	v41 =	vld.idx.msk [tilespmem:v34+s13+$0x0], $0xffff;
	v12 =	vmul.f32 v23, v12;
	v21 =	vmul.f32 v24, v21  }
0x35c: {  	v42 =	vor.u32 $0x3, v34;
	v62 =	vld.idx.msk [tilespmem:v38+s13+$0x0], $0xffff;
	v14 =	vadd.f32 $9.999999930e-09, v14;
	v20 =	vadd.f32 $9.999999930e-09, v20  }
0x35d: {  	v38 =	vld.idx.msk [tilespmem:v39+s13+$0x0], $0xffff;
	v22 =	vor.u32 v3, v30;
	v12 =	vadd.f32 $9.999999930e-09, v12;
	v21 =	vadd.f32 $9.999999930e-09, v21  }
0x35e: {  	v48 =	vor.u32 $0x2, v34;
	v30 =	vld.idx.msk [tilespmem:v40+s13+$0x0], $0xffff;
	v14 =	vmul.f32 v20, v14  }
0x35f: {  	v51 =	vor.u32 $0x3, v22;
	v25 =	vld.idx.msk [tilespmem:v63+s13+$0x0], $0xffff;
	v12 =	vmul.f32 v21, v12  }
0x360: {  	v6 =	vmul.f32 v7, v6;
	v32 =	vld.idx.msk [tilespmem:v59+s13+$0x0], $0xffff;
	v29 =	vor.u32 $0x1, v22;
	(erf) = vrcp.f32 v14  }
0x361: {  	v10 =	vmul.f32 v13, v10;
	v23 =	vld.idx.msk [tilespmem:v42+s13+$0x0], $0xffff;
	v24 =	vor.u32 $0x4, v36;
	(erf) = vrcp.f32 v12  }
0x362: {  	v15 =	vmul.f32 v18, v15;
	v16 =	vmul.f32 v19, v16;
	v28 =	vld.idx.msk [tilespmem:v22+s13+$0x0], $0xffff  }
0x363: {  	v8 =	vmul.f32 v17, v8;
	v9 =	vadd.f32 v10, v9;
	v49 =	vor.u32 $0x4, v34;
	v26 =	vld.idx.msk [tilespmem:v48+s13+$0x0], $0xffff  }
0x364: {  	v13 =	vadd.f32 v16, v15;
	v27 =	vor.u32 $0x3, v36;
	v54 =	vsub.f32 v25, v62;
	v25 =	vld.idx.msk [tilespmem:v51+s13+$0x0], $0xffff  }
0x365: {  	v6 =	vadd.f32 v9, v6;
	v29 =	vld.idx.msk [tilespmem:v29+s13+$0x0], $0xffff  }
0x366: {  	v7 =	vadd.f32 v13, v8;
	v53 =	vor.u32 $0x4, v22;
	v41 =	vsub.f32 v41, v61;
	v24 =	vld.idx.msk [tilespmem:v24+s13+$0x0], $0xffff  }
0x367: {  	v46 =	vor.u32 $0x5, v31;
	v43 =	vsub.f32 v43, v61;
	v45 =	vsub.f32 v28, v61  }
0x368: {  	v55 =	vor.u32 $0x2, v22;
	v31 =	vsub.f32 v50, v62;
	v9 =	vsub.f32 v11, v38;
	v20 =	vld.idx.msk [tilespmem:v49+s13+$0x0], $0xffff  }
0x369: {  	v40 =	vsub.f32 v26, v38;
	v21 =	vld.idx.msk [tilespmem:v27+s13+$0x0], $0xffff;
	v27 =	vmul.f32 v45, v54;
	v17 =	vsub.f32 v25, v30;
	v8 =	vpop (erf)  }
0x36a: {  	v25 =	vmul.f32 v43, v54;
	v12 =	vsub.f32 v23, v30;
	v7 =	vmul.f32 v8, v7;
	v8 =	vpop (erf)  }
0x36b: {  	v18 =	vld.idx.msk [tilespmem:v53+s13+$0x0], $0xffff;
	v37 =	vsub.f32 v29, v62;
	v33 =	vsub.f32 v24, v32;
	v6 =	vmul.f32 v8, v6  }
0x36c: {  	v24 =	vmul.f32 v31, v41;
	v29 =	vmul.f32 v9, v54;
	v7 =	vmax.f32 v7, $-9.999989860e-01  }
0x36d: {  	v14 =	vsub.f32 v20, v32;
	v8 =	vmax.f32 v6, $-9.999989860e-01;
	v6 =	vmin.f32 v7, $9.999989860e-01  }
0x36e: {  	v20 =	vsub.f32 v21, v30;
	v7 =	vmin.f32 v8, $9.999989860e-01;
	v11 =	vand.u32 $0x7FFFFFFF, v6  }
0x36f: {  	v23 =	vld.idx.msk [tilespmem:v55+s13+$0x0], $0xffff;
	v8 =	vsub.f32 $1.000000000e+00, v11;
	v16 =	vmul.f32 $1.262491100e-03, v11;
	v10 =	vand.u32 $0x7FFFFFFF, v7  }
0x370: {  	v21 =	vsub.f32 v18, v32;
	v30 =	vmul.f32 v31, v40;
	v58 =	vmul.f32 $1.262491100e-03, v10  }
0x371: {  	v56 =	vshrl.u32 v8, $0x1;
	v57 =	vsub.f32 $6.670089900e-03, v16;
	v16 =	vmul.f32 $5.000000000e-01, v8  }
0x372: {  	v32 =	vmul.f32 v9, v41;
	v9 =	vsub.f32 $1.000000000e+00, v10;
	v47 =	vsub.s32 $0x5F3759DF, v56  }
0x373: {  	v31 =	vmul.f32 v43, v40;
	v60 =	vsub.f32 $6.670089900e-03, v58;
	v62 =	vmul.f32 v47, v16  }
0x374: {  	v23 =	vsub.f32 v23, v38;
	v59 =	vshrl.u32 v9, $0x1;
	v18 =	vmul.f32 $5.000000000e-01, v9  }
0x375: {  	v43 =	vsub.s32 $0x5F3759DF, v59;
	v52 =	vmul.f32 v60, v10;
	v49 =	vmul.f32 v47, v62  }
0x376: {  	v61 =	vor.u32 $0x5, v36;
	v35 =	vmul.f32 v23, v54;
	v48 =	vmul.f32 v43, v18  }
0x377: {  	v63 =	vmul.f32 v57, v11;
	v53 =	vadd.f32 $-1.708812640e-02, v52;
	v54 =	vsub.f32 $1.500000000e+00, v49  }
0x378: {  	v34 =	vor.u32 $0x5, v34;
	v26 =	vmul.f32 v37, v41;
	v48 =	vmul.f32 v43, v48  }
0x379: {  	v38 =	vadd.f32 $-1.708812640e-02, v63;
	v44 =	vmul.f32 v53, v10;
	v47 =	vmul.f32 v47, v54  }
0x37a: {  	v19 =	vmul.f32 v33, v12;
	v36 =	vmul.f32 v37, v40;
	v55 =	vsub.f32 $1.500000000e+00, v48  }
0x37b: {  	v56 =	vmul.f32 v38, v11;
	v58 =	vadd.f32 $3.089188040e-02, v44;
	v59 =	vmul.f32 v47, v16  }
0x37c: {  	v42 =	vld.idx.msk [tilespmem:v61+s13+$0x0], $0xffff;
	v61 =	vor.u32 $0x5, v22;
	v38 =	vmul.f32 v45, v40;
	v43 =	vmul.f32 v43, v55  }
0x37d: {  	v39 =	vld.idx.msk [tilespmem:v46+s13+$0x0], $0xffff;
	v57 =	vadd.f32 $3.089188040e-02, v56;
	v40 =	vmul.f32 v58, v10;
	v44 =	vmul.f32 v59, v47  }
0x37e: {  	v34 =	vld.idx.msk [tilespmem:v34+s13+$0x0], $0xffff;
	v37 =	vmul.f32 v23, v41;
	v60 =	vmul.f32 v43, v18  }
0x37f: {  	v22 =	vmul.f32 v57, v11;
	v23 =	vadd.f32 $-5.017430340e-02, v40;
	v44 =	vsub.f32 $1.500000000e+00, v44  }
0x380: {  	v15 =	vmul.f32 v17, v14;
	v45 =	vmul.f32 v60, v43  }
0x381: {  	v22 =	vadd.f32 $-5.017430340e-02, v22;
	v63 =	vmul.f32 v23, v10;
	v23 =	vmul.f32 v44, v47;
	v44 =	vld.idx.msk [tilespmem:v61+s13+$0x0], $0xffff  }
0x382: {  	v28 =	vmul.f32 v20, v14;
	v42 =	vsub.f32 v42, v39;
	v45 =	vsub.f32 $1.500000000e+00, v45  }
0x383: {  	v13 =	vmul.f32 v21, v12;
	v40 =	vsub.f32 v34, v39;
	v62 =	vmul.f32 v22, v11  }
0x384: {  	v41 =	vmul.f32 v42, v14;
	v22 =	vmul.f32 v45, v43  }
0x385: {  	s23 =	ssub.s32 s24, s23;
	s24 =	simm.s32 $0x20;
	v43 =	vmul.f32 v33, v40;
	v33 =	vadd.f32 $8.897899090e-02, v62;
	v34 =	vadd.f32 $8.897899090e-02, v63  }
.LBB2_17:
0x386: {  	p0 =	sne.s32 s24, $0x1F0;
	v39 =	vsub.f32 v44, v39;
	v44 =	vmul.f32 v23, v16;
	v45 =	vmul.f32 v22, v18  }
0x387: {  	v16 =	vsub.f32 v24, v25;
	v24 =	vmul.f32 v33, v11;
	v25 =	vmul.f32 v34, v10  }
0x388: {  	v18 =	vsub.f32 v26, v27;
	v26 =	vmul.f32 v44, v23;
	v27 =	vmul.f32 v45, v22  }
0x389: {  	v33 =	vmul.f32 v20, v40;
	v20 =	vadd.f32 $-2.145988050e-01, v24;
	v24 =	vadd.f32 $-2.145988050e-01, v25  }
0x38a: {  	v25 =	vmul.f32 v42, v12;
	v26 =	vsub.f32 $1.500000000e+00, v26;
	v27 =	vsub.f32 $1.500000000e+00, v27  }
0x38b: {  	v19 =	vsub.f32 v19, v28;
	v20 =	vmul.f32 v20, v11;
	v24 =	vmul.f32 v24, v10  }
0x38c: {  	v10 =	vsub.f32 v29, v30;
	v23 =	vmul.f32 v26, v23;
	v22 =	vmul.f32 v27, v22  }
0x38d: {  	v14 =	vmul.f32 v39, v14;
	v11 =	vsub.f32 v31, v32;
	v26 =	vadd.f32 $1.570796250e+00, v20  }
0x38e: {  	v24 =	vadd.f32 $1.570796250e+00, v24;
	v23 =	vmul.f32 v23, v8;
	v22 =	vmul.f32 v22, v9  }
0x38f: {  	v27 =	vmul.f32 v21, v40;
	v8 =	vsub.f32 v35, v36;
	v9 =	vsub.f32 v38, v37  }
0x390: {  	v20 =	vsub.f32 v41, v43;
	v23 =	vmul.f32 v23, v26;
	v24 =	vmul.f32 v22, v24  }
0x391: {  	v21 =	vsub.f32 v33, v25;
	v22 =	vsub.f32 v14, v27;
	v14 =	vmul.f32 v17, v40  }
0x392: {  	v12 =	vmul.f32 v39, v12;
	v17 =	vsub.f32 $3.141592740e+00, v23;
	v25 =	vsub.f32 $3.141592740e+00, v24  }
0x393: {  	vm0 =	vge.f32 v6, $0.0e+00;
	vm1 =	vge.f32 v7, $0.0e+00;
	v26 =	vmul.f32 v16, v16  }
0x394: {  	v27 =	vmul.f32 v18, v18;
	v6 =	vsel vm0, v23, v17;
	v7 =	vsel vm1, v24, v25  }
0x395: {  	s28 =	sadd.s32 s23, s25;
	s25 =	smov.u32 s26;
	s26 =	smov.u32 s24;
	v17 =	vmul.f32 v10, v10;
	v23 =	vmul.f32 v11, v11;
	v6 =	vsub.f32 v6, v7  }
0x396: {  	p1 =	sgt.s32 s28, $0xFFFFFFFF;
	v24 =	vmul.f32 v8, v8;
	v25 =	vmul.f32 v9, v9;
	v7 =	vsub.f32 v14, v12  }
0x397: {  	v12 =	vmul.f32 v20, v20;
	v14 =	vmul.f32 v21, v21;
	v28 =	vpsel !p1, $0x0, v6  }
0x398: {  	v6 =	vsub.f32 v13, v15;
	v13 =	vmul.f32 v22, v22;
	v15 =	vmul.f32 v28, v28  }
0x399: {  	v17 =	vadd.f32 v23, v17;
	v23 =	vadd.f32 v25, v24;
	v24 =	vmul.f32 v7, v7  }
0x39a: {  	v25 =	vmul.f32 v19, v19;
	v14 =	vadd.f32 v14, v12;
	v5 =	vadd.f32 v15, v5  }
0x39b: {  	v12 =	vadd.f32 v17, v26;
	v17 =	vmul.f32 v6, v6;
	v15 =	vadd.f32 v24, v13  }
0x39c: {  	v14 =	vadd.f32 v14, v25;
	v13 =	vadd.f32 v23, v27  }
0x39d: {  	v23 =	vshrl.u32 v12, $0x1;
	v24 =	vmul.f32 $5.000000000e-01, v12;
	v15 =	vadd.f32 v15, v17  }
0x39e: {  	v26 =	vshrl.u32 v14, $0x1;
	v17 =	vshrl.u32 v13, $0x1;
	v25 =	vmul.f32 $5.000000000e-01, v13  }
0x39f: {  	v27 =	vmul.f32 $5.000000000e-01, v14;
	v28 =	vshrl.u32 v15, $0x1;
	v29 =	vmul.f32 $5.000000000e-01, v15  }
0x3a0: {  	v23 =	vsub.s32 $0x5F3759DF, v23;
	v26 =	vsub.s32 $0x5F3759DF, v26;
	v28 =	vsub.s32 $0x5F3759DF, v28  }
0x3a1: {  	v17 =	vsub.s32 $0x5F3759DF, v17;
	v30 =	vmul.f32 v26, v27;
	v31 =	vmul.f32 v28, v29  }
0x3a2: {  	v32 =	vmul.f32 v23, v24;
	v33 =	vmul.f32 v17, v25  }
0x3a3: {  	v34 =	vmov s24;
	v30 =	vmul.f32 v26, v30;
	v31 =	vmul.f32 v28, v31  }
0x3a4: {  	s28 =	sadd.s32 $0x200, s24;
	v34 =	vshll.u32 v34, $0x3;
	v32 =	vmul.f32 v23, v32;
	v33 =	vmul.f32 v17, v33  }
0x3a5: {  	v35 =	vmov s28;
	s28 =	sadd.s32 $0x400, s24;
	v30 =	vsub.f32 $1.500000000e+00, v30;
	v31 =	vsub.f32 $1.500000000e+00, v31  }
0x3a6: {  	v36 =	vmov s28;
	s28 =	sadd.s32 $0x600, s24;
	v32 =	vsub.f32 $1.500000000e+00, v32;
	v33 =	vsub.f32 $1.500000000e+00, v33  }
0x3a7: {  	v37 =	vmov s28;
	v26 =	vmul.f32 v26, v30;
	v28 =	vmul.f32 v28, v31  }
0x3a8: {  	v23 =	vmul.f32 v23, v32;
	v30 =	vor.u32 v3, v34;
	v17 =	vmul.f32 v17, v33  }
0x3a9: {  	v32 =	vmul.f32 v26, v27;
	v31 =	vshll.u32 v35, $0x3;
	v33 =	vmul.f32 v28, v29  }
0x3aa: {  	v34 =	vshll.u32 v36, $0x3;
	v35 =	vmul.f32 v23, v24;
	v36 =	vmul.f32 v17, v25  }
0x3ab: {  	v37 =	vshll.u32 v37, $0x3;
	v32 =	vmul.f32 v32, v26;
	v33 =	vmul.f32 v33, v28  }
0x3ac: {  	v38 =	vor.u32 $0x1, v30;
	v35 =	vmul.f32 v35, v23;
	v36 =	vmul.f32 v36, v17  }
0x3ad: {  	v39 =	vor.u32 $0x2, v30;
	v32 =	vsub.f32 $1.500000000e+00, v32;
	v33 =	vsub.f32 $1.500000000e+00, v33  }
0x3ae: {  	v40 =	vor.u32 $0x3, v30;
	v35 =	vsub.f32 $1.500000000e+00, v35;
	v36 =	vsub.f32 $1.500000000e+00, v36  }
0x3af: {  	v41 =	vor.u32 $0x4, v30;
	v26 =	vmul.f32 v32, v26;
	v28 =	vmul.f32 v33, v28  }
0x3b0: {  	v17 =	vmul.f32 v36, v17;
	v33 =	vor.u32 v3, v31;
	v31 =	vmul.f32 v35, v23;
	v32 =	vld.idx.msk [tilespmem:v30+s13+$0x0], $0xffff  }
0x3b1: {  	v36 =	vor.u32 v3, v34;
	v27 =	vmul.f32 v26, v27;
	v29 =	vmul.f32 v28, v29;
	v35 =	vld.idx.msk [tilespmem:v38+s13+$0x0], $0xffff  }
0x3b2: {  	v23 =	vor.u32 v3, v37;
	v25 =	vmul.f32 v17, v25;
	v24 =	vmul.f32 v31, v24;
	v34 =	vld.idx.msk [tilespmem:v39+s13+$0x0], $0xffff  }
0x3b3: {  	v37 =	vor.u32 $0x1, v33;
	v27 =	vmul.f32 v27, v26;
	v29 =	vmul.f32 v29, v28;
	v38 =	vld.idx.msk [tilespmem:v40+s13+$0x0], $0xffff  }
0x3b4: {  	v25 =	vmul.f32 v25, v17;
	v24 =	vmul.f32 v24, v31;
	v40 =	vor.u32 $0x2, v33;
	v39 =	vld.idx.msk [tilespmem:v41+s13+$0x0], $0xffff  }
0x3b5: {  	v42 =	vor.u32 $0x3, v33;
	v27 =	vsub.f32 $1.500000000e+00, v27;
	v29 =	vsub.f32 $1.500000000e+00, v29;
	v41 =	vld.idx.msk [tilespmem:v33+s13+$0x0], $0xffff  }
0x3b6: {  	v44 =	vor.u32 $0x1, v36;
	v25 =	vsub.f32 $1.500000000e+00, v25;
	v24 =	vsub.f32 $1.500000000e+00, v24;
	v43 =	vld.idx.msk [tilespmem:v36+s13+$0x0], $0xffff  }
0x3b7: {  	v46 =	vor.u32 $0x1, v23;
	v26 =	vmul.f32 v27, v26;
	v27 =	vmul.f32 v29, v28;
	v45 =	vld.idx.msk [tilespmem:v23+s13+$0x0], $0xffff  }
0x3b8: {  	v17 =	vmul.f32 v25, v17;
	v29 =	vor.u32 $0x4, v33;
	v24 =	vmul.f32 v24, v31;
	v28 =	vld.idx.msk [tilespmem:v37+s13+$0x0], $0xffff  }
0x3b9: {  	v14 =	vmul.f32 v26, v14;
	v31 =	vor.u32 $0x3, v36;
	v15 =	vmul.f32 v27, v15;
	v25 =	vld.idx.msk [tilespmem:v40+s13+$0x0], $0xffff  }
0x3ba: {  	v13 =	vmul.f32 v17, v13;
	v27 =	vor.u32 $0x4, v36;
	v12 =	vmul.f32 v24, v12;
	v26 =	vld.idx.msk [tilespmem:v42+s13+$0x0], $0xffff  }
0x3bb: {  	v14 =	vadd.f32 $9.999999930e-09, v14;
	v24 =	vor.u32 $0x3, v23;
	v15 =	vadd.f32 $9.999999930e-09, v15;
	v17 =	vld.idx.msk [tilespmem:v44+s13+$0x0], $0xffff  }
0x3bc: {  	v13 =	vadd.f32 $9.999999930e-09, v13;
	v12 =	vadd.f32 $9.999999930e-09, v12;
	v40 =	vld.idx.msk [tilespmem:v46+s13+$0x0], $0xffff  }
0x3bd: {  	v42 =	vor.u32 $0x5, v30;
	v14 =	vmul.f32 v15, v14;
	v29 =	vld.idx.msk [tilespmem:v29+s13+$0x0], $0xffff  }
0x3be: {  	v15 =	vor.u32 $0x2, v36;
	v12 =	vmul.f32 v13, v12;
	v30 =	vld.idx.msk [tilespmem:v31+s13+$0x0], $0xffff;
	v31 =	vor.u32 $0x4, v23  }
0x3bf: {  	v37 =	vsub.f32 v41, v32;
	v41 =	vsub.f32 v43, v32;
	v13 =	vld.idx.msk [tilespmem:v27+s13+$0x0], $0xffff;
	(erf) = vrcp.f32 v14  }
0x3c0: {  	v44 =	vsub.f32 v45, v32;
	v43 =	vsub.f32 v28, v35;
	v24 =	vld.idx.msk [tilespmem:v24+s13+$0x0], $0xffff;
	(erf) = vrcp.f32 v12  }
0x3c1: {  	v36 =	vor.u32 $0x5, v36;
	v45 =	vsub.f32 v25, v34;
	v32 =	vsub.f32 v17, v35  }
0x3c2: {  	v46 =	vor.u32 $0x2, v23;
	v12 =	vsub.f32 v26, v38;
	v40 =	vsub.f32 v40, v35  }
0x3c3: {  	v7 =	vmul.f32 v7, v21;
	v17 =	vmul.f32 v22, v20;
	v14 =	vsub.f32 v29, v39;
	v28 =	vld.idx.msk [tilespmem:v31+s13+$0x0], $0xffff  }
0x3c4: {  	v8 =	vmul.f32 v8, v10;
	v9 =	vmul.f32 v9, v11;
	v20 =	vsub.f32 v30, v38;
	v15 =	vld.idx.msk [tilespmem:v15+s13+$0x0], $0xffff  }
0x3c5: {  	v6 =	vmul.f32 v6, v19;
	v7 =	vadd.f32 v7, v17;
	v47 =	vsub.f32 v13, v39  }
0x3c6: {  	v10 =	vadd.f32 v9, v8;
	v9 =	vmul.f32 v18, v16;
	v17 =	vsub.f32 v24, v38  }
0x3c7: {  	v25 =	vmul.f32 v41, v43;
	v6 =	vadd.f32 v7, v6;
	v24 =	vmul.f32 v32, v37  }
0x3c8: {  	v27 =	vmul.f32 v44, v43;
	v26 =	vmul.f32 v40, v37;
	v7 =	vadd.f32 v10, v9;
	v8 =	vpop (erf)  }
0x3c9: {  	v19 =	vmul.f32 v47, v12;
	v21 =	vsub.f32 v28, v39;
	v6 =	vmul.f32 v8, v6;
	v8 =	vpop (erf)  }
0x3ca: {  	v28 =	vmul.f32 v20, v14;
	v9 =	vsub.f32 v15, v34;
	v7 =	vmul.f32 v8, v7  }
0x3cb: {  	v15 =	vmul.f32 v17, v14;
	v13 =	vmul.f32 v21, v12;
	v6 =	vmax.f32 v6, $-9.999989860e-01  }
0x3cc: {  	v29 =	vmul.f32 v9, v43;
	v7 =	vmax.f32 v7, $-9.999989860e-01;
	v6 =	vmin.f32 v6, $9.999989860e-01  }
0x3cd: {  	v30 =	vmul.f32 v32, v45;
	v7 =	vmin.f32 v7, $9.999989860e-01;
	v11 =	vand.u32 $0x7FFFFFFF, v6  }
0x3ce: {  	v22 =	vld.idx.msk [tilespmem:v46+s13+$0x0], $0xffff;
	v8 =	vsub.f32 $1.000000000e+00, v11;
	v16 =	vmul.f32 $1.262491100e-03, v11;
	v10 =	vand.u32 $0x7FFFFFFF, v7  }
0x3cf: {  	v31 =	vmul.f32 v41, v45;
	v32 =	vmul.f32 v9, v37;
	v9 =	vsub.f32 $1.000000000e+00, v10  }
0x3d0: {  	v39 =	vmul.f32 $1.262491100e-03, v10;
	v35 =	vshrl.u32 v8, $0x1;
	v38 =	vsub.f32 $6.670089900e-03, v16  }
0x3d1: {  	v16 =	vmul.f32 $5.000000000e-01, v8;
	v41 =	vshrl.u32 v9, $0x1;
	v18 =	vmul.f32 $5.000000000e-01, v9  }
0x3d2: {  	v46 =	vsub.s32 $0x5F3759DF, v35;
	v35 =	vsub.f32 $6.670089900e-03, v39;
	v41 =	vsub.s32 $0x5F3759DF, v41  }
0x3d3: {  	v39 =	vmul.f32 v46, v16;
	v48 =	vmul.f32 v41, v18  }
0x3d4: {  	v22 =	vsub.f32 v22, v34;
	v34 =	vmul.f32 v38, v11;
	v38 =	vmul.f32 v35, v10  }
0x3d5: {  	v33 =	vor.u32 $0x5, v33;
	v49 =	vmul.f32 v46, v39;
	v48 =	vmul.f32 v41, v48  }
0x3d6: {  	v35 =	vmul.f32 v22, v43;
	v34 =	vadd.f32 $-1.708812640e-02, v34;
	v38 =	vadd.f32 $-1.708812640e-02, v38;
	v39 =	vld.idx.msk [tilespmem:v42+s13+$0x0], $0xffff  }
0x3d7: {  	v42 =	vld.idx.msk [tilespmem:v36+s13+$0x0], $0xffff;
	v36 =	vmul.f32 v40, v45;
	v40 =	vsub.f32 $1.500000000e+00, v49;
	v43 =	vsub.f32 $1.500000000e+00, v48  }
0x3d8: {  	v23 =	vor.u32 $0x5, v23;
	v34 =	vmul.f32 v34, v11;
	v48 =	vmul.f32 v38, v10  }
0x3d9: {  	v46 =	vmul.f32 v46, v40;
	v43 =	vmul.f32 v41, v43  }
0x3da: {  	v38 =	vmul.f32 v44, v45;
	v34 =	vadd.f32 $3.089188040e-02, v34;
	v40 =	vadd.f32 $3.089188040e-02, v48;
	v33 =	vld.idx.msk [tilespmem:v33+s13+$0x0], $0xffff  }
0x3db: {  	v41 =	vmul.f32 v46, v16;
	v45 =	vmul.f32 v43, v18  }
0x3dc: {  	v34 =	vmul.f32 v34, v11;
	v40 =	vmul.f32 v40, v10  }
0x3dd: {  	v42 =	vsub.f32 v42, v39;
	v44 =	vld.idx.msk [tilespmem:v23+s13+$0x0], $0xffff;
	v23 =	vmul.f32 v41, v46;
	v45 =	vmul.f32 v45, v43  }
.Ltmp7:
0x3de: {  	v37 =	vmul.f32 v22, v37;
	v22 =	vadd.f32 $-5.017430340e-02, v34;
	v34 =	vadd.f32 $-5.017430340e-02, v40;
	(pc) =	sbr.rel @p0 .LBB2_17-.Ltmp7, $4  }
0x3df: {  	v41 =	vmul.f32 v42, v14;
	v23 =	vsub.f32 $1.500000000e+00, v23;
	v45 =	vsub.f32 $1.500000000e+00, v45  }
0x3e0: {  	v40 =	vsub.f32 v33, v39;
	v33 =	vmul.f32 v22, v11;
	v34 =	vmul.f32 v34, v10  }
0x3e1: {  	v23 =	vmul.f32 v23, v46;
	v22 =	vmul.f32 v45, v43  }
0x3e2: {  	s24 =	sadd.s32 $0x10, s24;
	v43 =	vmul.f32 v47, v40;
	v33 =	vadd.f32 $8.897899090e-02, v33;
	v34 =	vadd.f32 $8.897899090e-02, v34  }
0x3e3: {  	v39 =	vsub.f32 v44, v39  }
0x3e4: {  	v24 =	vsub.f32 v24, v25;
	v25 =	vsub.f32 v26, v27  }
0x3e5: {  	v20 =	vmul.f32 v20, v40;
	v63 =	vmul.f32 v42, v12;
	v19 =	vsub.f32 v19, v28  }
0x3e6: {  	v27 =	vsub.f32 v29, v30;
	v28 =	vsub.f32 v31, v32;
	v21 =	vmul.f32 v21, v40  }
0x3e7: {  	v29 =	vsub.f32 v35, v36;
	v17 =	vmul.f32 v17, v40;
	v14 =	vmul.f32 v39, v14  }
0x3e8: {  	v31 =	vsub.f32 v41, v43;
	v42 =	vmul.f32 v39, v12;
	v43 =	vmul.f32 v24, v24  }
0x3e9: {  	v30 =	vsub.f32 v38, v37;
	v44 =	vmul.f32 v25, v25;
	v45 =	vmul.f32 v27, v27  }
0x3ea: {  	v20 =	vsub.f32 v20, v63;
	v46 =	vmul.f32 v28, v28;
	v36 =	vmul.f32 v29, v29  }
0x3eb: {  	v37 =	vmul.f32 v30, v30;
	v14 =	vsub.f32 v14, v21;
	v12 =	vsub.f32 v17, v42  }
0x3ec: {  	v13 =	vsub.f32 v13, v15;
	v47 =	vmul.f32 v31, v31;
	v48 =	vmul.f32 v20, v20  }
0x3ed: {  	v21 =	vadd.f32 v46, v45;
	v49 =	vmul.f32 v14, v14;
	v50 =	vmul.f32 v12, v12  }
0x3ee: {  	v51 =	vmul.f32 v19, v19;
	v36 =	vadd.f32 v37, v36;
	v17 =	vadd.f32 v48, v47  }
0x3ef: {  	v52 =	vmul.f32 v13, v13;
	v21 =	vadd.f32 v21, v43;
	v15 =	vadd.f32 v50, v49  }
0x3f0: {  	v32 =	vadd.f32 v36, v44;
	v17 =	vadd.f32 v17, v51  }
0x3f1: {  	v53 =	vshrl.u32 v21, $0x1;
	v54 =	vmul.f32 $5.000000000e-01, v21;
	v15 =	vadd.f32 v15, v52  }
0x3f2: {  	v55 =	vshrl.u32 v32, $0x1;
	v56 =	vmul.f32 $5.000000000e-01, v32;
	v57 =	vshrl.u32 v17, $0x1  }
0x3f3: {  	v58 =	vmul.f32 $5.000000000e-01, v17;
	v59 =	vshrl.u32 v15, $0x1;
	v60 =	vmul.f32 $5.000000000e-01, v15  }
0x3f4: {  	v35 =	vsub.s32 $0x5F3759DF, v53;
	v38 =	vsub.s32 $0x5F3759DF, v57;
	v40 =	vsub.s32 $0x5F3759DF, v59  }
0x3f5: {  	v26 =	vsub.s32 $0x5F3759DF, v55;
	v61 =	vmul.f32 v38, v58;
	v62 =	vmul.f32 v40, v60  }
0x3f6: {  	v63 =	vmul.f32 v35, v54;
	v45 =	vmul.f32 v26, v56  }
0x3f7: {  	v42 =	vmul.f32 v38, v61;
	v43 =	vmul.f32 v40, v62  }
0x3f8: {  	v44 =	vmul.f32 v35, v63;
	v45 =	vmul.f32 v26, v45  }
0x3f9: {  	v42 =	vsub.f32 $1.500000000e+00, v42;
	v43 =	vsub.f32 $1.500000000e+00, v43  }
0x3fa: {  	v44 =	vsub.f32 $1.500000000e+00, v44;
	v45 =	vsub.f32 $1.500000000e+00, v45  }
0x3fb: {  	v38 =	vmul.f32 v38, v42;
	v40 =	vmul.f32 v40, v43  }
0x3fc: {  	v35 =	vmul.f32 v35, v44;
	v26 =	vmul.f32 v26, v45  }
0x3fd: {  	v42 =	vmul.f32 v38, v58;
	v43 =	vmul.f32 v40, v60  }
0x3fe: {  	v44 =	vmul.f32 v35, v54;
	v45 =	vmul.f32 v26, v56  }
0x3ff: {  	v42 =	vmul.f32 v42, v38;
	v43 =	vmul.f32 v43, v40  }
0x400: {  	v44 =	vmul.f32 v44, v35;
	v45 =	vmul.f32 v45, v26  }
0x401: {  	v42 =	vsub.f32 $1.500000000e+00, v42;
	v43 =	vsub.f32 $1.500000000e+00, v43  }
0x402: {  	v44 =	vsub.f32 $1.500000000e+00, v44;
	v45 =	vsub.f32 $1.500000000e+00, v45  }
0x403: {  	v38 =	vmul.f32 v42, v38;
	v40 =	vmul.f32 v43, v40  }
0x404: {  	v35 =	vmul.f32 v44, v35;
	v26 =	vmul.f32 v45, v26  }
0x405: {  	v39 =	vmul.f32 v38, v58;
	v41 =	vmul.f32 v40, v60  }
0x406: {  	v36 =	vmul.f32 v35, v54;
	v37 =	vmul.f32 v26, v56  }
0x407: {  	v39 =	vmul.f32 v39, v38;
	v41 =	vmul.f32 v41, v40  }
0x408: {  	v36 =	vmul.f32 v36, v35;
	v37 =	vmul.f32 v37, v26  }
0x409: {  	v39 =	vsub.f32 $1.500000000e+00, v39;
	v41 =	vsub.f32 $1.500000000e+00, v41  }
0x40a: {  	v36 =	vsub.f32 $1.500000000e+00, v36;
	v37 =	vsub.f32 $1.500000000e+00, v37  }
0x40b: {  	v38 =	vmul.f32 v39, v38;
	v45 =	vmul.f32 v41, v40  }
0x40c: {  	v35 =	vmul.f32 v36, v35;
	v26 =	vmul.f32 v37, v26  }
0x40d: {  	v17 =	vmul.f32 v38, v17;
	v15 =	vmul.f32 v45, v15  }
0x40e: {  	v21 =	vmul.f32 v35, v21;
	v26 =	vmul.f32 v26, v32  }
0x40f: {  	v17 =	vadd.f32 $9.999999930e-09, v17;
	v15 =	vadd.f32 $9.999999930e-09, v15  }
0x410: {  	v21 =	vadd.f32 $9.999999930e-09, v21;
	v26 =	vadd.f32 $9.999999930e-09, v26  }
0x411: {  	v15 =	vmul.f32 v15, v17  }
0x412: {  	v46 =	vmul.f32 v26, v21  }
0x413: {  	(erf) = vrcp.f32 v15  }
0x414: {  	(erf) = vrcp.f32 v46;
	_ =	sdelay $0x2  }
0x415: {  	v14 =	vmul.f32 v14, v31;
	v12 =	vmul.f32 v12, v20  }
0x416: {  	v47 =	vmul.f32 v29, v27;
	v48 =	vmul.f32 v30, v28  }
0x417: {  	v13 =	vmul.f32 v13, v19;
	v12 =	vadd.f32 v12, v14  }
0x418: {  	v49 =	vadd.f32 v48, v47;
	v50 =	vmul.f32 v25, v24  }
0x419: {  	v12 =	vadd.f32 v12, v13  }
0x41a: {  	v51 =	vadd.f32 v49, v50;
	v52 =	vpop (erf)  }
0x41b: {  	v12 =	vmul.f32 v52, v12;
	v53 =	vpop (erf)  }
0x41c: {  	v13 =	vmul.f32 v53, v51  }
0x41d: {  	v55 =	vmul.f32 v22, v18;
	v12 =	vmax.f32 v12, $-9.999989860e-01  }
0x41e: {  	v61 =	vmul.f32 v34, v10;
	v13 =	vmax.f32 v13, $-9.999989860e-01;
	v12 =	vmin.f32 v12, $9.999989860e-01  }
0x41f: {  	v54 =	vmul.f32 v23, v16;
	v13 =	vmin.f32 v13, $9.999989860e-01;
	v56 =	vand.u32 $0x7FFFFFFF, v12  }
0x420: {  	v57 =	vsub.f32 $1.000000000e+00, v56;
	v58 =	vmul.f32 $1.262491100e-03, v56;
	v59 =	vand.u32 $0x7FFFFFFF, v13  }
0x421: {  	v14 =	vmul.f32 v54, v23;
	v60 =	vmul.f32 v33, v11;
	v62 =	vsub.f32 $1.000000000e+00, v59  }
0x422: {  	v32 =	vmul.f32 $1.262491100e-03, v59;
	v63 =	vshrl.u32 v57, $0x1;
	v18 =	vsub.f32 $6.670089900e-03, v58  }
0x423: {  	v33 =	vmul.f32 $5.000000000e-01, v57;
	v34 =	vshrl.u32 v62, $0x1;
	v35 =	vmul.f32 $5.000000000e-01, v62  }
0x424: {  	v25 =	vsub.s32 $0x5F3759DF, v63;
	v26 =	vsub.f32 $6.670089900e-03, v32;
	v28 =	vsub.s32 $0x5F3759DF, v34  }
0x425: {  	v36 =	vmul.f32 v25, v33;
	v37 =	vmul.f32 v28, v35  }
0x426: {  	v18 =	vmul.f32 v18, v56;
	v26 =	vmul.f32 v26, v59  }
0x427: {  	v14 =	vsub.f32 $1.500000000e+00, v14;
	v30 =	vmul.f32 v25, v36;
	v31 =	vmul.f32 v28, v37  }
0x428: {  	v18 =	vadd.f32 $-1.708812640e-02, v18;
	v26 =	vadd.f32 $-1.708812640e-02, v26  }
0x429: {  	v14 =	vmul.f32 v14, v23;
	v30 =	vsub.f32 $1.500000000e+00, v30;
	v31 =	vsub.f32 $1.500000000e+00, v31  }
0x42a: {  	v20 =	vadd.f32 $-2.145988050e-01, v60;
	v18 =	vmul.f32 v18, v56;
	v26 =	vmul.f32 v26, v59  }
0x42b: {  	v25 =	vmul.f32 v25, v30;
	v28 =	vmul.f32 v28, v31  }
0x42c: {  	v38 =	vmul.f32 v20, v11;
	v18 =	vadd.f32 $3.089188040e-02, v18;
	v39 =	vadd.f32 $3.089188040e-02, v26  }
0x42d: {  	v40 =	vmul.f32 v25, v33;
	v41 =	vmul.f32 v28, v35  }
0x42e: {  	v18 =	vmul.f32 v18, v56;
	v20 =	vmul.f32 v39, v59  }
0x42f: {  	v21 =	vadd.f32 $-2.145988050e-01, v61;
	v26 =	vmul.f32 v40, v25;
	v30 =	vmul.f32 v41, v28  }
0x430: {  	v15 =	vmul.f32 v55, v22;
	v18 =	vadd.f32 $-5.017430340e-02, v18;
	v20 =	vadd.f32 $-5.017430340e-02, v20  }
0x431: {  	v42 =	vmul.f32 v21, v10;
	v43 =	vsub.f32 $1.500000000e+00, v26;
	v44 =	vsub.f32 $1.500000000e+00, v30  }
0x432: {  	v15 =	vsub.f32 $1.500000000e+00, v15;
	v18 =	vmul.f32 v18, v56;
	v20 =	vmul.f32 v20, v59  }
0x433: {  	v21 =	vmul.f32 v43, v25;
	v23 =	vmul.f32 v44, v28  }
0x434: {  	v15 =	vmul.f32 v15, v22;
	v18 =	vadd.f32 $8.897899090e-02, v18;
	v20 =	vadd.f32 $8.897899090e-02, v20  }
0x435: {  	v45 =	vmul.f32 v21, v33;
	v46 =	vmul.f32 v23, v35  }
0x436: {  	v18 =	vmul.f32 v18, v56;
	v20 =	vmul.f32 v20, v59  }
0x437: {  	v11 =	vadd.f32 $1.570796250e+00, v38;
	v22 =	vmul.f32 v45, v21;
	v25 =	vmul.f32 v46, v23  }
0x438: {  	v8 =	vmul.f32 v14, v8;
	v47 =	vadd.f32 $-2.145988050e-01, v18;
	v48 =	vadd.f32 $-2.145988050e-01, v20  }
0x439: {  	v9 =	vmul.f32 v15, v9;
	v49 =	vsub.f32 $1.500000000e+00, v22;
	v50 =	vsub.f32 $1.500000000e+00, v25  }
0x43a: {  	v10 =	vadd.f32 $1.570796250e+00, v42;
	v14 =	vmul.f32 v47, v56;
	v51 =	vmul.f32 v48, v59  }
0x43b: {  	v15 =	vmul.f32 v49, v21;
	v52 =	vmul.f32 v50, v23  }
0x43c: {  	v8 =	vmul.f32 v8, v11;
	v9 =	vmul.f32 v9, v10;
	v53 =	vadd.f32 $1.570796250e+00, v14  }
0x43d: {  	v56 =	vadd.f32 $1.570796250e+00, v51;
	v54 =	vmul.f32 v15, v57;
	v55 =	vmul.f32 v52, v62  }
0x43e: {  	vm0 =	vge.f32 v6, $0.0e+00;
	vm1 =	vge.f32 v7, $0.0e+00;
	v58 =	vsub.f32 $3.141592740e+00, v9  }
0x43f: {  	v57 =	vsub.f32 $3.141592740e+00, v8;
	v6 =	vmul.f32 v54, v53;
	v59 =	vmul.f32 v55, v56  }
0x440: {  	v60 =	vsel vm1, v9, v58  }
0x441: {  	v7 =	vsel vm0, v8, v57;
	v61 =	vsub.f32 $3.141592740e+00, v6;
	v62 =	vsub.f32 $3.141592740e+00, v59  }
0x442: {  	s24 =	sadd.s32 s23, s25;
	vm14 =	vge.f32 v12, $0.0e+00;
	vm15 =	vge.f32 v13, $0.0e+00;
	v7 =	vsub.f32 v7, v60  }
0x443: {  	s22 =	sadd.s32 $0x1, s22;
	p0 =	sgt.s32 s24, $0xFFFFFFFF;
	v6 =	vsel vm14, v6, v61;
	v63 =	vsel vm15, v59, v62  }
0x444: {  	s31 =	sadd.s32 s23, s26;
	v7 =	vpsel !p0, $0x0, v7;
	p0 =	sne.s32 s22, $0x25;
	v6 =	vsub.f32 v6, v63  }
.Ltmp8:
0x445: {  	p6 =	sgt.s32 s31, $0xFFFFFFFF;
	v7 =	vmul.f32 v7, v7;
	(pc) =	sbr.rel @p0 .LBB2_8-.Ltmp8, $3  }
0x446: {  	v6 =	vpsel !p6, $0x0, v6  }
0x447: {  	v5 =	vadd.f32 v7, v5;
	v6 =	vmul.f32 v6, v6;
	_ =	sdelay $0x1  }
0x448: {  	v5 =	vadd.f32 v6, v5  }
0x449: {  	_ = 	snop  }
0x44a: {  	s21 =	rddreg [dreg:$0x5];
	s22 =	simm.s32 $0x12000;
	[tilespmem:$0x12000] =	vst v5  }
0x44b: {  	[hbm4b:s21+s3] =	stream.linear.scatter [tilespmem:s22], [sflag:$0x5], $0x10, $0x38;
	[tilespmem:$0x12010] =	vst v63  }
0x44c: {  	_ =	swait.ge [sflag:s15], $0x10  }
0x44d: {  	s30 =	rddreg [dreg:$0x7]  }
0x44e: {  	s31 =	rddreg [dreg:$0x6];
	s22 =	sadd.s32 $0x1, s30  }
0x44f: {  	p0 =	sne.s32 s22, s31  }
.Ltmp9:
0x450: {  	_ = 	snop;
	(pc) =	sbr.rel @p0 .LBB2_1-.Ltmp9, $3  }
0x451: {  	_ =	sdelay $0x1  }
0x452: {  	[sflag:s15] =	ssyncset.done $0x0  }
0x453: {  	[sflag:s15] =	ssyncadd.s32 $0xFFFFFFF0  }
0x454: {  	_ =	sfence.sel $0x180000  }
0x455: {  	[bflag:$0x0] =	sbarrier.arrive $0xFFFF  }
0x456: {  	_ =	strace $0x90000047  }
0x457: {  	s0 =	stileid.u32;
	[bflag:$0x2] =	sbarrier.arrive $0xFFFF  }
0x458: {  	p0 =	sne.s32 s0, $0x0;
	s0 =	rddreg [dreg:$0x2]  }
0x459: {  	s0 =	sadd.s32 @!p0 $0x100000, s0  }
0x45a: {  	[sflag:s0] =	ssyncadd.tile.s32 @!p0 $0x1;
	_ =	shalt  }
.Lfunc_end2:
_tile_overlayer_lowered:
.L_overlay_start_2:
0x45b: {  	(tag) =	ssettag $0x2  }
0x45c: {  	s0 =	rddreg [dreg:$0x0];
	s2 =	stileid.u32  }
0x45d: {  	s1 =	rddreg [dreg:$0x1];
	p0 =	sne.s32 s2, $0x0  }
0x45e: {  	s3 =	rddreg [dreg:$0x2];
	[bflag:$0x3] =	sbarrier.arrive $0xFFFF;
	s2 =	simm.s32 @!p0 $0x1C05  }
0x45f: {  	[timem:s3], [sflag:s2] =	dma.local @!p0 [hbm:s0], s1  }
0x460: {  	s0 =	simm.s32 @!p0 $0x5  }
0x461: {  	_ =	swait.ge @!p0 [sflag:s0], s1  }
0x462: {  	s1 =	ssub.s32 @!p0 $0x0, s1;
	[sflag:s0] =	ssyncset.done @!p0 $0x0  }
0x463: {  	[sflag:s0] =	ssyncadd.s32 @!p0 s1  }
0x464: {  	[bflag:$0x3] =	sbarrier.arrive $0xFFFF  }
0x465: {  	_ =	shalt  }

</sc_bundles>
